<compile_context>
chip_gen: v7x
topology: tpu7x:2x2x1
jax: 0.10.2.dev20260603
libtpu: 0.0.44.dev20260713+nightly
codegen_flags: <defaults>
</compile_context>

<pallas_src>
import functools

import jax
import jax.numpy as jnp
from jax import lax
from jax.experimental import pallas as pl
from jax.experimental.pallas import tpu as pltpu
from jax.experimental.pallas import tpu_sc as plsc

N_NODES = 10000
N_EDGES = 320000
DIM = 128

NC = 2
NS = 16
NW = NC * NS
CHUNK = 128
N_CHUNKS = N_EDGES // CHUNK
IB = 16
NCH = 80
NB = NCH // IB
N_CHUNKS_PAD = NW * NCH
N_PAD = 10240
ROWS_PER_TILE = N_PAD // NS
DUMP = 128
DEG_W = 16

_MESH = plsc.VectorSubcoreMesh(core_axis_name="c", subcore_axis_name="s")


def _worker():
    c = lax.axis_index("c")
    s = lax.axis_index("s")
    wid = c * NS + s
    start = wid * NCH
    return c, s, start


@functools.partial(
    pl.kernel,
    out_type=jax.ShapeDtypeStruct((NC, 2, N_PAD), jnp.float32),
    mesh=_MESH,
    scratch_types=[
        pltpu.VMEM((IB, CHUNK), jnp.int32),
        pltpu.VMEM((IB, CHUNK), jnp.int32),
        pltpu.VMEM((CHUNK,), jnp.float32),
        pltpu.VMEM((ROWS_PER_TILE,), jnp.float32),
        pltpu.VMEM_SHARED((N_PAD,), jnp.float32),
        pltpu.VMEM_SHARED((N_PAD,), jnp.float32),
        pltpu.SemaphoreType.DMA,
    ],
)
def _deg_kernel(src_hbm, dst_hbm, ones_hbm, zeros_hbm, deg_hbm,
                idx_s, idx_d, ones_v, stage, acc_o, acc_i, sc):
    c, s, start = _worker()

    r0 = s * ROWS_PER_TILE
    pltpu.sync_copy(zeros_hbm, stage)
    pltpu.sync_copy(stage, acc_o.at[pl.ds(r0, ROWS_PER_TILE)])
    pltpu.sync_copy(stage, acc_i.at[pl.ds(r0, ROWS_PER_TILE)])
    pltpu.sync_copy(ones_hbm, ones_v)
    plsc.subcore_barrier()

    def block_body(b, _):
        bbase = start + b * IB
        pltpu.sync_copy(src_hbm.at[pl.ds(bbase, IB)], idx_s)
        pltpu.sync_copy(dst_hbm.at[pl.ds(bbase, IB)], idx_d)

        def inner(off, _):
            @pl.when(off > 0)
            def _():
                pltpu.make_async_copy(ones_v, acc_o.at[idx_s.at[0]], sc).wait()
                pltpu.make_async_copy(ones_v, acc_i.at[idx_d.at[0]], sc).wait()
            pltpu.async_copy(ones_v, acc_o.at[idx_s.at[off]], sc, add=True)
            pltpu.async_copy(ones_v, acc_i.at[idx_d.at[off]], sc, add=True)
            return 0
        lax.fori_loop(0, IB, inner, 0)
        pltpu.make_async_copy(ones_v, acc_o.at[idx_s.at[0]], sc).wait()
        pltpu.make_async_copy(ones_v, acc_i.at[idx_d.at[0]], sc).wait()
        return 0
    lax.fori_loop(0, NB, block_body, 0)
    plsc.subcore_barrier()

    pltpu.sync_copy(acc_o.at[pl.ds(r0, ROWS_PER_TILE)], stage)
    pltpu.sync_copy(stage, deg_hbm.at[c, 0, pl.ds(r0, ROWS_PER_TILE)])
    pltpu.sync_copy(acc_i.at[pl.ds(r0, ROWS_PER_TILE)], stage)
    pltpu.sync_copy(stage, deg_hbm.at[c, 1, pl.ds(r0, ROWS_PER_TILE)])


@functools.partial(
    pl.kernel,
    out_type=jax.ShapeDtypeStruct((NC, N_PAD, DIM), jnp.float32),
    mesh=_MESH,
    scratch_types=[
        pltpu.VMEM((IB, CHUNK), jnp.int32),
        pltpu.VMEM((IB, CHUNK), jnp.int32),
        pltpu.VMEM((2, CHUNK, DIM), jnp.float32),
        pltpu.VMEM_SHARED((N_PAD, DIM), jnp.float32),
        pltpu.SemaphoreType.DMA,
        pltpu.SemaphoreType.DMA,
        pltpu.SemaphoreType.DMA,
        pltpu.SemaphoreType.DMA,
    ],
)
def _gs_kernel(y_hbm, src_hbm, dst_hbm, zeros_hbm, out_hbm,
               idx_s, idx_d, rows, acc, ga, gb, sca, scb):
    c, s, start = _worker()
    stage = rows.at[0]
    pltpu.sync_copy(zeros_hbm, stage)

    r0 = s * ROWS_PER_TILE
    for j in range(ROWS_PER_TILE // DUMP):
        pltpu.sync_copy(stage, acc.at[pl.ds(r0 + j * DUMP, DUMP)])
    plsc.subcore_barrier()

    def block_body(b, _):
        @pl.when(b > 0)
        def _():
            pltpu.make_async_copy(rows.at[0], acc.at[idx_d.at[0]], sca).wait()
            pltpu.make_async_copy(rows.at[1], acc.at[idx_d.at[0]], scb).wait()
        bbase = start + b * IB
        pltpu.sync_copy(src_hbm.at[pl.ds(bbase, IB)], idx_s)
        pltpu.sync_copy(dst_hbm.at[pl.ds(bbase, IB)], idx_d)

        pltpu.async_copy(y_hbm.at[idx_s.at[0]], rows.at[0], ga)

        def pair(p, _):
            oa = 2 * p
            @pl.when(p > 0)
            def _():
                pltpu.make_async_copy(rows.at[1], acc.at[idx_d.at[0]], scb).wait()
            pltpu.async_copy(y_hbm.at[idx_s.at[oa + 1]], rows.at[1], gb)
            pltpu.make_async_copy(y_hbm.at[idx_s.at[oa]], rows.at[0], ga).wait()
            pltpu.async_copy(rows.at[0], acc.at[idx_d.at[oa]], sca, add=True)
            @pl.when(oa + 2 < IB)
            def _():
                pltpu.make_async_copy(rows.at[0], acc.at[idx_d.at[0]], sca).wait()
                pltpu.async_copy(y_hbm.at[idx_s.at[oa + 2]], rows.at[0], ga)
            pltpu.make_async_copy(y_hbm.at[idx_s.at[oa + 1]], rows.at[1], gb).wait()
            pltpu.async_copy(rows.at[1], acc.at[idx_d.at[oa + 1]], scb, add=True)
            return 0
        lax.fori_loop(0, IB // 2, pair, 0)
        return 0
    lax.fori_loop(0, NB, block_body, 0)
    pltpu.make_async_copy(rows.at[0], acc.at[idx_d.at[0]], sca).wait()
    pltpu.make_async_copy(rows.at[1], acc.at[idx_d.at[0]], scb).wait()
    plsc.subcore_barrier()

    for j in range(ROWS_PER_TILE // DUMP):
        pltpu.sync_copy(acc.at[pl.ds(r0 + j * DUMP, DUMP)], stage)
        pltpu.sync_copy(stage, out_hbm.at[c, pl.ds(r0 + j * DUMP, DUMP)])


def _prep_body(deg_ref, x_ref, y_ref, oinv_ref, iinv_ref):
    od = (deg_ref[0, 0] + deg_ref[1, 0]).reshape(N_PAD, 1)
    idg = (deg_ref[0, 1] + deg_ref[1, 1]).reshape(N_PAD, 1)
    oinv = lax.rsqrt(jnp.maximum(od, 1.0))
    iinv = lax.rsqrt(jnp.maximum(idg, 1.0))
    oinv_ref[...] = jnp.broadcast_to(oinv, (N_PAD, DEG_W))
    iinv_ref[...] = jnp.broadcast_to(iinv, (N_PAD, DEG_W))
    y_ref[...] = x_ref[...] * oinv


def _prep_call(deg, x):
    return pl.pallas_call(
        _prep_body,
        out_shape=(
            jax.ShapeDtypeStruct((N_PAD, DIM), jnp.float32),
            jax.ShapeDtypeStruct((N_PAD, DEG_W), jnp.float32),
            jax.ShapeDtypeStruct((N_PAD, DEG_W), jnp.float32),
        ),
    )(deg, x)


def _mid_body(acc_ref, iinv_ref, oinv_ref, w_ref, b_ref, y2_ref):
    a = acc_ref[0] + acc_ref[1]
    agg = a * iinv_ref[...][:, :1]
    o = jnp.dot(agg, w_ref[...], preferred_element_type=jnp.float32)
    h = jnp.maximum(o + b_ref[...], 0.0)
    y2_ref[...] = h * oinv_ref[...][:, :1]


def _mid_call(acc, iinv, oinv, W, b):
    return pl.pallas_call(
        _mid_body,
        out_shape=jax.ShapeDtypeStruct((N_PAD, DIM), jnp.float32),
    )(acc, iinv, oinv, W, b.reshape(1, DIM))


def _final_body(acc_ref, iinv_ref, w_ref, b_ref, out_ref):
    a = acc_ref[0, :N_NODES] + acc_ref[1, :N_NODES]
    agg = a * iinv_ref[:N_NODES, 0:1]
    o = jnp.dot(agg, w_ref[...], preferred_element_type=jnp.float32)
    out_ref[...] = jnp.maximum(o + b_ref[...], 0.0)


def _final_call(acc, iinv, W, b):
    return pl.pallas_call(
        _final_body,
        out_shape=jax.ShapeDtypeStruct((N_NODES, DIM), jnp.float32),
    )(acc, iinv, W, b.reshape(1, DIM))


def kernel(node_feature, edge_index, W1, b1, W2, b2):
    ei = edge_index.astype(jnp.int32)
    pad_row = jnp.broadcast_to(
        N_NODES + (jnp.arange(CHUNK, dtype=jnp.int32) * 8) % (N_PAD - N_NODES),
        (N_CHUNKS_PAD - N_CHUNKS, CHUNK))
    src = jnp.concatenate([ei[0].reshape(N_CHUNKS, CHUNK), pad_row])
    dst = jnp.concatenate([ei[1].reshape(N_CHUNKS, CHUNK), pad_row])
    ones_1d = jnp.ones((CHUNK,), jnp.float32)
    zeros_1d = jnp.zeros((ROWS_PER_TILE,), jnp.float32)
    zeros_f32 = jnp.zeros((DUMP, DIM), jnp.float32)
    deg = _deg_kernel(src, dst, ones_1d, zeros_1d)
    x_pad = jnp.pad(node_feature, ((0, N_PAD - N_NODES), (0, 0)))
    y1, oinv, iinv = _prep_call(deg, x_pad)
    acc1 = _gs_kernel(y1, src, dst, zeros_f32)
    y2 = _mid_call(acc1, iinv, oinv, W1, b1)
    acc2 = _gs_kernel(y2, src, dst, zeros_f32)
    return _final_call(acc2, iinv, W2, b2)

# --- scband reference (transcript-rebuilt; emitter-appended) ---
"""Pipeline reference for scband-gcr-37778532335671 (READ-ONLY COPY).

The authoritative reference and input builder live on the scoring server;
editing this copy changes nothing except your own understanding.
"""

import jax, jax.numpy as jnp
import numpy as np

N_NODES = 10000
N_EDGES = 320000
DIM = 128


def _glorot(key, shape):
    fan_in, fan_out = shape[0], shape[1]
    limit = np.sqrt(6.0 / (fan_in + fan_out))
    return jax.random.uniform(key, shape, dtype=jnp.float32, minval=-limit, maxval=limit)


def setup_inputs(seed: int = 0) -> dict:
    key = jax.random.key(seed)
    k1, k2, k3, k4 = jax.random.split(key, 4)
    node_feature = jax.random.normal(k1, (N_NODES, DIM), dtype=jnp.float32)
    edge_index = jax.random.randint(k2, (2, N_EDGES), 0, N_NODES, dtype=jnp.int64)
    W1 = _glorot(k3, (DIM, DIM))
    b1 = jnp.zeros((DIM,), dtype=jnp.float32)
    W2 = _glorot(k4, (DIM, DIM))
    b2 = jnp.zeros((DIM,), dtype=jnp.float32)
    return {"node_feature": node_feature, "edge_index": edge_index, "W1": W1, "b1": b1, "W2": W2, "b2": b2}


def _graph_conv(x, src, dst, out_deg_inv_sqrt, in_deg_inv_sqrt, W, b):
    # DGL GraphConv, norm='both', allow_zero_in_degree=True:
    # scale src features by out_deg^{-1/2}, sum-aggregate to dst, scale by in_deg^{-1/2}, then linear.
    h = x * out_deg_inv_sqrt[:, None]
    msg = jnp.take(h, src, axis=0)
    agg = jax.ops.segment_sum(msg, dst, num_segments=N_NODES)
    agg = agg * in_deg_inv_sqrt[:, None]
    return agg @ W + b


def reference(node_feature, edge_index, W1, b1, W2, b2):
    src = edge_index[0]
    dst = edge_index[1]
    out_deg = jnp.bincount(src, length=N_NODES).astype(jnp.float32)
    in_deg = jnp.bincount(dst, length=N_NODES).astype(jnp.float32)
    out_deg_inv_sqrt = jnp.power(jnp.clip(out_deg, 1.0, None), -0.5)
    in_deg_inv_sqrt = jnp.power(jnp.clip(in_deg, 1.0, None), -0.5)
    o1 = _graph_conv(node_feature, src, dst, out_deg_inv_sqrt, in_deg_inv_sqrt, W1, b1)
    o2 = _graph_conv(jax.nn.relu(o1), src, dst, out_deg_inv_sqrt, in_deg_inv_sqrt, W2, b2)
    return jax.nn.relu(o2)

if __name__ == "__main__":
    import jax
    _d = setup_inputs()
    print(jax.jit(kernel)(*tuple(_d.values())))

</pallas_src>

<mosaic_0001>
#map = affine_map<(d0, d1) -> (0, 0)>
#map1 = affine_map<(d0, d1) -> (0)>
#map2 = affine_map<(d0, d1) -> (0, 0, 0)>
module attributes {stable_mosaic.version = 14 : i64} {
  func.func @_deg_kernel(%arg0: i32, %arg1: i32, %arg2: memref<2560x128xi32, #tpu.memory_space<hbm>>, %arg3: memref<2560x128xi32, #tpu.memory_space<hbm>>, %arg4: memref<128xf32, #tpu.memory_space<hbm>>, %arg5: memref<640xf32, #tpu.memory_space<hbm>>, %arg6: memref<2x2x10240xf32, #tpu.memory_space<hbm>>, %arg7: memref<16x128xi32, #tpu.memory_space<vmem>>, %arg8: memref<16x128xi32, #tpu.memory_space<vmem>>, %arg9: memref<128xf32, #tpu.memory_space<vmem>>, %arg10: memref<640xf32, #tpu.memory_space<vmem>>, %arg11: memref<10240xf32, #tpu.memory_space<vmem_shared>>, %arg12: memref<10240xf32, #tpu.memory_space<vmem_shared>>, %arg13: memref<!tpu.dma_semaphore, #tpu.memory_space<semaphore_mem>>) attributes {dimension_semantics = [#tpu.dimension_semantics<core_parallel>, #tpu.dimension_semantics<subcore_parallel>], iteration_bounds = array<i64: 2, 16>, scalar_prefetch = 0 : i64, scratch_operands = 7 : i64, tpu.core_type = #tpu.core_type<sc_vector_subcore>, window_params = [{transform_indices = #map}, {transform_indices = #map}, {transform_indices = #map1}, {transform_indices = #map1}, {transform_indices = #map2}]} {
    %mul3A = arith.constant 16 : i32
    %mul3A_0 = arith.muli %arg0, %mul3A : i32
    %add3A = arith.addi %mul3A_0, %arg1 : i32
    %mul3A_1 = arith.constant 80 : i32
    %mul3A_2 = arith.muli %add3A, %mul3A_1 : i32
    %mul3A_3 = arith.constant 640 : i32
    %mul3A_4 = arith.muli %arg1, %mul3A_3 : i32
    "tpu.region"() ({
      %run_scoped3A_13 = tpu.sem_alloc : memref<!tpu.dma_semaphore, #tpu.memory_space<semaphore_mem>>
      tpu.enqueue_dma source(%arg5 : memref<640xf32, #tpu.memory_space<hbm>>) target(%arg10 : memref<640xf32, #tpu.memory_space<vmem>>) target_semaphore(%run_scoped3A_13 : memref<!tpu.dma_semaphore, #tpu.memory_space<semaphore_mem>>)
      tpu.wait_dma2 semaphore(%run_scoped3A_13 : memref<!tpu.dma_semaphore, #tpu.memory_space<semaphore_mem>>) src(%arg5 : memref<640xf32, #tpu.memory_space<hbm>>) dst(%arg10 : memref<640xf32, #tpu.memory_space<vmem>>)
      tpu.yield
    }) : () -> ()
    "tpu.region"() ({
      %run_scoped3A_13 = tpu.sem_alloc : memref<!tpu.dma_semaphore, #tpu.memory_space<semaphore_mem>>
      %dma_start3A = tpu.memref_slice %arg11[%mul3A_4] : memref<10240xf32, #tpu.memory_space<vmem_shared>> -> memref<640xf32, #tpu.memory_space<vmem_shared>>
      %dma_start3A_14 = tpu.memref_slice %arg11[%mul3A_4] : memref<10240xf32, #tpu.memory_space<vmem_shared>> -> memref<640xf32, #tpu.memory_space<vmem_shared>>
      tpu.enqueue_dma source(%arg10 : memref<640xf32, #tpu.memory_space<vmem>>) target(%dma_start3A_14 : memref<640xf32, #tpu.memory_space<vmem_shared>>) target_semaphore(%run_scoped3A_13 : memref<!tpu.dma_semaphore, #tpu.memory_space<semaphore_mem>>)
      %dma_wait3A = tpu.memref_slice %arg11[%mul3A_4] : memref<10240xf32, #tpu.memory_space<vmem_shared>> -> memref<640xf32, #tpu.memory_space<vmem_shared>>
      %dma_wait3A_15 = tpu.memref_slice %arg11[%mul3A_4] : memref<10240xf32, #tpu.memory_space<vmem_shared>> -> memref<640xf32, #tpu.memory_space<vmem_shared>>
      tpu.wait_dma2 semaphore(%run_scoped3A_13 : memref<!tpu.dma_semaphore, #tpu.memory_space<semaphore_mem>>) src(%arg10 : memref<640xf32, #tpu.memory_space<vmem>>) dst(%dma_wait3A_15 : memref<640xf32, #tpu.memory_space<vmem_shared>>)
      tpu.yield
    }) : () -> ()
    "tpu.region"() ({
      %run_scoped3A_13 = tpu.sem_alloc : memref<!tpu.dma_semaphore, #tpu.memory_space<semaphore_mem>>
      %dma_start3A = tpu.memref_slice %arg12[%mul3A_4] : memref<10240xf32, #tpu.memory_space<vmem_shared>> -> memref<640xf32, #tpu.memory_space<vmem_shared>>
      %dma_start3A_14 = tpu.memref_slice %arg12[%mul3A_4] : memref<10240xf32, #tpu.memory_space<vmem_shared>> -> memref<640xf32, #tpu.memory_space<vmem_shared>>
      tpu.enqueue_dma source(%arg10 : memref<640xf32, #tpu.memory_space<vmem>>) target(%dma_start3A_14 : memref<640xf32, #tpu.memory_space<vmem_shared>>) target_semaphore(%run_scoped3A_13 : memref<!tpu.dma_semaphore, #tpu.memory_space<semaphore_mem>>)
      %dma_wait3A = tpu.memref_slice %arg12[%mul3A_4] : memref<10240xf32, #tpu.memory_space<vmem_shared>> -> memref<640xf32, #tpu.memory_space<vmem_shared>>
      %dma_wait3A_15 = tpu.memref_slice %arg12[%mul3A_4] : memref<10240xf32, #tpu.memory_space<vmem_shared>> -> memref<640xf32, #tpu.memory_space<vmem_shared>>
      tpu.wait_dma2 semaphore(%run_scoped3A_13 : memref<!tpu.dma_semaphore, #tpu.memory_space<semaphore_mem>>) src(%arg10 : memref<640xf32, #tpu.memory_space<vmem>>) dst(%dma_wait3A_15 : memref<640xf32, #tpu.memory_space<vmem_shared>>)
      tpu.yield
    }) : () -> ()
    "tpu.region"() ({
      %run_scoped3A_13 = tpu.sem_alloc : memref<!tpu.dma_semaphore, #tpu.memory_space<semaphore_mem>>
      tpu.enqueue_dma source(%arg4 : memref<128xf32, #tpu.memory_space<hbm>>) target(%arg9 : memref<128xf32, #tpu.memory_space<vmem>>) target_semaphore(%run_scoped3A_13 : memref<!tpu.dma_semaphore, #tpu.memory_space<semaphore_mem>>)
      tpu.wait_dma2 semaphore(%run_scoped3A_13 : memref<!tpu.dma_semaphore, #tpu.memory_space<semaphore_mem>>) src(%arg4 : memref<128xf32, #tpu.memory_space<hbm>>) dst(%arg9 : memref<128xf32, #tpu.memory_space<vmem>>)
      tpu.yield
    }) : () -> ()
    %barrier3A = arith.constant 0 : index
    tpu.barrier barrier_id(%barrier3A)
    %scan3A = arith.constant 0 : i32
    %scan3A_5 = arith.constant 0 : i32
    %scan3A_6 = arith.constant 5 : i32
    %scan3A_7 = arith.addi %scan3A_5, %scan3A_6 : i32
    %scan3A_8 = arith.constant 1 : i32
    %scan3A_9 = scf.for %scan3A_13 = %scan3A_5 to %scan3A_7 step %scan3A_8 iter_args(%scan3A_14 = %scan3A) -> (i32)  : i32 {
      %mul3A_15 = arith.constant 16 : i32
      %mul3A_16 = arith.muli %scan3A_13, %mul3A_15 : i32
      %add3A_17 = arith.addi %mul3A_2, %mul3A_16 : i32
      "tpu.region"() ({
        %run_scoped3A_37 = tpu.sem_alloc : memref<!tpu.dma_semaphore, #tpu.memory_space<semaphore_mem>>
        %dma_start3A = arith.constant 0 : i32
        %dma_start3A_38 = tpu.memref_slice %arg2[%add3A_17, %dma_start3A] : memref<2560x128xi32, #tpu.memory_space<hbm>> -> memref<16x128xi32, #tpu.memory_space<hbm>>
        %dma_start3A_39 = arith.constant 0 : i32
        %dma_start3A_40 = tpu.memref_slice %arg2[%add3A_17, %dma_start3A_39] : memref<2560x128xi32, #tpu.memory_space<hbm>> -> memref<16x128xi32, #tpu.memory_space<hbm>>
        tpu.enqueue_dma source(%dma_start3A_40 : memref<16x128xi32, #tpu.memory_space<hbm>>) target(%arg7 : memref<16x128xi32, #tpu.memory_space<vmem>>) target_semaphore(%run_scoped3A_37 : memref<!tpu.dma_semaphore, #tpu.memory_space<semaphore_mem>>)
        %dma_wait3A_41 = arith.constant 0 : i32
        %dma_wait3A_42 = tpu.memref_slice %arg2[%add3A_17, %dma_wait3A_41] : memref<2560x128xi32, #tpu.memory_space<hbm>> -> memref<16x128xi32, #tpu.memory_space<hbm>>
        %dma_wait3A_43 = arith.constant 0 : i32
        %dma_wait3A_44 = tpu.memref_slice %arg2[%add3A_17, %dma_wait3A_43] : memref<2560x128xi32, #tpu.memory_space<hbm>> -> memref<16x128xi32, #tpu.memory_space<hbm>>
        tpu.wait_dma2 semaphore(%run_scoped3A_37 : memref<!tpu.dma_semaphore, #tpu.memory_space<semaphore_mem>>) src(%dma_wait3A_44 : memref<16x128xi32, #tpu.memory_space<hbm>>) dst(%arg7 : memref<16x128xi32, #tpu.memory_space<vmem>>)
        tpu.yield
      }) : () -> ()
      "tpu.region"() ({
        %run_scoped3A_37 = tpu.sem_alloc : memref<!tpu.dma_semaphore, #tpu.memory_space<semaphore_mem>>
        %dma_start3A = arith.constant 0 : i32
        %dma_start3A_38 = tpu.memref_slice %arg3[%add3A_17, %dma_start3A] : memref<2560x128xi32, #tpu.memory_space<hbm>> -> memref<16x128xi32, #tpu.memory_space<hbm>>
        %dma_start3A_39 = arith.constant 0 : i32
        %dma_start3A_40 = tpu.memref_slice %arg3[%add3A_17, %dma_start3A_39] : memref<2560x128xi32, #tpu.memory_space<hbm>> -> memref<16x128xi32, #tpu.memory_space<hbm>>
        tpu.enqueue_dma source(%dma_start3A_40 : memref<16x128xi32, #tpu.memory_space<hbm>>) target(%arg8 : memref<16x128xi32, #tpu.memory_space<vmem>>) target_semaphore(%run_scoped3A_37 : memref<!tpu.dma_semaphore, #tpu.memory_space<semaphore_mem>>)
        %dma_wait3A_41 = arith.constant 0 : i32
        %dma_wait3A_42 = tpu.memref_slice %arg3[%add3A_17, %dma_wait3A_41] : memref<2560x128xi32, #tpu.memory_space<hbm>> -> memref<16x128xi32, #tpu.memory_space<hbm>>
        %dma_wait3A_43 = arith.constant 0 : i32
        %dma_wait3A_44 = tpu.memref_slice %arg3[%add3A_17, %dma_wait3A_43] : memref<2560x128xi32, #tpu.memory_space<hbm>> -> memref<16x128xi32, #tpu.memory_space<hbm>>
        tpu.wait_dma2 semaphore(%run_scoped3A_37 : memref<!tpu.dma_semaphore, #tpu.memory_space<semaphore_mem>>) src(%dma_wait3A_44 : memref<16x128xi32, #tpu.memory_space<hbm>>) dst(%arg8 : memref<16x128xi32, #tpu.memory_space<vmem>>)
        tpu.yield
      }) : () -> ()
      %scan3A_18 = arith.constant 0 : i32
      %scan3A_19 = arith.constant 0 : i32
      %scan3A_20 = arith.constant 16 : i32
      %scan3A_21 = arith.addi %scan3A_19, %scan3A_20 : i32
      %scan3A_22 = arith.constant 1 : i32
      %scan3A_23 = scf.for %scan3A_37 = %scan3A_19 to %scan3A_21 step %scan3A_22 iter_args(%scan3A_38 = %scan3A_18) -> (i32)  : i32 {
        %gt3A = arith.constant 0 : i32
        %gt3A_39 = arith.cmpi sgt, %scan3A_37, %gt3A : i32
        %convert_element_type3A = arith.extui %gt3A_39 : i1 to i32
        %cond3A = arith.constant 0 : i32
        %cond3A_40 = arith.cmpi ne, %convert_element_type3A, %cond3A : i32
        scf.if %cond3A_40 {
          %dma_wait3A_51 = arith.constant 0 : i32
          %dma_wait3A_52 = arith.constant 0 : i32
          %dma_wait3A_53 = tpu.memref_slice %arg7[%dma_wait3A_51, %dma_wait3A_52] : memref<16x128xi32, #tpu.memory_space<vmem>> -> memref<1x128xi32, #tpu.memory_space<vmem>>
          %dma_wait3A_54 = tpu.memref_squeeze %dma_wait3A_53 : memref<1x128xi32, #tpu.memory_space<vmem>> -> memref<128xi32, #tpu.memory_space<vmem>>
          %dma_wait3A_55 = arith.constant 0 : i32
          %dma_wait3A_56 = tpu.memref_slice %arg11[%dma_wait3A_55] : memref<10240xf32, #tpu.memory_space<vmem_shared>> -> memref<10240xf32, #tpu.memory_space<vmem_shared>>
          tpu.wait_indirect_dma semaphore(%arg13 : memref<!tpu.dma_semaphore, #tpu.memory_space<semaphore_mem>>) src(%arg9 : memref<128xf32, #tpu.memory_space<vmem>>) dst(%dma_wait3A_56 : memref<10240xf32, #tpu.memory_space<vmem_shared>>)
          %dma_wait3A_57 = arith.constant 0 : i32
          %dma_wait3A_58 = arith.constant 0 : i32
          %dma_wait3A_59 = tpu.memref_slice %arg8[%dma_wait3A_57, %dma_wait3A_58] : memref<16x128xi32, #tpu.memory_space<vmem>> -> memref<1x128xi32, #tpu.memory_space<vmem>>
          %dma_wait3A_60 = tpu.memref_squeeze %dma_wait3A_59 : memref<1x128xi32, #tpu.memory_space<vmem>> -> memref<128xi32, #tpu.memory_space<vmem>>
          %dma_wait3A_61 = arith.constant 0 : i32
          %dma_wait3A_62 = tpu.memref_slice %arg12[%dma_wait3A_61] : memref<10240xf32, #tpu.memory_space<vmem_shared>> -> memref<10240xf32, #tpu.memory_space<vmem_shared>>
          tpu.wait_indirect_dma semaphore(%arg13 : memref<!tpu.dma_semaphore, #tpu.memory_space<semaphore_mem>>) src(%arg9 : memref<128xf32, #tpu.memory_space<vmem>>) dst(%dma_wait3A_62 : memref<10240xf32, #tpu.memory_space<vmem_shared>>)
        } else {
        }
        %dma_start3A = arith.constant 0 : i32
        %dma_start3A_41 = tpu.memref_slice %arg7[%scan3A_37, %dma_start3A] : memref<16x128xi32, #tpu.memory_space<vmem>> -> memref<1x128xi32, #tpu.memory_space<vmem>>
        %dma_start3A_42 = tpu.memref_squeeze %dma_start3A_41 : memref<1x128xi32, #tpu.memory_space<vmem>> -> memref<128xi32, #tpu.memory_space<vmem>>
        %dma_start3A_43 = arith.constant 0 : i32
        %dma_start3A_44 = tpu.memref_slice %arg11[%dma_start3A_43] : memref<10240xf32, #tpu.memory_space<vmem_shared>> -> memref<10240xf32, #tpu.memory_space<vmem_shared>>
        tpu.enqueue_indirect_dma source(%arg9 : memref<128xf32, #tpu.memory_space<vmem>>) target(%dma_start3A_44 : memref<10240xf32, #tpu.memory_space<vmem_shared>>) offsets(%dma_start3A_42 : memref<128xi32, #tpu.memory_space<vmem>>) semaphore(%arg13 : memref<!tpu.dma_semaphore, #tpu.memory_space<semaphore_mem>>) {add = true}
        %dma_start3A_45 = arith.constant 0 : i32
        %dma_start3A_46 = tpu.memref_slice %arg8[%scan3A_37, %dma_start3A_45] : memref<16x128xi32, #tpu.memory_space<vmem>> -> memref<1x128xi32, #tpu.memory_space<vmem>>
        %dma_start3A_47 = tpu.memref_squeeze %dma_start3A_46 : memref<1x128xi32, #tpu.memory_space<vmem>> -> memref<128xi32, #tpu.memory_space<vmem>>
        %dma_start3A_48 = arith.constant 0 : i32
        %dma_start3A_49 = tpu.memref_slice %arg12[%dma_start3A_48] : memref<10240xf32, #tpu.memory_space<vmem_shared>> -> memref<10240xf32, #tpu.memory_space<vmem_shared>>
        tpu.enqueue_indirect_dma source(%arg9 : memref<128xf32, #tpu.memory_space<vmem>>) target(%dma_start3A_49 : memref<10240xf32, #tpu.memory_space<vmem_shared>>) offsets(%dma_start3A_47 : memref<128xi32, #tpu.memory_space<vmem>>) semaphore(%arg13 : memref<!tpu.dma_semaphore, #tpu.memory_space<semaphore_mem>>) {add = true}
        %scan3A_50 = arith.constant 0 : i32
        scf.yield %scan3A_50 : i32
      }
      %scan3A_24 = arith.constant 16 : i32
      %dma_wait3A = arith.constant 0 : i32
      %dma_wait3A_25 = arith.constant 0 : i32
      %dma_wait3A_26 = tpu.memref_slice %arg7[%dma_wait3A, %dma_wait3A_25] : memref<16x128xi32, #tpu.memory_space<vmem>> -> memref<1x128xi32, #tpu.memory_space<vmem>>
      %dma_wait3A_27 = tpu.memref_squeeze %dma_wait3A_26 : memref<1x128xi32, #tpu.memory_space<vmem>> -> memref<128xi32, #tpu.memory_space<vmem>>
      %dma_wait3A_28 = arith.constant 0 : i32
      %dma_wait3A_29 = tpu.memref_slice %arg11[%dma_wait3A_28] : memref<10240xf32, #tpu.memory_space<vmem_shared>> -> memref<10240xf32, #tpu.memory_space<vmem_shared>>
      tpu.wait_indirect_dma semaphore(%arg13 : memref<!tpu.dma_semaphore, #tpu.memory_space<semaphore_mem>>) src(%arg9 : memref<128xf32, #tpu.memory_space<vmem>>) dst(%dma_wait3A_29 : memref<10240xf32, #tpu.memory_space<vmem_shared>>)
      %dma_wait3A_30 = arith.constant 0 : i32
      %dma_wait3A_31 = arith.constant 0 : i32
      %dma_wait3A_32 = tpu.memref_slice %arg8[%dma_wait3A_30, %dma_wait3A_31] : memref<16x128xi32, #tpu.memory_space<vmem>> -> memref<1x128xi32, #tpu.memory_space<vmem>>
      %dma_wait3A_33 = tpu.memref_squeeze %dma_wait3A_32 : memref<1x128xi32, #tpu.memory_space<vmem>> -> memref<128xi32, #tpu.memory_space<vmem>>
      %dma_wait3A_34 = arith.constant 0 : i32
      %dma_wait3A_35 = tpu.memref_slice %arg12[%dma_wait3A_34] : memref<10240xf32, #tpu.memory_space<vmem_shared>> -> memref<10240xf32, #tpu.memory_space<vmem_shared>>
      tpu.wait_indirect_dma semaphore(%arg13 : memref<!tpu.dma_semaphore, #tpu.memory_space<semaphore_mem>>) src(%arg9 : memref<128xf32, #tpu.memory_space<vmem>>) dst(%dma_wait3A_35 : memref<10240xf32, #tpu.memory_space<vmem_shared>>)
      %scan3A_36 = arith.constant 0 : i32
      scf.yield %scan3A_36 : i32
    }
    %scan3A_10 = arith.constant 5 : i32
    %barrier3A_11 = arith.constant 0 : index
    tpu.barrier barrier_id(%barrier3A_11)
    "tpu.region"() ({
      %run_scoped3A_13 = tpu.sem_alloc : memref<!tpu.dma_semaphore, #tpu.memory_space<semaphore_mem>>
      %dma_start3A = tpu.memref_slice %arg11[%mul3A_4] : memref<10240xf32, #tpu.memory_space<vmem_shared>> -> memref<640xf32, #tpu.memory_space<vmem_shared>>
      %dma_start3A_14 = tpu.memref_slice %arg11[%mul3A_4] : memref<10240xf32, #tpu.memory_space<vmem_shared>> -> memref<640xf32, #tpu.memory_space<vmem_shared>>
      tpu.enqueue_dma source(%dma_start3A_14 : memref<640xf32, #tpu.memory_space<vmem_shared>>) target(%arg10 : memref<640xf32, #tpu.memory_space<vmem>>) target_semaphore(%run_scoped3A_13 : memref<!tpu.dma_semaphore, #tpu.memory_space<semaphore_mem>>)
      %dma_wait3A = tpu.memref_slice %arg11[%mul3A_4] : memref<10240xf32, #tpu.memory_space<vmem_shared>> -> memref<640xf32, #tpu.memory_space<vmem_shared>>
      %dma_wait3A_15 = tpu.memref_slice %arg11[%mul3A_4] : memref<10240xf32, #tpu.memory_space<vmem_shared>> -> memref<640xf32, #tpu.memory_space<vmem_shared>>
      tpu.wait_dma2 semaphore(%run_scoped3A_13 : memref<!tpu.dma_semaphore, #tpu.memory_space<semaphore_mem>>) src(%dma_wait3A_15 : memref<640xf32, #tpu.memory_space<vmem_shared>>) dst(%arg10 : memref<640xf32, #tpu.memory_space<vmem>>)
      tpu.yield
    }) : () -> ()
    %run_scoped3A = arith.constant 0 : i32
    "tpu.region"() ({
      %run_scoped3A_13 = tpu.sem_alloc : memref<!tpu.dma_semaphore, #tpu.memory_space<semaphore_mem>>
      %dma_start3A = tpu.memref_slice %arg6[%arg0, %run_scoped3A, %mul3A_4] : memref<2x2x10240xf32, #tpu.memory_space<hbm>> -> memref<1x1x640xf32, #tpu.memory_space<hbm>>
      %dma_start3A_14 = tpu.memref_squeeze %dma_start3A : memref<1x1x640xf32, #tpu.memory_space<hbm>> -> memref<640xf32, #tpu.memory_space<hbm>>
      %dma_start3A_15 = tpu.memref_slice %arg6[%arg0, %run_scoped3A, %mul3A_4] : memref<2x2x10240xf32, #tpu.memory_space<hbm>> -> memref<1x1x640xf32, #tpu.memory_space<hbm>>
      %dma_start3A_16 = tpu.memref_squeeze %dma_start3A_15 : memref<1x1x640xf32, #tpu.memory_space<hbm>> -> memref<640xf32, #tpu.memory_space<hbm>>
      tpu.enqueue_dma source(%arg10 : memref<640xf32, #tpu.memory_space<vmem>>) target(%dma_start3A_16 : memref<640xf32, #tpu.memory_space<hbm>>) target_semaphore(%run_scoped3A_13 : memref<!tpu.dma_semaphore, #tpu.memory_space<semaphore_mem>>)
      %dma_wait3A = tpu.memref_slice %arg6[%arg0, %run_scoped3A, %mul3A_4] : memref<2x2x10240xf32, #tpu.memory_space<hbm>> -> memref<1x1x640xf32, #tpu.memory_space<hbm>>
      %dma_wait3A_17 = tpu.memref_squeeze %dma_wait3A : memref<1x1x640xf32, #tpu.memory_space<hbm>> -> memref<640xf32, #tpu.memory_space<hbm>>
      %dma_wait3A_18 = tpu.memref_slice %arg6[%arg0, %run_scoped3A, %mul3A_4] : memref<2x2x10240xf32, #tpu.memory_space<hbm>> -> memref<1x1x640xf32, #tpu.memory_space<hbm>>
      %dma_wait3A_19 = tpu.memref_squeeze %dma_wait3A_18 : memref<1x1x640xf32, #tpu.memory_space<hbm>> -> memref<640xf32, #tpu.memory_space<hbm>>
      tpu.wait_dma2 semaphore(%run_scoped3A_13 : memref<!tpu.dma_semaphore, #tpu.memory_space<semaphore_mem>>) src(%arg10 : memref<640xf32, #tpu.memory_space<vmem>>) dst(%dma_wait3A_19 : memref<640xf32, #tpu.memory_space<hbm>>)
      tpu.yield
    }) : () -> ()
    "tpu.region"() ({
      %run_scoped3A_13 = tpu.sem_alloc : memref<!tpu.dma_semaphore, #tpu.memory_space<semaphore_mem>>
      %dma_start3A = tpu.memref_slice %arg12[%mul3A_4] : memref<10240xf32, #tpu.memory_space<vmem_shared>> -> memref<640xf32, #tpu.memory_space<vmem_shared>>
      %dma_start3A_14 = tpu.memref_slice %arg12[%mul3A_4] : memref<10240xf32, #tpu.memory_space<vmem_shared>> -> memref<640xf32, #tpu.memory_space<vmem_shared>>
      tpu.enqueue_dma source(%dma_start3A_14 : memref<640xf32, #tpu.memory_space<vmem_shared>>) target(%arg10 : memref<640xf32, #tpu.memory_space<vmem>>) target_semaphore(%run_scoped3A_13 : memref<!tpu.dma_semaphore, #tpu.memory_space<semaphore_mem>>)
      %dma_wait3A = tpu.memref_slice %arg12[%mul3A_4] : memref<10240xf32, #tpu.memory_space<vmem_shared>> -> memref<640xf32, #tpu.memory_space<vmem_shared>>
      %dma_wait3A_15 = tpu.memref_slice %arg12[%mul3A_4] : memref<10240xf32, #tpu.memory_space<vmem_shared>> -> memref<640xf32, #tpu.memory_space<vmem_shared>>
      tpu.wait_dma2 semaphore(%run_scoped3A_13 : memref<!tpu.dma_semaphore, #tpu.memory_space<semaphore_mem>>) src(%dma_wait3A_15 : memref<640xf32, #tpu.memory_space<vmem_shared>>) dst(%arg10 : memref<640xf32, #tpu.memory_space<vmem>>)
      tpu.yield
    }) : () -> ()
    %run_scoped3A_12 = arith.constant 1 : i32
    "tpu.region"() ({
      %run_scoped3A_13 = tpu.sem_alloc : memref<!tpu.dma_semaphore, #tpu.memory_space<semaphore_mem>>
      %dma_start3A = tpu.memref_slice %arg6[%arg0, %run_scoped3A_12, %mul3A_4] : memref<2x2x10240xf32, #tpu.memory_space<hbm>> -> memref<1x1x640xf32, #tpu.memory_space<hbm>>
      %dma_start3A_14 = tpu.memref_squeeze %dma_start3A : memref<1x1x640xf32, #tpu.memory_space<hbm>> -> memref<640xf32, #tpu.memory_space<hbm>>
      %dma_start3A_15 = tpu.memref_slice %arg6[%arg0, %run_scoped3A_12, %mul3A_4] : memref<2x2x10240xf32, #tpu.memory_space<hbm>> -> memref<1x1x640xf32, #tpu.memory_space<hbm>>
      %dma_start3A_16 = tpu.memref_squeeze %dma_start3A_15 : memref<1x1x640xf32, #tpu.memory_space<hbm>> -> memref<640xf32, #tpu.memory_space<hbm>>
      tpu.enqueue_dma source(%arg10 : memref<640xf32, #tpu.memory_space<vmem>>) target(%dma_start3A_16 : memref<640xf32, #tpu.memory_space<hbm>>) target_semaphore(%run_scoped3A_13 : memref<!tpu.dma_semaphore, #tpu.memory_space<semaphore_mem>>)
      %dma_wait3A = tpu.memref_slice %arg6[%arg0, %run_scoped3A_12, %mul3A_4] : memref<2x2x10240xf32, #tpu.memory_space<hbm>> -> memref<1x1x640xf32, #tpu.memory_space<hbm>>
      %dma_wait3A_17 = tpu.memref_squeeze %dma_wait3A : memref<1x1x640xf32, #tpu.memory_space<hbm>> -> memref<640xf32, #tpu.memory_space<hbm>>
      %dma_wait3A_18 = tpu.memref_slice %arg6[%arg0, %run_scoped3A_12, %mul3A_4] : memref<2x2x10240xf32, #tpu.memory_space<hbm>> -> memref<1x1x640xf32, #tpu.memory_space<hbm>>
      %dma_wait3A_19 = tpu.memref_squeeze %dma_wait3A_18 : memref<1x1x640xf32, #tpu.memory_space<hbm>> -> memref<640xf32, #tpu.memory_space<hbm>>
      tpu.wait_dma2 semaphore(%run_scoped3A_13 : memref<!tpu.dma_semaphore, #tpu.memory_space<semaphore_mem>>) src(%arg10 : memref<640xf32, #tpu.memory_space<vmem>>) dst(%dma_wait3A_19 : memref<640xf32, #tpu.memory_space<hbm>>)
      tpu.yield
    }) : () -> ()
    return
  }
}

#map = affine_map<(d0, d1) -> (0, 0)>
#map1 = affine_map<(d0, d1) -> (0, 0, 0)>
module attributes {stable_mosaic.version = 14 : i64} {
  func.func @_gs_kernel(%arg0: i32, %arg1: i32, %arg2: memref<10240x128xf32, #tpu.memory_space<hbm>>, %arg3: memref<2560x128xi32, #tpu.memory_space<hbm>>, %arg4: memref<2560x128xi32, #tpu.memory_space<hbm>>, %arg5: memref<128x128xf32, #tpu.memory_space<hbm>>, %arg6: memref<2x10240x128xf32, #tpu.memory_space<hbm>>, %arg7: memref<16x128xi32, #tpu.memory_space<vmem>>, %arg8: memref<16x128xi32, #tpu.memory_space<vmem>>, %arg9: memref<2x128x128xf32, #tpu.memory_space<vmem>>, %arg10: memref<10240x128xf32, #tpu.memory_space<vmem_shared>>, %arg11: memref<!tpu.dma_semaphore, #tpu.memory_space<semaphore_mem>>, %arg12: memref<!tpu.dma_semaphore, #tpu.memory_space<semaphore_mem>>, %arg13: memref<!tpu.dma_semaphore, #tpu.memory_space<semaphore_mem>>, %arg14: memref<!tpu.dma_semaphore, #tpu.memory_space<semaphore_mem>>) attributes {dimension_semantics = [#tpu.dimension_semantics<core_parallel>, #tpu.dimension_semantics<subcore_parallel>], iteration_bounds = array<i64: 2, 16>, scalar_prefetch = 0 : i64, scratch_operands = 8 : i64, tpu.core_type = #tpu.core_type<sc_vector_subcore>, window_params = [{transform_indices = #map}, {transform_indices = #map}, {transform_indices = #map}, {transform_indices = #map}, {transform_indices = #map1}]} {
    %mul3A = arith.constant 16 : i32
    %mul3A_0 = arith.muli %arg0, %mul3A : i32
    %add3A = arith.addi %mul3A_0, %arg1 : i32
    %mul3A_1 = arith.constant 80 : i32
    %mul3A_2 = arith.muli %add3A, %mul3A_1 : i32
    %run_scoped3A = arith.constant 0 : i32
    "tpu.region"() ({
      %run_scoped3A_80 = tpu.sem_alloc : memref<!tpu.dma_semaphore, #tpu.memory_space<semaphore_mem>>
      %dma_start3A = arith.constant 0 : i32
      %dma_start3A_81 = arith.constant 0 : i32
      %dma_start3A_82 = tpu.memref_slice %arg9[%run_scoped3A, %dma_start3A, %dma_start3A_81] : memref<2x128x128xf32, #tpu.memory_space<vmem>> -> memref<1x128x128xf32, #tpu.memory_space<vmem>>
      %dma_start3A_83 = tpu.memref_squeeze %dma_start3A_82 : memref<1x128x128xf32, #tpu.memory_space<vmem>> -> memref<128x128xf32, #tpu.memory_space<vmem>>
      %dma_start3A_84 = arith.constant 0 : i32
      %dma_start3A_85 = arith.constant 0 : i32
      %dma_start3A_86 = tpu.memref_slice %arg9[%run_scoped3A, %dma_start3A_84, %dma_start3A_85] : memref<2x128x128xf32, #tpu.memory_space<vmem>> -> memref<1x128x128xf32, #tpu.memory_space<vmem>>
      %dma_start3A_87 = tpu.memref_squeeze %dma_start3A_86 : memref<1x128x128xf32, #tpu.memory_space<vmem>> -> memref<128x128xf32, #tpu.memory_space<vmem>>
      tpu.enqueue_dma source(%arg5 : memref<128x128xf32, #tpu.memory_space<hbm>>) target(%dma_start3A_87 : memref<128x128xf32, #tpu.memory_space<vmem>>) target_semaphore(%run_scoped3A_80 : memref<!tpu.dma_semaphore, #tpu.memory_space<semaphore_mem>>)
      %dma_wait3A_88 = arith.constant 0 : i32
      %dma_wait3A_89 = arith.constant 0 : i32
      %dma_wait3A_90 = tpu.memref_slice %arg9[%run_scoped3A, %dma_wait3A_88, %dma_wait3A_89] : memref<2x128x128xf32, #tpu.memory_space<vmem>> -> memref<1x128x128xf32, #tpu.memory_space<vmem>>
      %dma_wait3A_91 = tpu.memref_squeeze %dma_wait3A_90 : memref<1x128x128xf32, #tpu.memory_space<vmem>> -> memref<128x128xf32, #tpu.memory_space<vmem>>
      %dma_wait3A_92 = arith.constant 0 : i32
      %dma_wait3A_93 = arith.constant 0 : i32
      %dma_wait3A_94 = tpu.memref_slice %arg9[%run_scoped3A, %dma_wait3A_92, %dma_wait3A_93] : memref<2x128x128xf32, #tpu.memory_space<vmem>> -> memref<1x128x128xf32, #tpu.memory_space<vmem>>
      %dma_wait3A_95 = tpu.memref_squeeze %dma_wait3A_94 : memref<1x128x128xf32, #tpu.memory_space<vmem>> -> memref<128x128xf32, #tpu.memory_space<vmem>>
      tpu.wait_dma2 semaphore(%run_scoped3A_80 : memref<!tpu.dma_semaphore, #tpu.memory_space<semaphore_mem>>) src(%arg5 : memref<128x128xf32, #tpu.memory_space<hbm>>) dst(%dma_wait3A_95 : memref<128x128xf32, #tpu.memory_space<vmem>>)
      tpu.yield
    }) : () -> ()
    %mul3A_3 = arith.constant 640 : i32
    %mul3A_4 = arith.muli %arg1, %mul3A_3 : i32
    %add3A_5 = arith.constant 0 : i32
    %add3A_6 = arith.addi %mul3A_4, %add3A_5 : i32
    %run_scoped3A_7 = arith.constant 0 : i32
    "tpu.region"() ({
      %run_scoped3A_80 = tpu.sem_alloc : memref<!tpu.dma_semaphore, #tpu.memory_space<semaphore_mem>>
      %dma_start3A = arith.constant 0 : i32
      %dma_start3A_81 = arith.constant 0 : i32
      %dma_start3A_82 = tpu.memref_slice %arg9[%run_scoped3A_7, %dma_start3A, %dma_start3A_81] : memref<2x128x128xf32, #tpu.memory_space<vmem>> -> memref<1x128x128xf32, #tpu.memory_space<vmem>>
      %dma_start3A_83 = tpu.memref_squeeze %dma_start3A_82 : memref<1x128x128xf32, #tpu.memory_space<vmem>> -> memref<128x128xf32, #tpu.memory_space<vmem>>
      %dma_start3A_84 = arith.constant 0 : i32
      %dma_start3A_85 = tpu.memref_slice %arg10[%add3A_6, %dma_start3A_84] : memref<10240x128xf32, #tpu.memory_space<vmem_shared>> -> memref<128x128xf32, #tpu.memory_space<vmem_shared>>
      %dma_start3A_86 = arith.constant 0 : i32
      %dma_start3A_87 = tpu.memref_slice %arg10[%add3A_6, %dma_start3A_86] : memref<10240x128xf32, #tpu.memory_space<vmem_shared>> -> memref<128x128xf32, #tpu.memory_space<vmem_shared>>
      %dma_start3A_88 = arith.constant 0 : i32
      %dma_start3A_89 = arith.constant 0 : i32
      %dma_start3A_90 = tpu.memref_slice %arg9[%run_scoped3A_7, %dma_start3A_88, %dma_start3A_89] : memref<2x128x128xf32, #tpu.memory_space<vmem>> -> memref<1x128x128xf32, #tpu.memory_space<vmem>>
      %dma_start3A_91 = tpu.memref_squeeze %dma_start3A_90 : memref<1x128x128xf32, #tpu.memory_space<vmem>> -> memref<128x128xf32, #tpu.memory_space<vmem>>
      tpu.enqueue_dma source(%dma_start3A_91 : memref<128x128xf32, #tpu.memory_space<vmem>>) target(%dma_start3A_87 : memref<128x128xf32, #tpu.memory_space<vmem_shared>>) target_semaphore(%run_scoped3A_80 : memref<!tpu.dma_semaphore, #tpu.memory_space<semaphore_mem>>)
      %dma_wait3A_92 = arith.constant 0 : i32
      %dma_wait3A_93 = arith.constant 0 : i32
      %dma_wait3A_94 = tpu.memref_slice %arg9[%run_scoped3A_7, %dma_wait3A_92, %dma_wait3A_93] : memref<2x128x128xf32, #tpu.memory_space<vmem>> -> memref<1x128x128xf32, #tpu.memory_space<vmem>>
      %dma_wait3A_95 = tpu.memref_squeeze %dma_wait3A_94 : memref<1x128x128xf32, #tpu.memory_space<vmem>> -> memref<128x128xf32, #tpu.memory_space<vmem>>
      %dma_wait3A_96 = arith.constant 0 : i32
      %dma_wait3A_97 = tpu.memref_slice %arg10[%add3A_6, %dma_wait3A_96] : memref<10240x128xf32, #tpu.memory_space<vmem_shared>> -> memref<128x128xf32, #tpu.memory_space<vmem_shared>>
      %dma_wait3A_98 = arith.constant 0 : i32
      %dma_wait3A_99 = tpu.memref_slice %arg10[%add3A_6, %dma_wait3A_98] : memref<10240x128xf32, #tpu.memory_space<vmem_shared>> -> memref<128x128xf32, #tpu.memory_space<vmem_shared>>
      %dma_wait3A_100 = arith.constant 0 : i32
      %dma_wait3A_101 = arith.constant 0 : i32
      %dma_wait3A_102 = tpu.memref_slice %arg9[%run_scoped3A_7, %dma_wait3A_100, %dma_wait3A_101] : memref<2x128x128xf32, #tpu.memory_space<vmem>> -> memref<1x128x128xf32, #tpu.memory_space<vmem>>
      %dma_wait3A_103 = tpu.memref_squeeze %dma_wait3A_102 : memref<1x128x128xf32, #tpu.memory_space<vmem>> -> memref<128x128xf32, #tpu.memory_space<vmem>>
      tpu.wait_dma2 semaphore(%run_scoped3A_80 : memref<!tpu.dma_semaphore, #tpu.memory_space<semaphore_mem>>) src(%dma_wait3A_103 : memref<128x128xf32, #tpu.memory_space<vmem>>) dst(%dma_wait3A_99 : memref<128x128xf32, #tpu.memory_space<vmem_shared>>)
      tpu.yield
    }) : () -> ()
    %add3A_8 = arith.constant 128 : i32
    %add3A_9 = arith.addi %mul3A_4, %add3A_8 : i32
    %run_scoped3A_10 = arith.constant 0 : i32
    "tpu.region"() ({
      %run_scoped3A_80 = tpu.sem_alloc : memref<!tpu.dma_semaphore, #tpu.memory_space<semaphore_mem>>
      %dma_start3A = arith.constant 0 : i32
      %dma_start3A_81 = arith.constant 0 : i32
      %dma_start3A_82 = tpu.memref_slice %arg9[%run_scoped3A_10, %dma_start3A, %dma_start3A_81] : memref<2x128x128xf32, #tpu.memory_space<vmem>> -> memref<1x128x128xf32, #tpu.memory_space<vmem>>
      %dma_start3A_83 = tpu.memref_squeeze %dma_start3A_82 : memref<1x128x128xf32, #tpu.memory_space<vmem>> -> memref<128x128xf32, #tpu.memory_space<vmem>>
      %dma_start3A_84 = arith.constant 0 : i32
      %dma_start3A_85 = tpu.memref_slice %arg10[%add3A_9, %dma_start3A_84] : memref<10240x128xf32, #tpu.memory_space<vmem_shared>> -> memref<128x128xf32, #tpu.memory_space<vmem_shared>>
      %dma_start3A_86 = arith.constant 0 : i32
      %dma_start3A_87 = tpu.memref_slice %arg10[%add3A_9, %dma_start3A_86] : memref<10240x128xf32, #tpu.memory_space<vmem_shared>> -> memref<128x128xf32, #tpu.memory_space<vmem_shared>>
      %dma_start3A_88 = arith.constant 0 : i32
      %dma_start3A_89 = arith.constant 0 : i32
      %dma_start3A_90 = tpu.memref_slice %arg9[%run_scoped3A_10, %dma_start3A_88, %dma_start3A_89] : memref<2x128x128xf32, #tpu.memory_space<vmem>> -> memref<1x128x128xf32, #tpu.memory_space<vmem>>
      %dma_start3A_91 = tpu.memref_squeeze %dma_start3A_90 : memref<1x128x128xf32, #tpu.memory_space<vmem>> -> memref<128x128xf32, #tpu.memory_space<vmem>>
      tpu.enqueue_dma source(%dma_start3A_91 : memref<128x128xf32, #tpu.memory_space<vmem>>) target(%dma_start3A_87 : memref<128x128xf32, #tpu.memory_space<vmem_shared>>) target_semaphore(%run_scoped3A_80 : memref<!tpu.dma_semaphore, #tpu.memory_space<semaphore_mem>>)
      %dma_wait3A_92 = arith.constant 0 : i32
      %dma_wait3A_93 = arith.constant 0 : i32
      %dma_wait3A_94 = tpu.memref_slice %arg9[%run_scoped3A_10, %dma_wait3A_92, %dma_wait3A_93] : memref<2x128x128xf32, #tpu.memory_space<vmem>> -> memref<1x128x128xf32, #tpu.memory_space<vmem>>
      %dma_wait3A_95 = tpu.memref_squeeze %dma_wait3A_94 : memref<1x128x128xf32, #tpu.memory_space<vmem>> -> memref<128x128xf32, #tpu.memory_space<vmem>>
      %dma_wait3A_96 = arith.constant 0 : i32
      %dma_wait3A_97 = tpu.memref_slice %arg10[%add3A_9, %dma_wait3A_96] : memref<10240x128xf32, #tpu.memory_space<vmem_shared>> -> memref<128x128xf32, #tpu.memory_space<vmem_shared>>
      %dma_wait3A_98 = arith.constant 0 : i32
      %dma_wait3A_99 = tpu.memref_slice %arg10[%add3A_9, %dma_wait3A_98] : memref<10240x128xf32, #tpu.memory_space<vmem_shared>> -> memref<128x128xf32, #tpu.memory_space<vmem_shared>>
      %dma_wait3A_100 = arith.constant 0 : i32
      %dma_wait3A_101 = arith.constant 0 : i32
      %dma_wait3A_102 = tpu.memref_slice %arg9[%run_scoped3A_10, %dma_wait3A_100, %dma_wait3A_101] : memref<2x128x128xf32, #tpu.memory_space<vmem>> -> memref<1x128x128xf32, #tpu.memory_space<vmem>>
      %dma_wait3A_103 = tpu.memref_squeeze %dma_wait3A_102 : memref<1x128x128xf32, #tpu.memory_space<vmem>> -> memref<128x128xf32, #tpu.memory_space<vmem>>
      tpu.wait_dma2 semaphore(%run_scoped3A_80 : memref<!tpu.dma_semaphore, #tpu.memory_space<semaphore_mem>>) src(%dma_wait3A_103 : memref<128x128xf32, #tpu.memory_space<vmem>>) dst(%dma_wait3A_99 : memref<128x128xf32, #tpu.memory_space<vmem_shared>>)
      tpu.yield
    }) : () -> ()
    %add3A_11 = arith.constant 256 : i32
    %add3A_12 = arith.addi %mul3A_4, %add3A_11 : i32
    %run_scoped3A_13 = arith.constant 0 : i32
    "tpu.region"() ({
      %run_scoped3A_80 = tpu.sem_alloc : memref<!tpu.dma_semaphore, #tpu.memory_space<semaphore_mem>>
      %dma_start3A = arith.constant 0 : i32
      %dma_start3A_81 = arith.constant 0 : i32
      %dma_start3A_82 = tpu.memref_slice %arg9[%run_scoped3A_13, %dma_start3A, %dma_start3A_81] : memref<2x128x128xf32, #tpu.memory_space<vmem>> -> memref<1x128x128xf32, #tpu.memory_space<vmem>>
      %dma_start3A_83 = tpu.memref_squeeze %dma_start3A_82 : memref<1x128x128xf32, #tpu.memory_space<vmem>> -> memref<128x128xf32, #tpu.memory_space<vmem>>
      %dma_start3A_84 = arith.constant 0 : i32
      %dma_start3A_85 = tpu.memref_slice %arg10[%add3A_12, %dma_start3A_84] : memref<10240x128xf32, #tpu.memory_space<vmem_shared>> -> memref<128x128xf32, #tpu.memory_space<vmem_shared>>
      %dma_start3A_86 = arith.constant 0 : i32
      %dma_start3A_87 = tpu.memref_slice %arg10[%add3A_12, %dma_start3A_86] : memref<10240x128xf32, #tpu.memory_space<vmem_shared>> -> memref<128x128xf32, #tpu.memory_space<vmem_shared>>
      %dma_start3A_88 = arith.constant 0 : i32
      %dma_start3A_89 = arith.constant 0 : i32
      %dma_start3A_90 = tpu.memref_slice %arg9[%run_scoped3A_13, %dma_start3A_88, %dma_start3A_89] : memref<2x128x128xf32, #tpu.memory_space<vmem>> -> memref<1x128x128xf32, #tpu.memory_space<vmem>>
      %dma_start3A_91 = tpu.memref_squeeze %dma_start3A_90 : memref<1x128x128xf32, #tpu.memory_space<vmem>> -> memref<128x128xf32, #tpu.memory_space<vmem>>
      tpu.enqueue_dma source(%dma_start3A_91 : memref<128x128xf32, #tpu.memory_space<vmem>>) target(%dma_start3A_87 : memref<128x128xf32, #tpu.memory_space<vmem_shared>>) target_semaphore(%run_scoped3A_80 : memref<!tpu.dma_semaphore, #tpu.memory_space<semaphore_mem>>)
      %dma_wait3A_92 = arith.constant 0 : i32
      %dma_wait3A_93 = arith.constant 0 : i32
      %dma_wait3A_94 = tpu.memref_slice %arg9[%run_scoped3A_13, %dma_wait3A_92, %dma_wait3A_93] : memref<2x128x128xf32, #tpu.memory_space<vmem>> -> memref<1x128x128xf32, #tpu.memory_space<vmem>>
      %dma_wait3A_95 = tpu.memref_squeeze %dma_wait3A_94 : memref<1x128x128xf32, #tpu.memory_space<vmem>> -> memref<128x128xf32, #tpu.memory_space<vmem>>
      %dma_wait3A_96 = arith.constant 0 : i32
      %dma_wait3A_97 = tpu.memref_slice %arg10[%add3A_12, %dma_wait3A_96] : memref<10240x128xf32, #tpu.memory_space<vmem_shared>> -> memref<128x128xf32, #tpu.memory_space<vmem_shared>>
      %dma_wait3A_98 = arith.constant 0 : i32
      %dma_wait3A_99 = tpu.memref_slice %arg10[%add3A_12, %dma_wait3A_98] : memref<10240x128xf32, #tpu.memory_space<vmem_shared>> -> memref<128x128xf32, #tpu.memory_space<vmem_shared>>
      %dma_wait3A_100 = arith.constant 0 : i32
      %dma_wait3A_101 = arith.constant 0 : i32
      %dma_wait3A_102 = tpu.memref_slice %arg9[%run_scoped3A_13, %dma_wait3A_100, %dma_wait3A_101] : memref<2x128x128xf32, #tpu.memory_space<vmem>> -> memref<1x128x128xf32, #tpu.memory_space<vmem>>
      %dma_wait3A_103 = tpu.memref_squeeze %dma_wait3A_102 : memref<1x128x128xf32, #tpu.memory_space<vmem>> -> memref<128x128xf32, #tpu.memory_space<vmem>>
      tpu.wait_dma2 semaphore(%run_scoped3A_80 : memref<!tpu.dma_semaphore, #tpu.memory_space<semaphore_mem>>) src(%dma_wait3A_103 : memref<128x128xf32, #tpu.memory_space<vmem>>) dst(%dma_wait3A_99 : memref<128x128xf32, #tpu.memory_space<vmem_shared>>)
      tpu.yield
    }) : () -> ()
    %add3A_14 = arith.constant 384 : i32
    %add3A_15 = arith.addi %mul3A_4, %add3A_14 : i32
    %run_scoped3A_16 = arith.constant 0 : i32
    "tpu.region"() ({
      %run_scoped3A_80 = tpu.sem_alloc : memref<!tpu.dma_semaphore, #tpu.memory_space<semaphore_mem>>
      %dma_start3A = arith.constant 0 : i32
      %dma_start3A_81 = arith.constant 0 : i32
      %dma_start3A_82 = tpu.memref_slice %arg9[%run_scoped3A_16, %dma_start3A, %dma_start3A_81] : memref<2x128x128xf32, #tpu.memory_space<vmem>> -> memref<1x128x128xf32, #tpu.memory_space<vmem>>
      %dma_start3A_83 = tpu.memref_squeeze %dma_start3A_82 : memref<1x128x128xf32, #tpu.memory_space<vmem>> -> memref<128x128xf32, #tpu.memory_space<vmem>>
      %dma_start3A_84 = arith.constant 0 : i32
      %dma_start3A_85 = tpu.memref_slice %arg10[%add3A_15, %dma_start3A_84] : memref<10240x128xf32, #tpu.memory_space<vmem_shared>> -> memref<128x128xf32, #tpu.memory_space<vmem_shared>>
      %dma_start3A_86 = arith.constant 0 : i32
      %dma_start3A_87 = tpu.memref_slice %arg10[%add3A_15, %dma_start3A_86] : memref<10240x128xf32, #tpu.memory_space<vmem_shared>> -> memref<128x128xf32, #tpu.memory_space<vmem_shared>>
      %dma_start3A_88 = arith.constant 0 : i32
      %dma_start3A_89 = arith.constant 0 : i32
      %dma_start3A_90 = tpu.memref_slice %arg9[%run_scoped3A_16, %dma_start3A_88, %dma_start3A_89] : memref<2x128x128xf32, #tpu.memory_space<vmem>> -> memref<1x128x128xf32, #tpu.memory_space<vmem>>
      %dma_start3A_91 = tpu.memref_squeeze %dma_start3A_90 : memref<1x128x128xf32, #tpu.memory_space<vmem>> -> memref<128x128xf32, #tpu.memory_space<vmem>>
      tpu.enqueue_dma source(%dma_start3A_91 : memref<128x128xf32, #tpu.memory_space<vmem>>) target(%dma_start3A_87 : memref<128x128xf32, #tpu.memory_space<vmem_shared>>) target_semaphore(%run_scoped3A_80 : memref<!tpu.dma_semaphore, #tpu.memory_space<semaphore_mem>>)
      %dma_wait3A_92 = arith.constant 0 : i32
      %dma_wait3A_93 = arith.constant 0 : i32
      %dma_wait3A_94 = tpu.memref_slice %arg9[%run_scoped3A_16, %dma_wait3A_92, %dma_wait3A_93] : memref<2x128x128xf32, #tpu.memory_space<vmem>> -> memref<1x128x128xf32, #tpu.memory_space<vmem>>
      %dma_wait3A_95 = tpu.memref_squeeze %dma_wait3A_94 : memref<1x128x128xf32, #tpu.memory_space<vmem>> -> memref<128x128xf32, #tpu.memory_space<vmem>>
      %dma_wait3A_96 = arith.constant 0 : i32
      %dma_wait3A_97 = tpu.memref_slice %arg10[%add3A_15, %dma_wait3A_96] : memref<10240x128xf32, #tpu.memory_space<vmem_shared>> -> memref<128x128xf32, #tpu.memory_space<vmem_shared>>
      %dma_wait3A_98 = arith.constant 0 : i32
      %dma_wait3A_99 = tpu.memref_slice %arg10[%add3A_15, %dma_wait3A_98] : memref<10240x128xf32, #tpu.memory_space<vmem_shared>> -> memref<128x128xf32, #tpu.memory_space<vmem_shared>>
      %dma_wait3A_100 = arith.constant 0 : i32
      %dma_wait3A_101 = arith.constant 0 : i32
      %dma_wait3A_102 = tpu.memref_slice %arg9[%run_scoped3A_16, %dma_wait3A_100, %dma_wait3A_101] : memref<2x128x128xf32, #tpu.memory_space<vmem>> -> memref<1x128x128xf32, #tpu.memory_space<vmem>>
      %dma_wait3A_103 = tpu.memref_squeeze %dma_wait3A_102 : memref<1x128x128xf32, #tpu.memory_space<vmem>> -> memref<128x128xf32, #tpu.memory_space<vmem>>
      tpu.wait_dma2 semaphore(%run_scoped3A_80 : memref<!tpu.dma_semaphore, #tpu.memory_space<semaphore_mem>>) src(%dma_wait3A_103 : memref<128x128xf32, #tpu.memory_space<vmem>>) dst(%dma_wait3A_99 : memref<128x128xf32, #tpu.memory_space<vmem_shared>>)
      tpu.yield
    }) : () -> ()
    %add3A_17 = arith.constant 512 : i32
    %add3A_18 = arith.addi %mul3A_4, %add3A_17 : i32
    %run_scoped3A_19 = arith.constant 0 : i32
    "tpu.region"() ({
      %run_scoped3A_80 = tpu.sem_alloc : memref<!tpu.dma_semaphore, #tpu.memory_space<semaphore_mem>>
      %dma_start3A = arith.constant 0 : i32
      %dma_start3A_81 = arith.constant 0 : i32
      %dma_start3A_82 = tpu.memref_slice %arg9[%run_scoped3A_19, %dma_start3A, %dma_start3A_81] : memref<2x128x128xf32, #tpu.memory_space<vmem>> -> memref<1x128x128xf32, #tpu.memory_space<vmem>>
      %dma_start3A_83 = tpu.memref_squeeze %dma_start3A_82 : memref<1x128x128xf32, #tpu.memory_space<vmem>> -> memref<128x128xf32, #tpu.memory_space<vmem>>
      %dma_start3A_84 = arith.constant 0 : i32
      %dma_start3A_85 = tpu.memref_slice %arg10[%add3A_18, %dma_start3A_84] : memref<10240x128xf32, #tpu.memory_space<vmem_shared>> -> memref<128x128xf32, #tpu.memory_space<vmem_shared>>
      %dma_start3A_86 = arith.constant 0 : i32
      %dma_start3A_87 = tpu.memref_slice %arg10[%add3A_18, %dma_start3A_86] : memref<10240x128xf32, #tpu.memory_space<vmem_shared>> -> memref<128x128xf32, #tpu.memory_space<vmem_shared>>
      %dma_start3A_88 = arith.constant 0 : i32
      %dma_start3A_89 = arith.constant 0 : i32
      %dma_start3A_90 = tpu.memref_slice %arg9[%run_scoped3A_19, %dma_start3A_88, %dma_start3A_89] : memref<2x128x128xf32, #tpu.memory_space<vmem>> -> memref<1x128x128xf32, #tpu.memory_space<vmem>>
      %dma_start3A_91 = tpu.memref_squeeze %dma_start3A_90 : memref<1x128x128xf32, #tpu.memory_space<vmem>> -> memref<128x128xf32, #tpu.memory_space<vmem>>
      tpu.enqueue_dma source(%dma_start3A_91 : memref<128x128xf32, #tpu.memory_space<vmem>>) target(%dma_start3A_87 : memref<128x128xf32, #tpu.memory_space<vmem_shared>>) target_semaphore(%run_scoped3A_80 : memref<!tpu.dma_semaphore, #tpu.memory_space<semaphore_mem>>)
      %dma_wait3A_92 = arith.constant 0 : i32
      %dma_wait3A_93 = arith.constant 0 : i32
      %dma_wait3A_94 = tpu.memref_slice %arg9[%run_scoped3A_19, %dma_wait3A_92, %dma_wait3A_93] : memref<2x128x128xf32, #tpu.memory_space<vmem>> -> memref<1x128x128xf32, #tpu.memory_space<vmem>>
      %dma_wait3A_95 = tpu.memref_squeeze %dma_wait3A_94 : memref<1x128x128xf32, #tpu.memory_space<vmem>> -> memref<128x128xf32, #tpu.memory_space<vmem>>
      %dma_wait3A_96 = arith.constant 0 : i32
      %dma_wait3A_97 = tpu.memref_slice %arg10[%add3A_18, %dma_wait3A_96] : memref<10240x128xf32, #tpu.memory_space<vmem_shared>> -> memref<128x128xf32, #tpu.memory_space<vmem_shared>>
      %dma_wait3A_98 = arith.constant 0 : i32
      %dma_wait3A_99 = tpu.memref_slice %arg10[%add3A_18, %dma_wait3A_98] : memref<10240x128xf32, #tpu.memory_space<vmem_shared>> -> memref<128x128xf32, #tpu.memory_space<vmem_shared>>
      %dma_wait3A_100 = arith.constant 0 : i32
      %dma_wait3A_101 = arith.constant 0 : i32
      %dma_wait3A_102 = tpu.memref_slice %arg9[%run_scoped3A_19, %dma_wait3A_100, %dma_wait3A_101] : memref<2x128x128xf32, #tpu.memory_space<vmem>> -> memref<1x128x128xf32, #tpu.memory_space<vmem>>
      %dma_wait3A_103 = tpu.memref_squeeze %dma_wait3A_102 : memref<1x128x128xf32, #tpu.memory_space<vmem>> -> memref<128x128xf32, #tpu.memory_space<vmem>>
      tpu.wait_dma2 semaphore(%run_scoped3A_80 : memref<!tpu.dma_semaphore, #tpu.memory_space<semaphore_mem>>) src(%dma_wait3A_103 : memref<128x128xf32, #tpu.memory_space<vmem>>) dst(%dma_wait3A_99 : memref<128x128xf32, #tpu.memory_space<vmem_shared>>)
      tpu.yield
    }) : () -> ()
    %barrier3A = arith.constant 0 : index
    tpu.barrier barrier_id(%barrier3A)
    %scan3A = arith.constant 0 : i32
    %scan3A_20 = arith.constant 0 : i32
    %scan3A_21 = arith.constant 5 : i32
    %scan3A_22 = arith.addi %scan3A_20, %scan3A_21 : i32
    %scan3A_23 = arith.constant 1 : i32
    %scan3A_24 = scf.for %scan3A_80 = %scan3A_20 to %scan3A_22 step %scan3A_23 iter_args(%scan3A_81 = %scan3A) -> (i32)  : i32 {
      %gt3A = arith.constant 0 : i32
      %gt3A_82 = arith.cmpi sgt, %scan3A_80, %gt3A : i32
      %convert_element_type3A = arith.extui %gt3A_82 : i1 to i32
      %cond3A = arith.constant 0 : i32
      %cond3A_83 = arith.cmpi ne, %convert_element_type3A, %cond3A : i32
      scf.if %cond3A_83 {
        %dma_wait3A_106 = arith.constant 0 : i32
        %dma_wait3A_107 = arith.constant 0 : i32
        %dma_wait3A_108 = arith.constant 0 : i32
        %dma_wait3A_109 = arith.constant 0 : i32
        %dma_wait3A_110 = tpu.memref_slice %arg9[%dma_wait3A_106, %dma_wait3A_108, %dma_wait3A_109] : memref<2x128x128xf32, #tpu.memory_space<vmem>> -> memref<1x128x128xf32, #tpu.memory_space<vmem>>
        %dma_wait3A_111 = tpu.memref_squeeze %dma_wait3A_110 : memref<1x128x128xf32, #tpu.memory_space<vmem>> -> memref<128x128xf32, #tpu.memory_space<vmem>>
        %dma_wait3A_112 = arith.constant 0 : i32
        %dma_wait3A_113 = tpu.memref_slice %arg8[%dma_wait3A_107, %dma_wait3A_112] : memref<16x128xi32, #tpu.memory_space<vmem>> -> memref<1x128xi32, #tpu.memory_space<vmem>>
        %dma_wait3A_114 = tpu.memref_squeeze %dma_wait3A_113 : memref<1x128xi32, #tpu.memory_space<vmem>> -> memref<128xi32, #tpu.memory_space<vmem>>
        %dma_wait3A_115 = arith.constant 0 : i32
        %dma_wait3A_116 = arith.constant 0 : i32
        %dma_wait3A_117 = tpu.memref_slice %arg10[%dma_wait3A_115, %dma_wait3A_116] : memref<10240x128xf32, #tpu.memory_space<vmem_shared>> -> memref<10240x128xf32, #tpu.memory_space<vmem_shared>>
        tpu.wait_indirect_dma semaphore(%arg13 : memref<!tpu.dma_semaphore, #tpu.memory_space<semaphore_mem>>) src(%dma_wait3A_111 : memref<128x128xf32, #tpu.memory_space<vmem>>) dst(%dma_wait3A_117 : memref<10240x128xf32, #tpu.memory_space<vmem_shared>>)
        %dma_wait3A_118 = arith.constant 1 : i32
        %dma_wait3A_119 = arith.constant 0 : i32
        %dma_wait3A_120 = arith.constant 0 : i32
        %dma_wait3A_121 = arith.constant 0 : i32
        %dma_wait3A_122 = tpu.memref_slice %arg9[%dma_wait3A_118, %dma_wait3A_120, %dma_wait3A_121] : memref<2x128x128xf32, #tpu.memory_space<vmem>> -> memref<1x128x128xf32, #tpu.memory_space<vmem>>
        %dma_wait3A_123 = tpu.memref_squeeze %dma_wait3A_122 : memref<1x128x128xf32, #tpu.memory_space<vmem>> -> memref<128x128xf32, #tpu.memory_space<vmem>>
        %dma_wait3A_124 = arith.constant 0 : i32
        %dma_wait3A_125 = tpu.memref_slice %arg8[%dma_wait3A_119, %dma_wait3A_124] : memref<16x128xi32, #tpu.memory_space<vmem>> -> memref<1x128xi32, #tpu.memory_space<vmem>>
        %dma_wait3A_126 = tpu.memref_squeeze %dma_wait3A_125 : memref<1x128xi32, #tpu.memory_space<vmem>> -> memref<128xi32, #tpu.memory_space<vmem>>
        %dma_wait3A_127 = arith.constant 0 : i32
        %dma_wait3A_128 = arith.constant 0 : i32
        %dma_wait3A_129 = tpu.memref_slice %arg10[%dma_wait3A_127, %dma_wait3A_128] : memref<10240x128xf32, #tpu.memory_space<vmem_shared>> -> memref<10240x128xf32, #tpu.memory_space<vmem_shared>>
        tpu.wait_indirect_dma semaphore(%arg14 : memref<!tpu.dma_semaphore, #tpu.memory_space<semaphore_mem>>) src(%dma_wait3A_123 : memref<128x128xf32, #tpu.memory_space<vmem>>) dst(%dma_wait3A_129 : memref<10240x128xf32, #tpu.memory_space<vmem_shared>>)
      } else {
      }
      %mul3A_84 = arith.constant 16 : i32
      %mul3A_85 = arith.muli %scan3A_80, %mul3A_84 : i32
      %add3A_86 = arith.addi %mul3A_2, %mul3A_85 : i32
      "tpu.region"() ({
        %run_scoped3A_106 = tpu.sem_alloc : memref<!tpu.dma_semaphore, #tpu.memory_space<semaphore_mem>>
        %dma_start3A_107 = arith.constant 0 : i32
        %dma_start3A_108 = tpu.memref_slice %arg3[%add3A_86, %dma_start3A_107] : memref<2560x128xi32, #tpu.memory_space<hbm>> -> memref<16x128xi32, #tpu.memory_space<hbm>>
        %dma_start3A_109 = arith.constant 0 : i32
        %dma_start3A_110 = tpu.memref_slice %arg3[%add3A_86, %dma_start3A_109] : memref<2560x128xi32, #tpu.memory_space<hbm>> -> memref<16x128xi32, #tpu.memory_space<hbm>>
        tpu.enqueue_dma source(%dma_start3A_110 : memref<16x128xi32, #tpu.memory_space<hbm>>) target(%arg7 : memref<16x128xi32, #tpu.memory_space<vmem>>) target_semaphore(%run_scoped3A_106 : memref<!tpu.dma_semaphore, #tpu.memory_space<semaphore_mem>>)
        %dma_wait3A_111 = arith.constant 0 : i32
        %dma_wait3A_112 = tpu.memref_slice %arg3[%add3A_86, %dma_wait3A_111] : memref<2560x128xi32, #tpu.memory_space<hbm>> -> memref<16x128xi32, #tpu.memory_space<hbm>>
        %dma_wait3A_113 = arith.constant 0 : i32
        %dma_wait3A_114 = tpu.memref_slice %arg3[%add3A_86, %dma_wait3A_113] : memref<2560x128xi32, #tpu.memory_space<hbm>> -> memref<16x128xi32, #tpu.memory_space<hbm>>
        tpu.wait_dma2 semaphore(%run_scoped3A_106 : memref<!tpu.dma_semaphore, #tpu.memory_space<semaphore_mem>>) src(%dma_wait3A_114 : memref<16x128xi32, #tpu.memory_space<hbm>>) dst(%arg7 : memref<16x128xi32, #tpu.memory_space<vmem>>)
        tpu.yield
      }) : () -> ()
      "tpu.region"() ({
        %run_scoped3A_106 = tpu.sem_alloc : memref<!tpu.dma_semaphore, #tpu.memory_space<semaphore_mem>>
        %dma_start3A_107 = arith.constant 0 : i32
        %dma_start3A_108 = tpu.memref_slice %arg4[%add3A_86, %dma_start3A_107] : memref<2560x128xi32, #tpu.memory_space<hbm>> -> memref<16x128xi32, #tpu.memory_space<hbm>>
        %dma_start3A_109 = arith.constant 0 : i32
        %dma_start3A_110 = tpu.memref_slice %arg4[%add3A_86, %dma_start3A_109] : memref<2560x128xi32, #tpu.memory_space<hbm>> -> memref<16x128xi32, #tpu.memory_space<hbm>>
        tpu.enqueue_dma source(%dma_start3A_110 : memref<16x128xi32, #tpu.memory_space<hbm>>) target(%arg8 : memref<16x128xi32, #tpu.memory_space<vmem>>) target_semaphore(%run_scoped3A_106 : memref<!tpu.dma_semaphore, #tpu.memory_space<semaphore_mem>>)
        %dma_wait3A_111 = arith.constant 0 : i32
        %dma_wait3A_112 = tpu.memref_slice %arg4[%add3A_86, %dma_wait3A_111] : memref<2560x128xi32, #tpu.memory_space<hbm>> -> memref<16x128xi32, #tpu.memory_space<hbm>>
        %dma_wait3A_113 = arith.constant 0 : i32
        %dma_wait3A_114 = tpu.memref_slice %arg4[%add3A_86, %dma_wait3A_113] : memref<2560x128xi32, #tpu.memory_space<hbm>> -> memref<16x128xi32, #tpu.memory_space<hbm>>
        tpu.wait_dma2 semaphore(%run_scoped3A_106 : memref<!tpu.dma_semaphore, #tpu.memory_space<semaphore_mem>>) src(%dma_wait3A_114 : memref<16x128xi32, #tpu.memory_space<hbm>>) dst(%arg8 : memref<16x128xi32, #tpu.memory_space<vmem>>)
        tpu.yield
      }) : () -> ()
      %dma_start3A = arith.constant 0 : i32
      %dma_start3A_87 = arith.constant 0 : i32
      %dma_start3A_88 = arith.constant 0 : i32
      %dma_start3A_89 = arith.constant 0 : i32
      %dma_start3A_90 = tpu.memref_slice %arg9[%dma_start3A_87, %dma_start3A_88, %dma_start3A_89] : memref<2x128x128xf32, #tpu.memory_space<vmem>> -> memref<1x128x128xf32, #tpu.memory_space<vmem>>
      %dma_start3A_91 = tpu.memref_squeeze %dma_start3A_90 : memref<1x128x128xf32, #tpu.memory_space<vmem>> -> memref<128x128xf32, #tpu.memory_space<vmem>>
      %dma_start3A_92 = arith.constant 0 : i32
      %dma_start3A_93 = tpu.memref_slice %arg7[%dma_start3A, %dma_start3A_92] : memref<16x128xi32, #tpu.memory_space<vmem>> -> memref<1x128xi32, #tpu.memory_space<vmem>>
      %dma_start3A_94 = tpu.memref_squeeze %dma_start3A_93 : memref<1x128xi32, #tpu.memory_space<vmem>> -> memref<128xi32, #tpu.memory_space<vmem>>
      %dma_start3A_95 = arith.constant 0 : i32
      %dma_start3A_96 = arith.constant 0 : i32
      %dma_start3A_97 = tpu.memref_slice %arg2[%dma_start3A_95, %dma_start3A_96] : memref<10240x128xf32, #tpu.memory_space<hbm>> -> memref<10240x128xf32, #tpu.memory_space<hbm>>
      tpu.enqueue_indirect_dma source(%dma_start3A_97 : memref<10240x128xf32, #tpu.memory_space<hbm>>) target(%dma_start3A_91 : memref<128x128xf32, #tpu.memory_space<vmem>>) offsets(%dma_start3A_94 : memref<128xi32, #tpu.memory_space<vmem>>) semaphore(%arg11 : memref<!tpu.dma_semaphore, #tpu.memory_space<semaphore_mem>>)
      %scan3A_98 = arith.constant 0 : i32
      %scan3A_99 = arith.constant 0 : i32
      %scan3A_100 = arith.constant 8 : i32
      %scan3A_101 = arith.addi %scan3A_99, %scan3A_100 : i32
      %scan3A_102 = arith.constant 1 : i32
      %scan3A_103 = scf.for %scan3A_106 = %scan3A_99 to %scan3A_101 step %scan3A_102 iter_args(%scan3A_107 = %scan3A_98) -> (i32)  : i32 {
        %mul3A_108 = arith.constant 2 : i32
        %mul3A_109 = arith.muli %mul3A_108, %scan3A_106 : i32
        %gt3A_110 = arith.constant 0 : i32
        %gt3A_111 = arith.cmpi sgt, %scan3A_106, %gt3A_110 : i32
        %convert_element_type3A_112 = arith.extui %gt3A_111 : i1 to i32
        %cond3A_113 = arith.constant 0 : i32
        %cond3A_114 = arith.cmpi ne, %convert_element_type3A_112, %cond3A_113 : i32
        scf.if %cond3A_114 {
          %dma_wait3A_183 = arith.constant 1 : i32
          %dma_wait3A_184 = arith.constant 0 : i32
          %dma_wait3A_185 = arith.constant 0 : i32
          %dma_wait3A_186 = arith.constant 0 : i32
          %dma_wait3A_187 = tpu.memref_slice %arg9[%dma_wait3A_183, %dma_wait3A_185, %dma_wait3A_186] : memref<2x128x128xf32, #tpu.memory_space<vmem>> -> memref<1x128x128xf32, #tpu.memory_space<vmem>>
          %dma_wait3A_188 = tpu.memref_squeeze %dma_wait3A_187 : memref<1x128x128xf32, #tpu.memory_space<vmem>> -> memref<128x128xf32, #tpu.memory_space<vmem>>
          %dma_wait3A_189 = arith.constant 0 : i32
          %dma_wait3A_190 = tpu.memref_slice %arg8[%dma_wait3A_184, %dma_wait3A_189] : memref<16x128xi32, #tpu.memory_space<vmem>> -> memref<1x128xi32, #tpu.memory_space<vmem>>
          %dma_wait3A_191 = tpu.memref_squeeze %dma_wait3A_190 : memref<1x128xi32, #tpu.memory_space<vmem>> -> memref<128xi32, #tpu.memory_space<vmem>>
          %dma_wait3A_192 = arith.constant 0 : i32
          %dma_wait3A_193 = arith.constant 0 : i32
          %dma_wait3A_194 = tpu.memref_slice %arg10[%dma_wait3A_192, %dma_wait3A_193] : memref<10240x128xf32, #tpu.memory_space<vmem_shared>> -> memref<10240x128xf32, #tpu.memory_space<vmem_shared>>
          tpu.wait_indirect_dma semaphore(%arg14 : memref<!tpu.dma_semaphore, #tpu.memory_space<semaphore_mem>>) src(%dma_wait3A_188 : memref<128x128xf32, #tpu.memory_space<vmem>>) dst(%dma_wait3A_194 : memref<10240x128xf32, #tpu.memory_space<vmem_shared>>)
        } else {
        }
        %add3A_115 = arith.constant 1 : i32
        %add3A_116 = arith.addi %mul3A_109, %add3A_115 : i32
        %dma_start3A_117 = arith.constant 1 : i32
        %dma_start3A_118 = arith.constant 0 : i32
        %dma_start3A_119 = arith.constant 0 : i32
        %dma_start3A_120 = tpu.memref_slice %arg9[%dma_start3A_117, %dma_start3A_118, %dma_start3A_119] : memref<2x128x128xf32, #tpu.memory_space<vmem>> -> memref<1x128x128xf32, #tpu.memory_space<vmem>>
        %dma_start3A_121 = tpu.memref_squeeze %dma_start3A_120 : memref<1x128x128xf32, #tpu.memory_space<vmem>> -> memref<128x128xf32, #tpu.memory_space<vmem>>
        %dma_start3A_122 = arith.constant 0 : i32
        %dma_start3A_123 = tpu.memref_slice %arg7[%add3A_116, %dma_start3A_122] : memref<16x128xi32, #tpu.memory_space<vmem>> -> memref<1x128xi32, #tpu.memory_space<vmem>>
        %dma_start3A_124 = tpu.memref_squeeze %dma_start3A_123 : memref<1x128xi32, #tpu.memory_space<vmem>> -> memref<128xi32, #tpu.memory_space<vmem>>
        %dma_start3A_125 = arith.constant 0 : i32
        %dma_start3A_126 = arith.constant 0 : i32
        %dma_start3A_127 = tpu.memref_slice %arg2[%dma_start3A_125, %dma_start3A_126] : memref<10240x128xf32, #tpu.memory_space<hbm>> -> memref<10240x128xf32, #tpu.memory_space<hbm>>
        tpu.enqueue_indirect_dma source(%dma_start3A_127 : memref<10240x128xf32, #tpu.memory_space<hbm>>) target(%dma_start3A_121 : memref<128x128xf32, #tpu.memory_space<vmem>>) offsets(%dma_start3A_124 : memref<128xi32, #tpu.memory_space<vmem>>) semaphore(%arg12 : memref<!tpu.dma_semaphore, #tpu.memory_space<semaphore_mem>>)
        %dma_wait3A_128 = arith.constant 0 : i32
        %dma_wait3A_129 = arith.constant 0 : i32
        %dma_wait3A_130 = arith.constant 0 : i32
        %dma_wait3A_131 = tpu.memref_slice %arg9[%dma_wait3A_128, %dma_wait3A_129, %dma_wait3A_130] : memref<2x128x128xf32, #tpu.memory_space<vmem>> -> memref<1x128x128xf32, #tpu.memory_space<vmem>>
        %dma_wait3A_132 = tpu.memref_squeeze %dma_wait3A_131 : memref<1x128x128xf32, #tpu.memory_space<vmem>> -> memref<128x128xf32, #tpu.memory_space<vmem>>
        %dma_wait3A_133 = arith.constant 0 : i32
        %dma_wait3A_134 = tpu.memref_slice %arg7[%mul3A_109, %dma_wait3A_133] : memref<16x128xi32, #tpu.memory_space<vmem>> -> memref<1x128xi32, #tpu.memory_space<vmem>>
        %dma_wait3A_135 = tpu.memref_squeeze %dma_wait3A_134 : memref<1x128xi32, #tpu.memory_space<vmem>> -> memref<128xi32, #tpu.memory_space<vmem>>
        %dma_wait3A_136 = arith.constant 0 : i32
        %dma_wait3A_137 = arith.constant 0 : i32
        %dma_wait3A_138 = tpu.memref_slice %arg2[%dma_wait3A_136, %dma_wait3A_137] : memref<10240x128xf32, #tpu.memory_space<hbm>> -> memref<10240x128xf32, #tpu.memory_space<hbm>>
        tpu.wait_indirect_dma semaphore(%arg11 : memref<!tpu.dma_semaphore, #tpu.memory_space<semaphore_mem>>) src(%dma_wait3A_138 : memref<10240x128xf32, #tpu.memory_space<hbm>>) dst(%dma_wait3A_132 : memref<128x128xf32, #tpu.memory_space<vmem>>)
        %dma_start3A_139 = arith.constant 0 : i32
        %dma_start3A_140 = arith.constant 0 : i32
        %dma_start3A_141 = arith.constant 0 : i32
        %dma_start3A_142 = tpu.memref_slice %arg9[%dma_start3A_139, %dma_start3A_140, %dma_start3A_141] : memref<2x128x128xf32, #tpu.memory_space<vmem>> -> memref<1x128x128xf32, #tpu.memory_space<vmem>>
        %dma_start3A_143 = tpu.memref_squeeze %dma_start3A_142 : memref<1x128x128xf32, #tpu.memory_space<vmem>> -> memref<128x128xf32, #tpu.memory_space<vmem>>
        %dma_start3A_144 = arith.constant 0 : i32
        %dma_start3A_145 = tpu.memref_slice %arg8[%mul3A_109, %dma_start3A_144] : memref<16x128xi32, #tpu.memory_space<vmem>> -> memref<1x128xi32, #tpu.memory_space<vmem>>
        %dma_start3A_146 = tpu.memref_squeeze %dma_start3A_145 : memref<1x128xi32, #tpu.memory_space<vmem>> -> memref<128xi32, #tpu.memory_space<vmem>>
        %dma_start3A_147 = arith.constant 0 : i32
        %dma_start3A_148 = arith.constant 0 : i32
        %dma_start3A_149 = tpu.memref_slice %arg10[%dma_start3A_147, %dma_start3A_148] : memref<10240x128xf32, #tpu.memory_space<vmem_shared>> -> memref<10240x128xf32, #tpu.memory_space<vmem_shared>>
        tpu.enqueue_indirect_dma source(%dma_start3A_143 : memref<128x128xf32, #tpu.memory_space<vmem>>) target(%dma_start3A_149 : memref<10240x128xf32, #tpu.memory_space<vmem_shared>>) offsets(%dma_start3A_146 : memref<128xi32, #tpu.memory_space<vmem>>) semaphore(%arg13 : memref<!tpu.dma_semaphore, #tpu.memory_space<semaphore_mem>>) {add = true}
        %add3A_150 = arith.constant 2 : i32
        %add3A_151 = arith.addi %mul3A_109, %add3A_150 : i32
        %lt3A = arith.constant 16 : i32
        %lt3A_152 = arith.cmpi slt, %add3A_151, %lt3A : i32
        %convert_element_type3A_153 = arith.extui %lt3A_152 : i1 to i32
        %cond3A_154 = arith.constant 0 : i32
        %cond3A_155 = arith.cmpi ne, %convert_element_type3A_153, %cond3A_154 : i32
        scf.if %cond3A_155 {
          %dma_wait3A_183 = arith.constant 0 : i32
          %dma_wait3A_184 = arith.constant 0 : i32
          %dma_wait3A_185 = arith.constant 0 : i32
          %dma_wait3A_186 = arith.constant 0 : i32
          %dma_wait3A_187 = tpu.memref_slice %arg9[%dma_wait3A_183, %dma_wait3A_185, %dma_wait3A_186] : memref<2x128x128xf32, #tpu.memory_space<vmem>> -> memref<1x128x128xf32, #tpu.memory_space<vmem>>
          %dma_wait3A_188 = tpu.memref_squeeze %dma_wait3A_187 : memref<1x128x128xf32, #tpu.memory_space<vmem>> -> memref<128x128xf32, #tpu.memory_space<vmem>>
          %dma_wait3A_189 = arith.constant 0 : i32
          %dma_wait3A_190 = tpu.memref_slice %arg8[%dma_wait3A_184, %dma_wait3A_189] : memref<16x128xi32, #tpu.memory_space<vmem>> -> memref<1x128xi32, #tpu.memory_space<vmem>>
          %dma_wait3A_191 = tpu.memref_squeeze %dma_wait3A_190 : memref<1x128xi32, #tpu.memory_space<vmem>> -> memref<128xi32, #tpu.memory_space<vmem>>
          %dma_wait3A_192 = arith.constant 0 : i32
          %dma_wait3A_193 = arith.constant 0 : i32
          %dma_wait3A_194 = tpu.memref_slice %arg10[%dma_wait3A_192, %dma_wait3A_193] : memref<10240x128xf32, #tpu.memory_space<vmem_shared>> -> memref<10240x128xf32, #tpu.memory_space<vmem_shared>>
          tpu.wait_indirect_dma semaphore(%arg13 : memref<!tpu.dma_semaphore, #tpu.memory_space<semaphore_mem>>) src(%dma_wait3A_188 : memref<128x128xf32, #tpu.memory_space<vmem>>) dst(%dma_wait3A_194 : memref<10240x128xf32, #tpu.memory_space<vmem_shared>>)
          %add3A_195 = arith.constant 2 : i32
          %add3A_196 = arith.addi %mul3A_109, %add3A_195 : i32
          %dma_start3A_197 = arith.constant 0 : i32
          %dma_start3A_198 = arith.constant 0 : i32
          %dma_start3A_199 = arith.constant 0 : i32
          %dma_start3A_200 = tpu.memref_slice %arg9[%dma_start3A_197, %dma_start3A_198, %dma_start3A_199] : memref<2x128x128xf32, #tpu.memory_space<vmem>> -> memref<1x128x128xf32, #tpu.memory_space<vmem>>
          %dma_start3A_201 = tpu.memref_squeeze %dma_start3A_200 : memref<1x128x128xf32, #tpu.memory_space<vmem>> -> memref<128x128xf32, #tpu.memory_space<vmem>>
          %dma_start3A_202 = arith.constant 0 : i32
          %dma_start3A_203 = tpu.memref_slice %arg7[%add3A_196, %dma_start3A_202] : memref<16x128xi32, #tpu.memory_space<vmem>> -> memref<1x128xi32, #tpu.memory_space<vmem>>
          %dma_start3A_204 = tpu.memref_squeeze %dma_start3A_203 : memref<1x128xi32, #tpu.memory_space<vmem>> -> memref<128xi32, #tpu.memory_space<vmem>>
          %dma_start3A_205 = arith.constant 0 : i32
          %dma_start3A_206 = arith.constant 0 : i32
          %dma_start3A_207 = tpu.memref_slice %arg2[%dma_start3A_205, %dma_start3A_206] : memref<10240x128xf32, #tpu.memory_space<hbm>> -> memref<10240x128xf32, #tpu.memory_space<hbm>>
          tpu.enqueue_indirect_dma source(%dma_start3A_207 : memref<10240x128xf32, #tpu.memory_space<hbm>>) target(%dma_start3A_201 : memref<128x128xf32, #tpu.memory_space<vmem>>) offsets(%dma_start3A_204 : memref<128xi32, #tpu.memory_space<vmem>>) semaphore(%arg11 : memref<!tpu.dma_semaphore, #tpu.memory_space<semaphore_mem>>)
        } else {
        }
        %add3A_156 = arith.constant 1 : i32
        %add3A_157 = arith.addi %mul3A_109, %add3A_156 : i32
        %dma_wait3A_158 = arith.constant 1 : i32
        %dma_wait3A_159 = arith.constant 0 : i32
        %dma_wait3A_160 = arith.constant 0 : i32
        %dma_wait3A_161 = tpu.memref_slice %arg9[%dma_wait3A_158, %dma_wait3A_159, %dma_wait3A_160] : memref<2x128x128xf32, #tpu.memory_space<vmem>> -> memref<1x128x128xf32, #tpu.memory_space<vmem>>
        %dma_wait3A_162 = tpu.memref_squeeze %dma_wait3A_161 : memref<1x128x128xf32, #tpu.memory_space<vmem>> -> memref<128x128xf32, #tpu.memory_space<vmem>>
        %dma_wait3A_163 = arith.constant 0 : i32
        %dma_wait3A_164 = tpu.memref_slice %arg7[%add3A_157, %dma_wait3A_163] : memref<16x128xi32, #tpu.memory_space<vmem>> -> memref<1x128xi32, #tpu.memory_space<vmem>>
        %dma_wait3A_165 = tpu.memref_squeeze %dma_wait3A_164 : memref<1x128xi32, #tpu.memory_space<vmem>> -> memref<128xi32, #tpu.memory_space<vmem>>
        %dma_wait3A_166 = arith.constant 0 : i32
        %dma_wait3A_167 = arith.constant 0 : i32
        %dma_wait3A_168 = tpu.memref_slice %arg2[%dma_wait3A_166, %dma_wait3A_167] : memref<10240x128xf32, #tpu.memory_space<hbm>> -> memref<10240x128xf32, #tpu.memory_space<hbm>>
        tpu.wait_indirect_dma semaphore(%arg12 : memref<!tpu.dma_semaphore, #tpu.memory_space<semaphore_mem>>) src(%dma_wait3A_168 : memref<10240x128xf32, #tpu.memory_space<hbm>>) dst(%dma_wait3A_162 : memref<128x128xf32, #tpu.memory_space<vmem>>)
        %add3A_169 = arith.constant 1 : i32
        %add3A_170 = arith.addi %mul3A_109, %add3A_169 : i32
        %dma_start3A_171 = arith.constant 1 : i32
        %dma_start3A_172 = arith.constant 0 : i32
        %dma_start3A_173 = arith.constant 0 : i32
        %dma_start3A_174 = tpu.memref_slice %arg9[%dma_start3A_171, %dma_start3A_172, %dma_start3A_173] : memref<2x128x128xf32, #tpu.memory_space<vmem>> -> memref<1x128x128xf32, #tpu.memory_space<vmem>>
        %dma_start3A_175 = tpu.memref_squeeze %dma_start3A_174 : memref<1x128x128xf32, #tpu.memory_space<vmem>> -> memref<128x128xf32, #tpu.memory_space<vmem>>
        %dma_start3A_176 = arith.constant 0 : i32
        %dma_start3A_177 = tpu.memref_slice %arg8[%add3A_170, %dma_start3A_176] : memref<16x128xi32, #tpu.memory_space<vmem>> -> memref<1x128xi32, #tpu.memory_space<vmem>>
        %dma_start3A_178 = tpu.memref_squeeze %dma_start3A_177 : memref<1x128xi32, #tpu.memory_space<vmem>> -> memref<128xi32, #tpu.memory_space<vmem>>
        %dma_start3A_179 = arith.constant 0 : i32
        %dma_start3A_180 = arith.constant 0 : i32
        %dma_start3A_181 = tpu.memref_slice %arg10[%dma_start3A_179, %dma_start3A_180] : memref<10240x128xf32, #tpu.memory_space<vmem_shared>> -> memref<10240x128xf32, #tpu.memory_space<vmem_shared>>
        tpu.enqueue_indirect_dma source(%dma_start3A_175 : memref<128x128xf32, #tpu.memory_space<vmem>>) target(%dma_start3A_181 : memref<10240x128xf32, #tpu.memory_space<vmem_shared>>) offsets(%dma_start3A_178 : memref<128xi32, #tpu.memory_space<vmem>>) semaphore(%arg14 : memref<!tpu.dma_semaphore, #tpu.memory_space<semaphore_mem>>) {add = true}
        %scan3A_182 = arith.constant 0 : i32
        scf.yield %scan3A_182 : i32
      }
      %scan3A_104 = arith.constant 8 : i32
      %scan3A_105 = arith.constant 0 : i32
      scf.yield %scan3A_105 : i32
    }
    %scan3A_25 = arith.constant 5 : i32
    %dma_wait3A = arith.constant 0 : i32
    %dma_wait3A_26 = arith.constant 0 : i32
    %dma_wait3A_27 = arith.constant 0 : i32
    %dma_wait3A_28 = arith.constant 0 : i32
    %dma_wait3A_29 = tpu.memref_slice %arg9[%dma_wait3A, %dma_wait3A_27, %dma_wait3A_28] : memref<2x128x128xf32, #tpu.memory_space<vmem>> -> memref<1x128x128xf32, #tpu.memory_space<vmem>>
    %dma_wait3A_30 = tpu.memref_squeeze %dma_wait3A_29 : memref<1x128x128xf32, #tpu.memory_space<vmem>> -> memref<128x128xf32, #tpu.memory_space<vmem>>
    %dma_wait3A_31 = arith.constant 0 : i32
    %dma_wait3A_32 = tpu.memref_slice %arg8[%dma_wait3A_26, %dma_wait3A_31] : memref<16x128xi32, #tpu.memory_space<vmem>> -> memref<1x128xi32, #tpu.memory_space<vmem>>
    %dma_wait3A_33 = tpu.memref_squeeze %dma_wait3A_32 : memref<1x128xi32, #tpu.memory_space<vmem>> -> memref<128xi32, #tpu.memory_space<vmem>>
    %dma_wait3A_34 = arith.constant 0 : i32
    %dma_wait3A_35 = arith.constant 0 : i32
    %dma_wait3A_36 = tpu.memref_slice %arg10[%dma_wait3A_34, %dma_wait3A_35] : memref<10240x128xf32, #tpu.memory_space<vmem_shared>> -> memref<10240x128xf32, #tpu.memory_space<vmem_shared>>
    tpu.wait_indirect_dma semaphore(%arg13 : memref<!tpu.dma_semaphore, #tpu.memory_space<semaphore_mem>>) src(%dma_wait3A_30 : memref<128x128xf32, #tpu.memory_space<vmem>>) dst(%dma_wait3A_36 : memref<10240x128xf32, #tpu.memory_space<vmem_shared>>)
    %dma_wait3A_37 = arith.constant 1 : i32
    %dma_wait3A_38 = arith.constant 0 : i32
    %dma_wait3A_39 = arith.constant 0 : i32
    %dma_wait3A_40 = arith.constant 0 : i32
    %dma_wait3A_41 = tpu.memref_slice %arg9[%dma_wait3A_37, %dma_wait3A_39, %dma_wait3A_40] : memref<2x128x128xf32, #tpu.memory_space<vmem>> -> memref<1x128x128xf32, #tpu.memory_space<vmem>>
    %dma_wait3A_42 = tpu.memref_squeeze %dma_wait3A_41 : memref<1x128x128xf32, #tpu.memory_space<vmem>> -> memref<128x128xf32, #tpu.memory_space<vmem>>
    %dma_wait3A_43 = arith.constant 0 : i32
    %dma_wait3A_44 = tpu.memref_slice %arg8[%dma_wait3A_38, %dma_wait3A_43] : memref<16x128xi32, #tpu.memory_space<vmem>> -> memref<1x128xi32, #tpu.memory_space<vmem>>
    %dma_wait3A_45 = tpu.memref_squeeze %dma_wait3A_44 : memref<1x128xi32, #tpu.memory_space<vmem>> -> memref<128xi32, #tpu.memory_space<vmem>>
    %dma_wait3A_46 = arith.constant 0 : i32
    %dma_wait3A_47 = arith.constant 0 : i32
    %dma_wait3A_48 = tpu.memref_slice %arg10[%dma_wait3A_46, %dma_wait3A_47] : memref<10240x128xf32, #tpu.memory_space<vmem_shared>> -> memref<10240x128xf32, #tpu.memory_space<vmem_shared>>
    tpu.wait_indirect_dma semaphore(%arg14 : memref<!tpu.dma_semaphore, #tpu.memory_space<semaphore_mem>>) src(%dma_wait3A_42 : memref<128x128xf32, #tpu.memory_space<vmem>>) dst(%dma_wait3A_48 : memref<10240x128xf32, #tpu.memory_space<vmem_shared>>)
    %barrier3A_49 = arith.constant 0 : index
    tpu.barrier barrier_id(%barrier3A_49)
    %add3A_50 = arith.constant 0 : i32
    %add3A_51 = arith.addi %mul3A_4, %add3A_50 : i32
    %run_scoped3A_52 = arith.constant 0 : i32
    "tpu.region"() ({
      %run_scoped3A_80 = tpu.sem_alloc : memref<!tpu.dma_semaphore, #tpu.memory_space<semaphore_mem>>
      %dma_start3A = arith.constant 0 : i32
      %dma_start3A_81 = arith.constant 0 : i32
      %dma_start3A_82 = tpu.memref_slice %arg9[%run_scoped3A_52, %dma_start3A, %dma_start3A_81] : memref<2x128x128xf32, #tpu.memory_space<vmem>> -> memref<1x128x128xf32, #tpu.memory_space<vmem>>
      %dma_start3A_83 = tpu.memref_squeeze %dma_start3A_82 : memref<1x128x128xf32, #tpu.memory_space<vmem>> -> memref<128x128xf32, #tpu.memory_space<vmem>>
      %dma_start3A_84 = arith.constant 0 : i32
      %dma_start3A_85 = tpu.memref_slice %arg10[%add3A_51, %dma_start3A_84] : memref<10240x128xf32, #tpu.memory_space<vmem_shared>> -> memref<128x128xf32, #tpu.memory_space<vmem_shared>>
      %dma_start3A_86 = arith.constant 0 : i32
      %dma_start3A_87 = arith.constant 0 : i32
      %dma_start3A_88 = tpu.memref_slice %arg9[%run_scoped3A_52, %dma_start3A_86, %dma_start3A_87] : memref<2x128x128xf32, #tpu.memory_space<vmem>> -> memref<1x128x128xf32, #tpu.memory_space<vmem>>
      %dma_start3A_89 = tpu.memref_squeeze %dma_start3A_88 : memref<1x128x128xf32, #tpu.memory_space<vmem>> -> memref<128x128xf32, #tpu.memory_space<vmem>>
      %dma_start3A_90 = arith.constant 0 : i32
      %dma_start3A_91 = tpu.memref_slice %arg10[%add3A_51, %dma_start3A_90] : memref<10240x128xf32, #tpu.memory_space<vmem_shared>> -> memref<128x128xf32, #tpu.memory_space<vmem_shared>>
      tpu.enqueue_dma source(%dma_start3A_91 : memref<128x128xf32, #tpu.memory_space<vmem_shared>>) target(%dma_start3A_89 : memref<128x128xf32, #tpu.memory_space<vmem>>) target_semaphore(%run_scoped3A_80 : memref<!tpu.dma_semaphore, #tpu.memory_space<semaphore_mem>>)
      %dma_wait3A_92 = arith.constant 0 : i32
      %dma_wait3A_93 = arith.constant 0 : i32
      %dma_wait3A_94 = tpu.memref_slice %arg9[%run_scoped3A_52, %dma_wait3A_92, %dma_wait3A_93] : memref<2x128x128xf32, #tpu.memory_space<vmem>> -> memref<1x128x128xf32, #tpu.memory_space<vmem>>
      %dma_wait3A_95 = tpu.memref_squeeze %dma_wait3A_94 : memref<1x128x128xf32, #tpu.memory_space<vmem>> -> memref<128x128xf32, #tpu.memory_space<vmem>>
      %dma_wait3A_96 = arith.constant 0 : i32
      %dma_wait3A_97 = tpu.memref_slice %arg10[%add3A_51, %dma_wait3A_96] : memref<10240x128xf32, #tpu.memory_space<vmem_shared>> -> memref<128x128xf32, #tpu.memory_space<vmem_shared>>
      %dma_wait3A_98 = arith.constant 0 : i32
      %dma_wait3A_99 = arith.constant 0 : i32
      %dma_wait3A_100 = tpu.memref_slice %arg9[%run_scoped3A_52, %dma_wait3A_98, %dma_wait3A_99] : memref<2x128x128xf32, #tpu.memory_space<vmem>> -> memref<1x128x128xf32, #tpu.memory_space<vmem>>
      %dma_wait3A_101 = tpu.memref_squeeze %dma_wait3A_100 : memref<1x128x128xf32, #tpu.memory_space<vmem>> -> memref<128x128xf32, #tpu.memory_space<vmem>>
      %dma_wait3A_102 = arith.constant 0 : i32
      %dma_wait3A_103 = tpu.memref_slice %arg10[%add3A_51, %dma_wait3A_102] : memref<10240x128xf32, #tpu.memory_space<vmem_shared>> -> memref<128x128xf32, #tpu.memory_space<vmem_shared>>
      tpu.wait_dma2 semaphore(%run_scoped3A_80 : memref<!tpu.dma_semaphore, #tpu.memory_space<semaphore_mem>>) src(%dma_wait3A_103 : memref<128x128xf32, #tpu.memory_space<vmem_shared>>) dst(%dma_wait3A_101 : memref<128x128xf32, #tpu.memory_space<vmem>>)
      tpu.yield
    }) : () -> ()
    %add3A_53 = arith.constant 0 : i32
    %add3A_54 = arith.addi %mul3A_4, %add3A_53 : i32
    %run_scoped3A_55 = arith.constant 0 : i32
    "tpu.region"() ({
      %run_scoped3A_80 = tpu.sem_alloc : memref<!tpu.dma_semaphore, #tpu.memory_space<semaphore_mem>>
      %dma_start3A = arith.constant 0 : i32
      %dma_start3A_81 = arith.constant 0 : i32
      %dma_start3A_82 = tpu.memref_slice %arg9[%run_scoped3A_55, %dma_start3A, %dma_start3A_81] : memref<2x128x128xf32, #tpu.memory_space<vmem>> -> memref<1x128x128xf32, #tpu.memory_space<vmem>>
      %dma_start3A_83 = tpu.memref_squeeze %dma_start3A_82 : memref<1x128x128xf32, #tpu.memory_space<vmem>> -> memref<128x128xf32, #tpu.memory_space<vmem>>
      %dma_start3A_84 = arith.constant 0 : i32
      %dma_start3A_85 = tpu.memref_slice %arg6[%arg0, %add3A_54, %dma_start3A_84] : memref<2x10240x128xf32, #tpu.memory_space<hbm>> -> memref<1x128x128xf32, #tpu.memory_space<hbm>>
      %dma_start3A_86 = tpu.memref_squeeze %dma_start3A_85 : memref<1x128x128xf32, #tpu.memory_space<hbm>> -> memref<128x128xf32, #tpu.memory_space<hbm>>
      %dma_start3A_87 = arith.constant 0 : i32
      %dma_start3A_88 = tpu.memref_slice %arg6[%arg0, %add3A_54, %dma_start3A_87] : memref<2x10240x128xf32, #tpu.memory_space<hbm>> -> memref<1x128x128xf32, #tpu.memory_space<hbm>>
      %dma_start3A_89 = tpu.memref_squeeze %dma_start3A_88 : memref<1x128x128xf32, #tpu.memory_space<hbm>> -> memref<128x128xf32, #tpu.memory_space<hbm>>
      %dma_start3A_90 = arith.constant 0 : i32
      %dma_start3A_91 = arith.constant 0 : i32
      %dma_start3A_92 = tpu.memref_slice %arg9[%run_scoped3A_55, %dma_start3A_90, %dma_start3A_91] : memref<2x128x128xf32, #tpu.memory_space<vmem>> -> memref<1x128x128xf32, #tpu.memory_space<vmem>>
      %dma_start3A_93 = tpu.memref_squeeze %dma_start3A_92 : memref<1x128x128xf32, #tpu.memory_space<vmem>> -> memref<128x128xf32, #tpu.memory_space<vmem>>
      tpu.enqueue_dma source(%dma_start3A_93 : memref<128x128xf32, #tpu.memory_space<vmem>>) target(%dma_start3A_89 : memref<128x128xf32, #tpu.memory_space<hbm>>) target_semaphore(%run_scoped3A_80 : memref<!tpu.dma_semaphore, #tpu.memory_space<semaphore_mem>>)
      %dma_wait3A_94 = arith.constant 0 : i32
      %dma_wait3A_95 = arith.constant 0 : i32
      %dma_wait3A_96 = tpu.memref_slice %arg9[%run_scoped3A_55, %dma_wait3A_94, %dma_wait3A_95] : memref<2x128x128xf32, #tpu.memory_space<vmem>> -> memref<1x128x128xf32, #tpu.memory_space<vmem>>
      %dma_wait3A_97 = tpu.memref_squeeze %dma_wait3A_96 : memref<1x128x128xf32, #tpu.memory_space<vmem>> -> memref<128x128xf32, #tpu.memory_space<vmem>>
      %dma_wait3A_98 = arith.constant 0 : i32
      %dma_wait3A_99 = tpu.memref_slice %arg6[%arg0, %add3A_54, %dma_wait3A_98] : memref<2x10240x128xf32, #tpu.memory_space<hbm>> -> memref<1x128x128xf32, #tpu.memory_space<hbm>>
      %dma_wait3A_100 = tpu.memref_squeeze %dma_wait3A_99 : memref<1x128x128xf32, #tpu.memory_space<hbm>> -> memref<128x128xf32, #tpu.memory_space<hbm>>
      %dma_wait3A_101 = arith.constant 0 : i32
      %dma_wait3A_102 = tpu.memref_slice %arg6[%arg0, %add3A_54, %dma_wait3A_101] : memref<2x10240x128xf32, #tpu.memory_space<hbm>> -> memref<1x128x128xf32, #tpu.memory_space<hbm>>
      %dma_wait3A_103 = tpu.memref_squeeze %dma_wait3A_102 : memref<1x128x128xf32, #tpu.memory_space<hbm>> -> memref<128x128xf32, #tpu.memory_space<hbm>>
      %dma_wait3A_104 = arith.constant 0 : i32
      %dma_wait3A_105 = arith.constant 0 : i32
      %dma_wait3A_106 = tpu.memref_slice %arg9[%run_scoped3A_55, %dma_wait3A_104, %dma_wait3A_105] : memref<2x128x128xf32, #tpu.memory_space<vmem>> -> memref<1x128x128xf32, #tpu.memory_space<vmem>>
      %dma_wait3A_107 = tpu.memref_squeeze %dma_wait3A_106 : memref<1x128x128xf32, #tpu.memory_space<vmem>> -> memref<128x128xf32, #tpu.memory_space<vmem>>
      tpu.wait_dma2 semaphore(%run_scoped3A_80 : memref<!tpu.dma_semaphore, #tpu.memory_space<semaphore_mem>>) src(%dma_wait3A_107 : memref<128x128xf32, #tpu.memory_space<vmem>>) dst(%dma_wait3A_103 : memref<128x128xf32, #tpu.memory_space<hbm>>)
      tpu.yield
    }) : () -> ()
    %add3A_56 = arith.constant 128 : i32
    %add3A_57 = arith.addi %mul3A_4, %add3A_56 : i32
    %run_scoped3A_58 = arith.constant 0 : i32
    "tpu.region"() ({
      %run_scoped3A_80 = tpu.sem_alloc : memref<!tpu.dma_semaphore, #tpu.memory_space<semaphore_mem>>
      %dma_start3A = arith.constant 0 : i32
      %dma_start3A_81 = arith.constant 0 : i32
      %dma_start3A_82 = tpu.memref_slice %arg9[%run_scoped3A_58, %dma_start3A, %dma_start3A_81] : memref<2x128x128xf32, #tpu.memory_space<vmem>> -> memref<1x128x128xf32, #tpu.memory_space<vmem>>
      %dma_start3A_83 = tpu.memref_squeeze %dma_start3A_82 : memref<1x128x128xf32, #tpu.memory_space<vmem>> -> memref<128x128xf32, #tpu.memory_space<vmem>>
      %dma_start3A_84 = arith.constant 0 : i32
      %dma_start3A_85 = tpu.memref_slice %arg10[%add3A_57, %dma_start3A_84] : memref<10240x128xf32, #tpu.memory_space<vmem_shared>> -> memref<128x128xf32, #tpu.memory_space<vmem_shared>>
      %dma_start3A_86 = arith.constant 0 : i32
      %dma_start3A_87 = arith.constant 0 : i32
      %dma_start3A_88 = tpu.memref_slice %arg9[%run_scoped3A_58, %dma_start3A_86, %dma_start3A_87] : memref<2x128x128xf32, #tpu.memory_space<vmem>> -> memref<1x128x128xf32, #tpu.memory_space<vmem>>
      %dma_start3A_89 = tpu.memref_squeeze %dma_start3A_88 : memref<1x128x128xf32, #tpu.memory_space<vmem>> -> memref<128x128xf32, #tpu.memory_space<vmem>>
      %dma_start3A_90 = arith.constant 0 : i32
      %dma_start3A_91 = tpu.memref_slice %arg10[%add3A_57, %dma_start3A_90] : memref<10240x128xf32, #tpu.memory_space<vmem_shared>> -> memref<128x128xf32, #tpu.memory_space<vmem_shared>>
      tpu.enqueue_dma source(%dma_start3A_91 : memref<128x128xf32, #tpu.memory_space<vmem_shared>>) target(%dma_start3A_89 : memref<128x128xf32, #tpu.memory_space<vmem>>) target_semaphore(%run_scoped3A_80 : memref<!tpu.dma_semaphore, #tpu.memory_space<semaphore_mem>>)
      %dma_wait3A_92 = arith.constant 0 : i32
      %dma_wait3A_93 = arith.constant 0 : i32
      %dma_wait3A_94 = tpu.memref_slice %arg9[%run_scoped3A_58, %dma_wait3A_92, %dma_wait3A_93] : memref<2x128x128xf32, #tpu.memory_space<vmem>> -> memref<1x128x128xf32, #tpu.memory_space<vmem>>
      %dma_wait3A_95 = tpu.memref_squeeze %dma_wait3A_94 : memref<1x128x128xf32, #tpu.memory_space<vmem>> -> memref<128x128xf32, #tpu.memory_space<vmem>>
      %dma_wait3A_96 = arith.constant 0 : i32
      %dma_wait3A_97 = tpu.memref_slice %arg10[%add3A_57, %dma_wait3A_96] : memref<10240x128xf32, #tpu.memory_space<vmem_shared>> -> memref<128x128xf32, #tpu.memory_space<vmem_shared>>
      %dma_wait3A_98 = arith.constant 0 : i32
      %dma_wait3A_99 = arith.constant 0 : i32
      %dma_wait3A_100 = tpu.memref_slice %arg9[%run_scoped3A_58, %dma_wait3A_98, %dma_wait3A_99] : memref<2x128x128xf32, #tpu.memory_space<vmem>> -> memref<1x128x128xf32, #tpu.memory_space<vmem>>
      %dma_wait3A_101 = tpu.memref_squeeze %dma_wait3A_100 : memref<1x128x128xf32, #tpu.memory_space<vmem>> -> memref<128x128xf32, #tpu.memory_space<vmem>>
      %dma_wait3A_102 = arith.constant 0 : i32
      %dma_wait3A_103 = tpu.memref_slice %arg10[%add3A_57, %dma_wait3A_102] : memref<10240x128xf32, #tpu.memory_space<vmem_shared>> -> memref<128x128xf32, #tpu.memory_space<vmem_shared>>
      tpu.wait_dma2 semaphore(%run_scoped3A_80 : memref<!tpu.dma_semaphore, #tpu.memory_space<semaphore_mem>>) src(%dma_wait3A_103 : memref<128x128xf32, #tpu.memory_space<vmem_shared>>) dst(%dma_wait3A_101 : memref<128x128xf32, #tpu.memory_space<vmem>>)
      tpu.yield
    }) : () -> ()
    %add3A_59 = arith.constant 128 : i32
    %add3A_60 = arith.addi %mul3A_4, %add3A_59 : i32
    %run_scoped3A_61 = arith.constant 0 : i32
    "tpu.region"() ({
      %run_scoped3A_80 = tpu.sem_alloc : memref<!tpu.dma_semaphore, #tpu.memory_space<semaphore_mem>>
      %dma_start3A = arith.constant 0 : i32
      %dma_start3A_81 = arith.constant 0 : i32
      %dma_start3A_82 = tpu.memref_slice %arg9[%run_scoped3A_61, %dma_start3A, %dma_start3A_81] : memref<2x128x128xf32, #tpu.memory_space<vmem>> -> memref<1x128x128xf32, #tpu.memory_space<vmem>>
      %dma_start3A_83 = tpu.memref_squeeze %dma_start3A_82 : memref<1x128x128xf32, #tpu.memory_space<vmem>> -> memref<128x128xf32, #tpu.memory_space<vmem>>
      %dma_start3A_84 = arith.constant 0 : i32
      %dma_start3A_85 = tpu.memref_slice %arg6[%arg0, %add3A_60, %dma_start3A_84] : memref<2x10240x128xf32, #tpu.memory_space<hbm>> -> memref<1x128x128xf32, #tpu.memory_space<hbm>>
      %dma_start3A_86 = tpu.memref_squeeze %dma_start3A_85 : memref<1x128x128xf32, #tpu.memory_space<hbm>> -> memref<128x128xf32, #tpu.memory_space<hbm>>
      %dma_start3A_87 = arith.constant 0 : i32
      %dma_start3A_88 = tpu.memref_slice %arg6[%arg0, %add3A_60, %dma_start3A_87] : memref<2x10240x128xf32, #tpu.memory_space<hbm>> -> memref<1x128x128xf32, #tpu.memory_space<hbm>>
      %dma_start3A_89 = tpu.memref_squeeze %dma_start3A_88 : memref<1x128x128xf32, #tpu.memory_space<hbm>> -> memref<128x128xf32, #tpu.memory_space<hbm>>
      %dma_start3A_90 = arith.constant 0 : i32
      %dma_start3A_91 = arith.constant 0 : i32
      %dma_start3A_92 = tpu.memref_slice %arg9[%run_scoped3A_61, %dma_start3A_90, %dma_start3A_91] : memref<2x128x128xf32, #tpu.memory_space<vmem>> -> memref<1x128x128xf32, #tpu.memory_space<vmem>>
      %dma_start3A_93 = tpu.memref_squeeze %dma_start3A_92 : memref<1x128x128xf32, #tpu.memory_space<vmem>> -> memref<128x128xf32, #tpu.memory_space<vmem>>
      tpu.enqueue_dma source(%dma_start3A_93 : memref<128x128xf32, #tpu.memory_space<vmem>>) target(%dma_start3A_89 : memref<128x128xf32, #tpu.memory_space<hbm>>) target_semaphore(%run_scoped3A_80 : memref<!tpu.dma_semaphore, #tpu.memory_space<semaphore_mem>>)
      %dma_wait3A_94 = arith.constant 0 : i32
      %dma_wait3A_95 = arith.constant 0 : i32
      %dma_wait3A_96 = tpu.memref_slice %arg9[%run_scoped3A_61, %dma_wait3A_94, %dma_wait3A_95] : memref<2x128x128xf32, #tpu.memory_space<vmem>> -> memref<1x128x128xf32, #tpu.memory_space<vmem>>
      %dma_wait3A_97 = tpu.memref_squeeze %dma_wait3A_96 : memref<1x128x128xf32, #tpu.memory_space<vmem>> -> memref<128x128xf32, #tpu.memory_space<vmem>>
      %dma_wait3A_98 = arith.constant 0 : i32
      %dma_wait3A_99 = tpu.memref_slice %arg6[%arg0, %add3A_60, %dma_wait3A_98] : memref<2x10240x128xf32, #tpu.memory_space<hbm>> -> memref<1x128x128xf32, #tpu.memory_space<hbm>>
      %dma_wait3A_100 = tpu.memref_squeeze %dma_wait3A_99 : memref<1x128x128xf32, #tpu.memory_space<hbm>> -> memref<128x128xf32, #tpu.memory_space<hbm>>
      %dma_wait3A_101 = arith.constant 0 : i32
      %dma_wait3A_102 = tpu.memref_slice %arg6[%arg0, %add3A_60, %dma_wait3A_101] : memref<2x10240x128xf32, #tpu.memory_space<hbm>> -> memref<1x128x128xf32, #tpu.memory_space<hbm>>
      %dma_wait3A_103 = tpu.memref_squeeze %dma_wait3A_102 : memref<1x128x128xf32, #tpu.memory_space<hbm>> -> memref<128x128xf32, #tpu.memory_space<hbm>>
      %dma_wait3A_104 = arith.constant 0 : i32
      %dma_wait3A_105 = arith.constant 0 : i32
      %dma_wait3A_106 = tpu.memref_slice %arg9[%run_scoped3A_61, %dma_wait3A_104, %dma_wait3A_105] : memref<2x128x128xf32, #tpu.memory_space<vmem>> -> memref<1x128x128xf32, #tpu.memory_space<vmem>>
      %dma_wait3A_107 = tpu.memref_squeeze %dma_wait3A_106 : memref<1x128x128xf32, #tpu.memory_space<vmem>> -> memref<128x128xf32, #tpu.memory_space<vmem>>
      tpu.wait_dma2 semaphore(%run_scoped3A_80 : memref<!tpu.dma_semaphore, #tpu.memory_space<semaphore_mem>>) src(%dma_wait3A_107 : memref<128x128xf32, #tpu.memory_space<vmem>>) dst(%dma_wait3A_103 : memref<128x128xf32, #tpu.memory_space<hbm>>)
      tpu.yield
    }) : () -> ()
    %add3A_62 = arith.constant 256 : i32
    %add3A_63 = arith.addi %mul3A_4, %add3A_62 : i32
    %run_scoped3A_64 = arith.constant 0 : i32
    "tpu.region"() ({
      %run_scoped3A_80 = tpu.sem_alloc : memref<!tpu.dma_semaphore, #tpu.memory_space<semaphore_mem>>
      %dma_start3A = arith.constant 0 : i32
      %dma_start3A_81 = arith.constant 0 : i32
      %dma_start3A_82 = tpu.memref_slice %arg9[%run_scoped3A_64, %dma_start3A, %dma_start3A_81] : memref<2x128x128xf32, #tpu.memory_space<vmem>> -> memref<1x128x128xf32, #tpu.memory_space<vmem>>
      %dma_start3A_83 = tpu.memref_squeeze %dma_start3A_82 : memref<1x128x128xf32, #tpu.memory_space<vmem>> -> memref<128x128xf32, #tpu.memory_space<vmem>>
      %dma_start3A_84 = arith.constant 0 : i32
      %dma_start3A_85 = tpu.memref_slice %arg10[%add3A_63, %dma_start3A_84] : memref<10240x128xf32, #tpu.memory_space<vmem_shared>> -> memref<128x128xf32, #tpu.memory_space<vmem_shared>>
      %dma_start3A_86 = arith.constant 0 : i32
      %dma_start3A_87 = arith.constant 0 : i32
      %dma_start3A_88 = tpu.memref_slice %arg9[%run_scoped3A_64, %dma_start3A_86, %dma_start3A_87] : memref<2x128x128xf32, #tpu.memory_space<vmem>> -> memref<1x128x128xf32, #tpu.memory_space<vmem>>
      %dma_start3A_89 = tpu.memref_squeeze %dma_start3A_88 : memref<1x128x128xf32, #tpu.memory_space<vmem>> -> memref<128x128xf32, #tpu.memory_space<vmem>>
      %dma_start3A_90 = arith.constant 0 : i32
      %dma_start3A_91 = tpu.memref_slice %arg10[%add3A_63, %dma_start3A_90] : memref<10240x128xf32, #tpu.memory_space<vmem_shared>> -> memref<128x128xf32, #tpu.memory_space<vmem_shared>>
      tpu.enqueue_dma source(%dma_start3A_91 : memref<128x128xf32, #tpu.memory_space<vmem_shared>>) target(%dma_start3A_89 : memref<128x128xf32, #tpu.memory_space<vmem>>) target_semaphore(%run_scoped3A_80 : memref<!tpu.dma_semaphore, #tpu.memory_space<semaphore_mem>>)
      %dma_wait3A_92 = arith.constant 0 : i32
      %dma_wait3A_93 = arith.constant 0 : i32
      %dma_wait3A_94 = tpu.memref_slice %arg9[%run_scoped3A_64, %dma_wait3A_92, %dma_wait3A_93] : memref<2x128x128xf32, #tpu.memory_space<vmem>> -> memref<1x128x128xf32, #tpu.memory_space<vmem>>
      %dma_wait3A_95 = tpu.memref_squeeze %dma_wait3A_94 : memref<1x128x128xf32, #tpu.memory_space<vmem>> -> memref<128x128xf32, #tpu.memory_space<vmem>>
      %dma_wait3A_96 = arith.constant 0 : i32
      %dma_wait3A_97 = tpu.memref_slice %arg10[%add3A_63, %dma_wait3A_96] : memref<10240x128xf32, #tpu.memory_space<vmem_shared>> -> memref<128x128xf32, #tpu.memory_space<vmem_shared>>
      %dma_wait3A_98 = arith.constant 0 : i32
      %dma_wait3A_99 = arith.constant 0 : i32
      %dma_wait3A_100 = tpu.memref_slice %arg9[%run_scoped3A_64, %dma_wait3A_98, %dma_wait3A_99] : memref<2x128x128xf32, #tpu.memory_space<vmem>> -> memref<1x128x128xf32, #tpu.memory_space<vmem>>
      %dma_wait3A_101 = tpu.memref_squeeze %dma_wait3A_100 : memref<1x128x128xf32, #tpu.memory_space<vmem>> -> memref<128x128xf32, #tpu.memory_space<vmem>>
      %dma_wait3A_102 = arith.constant 0 : i32
      %dma_wait3A_103 = tpu.memref_slice %arg10[%add3A_63, %dma_wait3A_102] : memref<10240x128xf32, #tpu.memory_space<vmem_shared>> -> memref<128x128xf32, #tpu.memory_space<vmem_shared>>
      tpu.wait_dma2 semaphore(%run_scoped3A_80 : memref<!tpu.dma_semaphore, #tpu.memory_space<semaphore_mem>>) src(%dma_wait3A_103 : memref<128x128xf32, #tpu.memory_space<vmem_shared>>) dst(%dma_wait3A_101 : memref<128x128xf32, #tpu.memory_space<vmem>>)
      tpu.yield
    }) : () -> ()
    %add3A_65 = arith.constant 256 : i32
    %add3A_66 = arith.addi %mul3A_4, %add3A_65 : i32
    %run_scoped3A_67 = arith.constant 0 : i32
    "tpu.region"() ({
      %run_scoped3A_80 = tpu.sem_alloc : memref<!tpu.dma_semaphore, #tpu.memory_space<semaphore_mem>>
      %dma_start3A = arith.constant 0 : i32
      %dma_start3A_81 = arith.constant 0 : i32
      %dma_start3A_82 = tpu.memref_slice %arg9[%run_scoped3A_67, %dma_start3A, %dma_start3A_81] : memref<2x128x128xf32, #tpu.memory_space<vmem>> -> memref<1x128x128xf32, #tpu.memory_space<vmem>>
      %dma_start3A_83 = tpu.memref_squeeze %dma_start3A_82 : memref<1x128x128xf32, #tpu.memory_space<vmem>> -> memref<128x128xf32, #tpu.memory_space<vmem>>
      %dma_start3A_84 = arith.constant 0 : i32
      %dma_start3A_85 = tpu.memref_slice %arg6[%arg0, %add3A_66, %dma_start3A_84] : memref<2x10240x128xf32, #tpu.memory_space<hbm>> -> memref<1x128x128xf32, #tpu.memory_space<hbm>>
      %dma_start3A_86 = tpu.memref_squeeze %dma_start3A_85 : memref<1x128x128xf32, #tpu.memory_space<hbm>> -> memref<128x128xf32, #tpu.memory_space<hbm>>
      %dma_start3A_87 = arith.constant 0 : i32
      %dma_start3A_88 = tpu.memref_slice %arg6[%arg0, %add3A_66, %dma_start3A_87] : memref<2x10240x128xf32, #tpu.memory_space<hbm>> -> memref<1x128x128xf32, #tpu.memory_space<hbm>>
      %dma_start3A_89 = tpu.memref_squeeze %dma_start3A_88 : memref<1x128x128xf32, #tpu.memory_space<hbm>> -> memref<128x128xf32, #tpu.memory_space<hbm>>
      %dma_start3A_90 = arith.constant 0 : i32
      %dma_start3A_91 = arith.constant 0 : i32
      %dma_start3A_92 = tpu.memref_slice %arg9[%run_scoped3A_67, %dma_start3A_90, %dma_start3A_91] : memref<2x128x128xf32, #tpu.memory_space<vmem>> -> memref<1x128x128xf32, #tpu.memory_space<vmem>>
      %dma_start3A_93 = tpu.memref_squeeze %dma_start3A_92 : memref<1x128x128xf32, #tpu.memory_space<vmem>> -> memref<128x128xf32, #tpu.memory_space<vmem>>
      tpu.enqueue_dma source(%dma_start3A_93 : memref<128x128xf32, #tpu.memory_space<vmem>>) target(%dma_start3A_89 : memref<128x128xf32, #tpu.memory_space<hbm>>) target_semaphore(%run_scoped3A_80 : memref<!tpu.dma_semaphore, #tpu.memory_space<semaphore_mem>>)
      %dma_wait3A_94 = arith.constant 0 : i32
      %dma_wait3A_95 = arith.constant 0 : i32
      %dma_wait3A_96 = tpu.memref_slice %arg9[%run_scoped3A_67, %dma_wait3A_94, %dma_wait3A_95] : memref<2x128x128xf32, #tpu.memory_space<vmem>> -> memref<1x128x128xf32, #tpu.memory_space<vmem>>
      %dma_wait3A_97 = tpu.memref_squeeze %dma_wait3A_96 : memref<1x128x128xf32, #tpu.memory_space<vmem>> -> memref<128x128xf32, #tpu.memory_space<vmem>>
      %dma_wait3A_98 = arith.constant 0 : i32
      %dma_wait3A_99 = tpu.memref_slice %arg6[%arg0, %add3A_66, %dma_wait3A_98] : memref<2x10240x128xf32, #tpu.memory_space<hbm>> -> memref<1x128x128xf32, #tpu.memory_space<hbm>>
      %dma_wait3A_100 = tpu.memref_squeeze %dma_wait3A_99 : memref<1x128x128xf32, #tpu.memory_space<hbm>> -> memref<128x128xf32, #tpu.memory_space<hbm>>
      %dma_wait3A_101 = arith.constant 0 : i32
      %dma_wait3A_102 = tpu.memref_slice %arg6[%arg0, %add3A_66, %dma_wait3A_101] : memref<2x10240x128xf32, #tpu.memory_space<hbm>> -> memref<1x128x128xf32, #tpu.memory_space<hbm>>
      %dma_wait3A_103 = tpu.memref_squeeze %dma_wait3A_102 : memref<1x128x128xf32, #tpu.memory_space<hbm>> -> memref<128x128xf32, #tpu.memory_space<hbm>>
      %dma_wait3A_104 = arith.constant 0 : i32
      %dma_wait3A_105 = arith.constant 0 : i32
      %dma_wait3A_106 = tpu.memref_slice %arg9[%run_scoped3A_67, %dma_wait3A_104, %dma_wait3A_105] : memref<2x128x128xf32, #tpu.memory_space<vmem>> -> memref<1x128x128xf32, #tpu.memory_space<vmem>>
      %dma_wait3A_107 = tpu.memref_squeeze %dma_wait3A_106 : memref<1x128x128xf32, #tpu.memory_space<vmem>> -> memref<128x128xf32, #tpu.memory_space<vmem>>
      tpu.wait_dma2 semaphore(%run_scoped3A_80 : memref<!tpu.dma_semaphore, #tpu.memory_space<semaphore_mem>>) src(%dma_wait3A_107 : memref<128x128xf32, #tpu.memory_space<vmem>>) dst(%dma_wait3A_103 : memref<128x128xf32, #tpu.memory_space<hbm>>)
      tpu.yield
    }) : () -> ()
    %add3A_68 = arith.constant 384 : i32
    %add3A_69 = arith.addi %mul3A_4, %add3A_68 : i32
    %run_scoped3A_70 = arith.constant 0 : i32
    "tpu.region"() ({
      %run_scoped3A_80 = tpu.sem_alloc : memref<!tpu.dma_semaphore, #tpu.memory_space<semaphore_mem>>
      %dma_start3A = arith.constant 0 : i32
      %dma_start3A_81 = arith.constant 0 : i32
      %dma_start3A_82 = tpu.memref_slice %arg9[%run_scoped3A_70, %dma_start3A, %dma_start3A_81] : memref<2x128x128xf32, #tpu.memory_space<vmem>> -> memref<1x128x128xf32, #tpu.memory_space<vmem>>
      %dma_start3A_83 = tpu.memref_squeeze %dma_start3A_82 : memref<1x128x128xf32, #tpu.memory_space<vmem>> -> memref<128x128xf32, #tpu.memory_space<vmem>>
      %dma_start3A_84 = arith.constant 0 : i32
      %dma_start3A_85 = tpu.memref_slice %arg10[%add3A_69, %dma_start3A_84] : memref<10240x128xf32, #tpu.memory_space<vmem_shared>> -> memref<128x128xf32, #tpu.memory_space<vmem_shared>>
      %dma_start3A_86 = arith.constant 0 : i32
      %dma_start3A_87 = arith.constant 0 : i32
      %dma_start3A_88 = tpu.memref_slice %arg9[%run_scoped3A_70, %dma_start3A_86, %dma_start3A_87] : memref<2x128x128xf32, #tpu.memory_space<vmem>> -> memref<1x128x128xf32, #tpu.memory_space<vmem>>
      %dma_start3A_89 = tpu.memref_squeeze %dma_start3A_88 : memref<1x128x128xf32, #tpu.memory_space<vmem>> -> memref<128x128xf32, #tpu.memory_space<vmem>>
      %dma_start3A_90 = arith.constant 0 : i32
      %dma_start3A_91 = tpu.memref_slice %arg10[%add3A_69, %dma_start3A_90] : memref<10240x128xf32, #tpu.memory_space<vmem_shared>> -> memref<128x128xf32, #tpu.memory_space<vmem_shared>>
      tpu.enqueue_dma source(%dma_start3A_91 : memref<128x128xf32, #tpu.memory_space<vmem_shared>>) target(%dma_start3A_89 : memref<128x128xf32, #tpu.memory_space<vmem>>) target_semaphore(%run_scoped3A_80 : memref<!tpu.dma_semaphore, #tpu.memory_space<semaphore_mem>>)
      %dma_wait3A_92 = arith.constant 0 : i32
      %dma_wait3A_93 = arith.constant 0 : i32
      %dma_wait3A_94 = tpu.memref_slice %arg9[%run_scoped3A_70, %dma_wait3A_92, %dma_wait3A_93] : memref<2x128x128xf32, #tpu.memory_space<vmem>> -> memref<1x128x128xf32, #tpu.memory_space<vmem>>
      %dma_wait3A_95 = tpu.memref_squeeze %dma_wait3A_94 : memref<1x128x128xf32, #tpu.memory_space<vmem>> -> memref<128x128xf32, #tpu.memory_space<vmem>>
      %dma_wait3A_96 = arith.constant 0 : i32
      %dma_wait3A_97 = tpu.memref_slice %arg10[%add3A_69, %dma_wait3A_96] : memref<10240x128xf32, #tpu.memory_space<vmem_shared>> -> memref<128x128xf32, #tpu.memory_space<vmem_shared>>
      %dma_wait3A_98 = arith.constant 0 : i32
      %dma_wait3A_99 = arith.constant 0 : i32
      %dma_wait3A_100 = tpu.memref_slice %arg9[%run_scoped3A_70, %dma_wait3A_98, %dma_wait3A_99] : memref<2x128x128xf32, #tpu.memory_space<vmem>> -> memref<1x128x128xf32, #tpu.memory_space<vmem>>
      %dma_wait3A_101 = tpu.memref_squeeze %dma_wait3A_100 : memref<1x128x128xf32, #tpu.memory_space<vmem>> -> memref<128x128xf32, #tpu.memory_space<vmem>>
      %dma_wait3A_102 = arith.constant 0 : i32
      %dma_wait3A_103 = tpu.memref_slice %arg10[%add3A_69, %dma_wait3A_102] : memref<10240x128xf32, #tpu.memory_space<vmem_shared>> -> memref<128x128xf32, #tpu.memory_space<vmem_shared>>
      tpu.wait_dma2 semaphore(%run_scoped3A_80 : memref<!tpu.dma_semaphore, #tpu.memory_space<semaphore_mem>>) src(%dma_wait3A_103 : memref<128x128xf32, #tpu.memory_space<vmem_shared>>) dst(%dma_wait3A_101 : memref<128x128xf32, #tpu.memory_space<vmem>>)
      tpu.yield
    }) : () -> ()
    %add3A_71 = arith.constant 384 : i32
    %add3A_72 = arith.addi %mul3A_4, %add3A_71 : i32
    %run_scoped3A_73 = arith.constant 0 : i32
    "tpu.region"() ({
      %run_scoped3A_80 = tpu.sem_alloc : memref<!tpu.dma_semaphore, #tpu.memory_space<semaphore_mem>>
      %dma_start3A = arith.constant 0 : i32
      %dma_start3A_81 = arith.constant 0 : i32
      %dma_start3A_82 = tpu.memref_slice %arg9[%run_scoped3A_73, %dma_start3A, %dma_start3A_81] : memref<2x128x128xf32, #tpu.memory_space<vmem>> -> memref<1x128x128xf32, #tpu.memory_space<vmem>>
      %dma_start3A_83 = tpu.memref_squeeze %dma_start3A_82 : memref<1x128x128xf32, #tpu.memory_space<vmem>> -> memref<128x128xf32, #tpu.memory_space<vmem>>
      %dma_start3A_84 = arith.constant 0 : i32
      %dma_start3A_85 = tpu.memref_slice %arg6[%arg0, %add3A_72, %dma_start3A_84] : memref<2x10240x128xf32, #tpu.memory_space<hbm>> -> memref<1x128x128xf32, #tpu.memory_space<hbm>>
      %dma_start3A_86 = tpu.memref_squeeze %dma_start3A_85 : memref<1x128x128xf32, #tpu.memory_space<hbm>> -> memref<128x128xf32, #tpu.memory_space<hbm>>
      %dma_start3A_87 = arith.constant 0 : i32
      %dma_start3A_88 = tpu.memref_slice %arg6[%arg0, %add3A_72, %dma_start3A_87] : memref<2x10240x128xf32, #tpu.memory_space<hbm>> -> memref<1x128x128xf32, #tpu.memory_space<hbm>>
      %dma_start3A_89 = tpu.memref_squeeze %dma_start3A_88 : memref<1x128x128xf32, #tpu.memory_space<hbm>> -> memref<128x128xf32, #tpu.memory_space<hbm>>
      %dma_start3A_90 = arith.constant 0 : i32
      %dma_start3A_91 = arith.constant 0 : i32
      %dma_start3A_92 = tpu.memref_slice %arg9[%run_scoped3A_73, %dma_start3A_90, %dma_start3A_91] : memref<2x128x128xf32, #tpu.memory_space<vmem>> -> memref<1x128x128xf32, #tpu.memory_space<vmem>>
      %dma_start3A_93 = tpu.memref_squeeze %dma_start3A_92 : memref<1x128x128xf32, #tpu.memory_space<vmem>> -> memref<128x128xf32, #tpu.memory_space<vmem>>
      tpu.enqueue_dma source(%dma_start3A_93 : memref<128x128xf32, #tpu.memory_space<vmem>>) target(%dma_start3A_89 : memref<128x128xf32, #tpu.memory_space<hbm>>) target_semaphore(%run_scoped3A_80 : memref<!tpu.dma_semaphore, #tpu.memory_space<semaphore_mem>>)
      %dma_wait3A_94 = arith.constant 0 : i32
      %dma_wait3A_95 = arith.constant 0 : i32
      %dma_wait3A_96 = tpu.memref_slice %arg9[%run_scoped3A_73, %dma_wait3A_94, %dma_wait3A_95] : memref<2x128x128xf32, #tpu.memory_space<vmem>> -> memref<1x128x128xf32, #tpu.memory_space<vmem>>
      %dma_wait3A_97 = tpu.memref_squeeze %dma_wait3A_96 : memref<1x128x128xf32, #tpu.memory_space<vmem>> -> memref<128x128xf32, #tpu.memory_space<vmem>>
      %dma_wait3A_98 = arith.constant 0 : i32
      %dma_wait3A_99 = tpu.memref_slice %arg6[%arg0, %add3A_72, %dma_wait3A_98] : memref<2x10240x128xf32, #tpu.memory_space<hbm>> -> memref<1x128x128xf32, #tpu.memory_space<hbm>>
      %dma_wait3A_100 = tpu.memref_squeeze %dma_wait3A_99 : memref<1x128x128xf32, #tpu.memory_space<hbm>> -> memref<128x128xf32, #tpu.memory_space<hbm>>
      %dma_wait3A_101 = arith.constant 0 : i32
      %dma_wait3A_102 = tpu.memref_slice %arg6[%arg0, %add3A_72, %dma_wait3A_101] : memref<2x10240x128xf32, #tpu.memory_space<hbm>> -> memref<1x128x128xf32, #tpu.memory_space<hbm>>
      %dma_wait3A_103 = tpu.memref_squeeze %dma_wait3A_102 : memref<1x128x128xf32, #tpu.memory_space<hbm>> -> memref<128x128xf32, #tpu.memory_space<hbm>>
      %dma_wait3A_104 = arith.constant 0 : i32
      %dma_wait3A_105 = arith.constant 0 : i32
      %dma_wait3A_106 = tpu.memref_slice %arg9[%run_scoped3A_73, %dma_wait3A_104, %dma_wait3A_105] : memref<2x128x128xf32, #tpu.memory_space<vmem>> -> memref<1x128x128xf32, #tpu.memory_space<vmem>>
      %dma_wait3A_107 = tpu.memref_squeeze %dma_wait3A_106 : memref<1x128x128xf32, #tpu.memory_space<vmem>> -> memref<128x128xf32, #tpu.memory_space<vmem>>
      tpu.wait_dma2 semaphore(%run_scoped3A_80 : memref<!tpu.dma_semaphore, #tpu.memory_space<semaphore_mem>>) src(%dma_wait3A_107 : memref<128x128xf32, #tpu.memory_space<vmem>>) dst(%dma_wait3A_103 : memref<128x128xf32, #tpu.memory_space<hbm>>)
      tpu.yield
    }) : () -> ()
    %add3A_74 = arith.constant 512 : i32
    %add3A_75 = arith.addi %mul3A_4, %add3A_74 : i32
    %run_scoped3A_76 = arith.constant 0 : i32
    "tpu.region"() ({
      %run_scoped3A_80 = tpu.sem_alloc : memref<!tpu.dma_semaphore, #tpu.memory_space<semaphore_mem>>
      %dma_start3A = arith.constant 0 : i32
      %dma_start3A_81 = arith.constant 0 : i32
      %dma_start3A_82 = tpu.memref_slice %arg9[%run_scoped3A_76, %dma_start3A, %dma_start3A_81] : memref<2x128x128xf32, #tpu.memory_space<vmem>> -> memref<1x128x128xf32, #tpu.memory_space<vmem>>
      %dma_start3A_83 = tpu.memref_squeeze %dma_start3A_82 : memref<1x128x128xf32, #tpu.memory_space<vmem>> -> memref<128x128xf32, #tpu.memory_space<vmem>>
      %dma_start3A_84 = arith.constant 0 : i32
      %dma_start3A_85 = tpu.memref_slice %arg10[%add3A_75, %dma_start3A_84] : memref<10240x128xf32, #tpu.memory_space<vmem_shared>> -> memref<128x128xf32, #tpu.memory_space<vmem_shared>>
      %dma_start3A_86 = arith.constant 0 : i32
      %dma_start3A_87 = arith.constant 0 : i32
      %dma_start3A_88 = tpu.memref_slice %arg9[%run_scoped3A_76, %dma_start3A_86, %dma_start3A_87] : memref<2x128x128xf32, #tpu.memory_space<vmem>> -> memref<1x128x128xf32, #tpu.memory_space<vmem>>
      %dma_start3A_89 = tpu.memref_squeeze %dma_start3A_88 : memref<1x128x128xf32, #tpu.memory_space<vmem>> -> memref<128x128xf32, #tpu.memory_space<vmem>>
      %dma_start3A_90 = arith.constant 0 : i32
      %dma_start3A_91 = tpu.memref_slice %arg10[%add3A_75, %dma_start3A_90] : memref<10240x128xf32, #tpu.memory_space<vmem_shared>> -> memref<128x128xf32, #tpu.memory_space<vmem_shared>>
      tpu.enqueue_dma source(%dma_start3A_91 : memref<128x128xf32, #tpu.memory_space<vmem_shared>>) target(%dma_start3A_89 : memref<128x128xf32, #tpu.memory_space<vmem>>) target_semaphore(%run_scoped3A_80 : memref<!tpu.dma_semaphore, #tpu.memory_space<semaphore_mem>>)
      %dma_wait3A_92 = arith.constant 0 : i32
      %dma_wait3A_93 = arith.constant 0 : i32
      %dma_wait3A_94 = tpu.memref_slice %arg9[%run_scoped3A_76, %dma_wait3A_92, %dma_wait3A_93] : memref<2x128x128xf32, #tpu.memory_space<vmem>> -> memref<1x128x128xf32, #tpu.memory_space<vmem>>
      %dma_wait3A_95 = tpu.memref_squeeze %dma_wait3A_94 : memref<1x128x128xf32, #tpu.memory_space<vmem>> -> memref<128x128xf32, #tpu.memory_space<vmem>>
      %dma_wait3A_96 = arith.constant 0 : i32
      %dma_wait3A_97 = tpu.memref_slice %arg10[%add3A_75, %dma_wait3A_96] : memref<10240x128xf32, #tpu.memory_space<vmem_shared>> -> memref<128x128xf32, #tpu.memory_space<vmem_shared>>
      %dma_wait3A_98 = arith.constant 0 : i32
      %dma_wait3A_99 = arith.constant 0 : i32
      %dma_wait3A_100 = tpu.memref_slice %arg9[%run_scoped3A_76, %dma_wait3A_98, %dma_wait3A_99] : memref<2x128x128xf32, #tpu.memory_space<vmem>> -> memref<1x128x128xf32, #tpu.memory_space<vmem>>
      %dma_wait3A_101 = tpu.memref_squeeze %dma_wait3A_100 : memref<1x128x128xf32, #tpu.memory_space<vmem>> -> memref<128x128xf32, #tpu.memory_space<vmem>>
      %dma_wait3A_102 = arith.constant 0 : i32
      %dma_wait3A_103 = tpu.memref_slice %arg10[%add3A_75, %dma_wait3A_102] : memref<10240x128xf32, #tpu.memory_space<vmem_shared>> -> memref<128x128xf32, #tpu.memory_space<vmem_shared>>
      tpu.wait_dma2 semaphore(%run_scoped3A_80 : memref<!tpu.dma_semaphore, #tpu.memory_space<semaphore_mem>>) src(%dma_wait3A_103 : memref<128x128xf32, #tpu.memory_space<vmem_shared>>) dst(%dma_wait3A_101 : memref<128x128xf32, #tpu.memory_space<vmem>>)
      tpu.yield
    }) : () -> ()
    %add3A_77 = arith.constant 512 : i32
    %add3A_78 = arith.addi %mul3A_4, %add3A_77 : i32
    %run_scoped3A_79 = arith.constant 0 : i32
    "tpu.region"() ({
      %run_scoped3A_80 = tpu.sem_alloc : memref<!tpu.dma_semaphore, #tpu.memory_space<semaphore_mem>>
      %dma_start3A = arith.constant 0 : i32
      %dma_start3A_81 = arith.constant 0 : i32
      %dma_start3A_82 = tpu.memref_slice %arg9[%run_scoped3A_79, %dma_start3A, %dma_start3A_81] : memref<2x128x128xf32, #tpu.memory_space<vmem>> -> memref<1x128x128xf32, #tpu.memory_space<vmem>>
      %dma_start3A_83 = tpu.memref_squeeze %dma_start3A_82 : memref<1x128x128xf32, #tpu.memory_space<vmem>> -> memref<128x128xf32, #tpu.memory_space<vmem>>
      %dma_start3A_84 = arith.constant 0 : i32
      %dma_start3A_85 = tpu.memref_slice %arg6[%arg0, %add3A_78, %dma_start3A_84] : memref<2x10240x128xf32, #tpu.memory_space<hbm>> -> memref<1x128x128xf32, #tpu.memory_space<hbm>>
      %dma_start3A_86 = tpu.memref_squeeze %dma_start3A_85 : memref<1x128x128xf32, #tpu.memory_space<hbm>> -> memref<128x128xf32, #tpu.memory_space<hbm>>
      %dma_start3A_87 = arith.constant 0 : i32
      %dma_start3A_88 = tpu.memref_slice %arg6[%arg0, %add3A_78, %dma_start3A_87] : memref<2x10240x128xf32, #tpu.memory_space<hbm>> -> memref<1x128x128xf32, #tpu.memory_space<hbm>>
      %dma_start3A_89 = tpu.memref_squeeze %dma_start3A_88 : memref<1x128x128xf32, #tpu.memory_space<hbm>> -> memref<128x128xf32, #tpu.memory_space<hbm>>
      %dma_start3A_90 = arith.constant 0 : i32
      %dma_start3A_91 = arith.constant 0 : i32
      %dma_start3A_92 = tpu.memref_slice %arg9[%run_scoped3A_79, %dma_start3A_90, %dma_start3A_91] : memref<2x128x128xf32, #tpu.memory_space<vmem>> -> memref<1x128x128xf32, #tpu.memory_space<vmem>>
      %dma_start3A_93 = tpu.memref_squeeze %dma_start3A_92 : memref<1x128x128xf32, #tpu.memory_space<vmem>> -> memref<128x128xf32, #tpu.memory_space<vmem>>
      tpu.enqueue_dma source(%dma_start3A_93 : memref<128x128xf32, #tpu.memory_space<vmem>>) target(%dma_start3A_89 : memref<128x128xf32, #tpu.memory_space<hbm>>) target_semaphore(%run_scoped3A_80 : memref<!tpu.dma_semaphore, #tpu.memory_space<semaphore_mem>>)
      %dma_wait3A_94 = arith.constant 0 : i32
      %dma_wait3A_95 = arith.constant 0 : i32
      %dma_wait3A_96 = tpu.memref_slice %arg9[%run_scoped3A_79, %dma_wait3A_94, %dma_wait3A_95] : memref<2x128x128xf32, #tpu.memory_space<vmem>> -> memref<1x128x128xf32, #tpu.memory_space<vmem>>
      %dma_wait3A_97 = tpu.memref_squeeze %dma_wait3A_96 : memref<1x128x128xf32, #tpu.memory_space<vmem>> -> memref<128x128xf32, #tpu.memory_space<vmem>>
      %dma_wait3A_98 = arith.constant 0 : i32
      %dma_wait3A_99 = tpu.memref_slice %arg6[%arg0, %add3A_78, %dma_wait3A_98] : memref<2x10240x128xf32, #tpu.memory_space<hbm>> -> memref<1x128x128xf32, #tpu.memory_space<hbm>>
      %dma_wait3A_100 = tpu.memref_squeeze %dma_wait3A_99 : memref<1x128x128xf32, #tpu.memory_space<hbm>> -> memref<128x128xf32, #tpu.memory_space<hbm>>
      %dma_wait3A_101 = arith.constant 0 : i32
      %dma_wait3A_102 = tpu.memref_slice %arg6[%arg0, %add3A_78, %dma_wait3A_101] : memref<2x10240x128xf32, #tpu.memory_space<hbm>> -> memref<1x128x128xf32, #tpu.memory_space<hbm>>
      %dma_wait3A_103 = tpu.memref_squeeze %dma_wait3A_102 : memref<1x128x128xf32, #tpu.memory_space<hbm>> -> memref<128x128xf32, #tpu.memory_space<hbm>>
      %dma_wait3A_104 = arith.constant 0 : i32
      %dma_wait3A_105 = arith.constant 0 : i32
      %dma_wait3A_106 = tpu.memref_slice %arg9[%run_scoped3A_79, %dma_wait3A_104, %dma_wait3A_105] : memref<2x128x128xf32, #tpu.memory_space<vmem>> -> memref<1x128x128xf32, #tpu.memory_space<vmem>>
      %dma_wait3A_107 = tpu.memref_squeeze %dma_wait3A_106 : memref<1x128x128xf32, #tpu.memory_space<vmem>> -> memref<128x128xf32, #tpu.memory_space<vmem>>
      tpu.wait_dma2 semaphore(%run_scoped3A_80 : memref<!tpu.dma_semaphore, #tpu.memory_space<semaphore_mem>>) src(%dma_wait3A_107 : memref<128x128xf32, #tpu.memory_space<vmem>>) dst(%dma_wait3A_103 : memref<128x128xf32, #tpu.memory_space<hbm>>)
      tpu.yield
    }) : () -> ()
    return
  }
}

#map = affine_map<(d0, d1) -> (0, 0)>
#map1 = affine_map<(d0, d1) -> (0, 0, 0)>
module attributes {stable_mosaic.version = 14 : i64} {
  func.func @_gs_kernel(%arg0: i32, %arg1: i32, %arg2: memref<10240x128xf32, #tpu.memory_space<hbm>>, %arg3: memref<2560x128xi32, #tpu.memory_space<hbm>>, %arg4: memref<2560x128xi32, #tpu.memory_space<hbm>>, %arg5: memref<128x128xf32, #tpu.memory_space<hbm>>, %arg6: memref<2x10240x128xf32, #tpu.memory_space<hbm>>, %arg7: memref<16x128xi32, #tpu.memory_space<vmem>>, %arg8: memref<16x128xi32, #tpu.memory_space<vmem>>, %arg9: memref<2x128x128xf32, #tpu.memory_space<vmem>>, %arg10: memref<10240x128xf32, #tpu.memory_space<vmem_shared>>, %arg11: memref<!tpu.dma_semaphore, #tpu.memory_space<semaphore_mem>>, %arg12: memref<!tpu.dma_semaphore, #tpu.memory_space<semaphore_mem>>, %arg13: memref<!tpu.dma_semaphore, #tpu.memory_space<semaphore_mem>>, %arg14: memref<!tpu.dma_semaphore, #tpu.memory_space<semaphore_mem>>) attributes {dimension_semantics = [#tpu.dimension_semantics<core_parallel>, #tpu.dimension_semantics<subcore_parallel>], iteration_bounds = array<i64: 2, 16>, scalar_prefetch = 0 : i64, scratch_operands = 8 : i64, tpu.core_type = #tpu.core_type<sc_vector_subcore>, window_params = [{transform_indices = #map}, {transform_indices = #map}, {transform_indices = #map}, {transform_indices = #map}, {transform_indices = #map1}]} {
    %mul3A = arith.constant 16 : i32
    %mul3A_0 = arith.muli %arg0, %mul3A : i32
    %add3A = arith.addi %mul3A_0, %arg1 : i32
    %mul3A_1 = arith.constant 80 : i32
    %mul3A_2 = arith.muli %add3A, %mul3A_1 : i32
    %run_scoped3A = arith.constant 0 : i32
    "tpu.region"() ({
      %run_scoped3A_80 = tpu.sem_alloc : memref<!tpu.dma_semaphore, #tpu.memory_space<semaphore_mem>>
      %dma_start3A = arith.constant 0 : i32
      %dma_start3A_81 = arith.constant 0 : i32
      %dma_start3A_82 = tpu.memref_slice %arg9[%run_scoped3A, %dma_start3A, %dma_start3A_81] : memref<2x128x128xf32, #tpu.memory_space<vmem>> -> memref<1x128x128xf32, #tpu.memory_space<vmem>>
      %dma_start3A_83 = tpu.memref_squeeze %dma_start3A_82 : memref<1x128x128xf32, #tpu.memory_space<vmem>> -> memref<128x128xf32, #tpu.memory_space<vmem>>
      %dma_start3A_84 = arith.constant 0 : i32
      %dma_start3A_85 = arith.constant 0 : i32
      %dma_start3A_86 = tpu.memref_slice %arg9[%run_scoped3A, %dma_start3A_84, %dma_start3A_85] : memref<2x128x128xf32, #tpu.memory_space<vmem>> -> memref<1x128x128xf32, #tpu.memory_space<vmem>>
      %dma_start3A_87 = tpu.memref_squeeze %dma_start3A_86 : memref<1x128x128xf32, #tpu.memory_space<vmem>> -> memref<128x128xf32, #tpu.memory_space<vmem>>
      tpu.enqueue_dma source(%arg5 : memref<128x128xf32, #tpu.memory_space<hbm>>) target(%dma_start3A_87 : memref<128x128xf32, #tpu.memory_space<vmem>>) target_semaphore(%run_scoped3A_80 : memref<!tpu.dma_semaphore, #tpu.memory_space<semaphore_mem>>)
      %dma_wait3A_88 = arith.constant 0 : i32
      %dma_wait3A_89 = arith.constant 0 : i32
      %dma_wait3A_90 = tpu.memref_slice %arg9[%run_scoped3A, %dma_wait3A_88, %dma_wait3A_89] : memref<2x128x128xf32, #tpu.memory_space<vmem>> -> memref<1x128x128xf32, #tpu.memory_space<vmem>>
      %dma_wait3A_91 = tpu.memref_squeeze %dma_wait3A_90 : memref<1x128x128xf32, #tpu.memory_space<vmem>> -> memref<128x128xf32, #tpu.memory_space<vmem>>
      %dma_wait3A_92 = arith.constant 0 : i32
      %dma_wait3A_93 = arith.constant 0 : i32
      %dma_wait3A_94 = tpu.memref_slice %arg9[%run_scoped3A, %dma_wait3A_92, %dma_wait3A_93] : memref<2x128x128xf32, #tpu.memory_space<vmem>> -> memref<1x128x128xf32, #tpu.memory_space<vmem>>
      %dma_wait3A_95 = tpu.memref_squeeze %dma_wait3A_94 : memref<1x128x128xf32, #tpu.memory_space<vmem>> -> memref<128x128xf32, #tpu.memory_space<vmem>>
      tpu.wait_dma2 semaphore(%run_scoped3A_80 : memref<!tpu.dma_semaphore, #tpu.memory_space<semaphore_mem>>) src(%arg5 : memref<128x128xf32, #tpu.memory_space<hbm>>) dst(%dma_wait3A_95 : memref<128x128xf32, #tpu.memory_space<vmem>>)
      tpu.yield
    }) : () -> ()
    %mul3A_3 = arith.constant 640 : i32
    %mul3A_4 = arith.muli %arg1, %mul3A_3 : i32
    %add3A_5 = arith.constant 0 : i32
    %add3A_6 = arith.addi %mul3A_4, %add3A_5 : i32
    %run_scoped3A_7 = arith.constant 0 : i32
    "tpu.region"() ({
      %run_scoped3A_80 = tpu.sem_alloc : memref<!tpu.dma_semaphore, #tpu.memory_space<semaphore_mem>>
      %dma_start3A = arith.constant 0 : i32
      %dma_start3A_81 = arith.constant 0 : i32
      %dma_start3A_82 = tpu.memref_slice %arg9[%run_scoped3A_7, %dma_start3A, %dma_start3A_81] : memref<2x128x128xf32, #tpu.memory_space<vmem>> -> memref<1x128x128xf32, #tpu.memory_space<vmem>>
      %dma_start3A_83 = tpu.memref_squeeze %dma_start3A_82 : memref<1x128x128xf32, #tpu.memory_space<vmem>> -> memref<128x128xf32, #tpu.memory_space<vmem>>
      %dma_start3A_84 = arith.constant 0 : i32
      %dma_start3A_85 = tpu.memref_slice %arg10[%add3A_6, %dma_start3A_84] : memref<10240x128xf32, #tpu.memory_space<vmem_shared>> -> memref<128x128xf32, #tpu.memory_space<vmem_shared>>
      %dma_start3A_86 = arith.constant 0 : i32
      %dma_start3A_87 = tpu.memref_slice %arg10[%add3A_6, %dma_start3A_86] : memref<10240x128xf32, #tpu.memory_space<vmem_shared>> -> memref<128x128xf32, #tpu.memory_space<vmem_shared>>
      %dma_start3A_88 = arith.constant 0 : i32
      %dma_start3A_89 = arith.constant 0 : i32
      %dma_start3A_90 = tpu.memref_slice %arg9[%run_scoped3A_7, %dma_start3A_88, %dma_start3A_89] : memref<2x128x128xf32, #tpu.memory_space<vmem>> -> memref<1x128x128xf32, #tpu.memory_space<vmem>>
      %dma_start3A_91 = tpu.memref_squeeze %dma_start3A_90 : memref<1x128x128xf32, #tpu.memory_space<vmem>> -> memref<128x128xf32, #tpu.memory_space<vmem>>
      tpu.enqueue_dma source(%dma_start3A_91 : memref<128x128xf32, #tpu.memory_space<vmem>>) target(%dma_start3A_87 : memref<128x128xf32, #tpu.memory_space<vmem_shared>>) target_semaphore(%run_scoped3A_80 : memref<!tpu.dma_semaphore, #tpu.memory_space<semaphore_mem>>)
      %dma_wait3A_92 = arith.constant 0 : i32
      %dma_wait3A_93 = arith.constant 0 : i32
      %dma_wait3A_94 = tpu.memref_slice %arg9[%run_scoped3A_7, %dma_wait3A_92, %dma_wait3A_93] : memref<2x128x128xf32, #tpu.memory_space<vmem>> -> memref<1x128x128xf32, #tpu.memory_space<vmem>>
      %dma_wait3A_95 = tpu.memref_squeeze %dma_wait3A_94 : memref<1x128x128xf32, #tpu.memory_space<vmem>> -> memref<128x128xf32, #tpu.memory_space<vmem>>
      %dma_wait3A_96 = arith.constant 0 : i32
      %dma_wait3A_97 = tpu.memref_slice %arg10[%add3A_6, %dma_wait3A_96] : memref<10240x128xf32, #tpu.memory_space<vmem_shared>> -> memref<128x128xf32, #tpu.memory_space<vmem_shared>>
      %dma_wait3A_98 = arith.constant 0 : i32
      %dma_wait3A_99 = tpu.memref_slice %arg10[%add3A_6, %dma_wait3A_98] : memref<10240x128xf32, #tpu.memory_space<vmem_shared>> -> memref<128x128xf32, #tpu.memory_space<vmem_shared>>
      %dma_wait3A_100 = arith.constant 0 : i32
      %dma_wait3A_101 = arith.constant 0 : i32
      %dma_wait3A_102 = tpu.memref_slice %arg9[%run_scoped3A_7, %dma_wait3A_100, %dma_wait3A_101] : memref<2x128x128xf32, #tpu.memory_space<vmem>> -> memref<1x128x128xf32, #tpu.memory_space<vmem>>
      %dma_wait3A_103 = tpu.memref_squeeze %dma_wait3A_102 : memref<1x128x128xf32, #tpu.memory_space<vmem>> -> memref<128x128xf32, #tpu.memory_space<vmem>>
      tpu.wait_dma2 semaphore(%run_scoped3A_80 : memref<!tpu.dma_semaphore, #tpu.memory_space<semaphore_mem>>) src(%dma_wait3A_103 : memref<128x128xf32, #tpu.memory_space<vmem>>) dst(%dma_wait3A_99 : memref<128x128xf32, #tpu.memory_space<vmem_shared>>)
      tpu.yield
    }) : () -> ()
    %add3A_8 = arith.constant 128 : i32
    %add3A_9 = arith.addi %mul3A_4, %add3A_8 : i32
    %run_scoped3A_10 = arith.constant 0 : i32
    "tpu.region"() ({
      %run_scoped3A_80 = tpu.sem_alloc : memref<!tpu.dma_semaphore, #tpu.memory_space<semaphore_mem>>
      %dma_start3A = arith.constant 0 : i32
      %dma_start3A_81 = arith.constant 0 : i32
      %dma_start3A_82 = tpu.memref_slice %arg9[%run_scoped3A_10, %dma_start3A, %dma_start3A_81] : memref<2x128x128xf32, #tpu.memory_space<vmem>> -> memref<1x128x128xf32, #tpu.memory_space<vmem>>
      %dma_start3A_83 = tpu.memref_squeeze %dma_start3A_82 : memref<1x128x128xf32, #tpu.memory_space<vmem>> -> memref<128x128xf32, #tpu.memory_space<vmem>>
      %dma_start3A_84 = arith.constant 0 : i32
      %dma_start3A_85 = tpu.memref_slice %arg10[%add3A_9, %dma_start3A_84] : memref<10240x128xf32, #tpu.memory_space<vmem_shared>> -> memref<128x128xf32, #tpu.memory_space<vmem_shared>>
      %dma_start3A_86 = arith.constant 0 : i32
      %dma_start3A_87 = tpu.memref_slice %arg10[%add3A_9, %dma_start3A_86] : memref<10240x128xf32, #tpu.memory_space<vmem_shared>> -> memref<128x128xf32, #tpu.memory_space<vmem_shared>>
      %dma_start3A_88 = arith.constant 0 : i32
      %dma_start3A_89 = arith.constant 0 : i32
      %dma_start3A_90 = tpu.memref_slice %arg9[%run_scoped3A_10, %dma_start3A_88, %dma_start3A_89] : memref<2x128x128xf32, #tpu.memory_space<vmem>> -> memref<1x128x128xf32, #tpu.memory_space<vmem>>
      %dma_start3A_91 = tpu.memref_squeeze %dma_start3A_90 : memref<1x128x128xf32, #tpu.memory_space<vmem>> -> memref<128x128xf32, #tpu.memory_space<vmem>>
      tpu.enqueue_dma source(%dma_start3A_91 : memref<128x128xf32, #tpu.memory_space<vmem>>) target(%dma_start3A_87 : memref<128x128xf32, #tpu.memory_space<vmem_shared>>) target_semaphore(%run_scoped3A_80 : memref<!tpu.dma_semaphore, #tpu.memory_space<semaphore_mem>>)
      %dma_wait3A_92 = arith.constant 0 : i32
      %dma_wait3A_93 = arith.constant 0 : i32
      %dma_wait3A_94 = tpu.memref_slice %arg9[%run_scoped3A_10, %dma_wait3A_92, %dma_wait3A_93] : memref<2x128x128xf32, #tpu.memory_space<vmem>> -> memref<1x128x128xf32, #tpu.memory_space<vmem>>
      %dma_wait3A_95 = tpu.memref_squeeze %dma_wait3A_94 : memref<1x128x128xf32, #tpu.memory_space<vmem>> -> memref<128x128xf32, #tpu.memory_space<vmem>>
      %dma_wait3A_96 = arith.constant 0 : i32
      %dma_wait3A_97 = tpu.memref_slice %arg10[%add3A_9, %dma_wait3A_96] : memref<10240x128xf32, #tpu.memory_space<vmem_shared>> -> memref<128x128xf32, #tpu.memory_space<vmem_shared>>
      %dma_wait3A_98 = arith.constant 0 : i32
      %dma_wait3A_99 = tpu.memref_slice %arg10[%add3A_9, %dma_wait3A_98] : memref<10240x128xf32, #tpu.memory_space<vmem_shared>> -> memref<128x128xf32, #tpu.memory_space<vmem_shared>>
      %dma_wait3A_100 = arith.constant 0 : i32
      %dma_wait3A_101 = arith.constant 0 : i32
      %dma_wait3A_102 = tpu.memref_slice %arg9[%run_scoped3A_10, %dma_wait3A_100, %dma_wait3A_101] : memref<2x128x128xf32, #tpu.memory_space<vmem>> -> memref<1x128x128xf32, #tpu.memory_space<vmem>>
      %dma_wait3A_103 = tpu.memref_squeeze %dma_wait3A_102 : memref<1x128x128xf32, #tpu.memory_space<vmem>> -> memref<128x128xf32, #tpu.memory_space<vmem>>
      tpu.wait_dma2 semaphore(%run_scoped3A_80 : memref<!tpu.dma_semaphore, #tpu.memory_space<semaphore_mem>>) src(%dma_wait3A_103 : memref<128x128xf32, #tpu.memory_space<vmem>>) dst(%dma_wait3A_99 : memref<128x128xf32, #tpu.memory_space<vmem_shared>>)
      tpu.yield
    }) : () -> ()
    %add3A_11 = arith.constant 256 : i32
    %add3A_12 = arith.addi %mul3A_4, %add3A_11 : i32
    %run_scoped3A_13 = arith.constant 0 : i32
    "tpu.region"() ({
      %run_scoped3A_80 = tpu.sem_alloc : memref<!tpu.dma_semaphore, #tpu.memory_space<semaphore_mem>>
      %dma_start3A = arith.constant 0 : i32
      %dma_start3A_81 = arith.constant 0 : i32
      %dma_start3A_82 = tpu.memref_slice %arg9[%run_scoped3A_13, %dma_start3A, %dma_start3A_81] : memref<2x128x128xf32, #tpu.memory_space<vmem>> -> memref<1x128x128xf32, #tpu.memory_space<vmem>>
      %dma_start3A_83 = tpu.memref_squeeze %dma_start3A_82 : memref<1x128x128xf32, #tpu.memory_space<vmem>> -> memref<128x128xf32, #tpu.memory_space<vmem>>
      %dma_start3A_84 = arith.constant 0 : i32
      %dma_start3A_85 = tpu.memref_slice %arg10[%add3A_12, %dma_start3A_84] : memref<10240x128xf32, #tpu.memory_space<vmem_shared>> -> memref<128x128xf32, #tpu.memory_space<vmem_shared>>
      %dma_start3A_86 = arith.constant 0 : i32
      %dma_start3A_87 = tpu.memref_slice %arg10[%add3A_12, %dma_start3A_86] : memref<10240x128xf32, #tpu.memory_space<vmem_shared>> -> memref<128x128xf32, #tpu.memory_space<vmem_shared>>
      %dma_start3A_88 = arith.constant 0 : i32
      %dma_start3A_89 = arith.constant 0 : i32
      %dma_start3A_90 = tpu.memref_slice %arg9[%run_scoped3A_13, %dma_start3A_88, %dma_start3A_89] : memref<2x128x128xf32, #tpu.memory_space<vmem>> -> memref<1x128x128xf32, #tpu.memory_space<vmem>>
      %dma_start3A_91 = tpu.memref_squeeze %dma_start3A_90 : memref<1x128x128xf32, #tpu.memory_space<vmem>> -> memref<128x128xf32, #tpu.memory_space<vmem>>
      tpu.enqueue_dma source(%dma_start3A_91 : memref<128x128xf32, #tpu.memory_space<vmem>>) target(%dma_start3A_87 : memref<128x128xf32, #tpu.memory_space<vmem_shared>>) target_semaphore(%run_scoped3A_80 : memref<!tpu.dma_semaphore, #tpu.memory_space<semaphore_mem>>)
      %dma_wait3A_92 = arith.constant 0 : i32
      %dma_wait3A_93 = arith.constant 0 : i32
      %dma_wait3A_94 = tpu.memref_slice %arg9[%run_scoped3A_13, %dma_wait3A_92, %dma_wait3A_93] : memref<2x128x128xf32, #tpu.memory_space<vmem>> -> memref<1x128x128xf32, #tpu.memory_space<vmem>>
      %dma_wait3A_95 = tpu.memref_squeeze %dma_wait3A_94 : memref<1x128x128xf32, #tpu.memory_space<vmem>> -> memref<128x128xf32, #tpu.memory_space<vmem>>
      %dma_wait3A_96 = arith.constant 0 : i32
      %dma_wait3A_97 = tpu.memref_slice %arg10[%add3A_12, %dma_wait3A_96] : memref<10240x128xf32, #tpu.memory_space<vmem_shared>> -> memref<128x128xf32, #tpu.memory_space<vmem_shared>>
      %dma_wait3A_98 = arith.constant 0 : i32
      %dma_wait3A_99 = tpu.memref_slice %arg10[%add3A_12, %dma_wait3A_98] : memref<10240x128xf32, #tpu.memory_space<vmem_shared>> -> memref<128x128xf32, #tpu.memory_space<vmem_shared>>
      %dma_wait3A_100 = arith.constant 0 : i32
      %dma_wait3A_101 = arith.constant 0 : i32
      %dma_wait3A_102 = tpu.memref_slice %arg9[%run_scoped3A_13, %dma_wait3A_100, %dma_wait3A_101] : memref<2x128x128xf32, #tpu.memory_space<vmem>> -> memref<1x128x128xf32, #tpu.memory_space<vmem>>
      %dma_wait3A_103 = tpu.memref_squeeze %dma_wait3A_102 : memref<1x128x128xf32, #tpu.memory_space<vmem>> -> memref<128x128xf32, #tpu.memory_space<vmem>>
      tpu.wait_dma2 semaphore(%run_scoped3A_80 : memref<!tpu.dma_semaphore, #tpu.memory_space<semaphore_mem>>) src(%dma_wait3A_103 : memref<128x128xf32, #tpu.memory_space<vmem>>) dst(%dma_wait3A_99 : memref<128x128xf32, #tpu.memory_space<vmem_shared>>)
      tpu.yield
    }) : () -> ()
    %add3A_14 = arith.constant 384 : i32
    %add3A_15 = arith.addi %mul3A_4, %add3A_14 : i32
    %run_scoped3A_16 = arith.constant 0 : i32
    "tpu.region"() ({
      %run_scoped3A_80 = tpu.sem_alloc : memref<!tpu.dma_semaphore, #tpu.memory_space<semaphore_mem>>
      %dma_start3A = arith.constant 0 : i32
      %dma_start3A_81 = arith.constant 0 : i32
      %dma_start3A_82 = tpu.memref_slice %arg9[%run_scoped3A_16, %dma_start3A, %dma_start3A_81] : memref<2x128x128xf32, #tpu.memory_space<vmem>> -> memref<1x128x128xf32, #tpu.memory_space<vmem>>
      %dma_start3A_83 = tpu.memref_squeeze %dma_start3A_82 : memref<1x128x128xf32, #tpu.memory_space<vmem>> -> memref<128x128xf32, #tpu.memory_space<vmem>>
      %dma_start3A_84 = arith.constant 0 : i32
      %dma_start3A_85 = tpu.memref_slice %arg10[%add3A_15, %dma_start3A_84] : memref<10240x128xf32, #tpu.memory_space<vmem_shared>> -> memref<128x128xf32, #tpu.memory_space<vmem_shared>>
      %dma_start3A_86 = arith.constant 0 : i32
      %dma_start3A_87 = tpu.memref_slice %arg10[%add3A_15, %dma_start3A_86] : memref<10240x128xf32, #tpu.memory_space<vmem_shared>> -> memref<128x128xf32, #tpu.memory_space<vmem_shared>>
      %dma_start3A_88 = arith.constant 0 : i32
      %dma_start3A_89 = arith.constant 0 : i32
      %dma_start3A_90 = tpu.memref_slice %arg9[%run_scoped3A_16, %dma_start3A_88, %dma_start3A_89] : memref<2x128x128xf32, #tpu.memory_space<vmem>> -> memref<1x128x128xf32, #tpu.memory_space<vmem>>
      %dma_start3A_91 = tpu.memref_squeeze %dma_start3A_90 : memref<1x128x128xf32, #tpu.memory_space<vmem>> -> memref<128x128xf32, #tpu.memory_space<vmem>>
      tpu.enqueue_dma source(%dma_start3A_91 : memref<128x128xf32, #tpu.memory_space<vmem>>) target(%dma_start3A_87 : memref<128x128xf32, #tpu.memory_space<vmem_shared>>) target_semaphore(%run_scoped3A_80 : memref<!tpu.dma_semaphore, #tpu.memory_space<semaphore_mem>>)
      %dma_wait3A_92 = arith.constant 0 : i32
      %dma_wait3A_93 = arith.constant 0 : i32
      %dma_wait3A_94 = tpu.memref_slice %arg9[%run_scoped3A_16, %dma_wait3A_92, %dma_wait3A_93] : memref<2x128x128xf32, #tpu.memory_space<vmem>> -> memref<1x128x128xf32, #tpu.memory_space<vmem>>
      %dma_wait3A_95 = tpu.memref_squeeze %dma_wait3A_94 : memref<1x128x128xf32, #tpu.memory_space<vmem>> -> memref<128x128xf32, #tpu.memory_space<vmem>>
      %dma_wait3A_96 = arith.constant 0 : i32
      %dma_wait3A_97 = tpu.memref_slice %arg10[%add3A_15, %dma_wait3A_96] : memref<10240x128xf32, #tpu.memory_space<vmem_shared>> -> memref<128x128xf32, #tpu.memory_space<vmem_shared>>
      %dma_wait3A_98 = arith.constant 0 : i32
      %dma_wait3A_99 = tpu.memref_slice %arg10[%add3A_15, %dma_wait3A_98] : memref<10240x128xf32, #tpu.memory_space<vmem_shared>> -> memref<128x128xf32, #tpu.memory_space<vmem_shared>>
      %dma_wait3A_100 = arith.constant 0 : i32
      %dma_wait3A_101 = arith.constant 0 : i32
      %dma_wait3A_102 = tpu.memref_slice %arg9[%run_scoped3A_16, %dma_wait3A_100, %dma_wait3A_101] : memref<2x128x128xf32, #tpu.memory_space<vmem>> -> memref<1x128x128xf32, #tpu.memory_space<vmem>>
      %dma_wait3A_103 = tpu.memref_squeeze %dma_wait3A_102 : memref<1x128x128xf32, #tpu.memory_space<vmem>> -> memref<128x128xf32, #tpu.memory_space<vmem>>
      tpu.wait_dma2 semaphore(%run_scoped3A_80 : memref<!tpu.dma_semaphore, #tpu.memory_space<semaphore_mem>>) src(%dma_wait3A_103 : memref<128x128xf32, #tpu.memory_space<vmem>>) dst(%dma_wait3A_99 : memref<128x128xf32, #tpu.memory_space<vmem_shared>>)
      tpu.yield
    }) : () -> ()
    %add3A_17 = arith.constant 512 : i32
    %add3A_18 = arith.addi %mul3A_4, %add3A_17 : i32
    %run_scoped3A_19 = arith.constant 0 : i32
    "tpu.region"() ({
      %run_scoped3A_80 = tpu.sem_alloc : memref<!tpu.dma_semaphore, #tpu.memory_space<semaphore_mem>>
      %dma_start3A = arith.constant 0 : i32
      %dma_start3A_81 = arith.constant 0 : i32
      %dma_start3A_82 = tpu.memref_slice %arg9[%run_scoped3A_19, %dma_start3A, %dma_start3A_81] : memref<2x128x128xf32, #tpu.memory_space<vmem>> -> memref<1x128x128xf32, #tpu.memory_space<vmem>>
      %dma_start3A_83 = tpu.memref_squeeze %dma_start3A_82 : memref<1x128x128xf32, #tpu.memory_space<vmem>> -> memref<128x128xf32, #tpu.memory_space<vmem>>
      %dma_start3A_84 = arith.constant 0 : i32
      %dma_start3A_85 = tpu.memref_slice %arg10[%add3A_18, %dma_start3A_84] : memref<10240x128xf32, #tpu.memory_space<vmem_shared>> -> memref<128x128xf32, #tpu.memory_space<vmem_shared>>
      %dma_start3A_86 = arith.constant 0 : i32
      %dma_start3A_87 = tpu.memref_slice %arg10[%add3A_18, %dma_start3A_86] : memref<10240x128xf32, #tpu.memory_space<vmem_shared>> -> memref<128x128xf32, #tpu.memory_space<vmem_shared>>
      %dma_start3A_88 = arith.constant 0 : i32
      %dma_start3A_89 = arith.constant 0 : i32
      %dma_start3A_90 = tpu.memref_slice %arg9[%run_scoped3A_19, %dma_start3A_88, %dma_start3A_89] : memref<2x128x128xf32, #tpu.memory_space<vmem>> -> memref<1x128x128xf32, #tpu.memory_space<vmem>>
      %dma_start3A_91 = tpu.memref_squeeze %dma_start3A_90 : memref<1x128x128xf32, #tpu.memory_space<vmem>> -> memref<128x128xf32, #tpu.memory_space<vmem>>
      tpu.enqueue_dma source(%dma_start3A_91 : memref<128x128xf32, #tpu.memory_space<vmem>>) target(%dma_start3A_87 : memref<128x128xf32, #tpu.memory_space<vmem_shared>>) target_semaphore(%run_scoped3A_80 : memref<!tpu.dma_semaphore, #tpu.memory_space<semaphore_mem>>)
      %dma_wait3A_92 = arith.constant 0 : i32
      %dma_wait3A_93 = arith.constant 0 : i32
      %dma_wait3A_94 = tpu.memref_slice %arg9[%run_scoped3A_19, %dma_wait3A_92, %dma_wait3A_93] : memref<2x128x128xf32, #tpu.memory_space<vmem>> -> memref<1x128x128xf32, #tpu.memory_space<vmem>>
      %dma_wait3A_95 = tpu.memref_squeeze %dma_wait3A_94 : memref<1x128x128xf32, #tpu.memory_space<vmem>> -> memref<128x128xf32, #tpu.memory_space<vmem>>
      %dma_wait3A_96 = arith.constant 0 : i32
      %dma_wait3A_97 = tpu.memref_slice %arg10[%add3A_18, %dma_wait3A_96] : memref<10240x128xf32, #tpu.memory_space<vmem_shared>> -> memref<128x128xf32, #tpu.memory_space<vmem_shared>>
      %dma_wait3A_98 = arith.constant 0 : i32
      %dma_wait3A_99 = tpu.memref_slice %arg10[%add3A_18, %dma_wait3A_98] : memref<10240x128xf32, #tpu.memory_space<vmem_shared>> -> memref<128x128xf32, #tpu.memory_space<vmem_shared>>
      %dma_wait3A_100 = arith.constant 0 : i32
      %dma_wait3A_101 = arith.constant 0 : i32
      %dma_wait3A_102 = tpu.memref_slice %arg9[%run_scoped3A_19, %dma_wait3A_100, %dma_wait3A_101] : memref<2x128x128xf32, #tpu.memory_space<vmem>> -> memref<1x128x128xf32, #tpu.memory_space<vmem>>
      %dma_wait3A_103 = tpu.memref_squeeze %dma_wait3A_102 : memref<1x128x128xf32, #tpu.memory_space<vmem>> -> memref<128x128xf32, #tpu.memory_space<vmem>>
      tpu.wait_dma2 semaphore(%run_scoped3A_80 : memref<!tpu.dma_semaphore, #tpu.memory_space<semaphore_mem>>) src(%dma_wait3A_103 : memref<128x128xf32, #tpu.memory_space<vmem>>) dst(%dma_wait3A_99 : memref<128x128xf32, #tpu.memory_space<vmem_shared>>)
      tpu.yield
    }) : () -> ()
    %barrier3A = arith.constant 0 : index
    tpu.barrier barrier_id(%barrier3A)
    %scan3A = arith.constant 0 : i32
    %scan3A_20 = arith.constant 0 : i32
    %scan3A_21 = arith.constant 5 : i32
    %scan3A_22 = arith.addi %scan3A_20, %scan3A_21 : i32
    %scan3A_23 = arith.constant 1 : i32
    %scan3A_24 = scf.for %scan3A_80 = %scan3A_20 to %scan3A_22 step %scan3A_23 iter_args(%scan3A_81 = %scan3A) -> (i32)  : i32 {
      %gt3A = arith.constant 0 : i32
      %gt3A_82 = arith.cmpi sgt, %scan3A_80, %gt3A : i32
      %convert_element_type3A = arith.extui %gt3A_82 : i1 to i32
      %cond3A = arith.constant 0 : i32
      %cond3A_83 = arith.cmpi ne, %convert_element_type3A, %cond3A : i32
      scf.if %cond3A_83 {
        %dma_wait3A_106 = arith.constant 0 : i32
        %dma_wait3A_107 = arith.constant 0 : i32
        %dma_wait3A_108 = arith.constant 0 : i32
        %dma_wait3A_109 = arith.constant 0 : i32
        %dma_wait3A_110 = tpu.memref_slice %arg9[%dma_wait3A_106, %dma_wait3A_108, %dma_wait3A_109] : memref<2x128x128xf32, #tpu.memory_space<vmem>> -> memref<1x128x128xf32, #tpu.memory_space<vmem>>
        %dma_wait3A_111 = tpu.memref_squeeze %dma_wait3A_110 : memref<1x128x128xf32, #tpu.memory_space<vmem>> -> memref<128x128xf32, #tpu.memory_space<vmem>>
        %dma_wait3A_112 = arith.constant 0 : i32
        %dma_wait3A_113 = tpu.memref_slice %arg8[%dma_wait3A_107, %dma_wait3A_112] : memref<16x128xi32, #tpu.memory_space<vmem>> -> memref<1x128xi32, #tpu.memory_space<vmem>>
        %dma_wait3A_114 = tpu.memref_squeeze %dma_wait3A_113 : memref<1x128xi32, #tpu.memory_space<vmem>> -> memref<128xi32, #tpu.memory_space<vmem>>
        %dma_wait3A_115 = arith.constant 0 : i32
        %dma_wait3A_116 = arith.constant 0 : i32
        %dma_wait3A_117 = tpu.memref_slice %arg10[%dma_wait3A_115, %dma_wait3A_116] : memref<10240x128xf32, #tpu.memory_space<vmem_shared>> -> memref<10240x128xf32, #tpu.memory_space<vmem_shared>>
        tpu.wait_indirect_dma semaphore(%arg13 : memref<!tpu.dma_semaphore, #tpu.memory_space<semaphore_mem>>) src(%dma_wait3A_111 : memref<128x128xf32, #tpu.memory_space<vmem>>) dst(%dma_wait3A_117 : memref<10240x128xf32, #tpu.memory_space<vmem_shared>>)
        %dma_wait3A_118 = arith.constant 1 : i32
        %dma_wait3A_119 = arith.constant 0 : i32
        %dma_wait3A_120 = arith.constant 0 : i32
        %dma_wait3A_121 = arith.constant 0 : i32
        %dma_wait3A_122 = tpu.memref_slice %arg9[%dma_wait3A_118, %dma_wait3A_120, %dma_wait3A_121] : memref<2x128x128xf32, #tpu.memory_space<vmem>> -> memref<1x128x128xf32, #tpu.memory_space<vmem>>
        %dma_wait3A_123 = tpu.memref_squeeze %dma_wait3A_122 : memref<1x128x128xf32, #tpu.memory_space<vmem>> -> memref<128x128xf32, #tpu.memory_space<vmem>>
        %dma_wait3A_124 = arith.constant 0 : i32
        %dma_wait3A_125 = tpu.memref_slice %arg8[%dma_wait3A_119, %dma_wait3A_124] : memref<16x128xi32, #tpu.memory_space<vmem>> -> memref<1x128xi32, #tpu.memory_space<vmem>>
        %dma_wait3A_126 = tpu.memref_squeeze %dma_wait3A_125 : memref<1x128xi32, #tpu.memory_space<vmem>> -> memref<128xi32, #tpu.memory_space<vmem>>
        %dma_wait3A_127 = arith.constant 0 : i32
        %dma_wait3A_128 = arith.constant 0 : i32
        %dma_wait3A_129 = tpu.memref_slice %arg10[%dma_wait3A_127, %dma_wait3A_128] : memref<10240x128xf32, #tpu.memory_space<vmem_shared>> -> memref<10240x128xf32, #tpu.memory_space<vmem_shared>>
        tpu.wait_indirect_dma semaphore(%arg14 : memref<!tpu.dma_semaphore, #tpu.memory_space<semaphore_mem>>) src(%dma_wait3A_123 : memref<128x128xf32, #tpu.memory_space<vmem>>) dst(%dma_wait3A_129 : memref<10240x128xf32, #tpu.memory_space<vmem_shared>>)
      } else {
      }
      %mul3A_84 = arith.constant 16 : i32
      %mul3A_85 = arith.muli %scan3A_80, %mul3A_84 : i32
      %add3A_86 = arith.addi %mul3A_2, %mul3A_85 : i32
      "tpu.region"() ({
        %run_scoped3A_106 = tpu.sem_alloc : memref<!tpu.dma_semaphore, #tpu.memory_space<semaphore_mem>>
        %dma_start3A_107 = arith.constant 0 : i32
        %dma_start3A_108 = tpu.memref_slice %arg3[%add3A_86, %dma_start3A_107] : memref<2560x128xi32, #tpu.memory_space<hbm>> -> memref<16x128xi32, #tpu.memory_space<hbm>>
        %dma_start3A_109 = arith.constant 0 : i32
        %dma_start3A_110 = tpu.memref_slice %arg3[%add3A_86, %dma_start3A_109] : memref<2560x128xi32, #tpu.memory_space<hbm>> -> memref<16x128xi32, #tpu.memory_space<hbm>>
        tpu.enqueue_dma source(%dma_start3A_110 : memref<16x128xi32, #tpu.memory_space<hbm>>) target(%arg7 : memref<16x128xi32, #tpu.memory_space<vmem>>) target_semaphore(%run_scoped3A_106 : memref<!tpu.dma_semaphore, #tpu.memory_space<semaphore_mem>>)
        %dma_wait3A_111 = arith.constant 0 : i32
        %dma_wait3A_112 = tpu.memref_slice %arg3[%add3A_86, %dma_wait3A_111] : memref<2560x128xi32, #tpu.memory_space<hbm>> -> memref<16x128xi32, #tpu.memory_space<hbm>>
        %dma_wait3A_113 = arith.constant 0 : i32
        %dma_wait3A_114 = tpu.memref_slice %arg3[%add3A_86, %dma_wait3A_113] : memref<2560x128xi32, #tpu.memory_space<hbm>> -> memref<16x128xi32, #tpu.memory_space<hbm>>
        tpu.wait_dma2 semaphore(%run_scoped3A_106 : memref<!tpu.dma_semaphore, #tpu.memory_space<semaphore_mem>>) src(%dma_wait3A_114 : memref<16x128xi32, #tpu.memory_space<hbm>>) dst(%arg7 : memref<16x128xi32, #tpu.memory_space<vmem>>)
        tpu.yield
      }) : () -> ()
      "tpu.region"() ({
        %run_scoped3A_106 = tpu.sem_alloc : memref<!tpu.dma_semaphore, #tpu.memory_space<semaphore_mem>>
        %dma_start3A_107 = arith.constant 0 : i32
        %dma_start3A_108 = tpu.memref_slice %arg4[%add3A_86, %dma_start3A_107] : memref<2560x128xi32, #tpu.memory_space<hbm>> -> memref<16x128xi32, #tpu.memory_space<hbm>>
        %dma_start3A_109 = arith.constant 0 : i32
        %dma_start3A_110 = tpu.memref_slice %arg4[%add3A_86, %dma_start3A_109] : memref<2560x128xi32, #tpu.memory_space<hbm>> -> memref<16x128xi32, #tpu.memory_space<hbm>>
        tpu.enqueue_dma source(%dma_start3A_110 : memref<16x128xi32, #tpu.memory_space<hbm>>) target(%arg8 : memref<16x128xi32, #tpu.memory_space<vmem>>) target_semaphore(%run_scoped3A_106 : memref<!tpu.dma_semaphore, #tpu.memory_space<semaphore_mem>>)
        %dma_wait3A_111 = arith.constant 0 : i32
        %dma_wait3A_112 = tpu.memref_slice %arg4[%add3A_86, %dma_wait3A_111] : memref<2560x128xi32, #tpu.memory_space<hbm>> -> memref<16x128xi32, #tpu.memory_space<hbm>>
        %dma_wait3A_113 = arith.constant 0 : i32
        %dma_wait3A_114 = tpu.memref_slice %arg4[%add3A_86, %dma_wait3A_113] : memref<2560x128xi32, #tpu.memory_space<hbm>> -> memref<16x128xi32, #tpu.memory_space<hbm>>
        tpu.wait_dma2 semaphore(%run_scoped3A_106 : memref<!tpu.dma_semaphore, #tpu.memory_space<semaphore_mem>>) src(%dma_wait3A_114 : memref<16x128xi32, #tpu.memory_space<hbm>>) dst(%arg8 : memref<16x128xi32, #tpu.memory_space<vmem>>)
        tpu.yield
      }) : () -> ()
      %dma_start3A = arith.constant 0 : i32
      %dma_start3A_87 = arith.constant 0 : i32
      %dma_start3A_88 = arith.constant 0 : i32
      %dma_start3A_89 = arith.constant 0 : i32
      %dma_start3A_90 = tpu.memref_slice %arg9[%dma_start3A_87, %dma_start3A_88, %dma_start3A_89] : memref<2x128x128xf32, #tpu.memory_space<vmem>> -> memref<1x128x128xf32, #tpu.memory_space<vmem>>
      %dma_start3A_91 = tpu.memref_squeeze %dma_start3A_90 : memref<1x128x128xf32, #tpu.memory_space<vmem>> -> memref<128x128xf32, #tpu.memory_space<vmem>>
      %dma_start3A_92 = arith.constant 0 : i32
      %dma_start3A_93 = tpu.memref_slice %arg7[%dma_start3A, %dma_start3A_92] : memref<16x128xi32, #tpu.memory_space<vmem>> -> memref<1x128xi32, #tpu.memory_space<vmem>>
      %dma_start3A_94 = tpu.memref_squeeze %dma_start3A_93 : memref<1x128xi32, #tpu.memory_space<vmem>> -> memref<128xi32, #tpu.memory_space<vmem>>
      %dma_start3A_95 = arith.constant 0 : i32
      %dma_start3A_96 = arith.constant 0 : i32
      %dma_start3A_97 = tpu.memref_slice %arg2[%dma_start3A_95, %dma_start3A_96] : memref<10240x128xf32, #tpu.memory_space<hbm>> -> memref<10240x128xf32, #tpu.memory_space<hbm>>
      tpu.enqueue_indirect_dma source(%dma_start3A_97 : memref<10240x128xf32, #tpu.memory_space<hbm>>) target(%dma_start3A_91 : memref<128x128xf32, #tpu.memory_space<vmem>>) offsets(%dma_start3A_94 : memref<128xi32, #tpu.memory_space<vmem>>) semaphore(%arg11 : memref<!tpu.dma_semaphore, #tpu.memory_space<semaphore_mem>>)
      %scan3A_98 = arith.constant 0 : i32
      %scan3A_99 = arith.constant 0 : i32
      %scan3A_100 = arith.constant 8 : i32
      %scan3A_101 = arith.addi %scan3A_99, %scan3A_100 : i32
      %scan3A_102 = arith.constant 1 : i32
      %scan3A_103 = scf.for %scan3A_106 = %scan3A_99 to %scan3A_101 step %scan3A_102 iter_args(%scan3A_107 = %scan3A_98) -> (i32)  : i32 {
        %mul3A_108 = arith.constant 2 : i32
        %mul3A_109 = arith.muli %mul3A_108, %scan3A_106 : i32
        %gt3A_110 = arith.constant 0 : i32
        %gt3A_111 = arith.cmpi sgt, %scan3A_106, %gt3A_110 : i32
        %convert_element_type3A_112 = arith.extui %gt3A_111 : i1 to i32
        %cond3A_113 = arith.constant 0 : i32
        %cond3A_114 = arith.cmpi ne, %convert_element_type3A_112, %cond3A_113 : i32
        scf.if %cond3A_114 {
          %dma_wait3A_183 = arith.constant 1 : i32
          %dma_wait3A_184 = arith.constant 0 : i32
          %dma_wait3A_185 = arith.constant 0 : i32
          %dma_wait3A_186 = arith.constant 0 : i32
          %dma_wait3A_187 = tpu.memref_slice %arg9[%dma_wait3A_183, %dma_wait3A_185, %dma_wait3A_186] : memref<2x128x128xf32, #tpu.memory_space<vmem>> -> memref<1x128x128xf32, #tpu.memory_space<vmem>>
          %dma_wait3A_188 = tpu.memref_squeeze %dma_wait3A_187 : memref<1x128x128xf32, #tpu.memory_space<vmem>> -> memref<128x128xf32, #tpu.memory_space<vmem>>
          %dma_wait3A_189 = arith.constant 0 : i32
          %dma_wait3A_190 = tpu.memref_slice %arg8[%dma_wait3A_184, %dma_wait3A_189] : memref<16x128xi32, #tpu.memory_space<vmem>> -> memref<1x128xi32, #tpu.memory_space<vmem>>
          %dma_wait3A_191 = tpu.memref_squeeze %dma_wait3A_190 : memref<1x128xi32, #tpu.memory_space<vmem>> -> memref<128xi32, #tpu.memory_space<vmem>>
          %dma_wait3A_192 = arith.constant 0 : i32
          %dma_wait3A_193 = arith.constant 0 : i32
          %dma_wait3A_194 = tpu.memref_slice %arg10[%dma_wait3A_192, %dma_wait3A_193] : memref<10240x128xf32, #tpu.memory_space<vmem_shared>> -> memref<10240x128xf32, #tpu.memory_space<vmem_shared>>
          tpu.wait_indirect_dma semaphore(%arg14 : memref<!tpu.dma_semaphore, #tpu.memory_space<semaphore_mem>>) src(%dma_wait3A_188 : memref<128x128xf32, #tpu.memory_space<vmem>>) dst(%dma_wait3A_194 : memref<10240x128xf32, #tpu.memory_space<vmem_shared>>)
        } else {
        }
        %add3A_115 = arith.constant 1 : i32
        %add3A_116 = arith.addi %mul3A_109, %add3A_115 : i32
        %dma_start3A_117 = arith.constant 1 : i32
        %dma_start3A_118 = arith.constant 0 : i32
        %dma_start3A_119 = arith.constant 0 : i32
        %dma_start3A_120 = tpu.memref_slice %arg9[%dma_start3A_117, %dma_start3A_118, %dma_start3A_119] : memref<2x128x128xf32, #tpu.memory_space<vmem>> -> memref<1x128x128xf32, #tpu.memory_space<vmem>>
        %dma_start3A_121 = tpu.memref_squeeze %dma_start3A_120 : memref<1x128x128xf32, #tpu.memory_space<vmem>> -> memref<128x128xf32, #tpu.memory_space<vmem>>
        %dma_start3A_122 = arith.constant 0 : i32
        %dma_start3A_123 = tpu.memref_slice %arg7[%add3A_116, %dma_start3A_122] : memref<16x128xi32, #tpu.memory_space<vmem>> -> memref<1x128xi32, #tpu.memory_space<vmem>>
        %dma_start3A_124 = tpu.memref_squeeze %dma_start3A_123 : memref<1x128xi32, #tpu.memory_space<vmem>> -> memref<128xi32, #tpu.memory_space<vmem>>
        %dma_start3A_125 = arith.constant 0 : i32
        %dma_start3A_126 = arith.constant 0 : i32
        %dma_start3A_127 = tpu.memref_slice %arg2[%dma_start3A_125, %dma_start3A_126] : memref<10240x128xf32, #tpu.memory_space<hbm>> -> memref<10240x128xf32, #tpu.memory_space<hbm>>
        tpu.enqueue_indirect_dma source(%dma_start3A_127 : memref<10240x128xf32, #tpu.memory_space<hbm>>) target(%dma_start3A_121 : memref<128x128xf32, #tpu.memory_space<vmem>>) offsets(%dma_start3A_124 : memref<128xi32, #tpu.memory_space<vmem>>) semaphore(%arg12 : memref<!tpu.dma_semaphore, #tpu.memory_space<semaphore_mem>>)
        %dma_wait3A_128 = arith.constant 0 : i32
        %dma_wait3A_129 = arith.constant 0 : i32
        %dma_wait3A_130 = arith.constant 0 : i32
        %dma_wait3A_131 = tpu.memref_slice %arg9[%dma_wait3A_128, %dma_wait3A_129, %dma_wait3A_130] : memref<2x128x128xf32, #tpu.memory_space<vmem>> -> memref<1x128x128xf32, #tpu.memory_space<vmem>>
        %dma_wait3A_132 = tpu.memref_squeeze %dma_wait3A_131 : memref<1x128x128xf32, #tpu.memory_space<vmem>> -> memref<128x128xf32, #tpu.memory_space<vmem>>
        %dma_wait3A_133 = arith.constant 0 : i32
        %dma_wait3A_134 = tpu.memref_slice %arg7[%mul3A_109, %dma_wait3A_133] : memref<16x128xi32, #tpu.memory_space<vmem>> -> memref<1x128xi32, #tpu.memory_space<vmem>>
        %dma_wait3A_135 = tpu.memref_squeeze %dma_wait3A_134 : memref<1x128xi32, #tpu.memory_space<vmem>> -> memref<128xi32, #tpu.memory_space<vmem>>
        %dma_wait3A_136 = arith.constant 0 : i32
        %dma_wait3A_137 = arith.constant 0 : i32
        %dma_wait3A_138 = tpu.memref_slice %arg2[%dma_wait3A_136, %dma_wait3A_137] : memref<10240x128xf32, #tpu.memory_space<hbm>> -> memref<10240x128xf32, #tpu.memory_space<hbm>>
        tpu.wait_indirect_dma semaphore(%arg11 : memref<!tpu.dma_semaphore, #tpu.memory_space<semaphore_mem>>) src(%dma_wait3A_138 : memref<10240x128xf32, #tpu.memory_space<hbm>>) dst(%dma_wait3A_132 : memref<128x128xf32, #tpu.memory_space<vmem>>)
        %dma_start3A_139 = arith.constant 0 : i32
        %dma_start3A_140 = arith.constant 0 : i32
        %dma_start3A_141 = arith.constant 0 : i32
        %dma_start3A_142 = tpu.memref_slice %arg9[%dma_start3A_139, %dma_start3A_140, %dma_start3A_141] : memref<2x128x128xf32, #tpu.memory_space<vmem>> -> memref<1x128x128xf32, #tpu.memory_space<vmem>>
        %dma_start3A_143 = tpu.memref_squeeze %dma_start3A_142 : memref<1x128x128xf32, #tpu.memory_space<vmem>> -> memref<128x128xf32, #tpu.memory_space<vmem>>
        %dma_start3A_144 = arith.constant 0 : i32
        %dma_start3A_145 = tpu.memref_slice %arg8[%mul3A_109, %dma_start3A_144] : memref<16x128xi32, #tpu.memory_space<vmem>> -> memref<1x128xi32, #tpu.memory_space<vmem>>
        %dma_start3A_146 = tpu.memref_squeeze %dma_start3A_145 : memref<1x128xi32, #tpu.memory_space<vmem>> -> memref<128xi32, #tpu.memory_space<vmem>>
        %dma_start3A_147 = arith.constant 0 : i32
        %dma_start3A_148 = arith.constant 0 : i32
        %dma_start3A_149 = tpu.memref_slice %arg10[%dma_start3A_147, %dma_start3A_148] : memref<10240x128xf32, #tpu.memory_space<vmem_shared>> -> memref<10240x128xf32, #tpu.memory_space<vmem_shared>>
        tpu.enqueue_indirect_dma source(%dma_start3A_143 : memref<128x128xf32, #tpu.memory_space<vmem>>) target(%dma_start3A_149 : memref<10240x128xf32, #tpu.memory_space<vmem_shared>>) offsets(%dma_start3A_146 : memref<128xi32, #tpu.memory_space<vmem>>) semaphore(%arg13 : memref<!tpu.dma_semaphore, #tpu.memory_space<semaphore_mem>>) {add = true}
        %add3A_150 = arith.constant 2 : i32
        %add3A_151 = arith.addi %mul3A_109, %add3A_150 : i32
        %lt3A = arith.constant 16 : i32
        %lt3A_152 = arith.cmpi slt, %add3A_151, %lt3A : i32
        %convert_element_type3A_153 = arith.extui %lt3A_152 : i1 to i32
        %cond3A_154 = arith.constant 0 : i32
        %cond3A_155 = arith.cmpi ne, %convert_element_type3A_153, %cond3A_154 : i32
        scf.if %cond3A_155 {
          %dma_wait3A_183 = arith.constant 0 : i32
          %dma_wait3A_184 = arith.constant 0 : i32
          %dma_wait3A_185 = arith.constant 0 : i32
          %dma_wait3A_186 = arith.constant 0 : i32
          %dma_wait3A_187 = tpu.memref_slice %arg9[%dma_wait3A_183, %dma_wait3A_185, %dma_wait3A_186] : memref<2x128x128xf32, #tpu.memory_space<vmem>> -> memref<1x128x128xf32, #tpu.memory_space<vmem>>
          %dma_wait3A_188 = tpu.memref_squeeze %dma_wait3A_187 : memref<1x128x128xf32, #tpu.memory_space<vmem>> -> memref<128x128xf32, #tpu.memory_space<vmem>>
          %dma_wait3A_189 = arith.constant 0 : i32
          %dma_wait3A_190 = tpu.memref_slice %arg8[%dma_wait3A_184, %dma_wait3A_189] : memref<16x128xi32, #tpu.memory_space<vmem>> -> memref<1x128xi32, #tpu.memory_space<vmem>>
          %dma_wait3A_191 = tpu.memref_squeeze %dma_wait3A_190 : memref<1x128xi32, #tpu.memory_space<vmem>> -> memref<128xi32, #tpu.memory_space<vmem>>
          %dma_wait3A_192 = arith.constant 0 : i32
          %dma_wait3A_193 = arith.constant 0 : i32
          %dma_wait3A_194 = tpu.memref_slice %arg10[%dma_wait3A_192, %dma_wait3A_193] : memref<10240x128xf32, #tpu.memory_space<vmem_shared>> -> memref<10240x128xf32, #tpu.memory_space<vmem_shared>>
          tpu.wait_indirect_dma semaphore(%arg13 : memref<!tpu.dma_semaphore, #tpu.memory_space<semaphore_mem>>) src(%dma_wait3A_188 : memref<128x128xf32, #tpu.memory_space<vmem>>) dst(%dma_wait3A_194 : memref<10240x128xf32, #tpu.memory_space<vmem_shared>>)
          %add3A_195 = arith.constant 2 : i32
          %add3A_196 = arith.addi %mul3A_109, %add3A_195 : i32
          %dma_start3A_197 = arith.constant 0 : i32
          %dma_start3A_198 = arith.constant 0 : i32
          %dma_start3A_199 = arith.constant 0 : i32
          %dma_start3A_200 = tpu.memref_slice %arg9[%dma_start3A_197, %dma_start3A_198, %dma_start3A_199] : memref<2x128x128xf32, #tpu.memory_space<vmem>> -> memref<1x128x128xf32, #tpu.memory_space<vmem>>
          %dma_start3A_201 = tpu.memref_squeeze %dma_start3A_200 : memref<1x128x128xf32, #tpu.memory_space<vmem>> -> memref<128x128xf32, #tpu.memory_space<vmem>>
          %dma_start3A_202 = arith.constant 0 : i32
          %dma_start3A_203 = tpu.memref_slice %arg7[%add3A_196, %dma_start3A_202] : memref<16x128xi32, #tpu.memory_space<vmem>> -> memref<1x128xi32, #tpu.memory_space<vmem>>
          %dma_start3A_204 = tpu.memref_squeeze %dma_start3A_203 : memref<1x128xi32, #tpu.memory_space<vmem>> -> memref<128xi32, #tpu.memory_space<vmem>>
          %dma_start3A_205 = arith.constant 0 : i32
          %dma_start3A_206 = arith.constant 0 : i32
          %dma_start3A_207 = tpu.memref_slice %arg2[%dma_start3A_205, %dma_start3A_206] : memref<10240x128xf32, #tpu.memory_space<hbm>> -> memref<10240x128xf32, #tpu.memory_space<hbm>>
          tpu.enqueue_indirect_dma source(%dma_start3A_207 : memref<10240x128xf32, #tpu.memory_space<hbm>>) target(%dma_start3A_201 : memref<128x128xf32, #tpu.memory_space<vmem>>) offsets(%dma_start3A_204 : memref<128xi32, #tpu.memory_space<vmem>>) semaphore(%arg11 : memref<!tpu.dma_semaphore, #tpu.memory_space<semaphore_mem>>)
        } else {
        }
        %add3A_156 = arith.constant 1 : i32
        %add3A_157 = arith.addi %mul3A_109, %add3A_156 : i32
        %dma_wait3A_158 = arith.constant 1 : i32
        %dma_wait3A_159 = arith.constant 0 : i32
        %dma_wait3A_160 = arith.constant 0 : i32
        %dma_wait3A_161 = tpu.memref_slice %arg9[%dma_wait3A_158, %dma_wait3A_159, %dma_wait3A_160] : memref<2x128x128xf32, #tpu.memory_space<vmem>> -> memref<1x128x128xf32, #tpu.memory_space<vmem>>
        %dma_wait3A_162 = tpu.memref_squeeze %dma_wait3A_161 : memref<1x128x128xf32, #tpu.memory_space<vmem>> -> memref<128x128xf32, #tpu.memory_space<vmem>>
        %dma_wait3A_163 = arith.constant 0 : i32
        %dma_wait3A_164 = tpu.memref_slice %arg7[%add3A_157, %dma_wait3A_163] : memref<16x128xi32, #tpu.memory_space<vmem>> -> memref<1x128xi32, #tpu.memory_space<vmem>>
        %dma_wait3A_165 = tpu.memref_squeeze %dma_wait3A_164 : memref<1x128xi32, #tpu.memory_space<vmem>> -> memref<128xi32, #tpu.memory_space<vmem>>
        %dma_wait3A_166 = arith.constant 0 : i32
        %dma_wait3A_167 = arith.constant 0 : i32
        %dma_wait3A_168 = tpu.memref_slice %arg2[%dma_wait3A_166, %dma_wait3A_167] : memref<10240x128xf32, #tpu.memory_space<hbm>> -> memref<10240x128xf32, #tpu.memory_space<hbm>>
        tpu.wait_indirect_dma semaphore(%arg12 : memref<!tpu.dma_semaphore, #tpu.memory_space<semaphore_mem>>) src(%dma_wait3A_168 : memref<10240x128xf32, #tpu.memory_space<hbm>>) dst(%dma_wait3A_162 : memref<128x128xf32, #tpu.memory_space<vmem>>)
        %add3A_169 = arith.constant 1 : i32
        %add3A_170 = arith.addi %mul3A_109, %add3A_169 : i32
        %dma_start3A_171 = arith.constant 1 : i32
        %dma_start3A_172 = arith.constant 0 : i32
        %dma_start3A_173 = arith.constant 0 : i32
        %dma_start3A_174 = tpu.memref_slice %arg9[%dma_start3A_171, %dma_start3A_172, %dma_start3A_173] : memref<2x128x128xf32, #tpu.memory_space<vmem>> -> memref<1x128x128xf32, #tpu.memory_space<vmem>>
        %dma_start3A_175 = tpu.memref_squeeze %dma_start3A_174 : memref<1x128x128xf32, #tpu.memory_space<vmem>> -> memref<128x128xf32, #tpu.memory_space<vmem>>
        %dma_start3A_176 = arith.constant 0 : i32
        %dma_start3A_177 = tpu.memref_slice %arg8[%add3A_170, %dma_start3A_176] : memref<16x128xi32, #tpu.memory_space<vmem>> -> memref<1x128xi32, #tpu.memory_space<vmem>>
        %dma_start3A_178 = tpu.memref_squeeze %dma_start3A_177 : memref<1x128xi32, #tpu.memory_space<vmem>> -> memref<128xi32, #tpu.memory_space<vmem>>
        %dma_start3A_179 = arith.constant 0 : i32
        %dma_start3A_180 = arith.constant 0 : i32
        %dma_start3A_181 = tpu.memref_slice %arg10[%dma_start3A_179, %dma_start3A_180] : memref<10240x128xf32, #tpu.memory_space<vmem_shared>> -> memref<10240x128xf32, #tpu.memory_space<vmem_shared>>
        tpu.enqueue_indirect_dma source(%dma_start3A_175 : memref<128x128xf32, #tpu.memory_space<vmem>>) target(%dma_start3A_181 : memref<10240x128xf32, #tpu.memory_space<vmem_shared>>) offsets(%dma_start3A_178 : memref<128xi32, #tpu.memory_space<vmem>>) semaphore(%arg14 : memref<!tpu.dma_semaphore, #tpu.memory_space<semaphore_mem>>) {add = true}
        %scan3A_182 = arith.constant 0 : i32
        scf.yield %scan3A_182 : i32
      }
      %scan3A_104 = arith.constant 8 : i32
      %scan3A_105 = arith.constant 0 : i32
      scf.yield %scan3A_105 : i32
    }
    %scan3A_25 = arith.constant 5 : i32
    %dma_wait3A = arith.constant 0 : i32
    %dma_wait3A_26 = arith.constant 0 : i32
    %dma_wait3A_27 = arith.constant 0 : i32
    %dma_wait3A_28 = arith.constant 0 : i32
    %dma_wait3A_29 = tpu.memref_slice %arg9[%dma_wait3A, %dma_wait3A_27, %dma_wait3A_28] : memref<2x128x128xf32, #tpu.memory_space<vmem>> -> memref<1x128x128xf32, #tpu.memory_space<vmem>>
    %dma_wait3A_30 = tpu.memref_squeeze %dma_wait3A_29 : memref<1x128x128xf32, #tpu.memory_space<vmem>> -> memref<128x128xf32, #tpu.memory_space<vmem>>
    %dma_wait3A_31 = arith.constant 0 : i32
    %dma_wait3A_32 = tpu.memref_slice %arg8[%dma_wait3A_26, %dma_wait3A_31] : memref<16x128xi32, #tpu.memory_space<vmem>> -> memref<1x128xi32, #tpu.memory_space<vmem>>
    %dma_wait3A_33 = tpu.memref_squeeze %dma_wait3A_32 : memref<1x128xi32, #tpu.memory_space<vmem>> -> memref<128xi32, #tpu.memory_space<vmem>>
    %dma_wait3A_34 = arith.constant 0 : i32
    %dma_wait3A_35 = arith.constant 0 : i32
    %dma_wait3A_36 = tpu.memref_slice %arg10[%dma_wait3A_34, %dma_wait3A_35] : memref<10240x128xf32, #tpu.memory_space<vmem_shared>> -> memref<10240x128xf32, #tpu.memory_space<vmem_shared>>
    tpu.wait_indirect_dma semaphore(%arg13 : memref<!tpu.dma_semaphore, #tpu.memory_space<semaphore_mem>>) src(%dma_wait3A_30 : memref<128x128xf32, #tpu.memory_space<vmem>>) dst(%dma_wait3A_36 : memref<10240x128xf32, #tpu.memory_space<vmem_shared>>)
    %dma_wait3A_37 = arith.constant 1 : i32
    %dma_wait3A_38 = arith.constant 0 : i32
    %dma_wait3A_39 = arith.constant 0 : i32
    %dma_wait3A_40 = arith.constant 0 : i32
    %dma_wait3A_41 = tpu.memref_slice %arg9[%dma_wait3A_37, %dma_wait3A_39, %dma_wait3A_40] : memref<2x128x128xf32, #tpu.memory_space<vmem>> -> memref<1x128x128xf32, #tpu.memory_space<vmem>>
    %dma_wait3A_42 = tpu.memref_squeeze %dma_wait3A_41 : memref<1x128x128xf32, #tpu.memory_space<vmem>> -> memref<128x128xf32, #tpu.memory_space<vmem>>
    %dma_wait3A_43 = arith.constant 0 : i32
    %dma_wait3A_44 = tpu.memref_slice %arg8[%dma_wait3A_38, %dma_wait3A_43] : memref<16x128xi32, #tpu.memory_space<vmem>> -> memref<1x128xi32, #tpu.memory_space<vmem>>
    %dma_wait3A_45 = tpu.memref_squeeze %dma_wait3A_44 : memref<1x128xi32, #tpu.memory_space<vmem>> -> memref<128xi32, #tpu.memory_space<vmem>>
    %dma_wait3A_46 = arith.constant 0 : i32
    %dma_wait3A_47 = arith.constant 0 : i32
    %dma_wait3A_48 = tpu.memref_slice %arg10[%dma_wait3A_46, %dma_wait3A_47] : memref<10240x128xf32, #tpu.memory_space<vmem_shared>> -> memref<10240x128xf32, #tpu.memory_space<vmem_shared>>
    tpu.wait_indirect_dma semaphore(%arg14 : memref<!tpu.dma_semaphore, #tpu.memory_space<semaphore_mem>>) src(%dma_wait3A_42 : memref<128x128xf32, #tpu.memory_space<vmem>>) dst(%dma_wait3A_48 : memref<10240x128xf32, #tpu.memory_space<vmem_shared>>)
    %barrier3A_49 = arith.constant 0 : index
    tpu.barrier barrier_id(%barrier3A_49)
    %add3A_50 = arith.constant 0 : i32
    %add3A_51 = arith.addi %mul3A_4, %add3A_50 : i32
    %run_scoped3A_52 = arith.constant 0 : i32
    "tpu.region"() ({
      %run_scoped3A_80 = tpu.sem_alloc : memref<!tpu.dma_semaphore, #tpu.memory_space<semaphore_mem>>
      %dma_start3A = arith.constant 0 : i32
      %dma_start3A_81 = arith.constant 0 : i32
      %dma_start3A_82 = tpu.memref_slice %arg9[%run_scoped3A_52, %dma_start3A, %dma_start3A_81] : memref<2x128x128xf32, #tpu.memory_space<vmem>> -> memref<1x128x128xf32, #tpu.memory_space<vmem>>
      %dma_start3A_83 = tpu.memref_squeeze %dma_start3A_82 : memref<1x128x128xf32, #tpu.memory_space<vmem>> -> memref<128x128xf32, #tpu.memory_space<vmem>>
      %dma_start3A_84 = arith.constant 0 : i32
      %dma_start3A_85 = tpu.memref_slice %arg10[%add3A_51, %dma_start3A_84] : memref<10240x128xf32, #tpu.memory_space<vmem_shared>> -> memref<128x128xf32, #tpu.memory_space<vmem_shared>>
      %dma_start3A_86 = arith.constant 0 : i32
      %dma_start3A_87 = arith.constant 0 : i32
      %dma_start3A_88 = tpu.memref_slice %arg9[%run_scoped3A_52, %dma_start3A_86, %dma_start3A_87] : memref<2x128x128xf32, #tpu.memory_space<vmem>> -> memref<1x128x128xf32, #tpu.memory_space<vmem>>
      %dma_start3A_89 = tpu.memref_squeeze %dma_start3A_88 : memref<1x128x128xf32, #tpu.memory_space<vmem>> -> memref<128x128xf32, #tpu.memory_space<vmem>>
      %dma_start3A_90 = arith.constant 0 : i32
      %dma_start3A_91 = tpu.memref_slice %arg10[%add3A_51, %dma_start3A_90] : memref<10240x128xf32, #tpu.memory_space<vmem_shared>> -> memref<128x128xf32, #tpu.memory_space<vmem_shared>>
      tpu.enqueue_dma source(%dma_start3A_91 : memref<128x128xf32, #tpu.memory_space<vmem_shared>>) target(%dma_start3A_89 : memref<128x128xf32, #tpu.memory_space<vmem>>) target_semaphore(%run_scoped3A_80 : memref<!tpu.dma_semaphore, #tpu.memory_space<semaphore_mem>>)
      %dma_wait3A_92 = arith.constant 0 : i32
      %dma_wait3A_93 = arith.constant 0 : i32
      %dma_wait3A_94 = tpu.memref_slice %arg9[%run_scoped3A_52, %dma_wait3A_92, %dma_wait3A_93] : memref<2x128x128xf32, #tpu.memory_space<vmem>> -> memref<1x128x128xf32, #tpu.memory_space<vmem>>
      %dma_wait3A_95 = tpu.memref_squeeze %dma_wait3A_94 : memref<1x128x128xf32, #tpu.memory_space<vmem>> -> memref<128x128xf32, #tpu.memory_space<vmem>>
      %dma_wait3A_96 = arith.constant 0 : i32
      %dma_wait3A_97 = tpu.memref_slice %arg10[%add3A_51, %dma_wait3A_96] : memref<10240x128xf32, #tpu.memory_space<vmem_shared>> -> memref<128x128xf32, #tpu.memory_space<vmem_shared>>
      %dma_wait3A_98 = arith.constant 0 : i32
      %dma_wait3A_99 = arith.constant 0 : i32
      %dma_wait3A_100 = tpu.memref_slice %arg9[%run_scoped3A_52, %dma_wait3A_98, %dma_wait3A_99] : memref<2x128x128xf32, #tpu.memory_space<vmem>> -> memref<1x128x128xf32, #tpu.memory_space<vmem>>
      %dma_wait3A_101 = tpu.memref_squeeze %dma_wait3A_100 : memref<1x128x128xf32, #tpu.memory_space<vmem>> -> memref<128x128xf32, #tpu.memory_space<vmem>>
      %dma_wait3A_102 = arith.constant 0 : i32
      %dma_wait3A_103 = tpu.memref_slice %arg10[%add3A_51, %dma_wait3A_102] : memref<10240x128xf32, #tpu.memory_space<vmem_shared>> -> memref<128x128xf32, #tpu.memory_space<vmem_shared>>
      tpu.wait_dma2 semaphore(%run_scoped3A_80 : memref<!tpu.dma_semaphore, #tpu.memory_space<semaphore_mem>>) src(%dma_wait3A_103 : memref<128x128xf32, #tpu.memory_space<vmem_shared>>) dst(%dma_wait3A_101 : memref<128x128xf32, #tpu.memory_space<vmem>>)
      tpu.yield
    }) : () -> ()
    %add3A_53 = arith.constant 0 : i32
    %add3A_54 = arith.addi %mul3A_4, %add3A_53 : i32
    %run_scoped3A_55 = arith.constant 0 : i32
    "tpu.region"() ({
      %run_scoped3A_80 = tpu.sem_alloc : memref<!tpu.dma_semaphore, #tpu.memory_space<semaphore_mem>>
      %dma_start3A = arith.constant 0 : i32
      %dma_start3A_81 = arith.constant 0 : i32
      %dma_start3A_82 = tpu.memref_slice %arg9[%run_scoped3A_55, %dma_start3A, %dma_start3A_81] : memref<2x128x128xf32, #tpu.memory_space<vmem>> -> memref<1x128x128xf32, #tpu.memory_space<vmem>>
      %dma_start3A_83 = tpu.memref_squeeze %dma_start3A_82 : memref<1x128x128xf32, #tpu.memory_space<vmem>> -> memref<128x128xf32, #tpu.memory_space<vmem>>
      %dma_start3A_84 = arith.constant 0 : i32
      %dma_start3A_85 = tpu.memref_slice %arg6[%arg0, %add3A_54, %dma_start3A_84] : memref<2x10240x128xf32, #tpu.memory_space<hbm>> -> memref<1x128x128xf32, #tpu.memory_space<hbm>>
      %dma_start3A_86 = tpu.memref_squeeze %dma_start3A_85 : memref<1x128x128xf32, #tpu.memory_space<hbm>> -> memref<128x128xf32, #tpu.memory_space<hbm>>
      %dma_start3A_87 = arith.constant 0 : i32
      %dma_start3A_88 = tpu.memref_slice %arg6[%arg0, %add3A_54, %dma_start3A_87] : memref<2x10240x128xf32, #tpu.memory_space<hbm>> -> memref<1x128x128xf32, #tpu.memory_space<hbm>>
      %dma_start3A_89 = tpu.memref_squeeze %dma_start3A_88 : memref<1x128x128xf32, #tpu.memory_space<hbm>> -> memref<128x128xf32, #tpu.memory_space<hbm>>
      %dma_start3A_90 = arith.constant 0 : i32
      %dma_start3A_91 = arith.constant 0 : i32
      %dma_start3A_92 = tpu.memref_slice %arg9[%run_scoped3A_55, %dma_start3A_90, %dma_start3A_91] : memref<2x128x128xf32, #tpu.memory_space<vmem>> -> memref<1x128x128xf32, #tpu.memory_space<vmem>>
      %dma_start3A_93 = tpu.memref_squeeze %dma_start3A_92 : memref<1x128x128xf32, #tpu.memory_space<vmem>> -> memref<128x128xf32, #tpu.memory_space<vmem>>
      tpu.enqueue_dma source(%dma_start3A_93 : memref<128x128xf32, #tpu.memory_space<vmem>>) target(%dma_start3A_89 : memref<128x128xf32, #tpu.memory_space<hbm>>) target_semaphore(%run_scoped3A_80 : memref<!tpu.dma_semaphore, #tpu.memory_space<semaphore_mem>>)
      %dma_wait3A_94 = arith.constant 0 : i32
      %dma_wait3A_95 = arith.constant 0 : i32
      %dma_wait3A_96 = tpu.memref_slice %arg9[%run_scoped3A_55, %dma_wait3A_94, %dma_wait3A_95] : memref<2x128x128xf32, #tpu.memory_space<vmem>> -> memref<1x128x128xf32, #tpu.memory_space<vmem>>
      %dma_wait3A_97 = tpu.memref_squeeze %dma_wait3A_96 : memref<1x128x128xf32, #tpu.memory_space<vmem>> -> memref<128x128xf32, #tpu.memory_space<vmem>>
      %dma_wait3A_98 = arith.constant 0 : i32
      %dma_wait3A_99 = tpu.memref_slice %arg6[%arg0, %add3A_54, %dma_wait3A_98] : memref<2x10240x128xf32, #tpu.memory_space<hbm>> -> memref<1x128x128xf32, #tpu.memory_space<hbm>>
      %dma_wait3A_100 = tpu.memref_squeeze %dma_wait3A_99 : memref<1x128x128xf32, #tpu.memory_space<hbm>> -> memref<128x128xf32, #tpu.memory_space<hbm>>
      %dma_wait3A_101 = arith.constant 0 : i32
      %dma_wait3A_102 = tpu.memref_slice %arg6[%arg0, %add3A_54, %dma_wait3A_101] : memref<2x10240x128xf32, #tpu.memory_space<hbm>> -> memref<1x128x128xf32, #tpu.memory_space<hbm>>
      %dma_wait3A_103 = tpu.memref_squeeze %dma_wait3A_102 : memref<1x128x128xf32, #tpu.memory_space<hbm>> -> memref<128x128xf32, #tpu.memory_space<hbm>>
      %dma_wait3A_104 = arith.constant 0 : i32
      %dma_wait3A_105 = arith.constant 0 : i32
      %dma_wait3A_106 = tpu.memref_slice %arg9[%run_scoped3A_55, %dma_wait3A_104, %dma_wait3A_105] : memref<2x128x128xf32, #tpu.memory_space<vmem>> -> memref<1x128x128xf32, #tpu.memory_space<vmem>>
      %dma_wait3A_107 = tpu.memref_squeeze %dma_wait3A_106 : memref<1x128x128xf32, #tpu.memory_space<vmem>> -> memref<128x128xf32, #tpu.memory_space<vmem>>
      tpu.wait_dma2 semaphore(%run_scoped3A_80 : memref<!tpu.dma_semaphore, #tpu.memory_space<semaphore_mem>>) src(%dma_wait3A_107 : memref<128x128xf32, #tpu.memory_space<vmem>>) dst(%dma_wait3A_103 : memref<128x128xf32, #tpu.memory_space<hbm>>)
      tpu.yield
    }) : () -> ()
    %add3A_56 = arith.constant 128 : i32
    %add3A_57 = arith.addi %mul3A_4, %add3A_56 : i32
    %run_scoped3A_58 = arith.constant 0 : i32
    "tpu.region"() ({
      %run_scoped3A_80 = tpu.sem_alloc : memref<!tpu.dma_semaphore, #tpu.memory_space<semaphore_mem>>
      %dma_start3A = arith.constant 0 : i32
      %dma_start3A_81 = arith.constant 0 : i32
      %dma_start3A_82 = tpu.memref_slice %arg9[%run_scoped3A_58, %dma_start3A, %dma_start3A_81] : memref<2x128x128xf32, #tpu.memory_space<vmem>> -> memref<1x128x128xf32, #tpu.memory_space<vmem>>
      %dma_start3A_83 = tpu.memref_squeeze %dma_start3A_82 : memref<1x128x128xf32, #tpu.memory_space<vmem>> -> memref<128x128xf32, #tpu.memory_space<vmem>>
      %dma_start3A_84 = arith.constant 0 : i32
      %dma_start3A_85 = tpu.memref_slice %arg10[%add3A_57, %dma_start3A_84] : memref<10240x128xf32, #tpu.memory_space<vmem_shared>> -> memref<128x128xf32, #tpu.memory_space<vmem_shared>>
      %dma_start3A_86 = arith.constant 0 : i32
      %dma_start3A_87 = arith.constant 0 : i32
      %dma_start3A_88 = tpu.memref_slice %arg9[%run_scoped3A_58, %dma_start3A_86, %dma_start3A_87] : memref<2x128x128xf32, #tpu.memory_space<vmem>> -> memref<1x128x128xf32, #tpu.memory_space<vmem>>
      %dma_start3A_89 = tpu.memref_squeeze %dma_start3A_88 : memref<1x128x128xf32, #tpu.memory_space<vmem>> -> memref<128x128xf32, #tpu.memory_space<vmem>>
      %dma_start3A_90 = arith.constant 0 : i32
      %dma_start3A_91 = tpu.memref_slice %arg10[%add3A_57, %dma_start3A_90] : memref<10240x128xf32, #tpu.memory_space<vmem_shared>> -> memref<128x128xf32, #tpu.memory_space<vmem_shared>>
      tpu.enqueue_dma source(%dma_start3A_91 : memref<128x128xf32, #tpu.memory_space<vmem_shared>>) target(%dma_start3A_89 : memref<128x128xf32, #tpu.memory_space<vmem>>) target_semaphore(%run_scoped3A_80 : memref<!tpu.dma_semaphore, #tpu.memory_space<semaphore_mem>>)
      %dma_wait3A_92 = arith.constant 0 : i32
      %dma_wait3A_93 = arith.constant 0 : i32
      %dma_wait3A_94 = tpu.memref_slice %arg9[%run_scoped3A_58, %dma_wait3A_92, %dma_wait3A_93] : memref<2x128x128xf32, #tpu.memory_space<vmem>> -> memref<1x128x128xf32, #tpu.memory_space<vmem>>
      %dma_wait3A_95 = tpu.memref_squeeze %dma_wait3A_94 : memref<1x128x128xf32, #tpu.memory_space<vmem>> -> memref<128x128xf32, #tpu.memory_space<vmem>>
      %dma_wait3A_96 = arith.constant 0 : i32
      %dma_wait3A_97 = tpu.memref_slice %arg10[%add3A_57, %dma_wait3A_96] : memref<10240x128xf32, #tpu.memory_space<vmem_shared>> -> memref<128x128xf32, #tpu.memory_space<vmem_shared>>
      %dma_wait3A_98 = arith.constant 0 : i32
      %dma_wait3A_99 = arith.constant 0 : i32
      %dma_wait3A_100 = tpu.memref_slice %arg9[%run_scoped3A_58, %dma_wait3A_98, %dma_wait3A_99] : memref<2x128x128xf32, #tpu.memory_space<vmem>> -> memref<1x128x128xf32, #tpu.memory_space<vmem>>
      %dma_wait3A_101 = tpu.memref_squeeze %dma_wait3A_100 : memref<1x128x128xf32, #tpu.memory_space<vmem>> -> memref<128x128xf32, #tpu.memory_space<vmem>>
      %dma_wait3A_102 = arith.constant 0 : i32
      %dma_wait3A_103 = tpu.memref_slice %arg10[%add3A_57, %dma_wait3A_102] : memref<10240x128xf32, #tpu.memory_space<vmem_shared>> -> memref<128x128xf32, #tpu.memory_space<vmem_shared>>
      tpu.wait_dma2 semaphore(%run_scoped3A_80 : memref<!tpu.dma_semaphore, #tpu.memory_space<semaphore_mem>>) src(%dma_wait3A_103 : memref<128x128xf32, #tpu.memory_space<vmem_shared>>) dst(%dma_wait3A_101 : memref<128x128xf32, #tpu.memory_space<vmem>>)
      tpu.yield
    }) : () -> ()
    %add3A_59 = arith.constant 128 : i32
    %add3A_60 = arith.addi %mul3A_4, %add3A_59 : i32
    %run_scoped3A_61 = arith.constant 0 : i32
    "tpu.region"() ({
      %run_scoped3A_80 = tpu.sem_alloc : memref<!tpu.dma_semaphore, #tpu.memory_space<semaphore_mem>>
      %dma_start3A = arith.constant 0 : i32
      %dma_start3A_81 = arith.constant 0 : i32
      %dma_start3A_82 = tpu.memref_slice %arg9[%run_scoped3A_61, %dma_start3A, %dma_start3A_81] : memref<2x128x128xf32, #tpu.memory_space<vmem>> -> memref<1x128x128xf32, #tpu.memory_space<vmem>>
      %dma_start3A_83 = tpu.memref_squeeze %dma_start3A_82 : memref<1x128x128xf32, #tpu.memory_space<vmem>> -> memref<128x128xf32, #tpu.memory_space<vmem>>
      %dma_start3A_84 = arith.constant 0 : i32
      %dma_start3A_85 = tpu.memref_slice %arg6[%arg0, %add3A_60, %dma_start3A_84] : memref<2x10240x128xf32, #tpu.memory_space<hbm>> -> memref<1x128x128xf32, #tpu.memory_space<hbm>>
      %dma_start3A_86 = tpu.memref_squeeze %dma_start3A_85 : memref<1x128x128xf32, #tpu.memory_space<hbm>> -> memref<128x128xf32, #tpu.memory_space<hbm>>
      %dma_start3A_87 = arith.constant 0 : i32
      %dma_start3A_88 = tpu.memref_slice %arg6[%arg0, %add3A_60, %dma_start3A_87] : memref<2x10240x128xf32, #tpu.memory_space<hbm>> -> memref<1x128x128xf32, #tpu.memory_space<hbm>>
      %dma_start3A_89 = tpu.memref_squeeze %dma_start3A_88 : memref<1x128x128xf32, #tpu.memory_space<hbm>> -> memref<128x128xf32, #tpu.memory_space<hbm>>
      %dma_start3A_90 = arith.constant 0 : i32
      %dma_start3A_91 = arith.constant 0 : i32
      %dma_start3A_92 = tpu.memref_slice %arg9[%run_scoped3A_61, %dma_start3A_90, %dma_start3A_91] : memref<2x128x128xf32, #tpu.memory_space<vmem>> -> memref<1x128x128xf32, #tpu.memory_space<vmem>>
      %dma_start3A_93 = tpu.memref_squeeze %dma_start3A_92 : memref<1x128x128xf32, #tpu.memory_space<vmem>> -> memref<128x128xf32, #tpu.memory_space<vmem>>
      tpu.enqueue_dma source(%dma_start3A_93 : memref<128x128xf32, #tpu.memory_space<vmem>>) target(%dma_start3A_89 : memref<128x128xf32, #tpu.memory_space<hbm>>) target_semaphore(%run_scoped3A_80 : memref<!tpu.dma_semaphore, #tpu.memory_space<semaphore_mem>>)
      %dma_wait3A_94 = arith.constant 0 : i32
      %dma_wait3A_95 = arith.constant 0 : i32
      %dma_wait3A_96 = tpu.memref_slice %arg9[%run_scoped3A_61, %dma_wait3A_94, %dma_wait3A_95] : memref<2x128x128xf32, #tpu.memory_space<vmem>> -> memref<1x128x128xf32, #tpu.memory_space<vmem>>
      %dma_wait3A_97 = tpu.memref_squeeze %dma_wait3A_96 : memref<1x128x128xf32, #tpu.memory_space<vmem>> -> memref<128x128xf32, #tpu.memory_space<vmem>>
      %dma_wait3A_98 = arith.constant 0 : i32
      %dma_wait3A_99 = tpu.memref_slice %arg6[%arg0, %add3A_60, %dma_wait3A_98] : memref<2x10240x128xf32, #tpu.memory_space<hbm>> -> memref<1x128x128xf32, #tpu.memory_space<hbm>>
      %dma_wait3A_100 = tpu.memref_squeeze %dma_wait3A_99 : memref<1x128x128xf32, #tpu.memory_space<hbm>> -> memref<128x128xf32, #tpu.memory_space<hbm>>
      %dma_wait3A_101 = arith.constant 0 : i32
      %dma_wait3A_102 = tpu.memref_slice %arg6[%arg0, %add3A_60, %dma_wait3A_101] : memref<2x10240x128xf32, #tpu.memory_space<hbm>> -> memref<1x128x128xf32, #tpu.memory_space<hbm>>
      %dma_wait3A_103 = tpu.memref_squeeze %dma_wait3A_102 : memref<1x128x128xf32, #tpu.memory_space<hbm>> -> memref<128x128xf32, #tpu.memory_space<hbm>>
      %dma_wait3A_104 = arith.constant 0 : i32
      %dma_wait3A_105 = arith.constant 0 : i32
      %dma_wait3A_106 = tpu.memref_slice %arg9[%run_scoped3A_61, %dma_wait3A_104, %dma_wait3A_105] : memref<2x128x128xf32, #tpu.memory_space<vmem>> -> memref<1x128x128xf32, #tpu.memory_space<vmem>>
      %dma_wait3A_107 = tpu.memref_squeeze %dma_wait3A_106 : memref<1x128x128xf32, #tpu.memory_space<vmem>> -> memref<128x128xf32, #tpu.memory_space<vmem>>
      tpu.wait_dma2 semaphore(%run_scoped3A_80 : memref<!tpu.dma_semaphore, #tpu.memory_space<semaphore_mem>>) src(%dma_wait3A_107 : memref<128x128xf32, #tpu.memory_space<vmem>>) dst(%dma_wait3A_103 : memref<128x128xf32, #tpu.memory_space<hbm>>)
      tpu.yield
    }) : () -> ()
    %add3A_62 = arith.constant 256 : i32
    %add3A_63 = arith.addi %mul3A_4, %add3A_62 : i32
    %run_scoped3A_64 = arith.constant 0 : i32
    "tpu.region"() ({
      %run_scoped3A_80 = tpu.sem_alloc : memref<!tpu.dma_semaphore, #tpu.memory_space<semaphore_mem>>
      %dma_start3A = arith.constant 0 : i32
      %dma_start3A_81 = arith.constant 0 : i32
      %dma_start3A_82 = tpu.memref_slice %arg9[%run_scoped3A_64, %dma_start3A, %dma_start3A_81] : memref<2x128x128xf32, #tpu.memory_space<vmem>> -> memref<1x128x128xf32, #tpu.memory_space<vmem>>
      %dma_start3A_83 = tpu.memref_squeeze %dma_start3A_82 : memref<1x128x128xf32, #tpu.memory_space<vmem>> -> memref<128x128xf32, #tpu.memory_space<vmem>>
      %dma_start3A_84 = arith.constant 0 : i32
      %dma_start3A_85 = tpu.memref_slice %arg10[%add3A_63, %dma_start3A_84] : memref<10240x128xf32, #tpu.memory_space<vmem_shared>> -> memref<128x128xf32, #tpu.memory_space<vmem_shared>>
      %dma_start3A_86 = arith.constant 0 : i32
      %dma_start3A_87 = arith.constant 0 : i32
      %dma_start3A_88 = tpu.memref_slice %arg9[%run_scoped3A_64, %dma_start3A_86, %dma_start3A_87] : memref<2x128x128xf32, #tpu.memory_space<vmem>> -> memref<1x128x128xf32, #tpu.memory_space<vmem>>
      %dma_start3A_89 = tpu.memref_squeeze %dma_start3A_88 : memref<1x128x128xf32, #tpu.memory_space<vmem>> -> memref<128x128xf32, #tpu.memory_space<vmem>>
      %dma_start3A_90 = arith.constant 0 : i32
      %dma_start3A_91 = tpu.memref_slice %arg10[%add3A_63, %dma_start3A_90] : memref<10240x128xf32, #tpu.memory_space<vmem_shared>> -> memref<128x128xf32, #tpu.memory_space<vmem_shared>>
      tpu.enqueue_dma source(%dma_start3A_91 : memref<128x128xf32, #tpu.memory_space<vmem_shared>>) target(%dma_start3A_89 : memref<128x128xf32, #tpu.memory_space<vmem>>) target_semaphore(%run_scoped3A_80 : memref<!tpu.dma_semaphore, #tpu.memory_space<semaphore_mem>>)
      %dma_wait3A_92 = arith.constant 0 : i32
      %dma_wait3A_93 = arith.constant 0 : i32
      %dma_wait3A_94 = tpu.memref_slice %arg9[%run_scoped3A_64, %dma_wait3A_92, %dma_wait3A_93] : memref<2x128x128xf32, #tpu.memory_space<vmem>> -> memref<1x128x128xf32, #tpu.memory_space<vmem>>
      %dma_wait3A_95 = tpu.memref_squeeze %dma_wait3A_94 : memref<1x128x128xf32, #tpu.memory_space<vmem>> -> memref<128x128xf32, #tpu.memory_space<vmem>>
      %dma_wait3A_96 = arith.constant 0 : i32
      %dma_wait3A_97 = tpu.memref_slice %arg10[%add3A_63, %dma_wait3A_96] : memref<10240x128xf32, #tpu.memory_space<vmem_shared>> -> memref<128x128xf32, #tpu.memory_space<vmem_shared>>
      %dma_wait3A_98 = arith.constant 0 : i32
      %dma_wait3A_99 = arith.constant 0 : i32
      %dma_wait3A_100 = tpu.memref_slice %arg9[%run_scoped3A_64, %dma_wait3A_98, %dma_wait3A_99] : memref<2x128x128xf32, #tpu.memory_space<vmem>> -> memref<1x128x128xf32, #tpu.memory_space<vmem>>
      %dma_wait3A_101 = tpu.memref_squeeze %dma_wait3A_100 : memref<1x128x128xf32, #tpu.memory_space<vmem>> -> memref<128x128xf32, #tpu.memory_space<vmem>>
      %dma_wait3A_102 = arith.constant 0 : i32
      %dma_wait3A_103 = tpu.memref_slice %arg10[%add3A_63, %dma_wait3A_102] : memref<10240x128xf32, #tpu.memory_space<vmem_shared>> -> memref<128x128xf32, #tpu.memory_space<vmem_shared>>
      tpu.wait_dma2 semaphore(%run_scoped3A_80 : memref<!tpu.dma_semaphore, #tpu.memory_space<semaphore_mem>>) src(%dma_wait3A_103 : memref<128x128xf32, #tpu.memory_space<vmem_shared>>) dst(%dma_wait3A_101 : memref<128x128xf32, #tpu.memory_space<vmem>>)
      tpu.yield
    }) : () -> ()
    %add3A_65 = arith.constant 256 : i32
    %add3A_66 = arith.addi %mul3A_4, %add3A_65 : i32
    %run_scoped3A_67 = arith.constant 0 : i32
    "tpu.region"() ({
      %run_scoped3A_80 = tpu.sem_alloc : memref<!tpu.dma_semaphore, #tpu.memory_space<semaphore_mem>>
      %dma_start3A = arith.constant 0 : i32
      %dma_start3A_81 = arith.constant 0 : i32
      %dma_start3A_82 = tpu.memref_slice %arg9[%run_scoped3A_67, %dma_start3A, %dma_start3A_81] : memref<2x128x128xf32, #tpu.memory_space<vmem>> -> memref<1x128x128xf32, #tpu.memory_space<vmem>>
      %dma_start3A_83 = tpu.memref_squeeze %dma_start3A_82 : memref<1x128x128xf32, #tpu.memory_space<vmem>> -> memref<128x128xf32, #tpu.memory_space<vmem>>
      %dma_start3A_84 = arith.constant 0 : i32
      %dma_start3A_85 = tpu.memref_slice %arg6[%arg0, %add3A_66, %dma_start3A_84] : memref<2x10240x128xf32, #tpu.memory_space<hbm>> -> memref<1x128x128xf32, #tpu.memory_space<hbm>>
      %dma_start3A_86 = tpu.memref_squeeze %dma_start3A_85 : memref<1x128x128xf32, #tpu.memory_space<hbm>> -> memref<128x128xf32, #tpu.memory_space<hbm>>
      %dma_start3A_87 = arith.constant 0 : i32
      %dma_start3A_88 = tpu.memref_slice %arg6[%arg0, %add3A_66, %dma_start3A_87] : memref<2x10240x128xf32, #tpu.memory_space<hbm>> -> memref<1x128x128xf32, #tpu.memory_space<hbm>>
      %dma_start3A_89 = tpu.memref_squeeze %dma_start3A_88 : memref<1x128x128xf32, #tpu.memory_space<hbm>> -> memref<128x128xf32, #tpu.memory_space<hbm>>
      %dma_start3A_90 = arith.constant 0 : i32
      %dma_start3A_91 = arith.constant 0 : i32
      %dma_start3A_92 = tpu.memref_slice %arg9[%run_scoped3A_67, %dma_start3A_90, %dma_start3A_91] : memref<2x128x128xf32, #tpu.memory_space<vmem>> -> memref<1x128x128xf32, #tpu.memory_space<vmem>>
      %dma_start3A_93 = tpu.memref_squeeze %dma_start3A_92 : memref<1x128x128xf32, #tpu.memory_space<vmem>> -> memref<128x128xf32, #tpu.memory_space<vmem>>
      tpu.enqueue_dma source(%dma_start3A_93 : memref<128x128xf32, #tpu.memory_space<vmem>>) target(%dma_start3A_89 : memref<128x128xf32, #tpu.memory_space<hbm>>) target_semaphore(%run_scoped3A_80 : memref<!tpu.dma_semaphore, #tpu.memory_space<semaphore_mem>>)
      %dma_wait3A_94 = arith.constant 0 : i32
      %dma_wait3A_95 = arith.constant 0 : i32
      %dma_wait3A_96 = tpu.memref_slice %arg9[%run_scoped3A_67, %dma_wait3A_94, %dma_wait3A_95] : memref<2x128x128xf32, #tpu.memory_space<vmem>> -> memref<1x128x128xf32, #tpu.memory_space<vmem>>
      %dma_wait3A_97 = tpu.memref_squeeze %dma_wait3A_96 : memref<1x128x128xf32, #tpu.memory_space<vmem>> -> memref<128x128xf32, #tpu.memory_space<vmem>>
      %dma_wait3A_98 = arith.constant 0 : i32
      %dma_wait3A_99 = tpu.memref_slice %arg6[%arg0, %add3A_66, %dma_wait3A_98] : memref<2x10240x128xf32, #tpu.memory_space<hbm>> -> memref<1x128x128xf32, #tpu.memory_space<hbm>>
      %dma_wait3A_100 = tpu.memref_squeeze %dma_wait3A_99 : memref<1x128x128xf32, #tpu.memory_space<hbm>> -> memref<128x128xf32, #tpu.memory_space<hbm>>
      %dma_wait3A_101 = arith.constant 0 : i32
      %dma_wait3A_102 = tpu.memref_slice %arg6[%arg0, %add3A_66, %dma_wait3A_101] : memref<2x10240x128xf32, #tpu.memory_space<hbm>> -> memref<1x128x128xf32, #tpu.memory_space<hbm>>
      %dma_wait3A_103 = tpu.memref_squeeze %dma_wait3A_102 : memref<1x128x128xf32, #tpu.memory_space<hbm>> -> memref<128x128xf32, #tpu.memory_space<hbm>>
      %dma_wait3A_104 = arith.constant 0 : i32
      %dma_wait3A_105 = arith.constant 0 : i32
      %dma_wait3A_106 = tpu.memref_slice %arg9[%run_scoped3A_67, %dma_wait3A_104, %dma_wait3A_105] : memref<2x128x128xf32, #tpu.memory_space<vmem>> -> memref<1x128x128xf32, #tpu.memory_space<vmem>>
      %dma_wait3A_107 = tpu.memref_squeeze %dma_wait3A_106 : memref<1x128x128xf32, #tpu.memory_space<vmem>> -> memref<128x128xf32, #tpu.memory_space<vmem>>
      tpu.wait_dma2 semaphore(%run_scoped3A_80 : memref<!tpu.dma_semaphore, #tpu.memory_space<semaphore_mem>>) src(%dma_wait3A_107 : memref<128x128xf32, #tpu.memory_space<vmem>>) dst(%dma_wait3A_103 : memref<128x128xf32, #tpu.memory_space<hbm>>)
      tpu.yield
    }) : () -> ()
    %add3A_68 = arith.constant 384 : i32
    %add3A_69 = arith.addi %mul3A_4, %add3A_68 : i32
    %run_scoped3A_70 = arith.constant 0 : i32
    "tpu.region"() ({
      %run_scoped3A_80 = tpu.sem_alloc : memref<!tpu.dma_semaphore, #tpu.memory_space<semaphore_mem>>
      %dma_start3A = arith.constant 0 : i32
      %dma_start3A_81 = arith.constant 0 : i32
      %dma_start3A_82 = tpu.memref_slice %arg9[%run_scoped3A_70, %dma_start3A, %dma_start3A_81] : memref<2x128x128xf32, #tpu.memory_space<vmem>> -> memref<1x128x128xf32, #tpu.memory_space<vmem>>
      %dma_start3A_83 = tpu.memref_squeeze %dma_start3A_82 : memref<1x128x128xf32, #tpu.memory_space<vmem>> -> memref<128x128xf32, #tpu.memory_space<vmem>>
      %dma_start3A_84 = arith.constant 0 : i32
      %dma_start3A_85 = tpu.memref_slice %arg10[%add3A_69, %dma_start3A_84] : memref<10240x128xf32, #tpu.memory_space<vmem_shared>> -> memref<128x128xf32, #tpu.memory_space<vmem_shared>>
      %dma_start3A_86 = arith.constant 0 : i32
      %dma_start3A_87 = arith.constant 0 : i32
      %dma_start3A_88 = tpu.memref_slice %arg9[%run_scoped3A_70, %dma_start3A_86, %dma_start3A_87] : memref<2x128x128xf32, #tpu.memory_space<vmem>> -> memref<1x128x128xf32, #tpu.memory_space<vmem>>
      %dma_start3A_89 = tpu.memref_squeeze %dma_start3A_88 : memref<1x128x128xf32, #tpu.memory_space<vmem>> -> memref<128x128xf32, #tpu.memory_space<vmem>>
      %dma_start3A_90 = arith.constant 0 : i32
      %dma_start3A_91 = tpu.memref_slice %arg10[%add3A_69, %dma_start3A_90] : memref<10240x128xf32, #tpu.memory_space<vmem_shared>> -> memref<128x128xf32, #tpu.memory_space<vmem_shared>>
      tpu.enqueue_dma source(%dma_start3A_91 : memref<128x128xf32, #tpu.memory_space<vmem_shared>>) target(%dma_start3A_89 : memref<128x128xf32, #tpu.memory_space<vmem>>) target_semaphore(%run_scoped3A_80 : memref<!tpu.dma_semaphore, #tpu.memory_space<semaphore_mem>>)
      %dma_wait3A_92 = arith.constant 0 : i32
      %dma_wait3A_93 = arith.constant 0 : i32
      %dma_wait3A_94 = tpu.memref_slice %arg9[%run_scoped3A_70, %dma_wait3A_92, %dma_wait3A_93] : memref<2x128x128xf32, #tpu.memory_space<vmem>> -> memref<1x128x128xf32, #tpu.memory_space<vmem>>
      %dma_wait3A_95 = tpu.memref_squeeze %dma_wait3A_94 : memref<1x128x128xf32, #tpu.memory_space<vmem>> -> memref<128x128xf32, #tpu.memory_space<vmem>>
      %dma_wait3A_96 = arith.constant 0 : i32
      %dma_wait3A_97 = tpu.memref_slice %arg10[%add3A_69, %dma_wait3A_96] : memref<10240x128xf32, #tpu.memory_space<vmem_shared>> -> memref<128x128xf32, #tpu.memory_space<vmem_shared>>
      %dma_wait3A_98 = arith.constant 0 : i32
      %dma_wait3A_99 = arith.constant 0 : i32
      %dma_wait3A_100 = tpu.memref_slice %arg9[%run_scoped3A_70, %dma_wait3A_98, %dma_wait3A_99] : memref<2x128x128xf32, #tpu.memory_space<vmem>> -> memref<1x128x128xf32, #tpu.memory_space<vmem>>
      %dma_wait3A_101 = tpu.memref_squeeze %dma_wait3A_100 : memref<1x128x128xf32, #tpu.memory_space<vmem>> -> memref<128x128xf32, #tpu.memory_space<vmem>>
      %dma_wait3A_102 = arith.constant 0 : i32
      %dma_wait3A_103 = tpu.memref_slice %arg10[%add3A_69, %dma_wait3A_102] : memref<10240x128xf32, #tpu.memory_space<vmem_shared>> -> memref<128x128xf32, #tpu.memory_space<vmem_shared>>
      tpu.wait_dma2 semaphore(%run_scoped3A_80 : memref<!tpu.dma_semaphore, #tpu.memory_space<semaphore_mem>>) src(%dma_wait3A_103 : memref<128x128xf32, #tpu.memory_space<vmem_shared>>) dst(%dma_wait3A_101 : memref<128x128xf32, #tpu.memory_space<vmem>>)
      tpu.yield
    }) : () -> ()
    %add3A_71 = arith.constant 384 : i32
    %add3A_72 = arith.addi %mul3A_4, %add3A_71 : i32
    %run_scoped3A_73 = arith.constant 0 : i32
    "tpu.region"() ({
      %run_scoped3A_80 = tpu.sem_alloc : memref<!tpu.dma_semaphore, #tpu.memory_space<semaphore_mem>>
      %dma_start3A = arith.constant 0 : i32
      %dma_start3A_81 = arith.constant 0 : i32
      %dma_start3A_82 = tpu.memref_slice %arg9[%run_scoped3A_73, %dma_start3A, %dma_start3A_81] : memref<2x128x128xf32, #tpu.memory_space<vmem>> -> memref<1x128x128xf32, #tpu.memory_space<vmem>>
      %dma_start3A_83 = tpu.memref_squeeze %dma_start3A_82 : memref<1x128x128xf32, #tpu.memory_space<vmem>> -> memref<128x128xf32, #tpu.memory_space<vmem>>
      %dma_start3A_84 = arith.constant 0 : i32
      %dma_start3A_85 = tpu.memref_slice %arg6[%arg0, %add3A_72, %dma_start3A_84] : memref<2x10240x128xf32, #tpu.memory_space<hbm>> -> memref<1x128x128xf32, #tpu.memory_space<hbm>>
      %dma_start3A_86 = tpu.memref_squeeze %dma_start3A_85 : memref<1x128x128xf32, #tpu.memory_space<hbm>> -> memref<128x128xf32, #tpu.memory_space<hbm>>
      %dma_start3A_87 = arith.constant 0 : i32
      %dma_start3A_88 = tpu.memref_slice %arg6[%arg0, %add3A_72, %dma_start3A_87] : memref<2x10240x128xf32, #tpu.memory_space<hbm>> -> memref<1x128x128xf32, #tpu.memory_space<hbm>>
      %dma_start3A_89 = tpu.memref_squeeze %dma_start3A_88 : memref<1x128x128xf32, #tpu.memory_space<hbm>> -> memref<128x128xf32, #tpu.memory_space<hbm>>
      %dma_start3A_90 = arith.constant 0 : i32
      %dma_start3A_91 = arith.constant 0 : i32
      %dma_start3A_92 = tpu.memref_slice %arg9[%run_scoped3A_73, %dma_start3A_90, %dma_start3A_91] : memref<2x128x128xf32, #tpu.memory_space<vmem>> -> memref<1x128x128xf32, #tpu.memory_space<vmem>>
      %dma_start3A_93 = tpu.memref_squeeze %dma_start3A_92 : memref<1x128x128xf32, #tpu.memory_space<vmem>> -> memref<128x128xf32, #tpu.memory_space<vmem>>
      tpu.enqueue_dma source(%dma_start3A_93 : memref<128x128xf32, #tpu.memory_space<vmem>>) target(%dma_start3A_89 : memref<128x128xf32, #tpu.memory_space<hbm>>) target_semaphore(%run_scoped3A_80 : memref<!tpu.dma_semaphore, #tpu.memory_space<semaphore_mem>>)
      %dma_wait3A_94 = arith.constant 0 : i32
      %dma_wait3A_95 = arith.constant 0 : i32
      %dma_wait3A_96 = tpu.memref_slice %arg9[%run_scoped3A_73, %dma_wait3A_94, %dma_wait3A_95] : memref<2x128x128xf32, #tpu.memory_space<vmem>> -> memref<1x128x128xf32, #tpu.memory_space<vmem>>
      %dma_wait3A_97 = tpu.memref_squeeze %dma_wait3A_96 : memref<1x128x128xf32, #tpu.memory_space<vmem>> -> memref<128x128xf32, #tpu.memory_space<vmem>>
      %dma_wait3A_98 = arith.constant 0 : i32
      %dma_wait3A_99 = tpu.memref_slice %arg6[%arg0, %add3A_72, %dma_wait3A_98] : memref<2x10240x128xf32, #tpu.memory_space<hbm>> -> memref<1x128x128xf32, #tpu.memory_space<hbm>>
      %dma_wait3A_100 = tpu.memref_squeeze %dma_wait3A_99 : memref<1x128x128xf32, #tpu.memory_space<hbm>> -> memref<128x128xf32, #tpu.memory_space<hbm>>
      %dma_wait3A_101 = arith.constant 0 : i32
      %dma_wait3A_102 = tpu.memref_slice %arg6[%arg0, %add3A_72, %dma_wait3A_101] : memref<2x10240x128xf32, #tpu.memory_space<hbm>> -> memref<1x128x128xf32, #tpu.memory_space<hbm>>
      %dma_wait3A_103 = tpu.memref_squeeze %dma_wait3A_102 : memref<1x128x128xf32, #tpu.memory_space<hbm>> -> memref<128x128xf32, #tpu.memory_space<hbm>>
      %dma_wait3A_104 = arith.constant 0 : i32
      %dma_wait3A_105 = arith.constant 0 : i32
      %dma_wait3A_106 = tpu.memref_slice %arg9[%run_scoped3A_73, %dma_wait3A_104, %dma_wait3A_105] : memref<2x128x128xf32, #tpu.memory_space<vmem>> -> memref<1x128x128xf32, #tpu.memory_space<vmem>>
      %dma_wait3A_107 = tpu.memref_squeeze %dma_wait3A_106 : memref<1x128x128xf32, #tpu.memory_space<vmem>> -> memref<128x128xf32, #tpu.memory_space<vmem>>
      tpu.wait_dma2 semaphore(%run_scoped3A_80 : memref<!tpu.dma_semaphore, #tpu.memory_space<semaphore_mem>>) src(%dma_wait3A_107 : memref<128x128xf32, #tpu.memory_space<vmem>>) dst(%dma_wait3A_103 : memref<128x128xf32, #tpu.memory_space<hbm>>)
      tpu.yield
    }) : () -> ()
    %add3A_74 = arith.constant 512 : i32
    %add3A_75 = arith.addi %mul3A_4, %add3A_74 : i32
    %run_scoped3A_76 = arith.constant 0 : i32
    "tpu.region"() ({
      %run_scoped3A_80 = tpu.sem_alloc : memref<!tpu.dma_semaphore, #tpu.memory_space<semaphore_mem>>
      %dma_start3A = arith.constant 0 : i32
      %dma_start3A_81 = arith.constant 0 : i32
      %dma_start3A_82 = tpu.memref_slice %arg9[%run_scoped3A_76, %dma_start3A, %dma_start3A_81] : memref<2x128x128xf32, #tpu.memory_space<vmem>> -> memref<1x128x128xf32, #tpu.memory_space<vmem>>
      %dma_start3A_83 = tpu.memref_squeeze %dma_start3A_82 : memref<1x128x128xf32, #tpu.memory_space<vmem>> -> memref<128x128xf32, #tpu.memory_space<vmem>>
      %dma_start3A_84 = arith.constant 0 : i32
      %dma_start3A_85 = tpu.memref_slice %arg10[%add3A_75, %dma_start3A_84] : memref<10240x128xf32, #tpu.memory_space<vmem_shared>> -> memref<128x128xf32, #tpu.memory_space<vmem_shared>>
      %dma_start3A_86 = arith.constant 0 : i32
      %dma_start3A_87 = arith.constant 0 : i32
      %dma_start3A_88 = tpu.memref_slice %arg9[%run_scoped3A_76, %dma_start3A_86, %dma_start3A_87] : memref<2x128x128xf32, #tpu.memory_space<vmem>> -> memref<1x128x128xf32, #tpu.memory_space<vmem>>
      %dma_start3A_89 = tpu.memref_squeeze %dma_start3A_88 : memref<1x128x128xf32, #tpu.memory_space<vmem>> -> memref<128x128xf32, #tpu.memory_space<vmem>>
      %dma_start3A_90 = arith.constant 0 : i32
      %dma_start3A_91 = tpu.memref_slice %arg10[%add3A_75, %dma_start3A_90] : memref<10240x128xf32, #tpu.memory_space<vmem_shared>> -> memref<128x128xf32, #tpu.memory_space<vmem_shared>>
      tpu.enqueue_dma source(%dma_start3A_91 : memref<128x128xf32, #tpu.memory_space<vmem_shared>>) target(%dma_start3A_89 : memref<128x128xf32, #tpu.memory_space<vmem>>) target_semaphore(%run_scoped3A_80 : memref<!tpu.dma_semaphore, #tpu.memory_space<semaphore_mem>>)
      %dma_wait3A_92 = arith.constant 0 : i32
      %dma_wait3A_93 = arith.constant 0 : i32
      %dma_wait3A_94 = tpu.memref_slice %arg9[%run_scoped3A_76, %dma_wait3A_92, %dma_wait3A_93] : memref<2x128x128xf32, #tpu.memory_space<vmem>> -> memref<1x128x128xf32, #tpu.memory_space<vmem>>
      %dma_wait3A_95 = tpu.memref_squeeze %dma_wait3A_94 : memref<1x128x128xf32, #tpu.memory_space<vmem>> -> memref<128x128xf32, #tpu.memory_space<vmem>>
      %dma_wait3A_96 = arith.constant 0 : i32
      %dma_wait3A_97 = tpu.memref_slice %arg10[%add3A_75, %dma_wait3A_96] : memref<10240x128xf32, #tpu.memory_space<vmem_shared>> -> memref<128x128xf32, #tpu.memory_space<vmem_shared>>
      %dma_wait3A_98 = arith.constant 0 : i32
      %dma_wait3A_99 = arith.constant 0 : i32
      %dma_wait3A_100 = tpu.memref_slice %arg9[%run_scoped3A_76, %dma_wait3A_98, %dma_wait3A_99] : memref<2x128x128xf32, #tpu.memory_space<vmem>> -> memref<1x128x128xf32, #tpu.memory_space<vmem>>
      %dma_wait3A_101 = tpu.memref_squeeze %dma_wait3A_100 : memref<1x128x128xf32, #tpu.memory_space<vmem>> -> memref<128x128xf32, #tpu.memory_space<vmem>>
      %dma_wait3A_102 = arith.constant 0 : i32
      %dma_wait3A_103 = tpu.memref_slice %arg10[%add3A_75, %dma_wait3A_102] : memref<10240x128xf32, #tpu.memory_space<vmem_shared>> -> memref<128x128xf32, #tpu.memory_space<vmem_shared>>
      tpu.wait_dma2 semaphore(%run_scoped3A_80 : memref<!tpu.dma_semaphore, #tpu.memory_space<semaphore_mem>>) src(%dma_wait3A_103 : memref<128x128xf32, #tpu.memory_space<vmem_shared>>) dst(%dma_wait3A_101 : memref<128x128xf32, #tpu.memory_space<vmem>>)
      tpu.yield
    }) : () -> ()
    %add3A_77 = arith.constant 512 : i32
    %add3A_78 = arith.addi %mul3A_4, %add3A_77 : i32
    %run_scoped3A_79 = arith.constant 0 : i32
    "tpu.region"() ({
      %run_scoped3A_80 = tpu.sem_alloc : memref<!tpu.dma_semaphore, #tpu.memory_space<semaphore_mem>>
      %dma_start3A = arith.constant 0 : i32
      %dma_start3A_81 = arith.constant 0 : i32
      %dma_start3A_82 = tpu.memref_slice %arg9[%run_scoped3A_79, %dma_start3A, %dma_start3A_81] : memref<2x128x128xf32, #tpu.memory_space<vmem>> -> memref<1x128x128xf32, #tpu.memory_space<vmem>>
      %dma_start3A_83 = tpu.memref_squeeze %dma_start3A_82 : memref<1x128x128xf32, #tpu.memory_space<vmem>> -> memref<128x128xf32, #tpu.memory_space<vmem>>
      %dma_start3A_84 = arith.constant 0 : i32
      %dma_start3A_85 = tpu.memref_slice %arg6[%arg0, %add3A_78, %dma_start3A_84] : memref<2x10240x128xf32, #tpu.memory_space<hbm>> -> memref<1x128x128xf32, #tpu.memory_space<hbm>>
      %dma_start3A_86 = tpu.memref_squeeze %dma_start3A_85 : memref<1x128x128xf32, #tpu.memory_space<hbm>> -> memref<128x128xf32, #tpu.memory_space<hbm>>
      %dma_start3A_87 = arith.constant 0 : i32
      %dma_start3A_88 = tpu.memref_slice %arg6[%arg0, %add3A_78, %dma_start3A_87] : memref<2x10240x128xf32, #tpu.memory_space<hbm>> -> memref<1x128x128xf32, #tpu.memory_space<hbm>>
      %dma_start3A_89 = tpu.memref_squeeze %dma_start3A_88 : memref<1x128x128xf32, #tpu.memory_space<hbm>> -> memref<128x128xf32, #tpu.memory_space<hbm>>
      %dma_start3A_90 = arith.constant 0 : i32
      %dma_start3A_91 = arith.constant 0 : i32
      %dma_start3A_92 = tpu.memref_slice %arg9[%run_scoped3A_79, %dma_start3A_90, %dma_start3A_91] : memref<2x128x128xf32, #tpu.memory_space<vmem>> -> memref<1x128x128xf32, #tpu.memory_space<vmem>>
      %dma_start3A_93 = tpu.memref_squeeze %dma_start3A_92 : memref<1x128x128xf32, #tpu.memory_space<vmem>> -> memref<128x128xf32, #tpu.memory_space<vmem>>
      tpu.enqueue_dma source(%dma_start3A_93 : memref<128x128xf32, #tpu.memory_space<vmem>>) target(%dma_start3A_89 : memref<128x128xf32, #tpu.memory_space<hbm>>) target_semaphore(%run_scoped3A_80 : memref<!tpu.dma_semaphore, #tpu.memory_space<semaphore_mem>>)
      %dma_wait3A_94 = arith.constant 0 : i32
      %dma_wait3A_95 = arith.constant 0 : i32
      %dma_wait3A_96 = tpu.memref_slice %arg9[%run_scoped3A_79, %dma_wait3A_94, %dma_wait3A_95] : memref<2x128x128xf32, #tpu.memory_space<vmem>> -> memref<1x128x128xf32, #tpu.memory_space<vmem>>
      %dma_wait3A_97 = tpu.memref_squeeze %dma_wait3A_96 : memref<1x128x128xf32, #tpu.memory_space<vmem>> -> memref<128x128xf32, #tpu.memory_space<vmem>>
      %dma_wait3A_98 = arith.constant 0 : i32
      %dma_wait3A_99 = tpu.memref_slice %arg6[%arg0, %add3A_78, %dma_wait3A_98] : memref<2x10240x128xf32, #tpu.memory_space<hbm>> -> memref<1x128x128xf32, #tpu.memory_space<hbm>>
      %dma_wait3A_100 = tpu.memref_squeeze %dma_wait3A_99 : memref<1x128x128xf32, #tpu.memory_space<hbm>> -> memref<128x128xf32, #tpu.memory_space<hbm>>
      %dma_wait3A_101 = arith.constant 0 : i32
      %dma_wait3A_102 = tpu.memref_slice %arg6[%arg0, %add3A_78, %dma_wait3A_101] : memref<2x10240x128xf32, #tpu.memory_space<hbm>> -> memref<1x128x128xf32, #tpu.memory_space<hbm>>
      %dma_wait3A_103 = tpu.memref_squeeze %dma_wait3A_102 : memref<1x128x128xf32, #tpu.memory_space<hbm>> -> memref<128x128xf32, #tpu.memory_space<hbm>>
      %dma_wait3A_104 = arith.constant 0 : i32
      %dma_wait3A_105 = arith.constant 0 : i32
      %dma_wait3A_106 = tpu.memref_slice %arg9[%run_scoped3A_79, %dma_wait3A_104, %dma_wait3A_105] : memref<2x128x128xf32, #tpu.memory_space<vmem>> -> memref<1x128x128xf32, #tpu.memory_space<vmem>>
      %dma_wait3A_107 = tpu.memref_squeeze %dma_wait3A_106 : memref<1x128x128xf32, #tpu.memory_space<vmem>> -> memref<128x128xf32, #tpu.memory_space<vmem>>
      tpu.wait_dma2 semaphore(%run_scoped3A_80 : memref<!tpu.dma_semaphore, #tpu.memory_space<semaphore_mem>>) src(%dma_wait3A_107 : memref<128x128xf32, #tpu.memory_space<vmem>>) dst(%dma_wait3A_103 : memref<128x128xf32, #tpu.memory_space<hbm>>)
      tpu.yield
    }) : () -> ()
    return
  }
}

module attributes {stable_mosaic.version = 14 : i64} {
  func.func @_prep_body(%arg0: memref<2x2x10240xf32, #tpu.memory_space<vmem>>, %arg1: memref<10240x128xf32, #tpu.memory_space<vmem>>, %arg2: memref<10240x128xf32, #tpu.memory_space<vmem>>, %arg3: memref<10240x16xf32, #tpu.memory_space<vmem>>, %arg4: memref<10240x16xf32, #tpu.memory_space<vmem>>) attributes {dimension_semantics = [], scalar_prefetch = 0 : i64, scratch_operands = 0 : i64, tpu.core_type = #tpu.core_type<tc>} {
    %get3A = arith.constant 0 : index
    %get3A_0 = arith.constant 0 : index
    %get3A_1 = arith.constant 0 : index
    %get3A_2 = vector.load %arg0[%get3A, %get3A_0, %get3A_1] : memref<2x2x10240xf32, #tpu.memory_space<vmem>>, vector<1x1x10240xf32>
    %get3A_3 = vector.shape_cast %get3A_2 : vector<1x1x10240xf32> to vector<10240xf32>
    %get3A_4 = arith.constant 1 : index
    %get3A_5 = arith.constant 0 : index
    %get3A_6 = arith.constant 0 : index
    %get3A_7 = vector.load %arg0[%get3A_4, %get3A_5, %get3A_6] : memref<2x2x10240xf32, #tpu.memory_space<vmem>>, vector<1x1x10240xf32>
    %get3A_8 = vector.shape_cast %get3A_7 : vector<1x1x10240xf32> to vector<10240xf32>
    %add3A = arith.addf %get3A_3, %get3A_8 : vector<10240xf32>
    %reshape3A = vector.shape_cast %add3A : vector<10240xf32> to vector<10240x1xf32>
    %get3A_9 = arith.constant 0 : index
    %get3A_10 = arith.constant 1 : index
    %get3A_11 = arith.constant 0 : index
    %get3A_12 = vector.load %arg0[%get3A_9, %get3A_10, %get3A_11] : memref<2x2x10240xf32, #tpu.memory_space<vmem>>, vector<1x1x10240xf32>
    %get3A_13 = vector.shape_cast %get3A_12 : vector<1x1x10240xf32> to vector<10240xf32>
    %get3A_14 = arith.constant 1 : index
    %get3A_15 = arith.constant 1 : index
    %get3A_16 = arith.constant 0 : index
    %get3A_17 = vector.load %arg0[%get3A_14, %get3A_15, %get3A_16] : memref<2x2x10240xf32, #tpu.memory_space<vmem>>, vector<1x1x10240xf32>
    %get3A_18 = vector.shape_cast %get3A_17 : vector<1x1x10240xf32> to vector<10240xf32>
    %add3A_19 = arith.addf %get3A_13, %get3A_18 : vector<10240xf32>
    %reshape3A_20 = vector.shape_cast %add3A_19 : vector<10240xf32> to vector<10240x1xf32>
    %max3A = arith.constant 1.000000e+00 : f32
    %max3A_21 = vector.broadcast %max3A : f32 to vector<10240x1xf32>
    %max3A_22 = arith.maximumf %reshape3A, %max3A_21 : vector<10240x1xf32>
    %rsqrt3A = math.rsqrt %max3A_22 : vector<10240x1xf32>
    %max3A_23 = arith.constant 1.000000e+00 : f32
    %max3A_24 = vector.broadcast %max3A_23 : f32 to vector<10240x1xf32>
    %max3A_25 = arith.maximumf %reshape3A_20, %max3A_24 : vector<10240x1xf32>
    %rsqrt3A_26 = math.rsqrt %max3A_25 : vector<10240x1xf32>
    %broadcast_in_dim3A = vector.shape_cast %rsqrt3A : vector<10240x1xf32> to vector<10240x1xf32>
    %broadcast_in_dim3A_27 = vector.broadcast %broadcast_in_dim3A : vector<10240x1xf32> to vector<10240x16xf32>
    %swap3A = arith.constant 0 : index
    %swap3A_28 = arith.constant 0 : index
    %swap3A_29 = vector.load %arg3[%swap3A, %swap3A_28] : memref<10240x16xf32, #tpu.memory_space<vmem>>, vector<10240x16xf32>
    tpu.vector_store %arg3[%swap3A, %swap3A_28], %broadcast_in_dim3A_27 {strides = array<i32>} : memref<10240x16xf32, #tpu.memory_space<vmem>>, vector<10240x16xf32>,
    %broadcast_in_dim3A_30 = vector.shape_cast %rsqrt3A_26 : vector<10240x1xf32> to vector<10240x1xf32>
    %broadcast_in_dim3A_31 = vector.broadcast %broadcast_in_dim3A_30 : vector<10240x1xf32> to vector<10240x16xf32>
    %swap3A_32 = arith.constant 0 : index
    %swap3A_33 = arith.constant 0 : index
    %swap3A_34 = vector.load %arg4[%swap3A_32, %swap3A_33] : memref<10240x16xf32, #tpu.memory_space<vmem>>, vector<10240x16xf32>
    tpu.vector_store %arg4[%swap3A_32, %swap3A_33], %broadcast_in_dim3A_31 {strides = array<i32>} : memref<10240x16xf32, #tpu.memory_space<vmem>>, vector<10240x16xf32>,
    %get3A_35 = arith.constant 0 : index
    %get3A_36 = arith.constant 0 : index
    %get3A_37 = vector.load %arg1[%get3A_35, %get3A_36] : memref<10240x128xf32, #tpu.memory_space<vmem>>, vector<10240x128xf32>
    %mul3A = vector.broadcast %rsqrt3A : vector<10240x1xf32> to vector<10240x128xf32>
    %mul3A_38 = arith.mulf %get3A_37, %mul3A : vector<10240x128xf32>
    %swap3A_39 = arith.constant 0 : index
    %swap3A_40 = arith.constant 0 : index
    %swap3A_41 = vector.load %arg2[%swap3A_39, %swap3A_40] : memref<10240x128xf32, #tpu.memory_space<vmem>>, vector<10240x128xf32>
    tpu.vector_store %arg2[%swap3A_39, %swap3A_40], %mul3A_38 {strides = array<i32>} : memref<10240x128xf32, #tpu.memory_space<vmem>>, vector<10240x128xf32>,
    return
  }
}

module attributes {stable_mosaic.version = 14 : i64} {
  func.func @_mid_body(%arg0: memref<2x10240x128xf32, #tpu.memory_space<vmem>>, %arg1: memref<10240x16xf32, #tpu.memory_space<vmem>>, %arg2: memref<10240x16xf32, #tpu.memory_space<vmem>>, %arg3: memref<128x128xf32, #tpu.memory_space<vmem>>, %arg4: memref<1x128xf32, #tpu.memory_space<vmem>>, %arg5: memref<10240x128xf32, #tpu.memory_space<vmem>>) attributes {dimension_semantics = [], scalar_prefetch = 0 : i64, scratch_operands = 0 : i64, tpu.core_type = #tpu.core_type<tc>} {
    %get3A = arith.constant 0 : index
    %get3A_0 = arith.constant 0 : index
    %get3A_1 = arith.constant 0 : index
    %get3A_2 = vector.load %arg0[%get3A, %get3A_0, %get3A_1] : memref<2x10240x128xf32, #tpu.memory_space<vmem>>, vector<1x10240x128xf32>
    %get3A_3 = vector.shape_cast %get3A_2 : vector<1x10240x128xf32> to vector<10240x128xf32>
    %get3A_4 = arith.constant 1 : index
    %get3A_5 = arith.constant 0 : index
    %get3A_6 = arith.constant 0 : index
    %get3A_7 = vector.load %arg0[%get3A_4, %get3A_5, %get3A_6] : memref<2x10240x128xf32, #tpu.memory_space<vmem>>, vector<1x10240x128xf32>
    %get3A_8 = vector.shape_cast %get3A_7 : vector<1x10240x128xf32> to vector<10240x128xf32>
    %add3A = arith.addf %get3A_3, %get3A_8 : vector<10240x128xf32>
    %get3A_9 = arith.constant 0 : index
    %get3A_10 = arith.constant 0 : index
    %get3A_11 = vector.load %arg1[%get3A_9, %get3A_10] : memref<10240x16xf32, #tpu.memory_space<vmem>>, vector<10240x16xf32>
    %slice3A = vector.extract_strided_slice %get3A_11 {offsets = [0, 0], sizes = [10240, 1], strides = [1, 1]} : vector<10240x16xf32> to vector<10240x1xf32>
    %mul3A = vector.broadcast %slice3A : vector<10240x1xf32> to vector<10240x128xf32>
    %mul3A_12 = arith.mulf %add3A, %mul3A : vector<10240x128xf32>
    %get3A_13 = arith.constant 0 : index
    %get3A_14 = arith.constant 0 : index
    %get3A_15 = vector.load %arg3[%get3A_13, %get3A_14] : memref<128x128xf32, #tpu.memory_space<vmem>>, vector<128x128xf32>
    %dot_general3A = arith.constant dense<0.000000e+00> : vector<10240x128xf32>
    %dot_general3A_16 = tpu.matmul %mul3A_12, %get3A_15, %dot_general3A {dimension_numbers = #tpu.dot_dimension_numbers<[1], [0], [0], [1], [0, 0, 1, 1], [], []>, transpose_lhs_hint = false} : vector<10240x128xf32>, vector<128x128xf32>, vector<10240x128xf32> -> vector<10240x128xf32>
    %get3A_17 = arith.constant 0 : index
    %get3A_18 = arith.constant 0 : index
    %get3A_19 = vector.load %arg4[%get3A_17, %get3A_18] : memref<1x128xf32, #tpu.memory_space<vmem>>, vector<1x128xf32>
    %add3A_20 = vector.broadcast %get3A_19 : vector<1x128xf32> to vector<10240x128xf32>
    %add3A_21 = arith.addf %dot_general3A_16, %add3A_20 : vector<10240x128xf32>
    %max3A = arith.constant 0.000000e+00 : f32
    %max3A_22 = vector.broadcast %max3A : f32 to vector<10240x128xf32>
    %max3A_23 = arith.maximumf %add3A_21, %max3A_22 : vector<10240x128xf32>
    %get3A_24 = arith.constant 0 : index
    %get3A_25 = arith.constant 0 : index
    %get3A_26 = vector.load %arg2[%get3A_24, %get3A_25] : memref<10240x16xf32, #tpu.memory_space<vmem>>, vector<10240x16xf32>
    %slice3A_27 = vector.extract_strided_slice %get3A_26 {offsets = [0, 0], sizes = [10240, 1], strides = [1, 1]} : vector<10240x16xf32> to vector<10240x1xf32>
    %mul3A_28 = vector.broadcast %slice3A_27 : vector<10240x1xf32> to vector<10240x128xf32>
    %mul3A_29 = arith.mulf %max3A_23, %mul3A_28 : vector<10240x128xf32>
    %swap3A = arith.constant 0 : index
    %swap3A_30 = arith.constant 0 : index
    %swap3A_31 = vector.load %arg5[%swap3A, %swap3A_30] : memref<10240x128xf32, #tpu.memory_space<vmem>>, vector<10240x128xf32>
    tpu.vector_store %arg5[%swap3A, %swap3A_30], %mul3A_29 {strides = array<i32>} : memref<10240x128xf32, #tpu.memory_space<vmem>>, vector<10240x128xf32>,
    return
  }
}

module attributes {stable_mosaic.version = 14 : i64} {
  func.func @_final_body(%arg0: memref<2x10240x128xf32, #tpu.memory_space<vmem>>, %arg1: memref<10240x16xf32, #tpu.memory_space<vmem>>, %arg2: memref<128x128xf32, #tpu.memory_space<vmem>>, %arg3: memref<1x128xf32, #tpu.memory_space<vmem>>, %arg4: memref<10000x128xf32, #tpu.memory_space<vmem>>) attributes {dimension_semantics = [], scalar_prefetch = 0 : i64, scratch_operands = 0 : i64, tpu.core_type = #tpu.core_type<tc>} {
    %get3A = arith.constant 0 : index
    %get3A_0 = arith.constant 0 : index
    %get3A_1 = arith.constant 0 : index
    %get3A_2 = vector.load %arg0[%get3A, %get3A_0, %get3A_1] : memref<2x10240x128xf32, #tpu.memory_space<vmem>>, vector<1x10000x128xf32>
    %get3A_3 = vector.shape_cast %get3A_2 : vector<1x10000x128xf32> to vector<10000x128xf32>
    %get3A_4 = arith.constant 1 : index
    %get3A_5 = arith.constant 0 : index
    %get3A_6 = arith.constant 0 : index
    %get3A_7 = vector.load %arg0[%get3A_4, %get3A_5, %get3A_6] : memref<2x10240x128xf32, #tpu.memory_space<vmem>>, vector<1x10000x128xf32>
    %get3A_8 = vector.shape_cast %get3A_7 : vector<1x10000x128xf32> to vector<10000x128xf32>
    %add3A = arith.addf %get3A_3, %get3A_8 : vector<10000x128xf32>
    %get3A_9 = arith.constant 0 : index
    %get3A_10 = arith.constant 0 : index
    %get3A_11 = vector.load %arg1[%get3A_9, %get3A_10] : memref<10240x16xf32, #tpu.memory_space<vmem>>, vector<10000x1xf32>
    %mul3A = vector.broadcast %get3A_11 : vector<10000x1xf32> to vector<10000x128xf32>
    %mul3A_12 = arith.mulf %add3A, %mul3A : vector<10000x128xf32>
    %get3A_13 = arith.constant 0 : index
    %get3A_14 = arith.constant 0 : index
    %get3A_15 = vector.load %arg2[%get3A_13, %get3A_14] : memref<128x128xf32, #tpu.memory_space<vmem>>, vector<128x128xf32>
    %dot_general3A = arith.constant dense<0.000000e+00> : vector<10000x128xf32>
    %dot_general3A_16 = tpu.matmul %mul3A_12, %get3A_15, %dot_general3A {dimension_numbers = #tpu.dot_dimension_numbers<[1], [0], [0], [1], [0, 0, 1, 1], [], []>, transpose_lhs_hint = false} : vector<10000x128xf32>, vector<128x128xf32>, vector<10000x128xf32> -> vector<10000x128xf32>
    %get3A_17 = arith.constant 0 : index
    %get3A_18 = arith.constant 0 : index
    %get3A_19 = vector.load %arg3[%get3A_17, %get3A_18] : memref<1x128xf32, #tpu.memory_space<vmem>>, vector<1x128xf32>
    %add3A_20 = vector.broadcast %get3A_19 : vector<1x128xf32> to vector<10000x128xf32>
    %add3A_21 = arith.addf %dot_general3A_16, %add3A_20 : vector<10000x128xf32>
    %max3A = arith.constant 0.000000e+00 : f32
    %max3A_22 = vector.broadcast %max3A : f32 to vector<10000x128xf32>
    %max3A_23 = arith.maximumf %add3A_21, %max3A_22 : vector<10000x128xf32>
    %swap3A = arith.constant 0 : index
    %swap3A_24 = arith.constant 0 : index
    %swap3A_25 = vector.load %arg4[%swap3A, %swap3A_24] : memref<10000x128xf32, #tpu.memory_space<vmem>>, vector<10000x128xf32>
    tpu.vector_store %arg4[%swap3A, %swap3A_24], %max3A_23 {strides = array<i32>} : memref<10000x128xf32, #tpu.memory_space<vmem>>, vector<10000x128xf32>,
    return
  }
}

</mosaic_0001>

<sc_bundles>
// kernel: kernel.11.cloned.1.call-start
scs
__scs_entry_jumppad:
0x0: {  	(pc) =	sbr.rel $0x88, $3  }
0x1: {  	(tag) =	ssettag $0x0;
	lr =	simm.s32 $0x1  }
0x2: {  	[smem:$0x3F9B] =	sst lr;
	_ =	strace $0xD0000000  }
0x3: {  	_ = 	snop  }
0x4: {  	_ = 	snop  }
0x5: {  	_ = 	snop  }
0x6: {  	_ = 	snop  }
0x7: {  	_ = 	snop  }
__scs_overlays_trampoline_lowered:
0x8: {  	[smem:$0x3FAA] =	sst s0  }
0x9: {  	[smem:$0x3FAB] =	sst s1  }
0xa: {  	[smem:$0x3FAC] =	sst s2  }
0xb: {  	[smem:$0x3FAD] =	sst s3  }
0xc: {  	[smem:$0x3FAE] =	sst s4  }
0xd: {  	[smem:$0x3FAF] =	sst s5  }
0xe: {  	[smem:$0x3FB0] =	sst s6  }
0xf: {  	[smem:$0x3FB1] =	sst s7  }
0x10: {  	[smem:$0x3FB2] =	sst s8  }
0x11: {  	[smem:$0x3FB3] =	sst s9;
	s0 =	simm.s32 @!p0 $0x0  }
0x12: {  	s1 =	sld [smem:$0x3F99];
	s0 =	simm.s32 @p0 $0x1  }
0x13: {  	[smem:$0x3FB4] =	sst s0;
	s0 =	simm.s32 @!p1 $0x0  }
0x14: {  	s2 =	sld [smem:$0x3F98];
	s0 =	simm.s32 @p1 $0x1  }
0x15: {  	[smem:$0x3FB5] =	sst s0;
	s0 =	simm.s32 @!p2 $0x0  }
0x16: {  	s3 =	sld [smem:$0x3FDB];
	s0 =	simm.s32 @p2 $0x1  }
0x17: {  	s4 =	simm.s32 $0x1BF5;
	[smem:$0x3FB7] =	sst s0  }
0x18: {  	s0 =	sld [smem:$0x3F9A];
	_ =	swait.ge [sflag:s4], $0x0  }
0x19: {  	s7 =	sld [smem:$0x3F9B]  }
0x1a: {  	s8 =	sadd.s32 $0xFFFFE003, lr  }
0x1b: {  	s9 =	sadd.s32 $0xFFFFFEF7, lr;
	s5 =	simm.s32 $0xFFFFFFFF;
	p2 =	slt.u32 s8, $0xFFFFF086  }
0x1c: {  	p1 =	slt.u32 s9, $0xF7A;
	s5 =	simm.s32 @!p2 $0x0  }
0x1d: {  	s5 =	simm.s32 @p1 $0x1;
	p0 =	seq.s32 s7, s2  }
0x1e: {  	s7 =	smul.u32 @!p0 $0xF7A, s2;
	p2 =	seq.s32 @!p0 s5, $0x0  }
0x1f: {  	s9 =	smul.u32 $0xF7A, s1;
	s8 =	simm.s32 @!p0 $0x1BF5;
	p2 =	por !p2, p0  }
0x20: {  	[sflag:s8] =	ssyncset.s32 @!p0 $0xFFFFF086;
	s6 =	sadd.s32 @!p0 s3, s7;
	s7 =	simm.s32 @!p0 $0x108  }
0x21: {  	s3 =	sadd.s32 s3, s9;
	s6 =	sadd.s32 @!p0 $0x88, s6;
	s7 =	simm.s32 @p2 $0x1082  }
0x22: {  	[simem:s7], [sflag:s8] =	dma.local @!p0 [hbm:s6], $0xF7A  }
0x23: {  	s9 =	sor.u32 $0xD0000000, s2;
	s6 =	simm.s32 $0x108;
	_ =	swait.ge @!p0 [sflag:s8], $0x0  }
0x24: {  	s3 =	sadd.s32 $0x88, s3;
	s6 =	simm.s32 @!p1 $0x1082;
	[sflag:s4] =	ssyncset.s32 $0xFFFFF086  }
0x25: {  	[simem:s6], [sflag:s4] =	dma.local [hbm:s3], $0xF7A  }
0x26: {  	[smem:$0x3F9B] =	sst s1;
	(tag) =	ssettag s2;
	_ =	strace s9  }
0x27: {  	s1 =	sld [smem:$0x3FAB]  }
0x28: {  	s2 =	sld [smem:$0x3FAC]  }
0x29: {  	s4 =	sld [smem:$0x3FAE]  }
0x2a: {  	p0 =	seq.s32 s5, $0x0;
	s5 =	sld [smem:$0x3FAF]  }
0x2b: {  	s6 =	sld [smem:$0x3FB0]  }
0x2c: {  	s7 =	sld [smem:$0x3FB1]  }
0x2d: {  	s3 =	simm.s32 $0x108;
	s8 =	sld [smem:$0x3FB2]  }
0x2e: {  	s3 =	simm.s32 @!p0 $0x1082;
	s9 =	sld [smem:$0x3FB3]  }
0x2f: {  	lr =	sadd.s32 s0, s3;
	s0 =	sld [smem:$0x3FAA]  }
0x30: {  	s3 =	sld [smem:$0x3FAD]  }
0x31: {  	[smem:$0x3FB6] =	sst s10  }
0x32: {  	s10 =	sld [smem:$0x3FB4];
	_ =	sdelay $0x3  }
0x33: {  	p0 =	seq.s32 s10, $0x1;
	s10 =	sld [smem:$0x3FB6];
	_ =	sdelay $0x3  }
0x34: {  	[smem:$0x3FB6] =	sst s10  }
0x35: {  	s10 =	sld [smem:$0x3FB5];
	_ =	sdelay $0x3  }
0x36: {  	p1 =	seq.s32 s10, $0x1;
	s10 =	sld [smem:$0x3FB6];
	_ =	sdelay $0x3  }
0x37: {  	[smem:$0x3FB6] =	sst s10  }
0x38: {  	s10 =	sld [smem:$0x3FB7]  }
0x39: {  	_ = 	snop;
	(pc) =	sbr.ind lr, $3  }
0x3a: {  	_ = 	snop  }
0x3b: {  	_ = 	snop  }
0x3c: {  	p2 =	seq.s32 s10, $0x1;
	s10 =	sld [smem:$0x3FB6]  }
0x3d: {  	_ =	shalt  }
0x3e: {  	_ =	shalt  }
0x3f: {  	_ =	shalt  }
0x40: {  	_ =	shalt  }
0x41: {  	_ =	shalt  }
0x42: {  	_ =	shalt  }
0x43: {  	_ =	shalt  }
0x44: {  	_ =	shalt  }
0x45: {  	_ =	shalt  }
0x46: {  	_ =	shalt  }
0x47: {  	_ =	shalt  }
0x48: {  	_ =	shalt  }
0x49: {  	_ =	shalt  }
0x4a: {  	_ =	shalt  }
0x4b: {  	_ =	shalt  }
0x4c: {  	_ =	shalt  }
0x4d: {  	_ =	shalt  }
0x4e: {  	_ =	shalt  }
0x4f: {  	_ =	shalt  }
0x50: {  	_ =	shalt  }
0x51: {  	_ =	shalt  }
0x52: {  	_ =	shalt  }
0x53: {  	_ =	shalt  }
0x54: {  	_ =	shalt  }
0x55: {  	_ =	shalt  }
0x56: {  	_ =	shalt  }
0x57: {  	_ =	shalt  }
0x58: {  	_ =	shalt  }
0x59: {  	_ =	shalt  }
0x5a: {  	_ =	shalt  }
0x5b: {  	_ =	shalt  }
0x5c: {  	_ =	shalt  }
0x5d: {  	_ =	shalt  }
0x5e: {  	_ =	shalt  }
0x5f: {  	_ =	shalt  }
0x60: {  	_ =	shalt  }
0x61: {  	_ =	shalt  }
0x62: {  	_ =	shalt  }
0x63: {  	_ =	shalt  }
0x64: {  	_ =	shalt  }
0x65: {  	_ =	shalt  }
0x66: {  	_ =	shalt  }
0x67: {  	_ =	shalt  }
0x68: {  	_ =	shalt  }
0x69: {  	_ =	shalt  }
0x6a: {  	_ =	shalt  }
0x6b: {  	_ =	shalt  }
0x6c: {  	_ =	shalt  }
0x6d: {  	_ =	shalt  }
0x6e: {  	_ =	shalt  }
0x6f: {  	_ =	shalt  }
0x70: {  	_ =	shalt  }
0x71: {  	_ =	shalt  }
0x72: {  	_ =	shalt  }
0x73: {  	_ =	shalt  }
0x74: {  	_ =	shalt  }
0x75: {  	_ =	shalt  }
0x76: {  	_ =	shalt  }
0x77: {  	_ =	shalt  }
0x78: {  	_ =	shalt  }
0x79: {  	_ =	shalt  }
0x7a: {  	_ =	shalt  }
0x7b: {  	_ =	shalt  }
0x7c: {  	_ =	shalt  }
0x7d: {  	_ =	shalt  }
0x7e: {  	_ =	shalt  }
0x7f: {  	_ =	shalt  }
0x80: {  	_ =	shalt  }
0x81: {  	_ =	shalt  }
0x82: {  	_ =	shalt  }
0x83: {  	_ =	shalt  }
0x84: {  	_ =	shalt  }
0x85: {  	_ =	shalt  }
0x86: {  	_ =	shalt  }
0x87: {  	_ =	shalt  }
.Lfunc_end0:
.L_simem_size_0:
called_computation.1_lowered:
.L_overlay_start_0:
0x88: {  	s2 =	sld [smem:$0x3FD9]  }
0x89: {  	s3 =	sld [smem:$0x3FFE];
	_ =	sdelay $0x1  }
0x8a: {  	s1 =	srdreg.scid  }
0x8b: {  	s0 =	sand.u32 $0x1, s1  }
0x8c: {  	s17 =	sshll.u32 s0, $0xA;
	s2 =	sadd.s32 s3, s2  }
0x8d: {  	s2 =	sadd.s32 s2, s17  }
0x8e: {  	[smem:$0x3FC2] =	sst s2  }
0x8f: {  	_ = 	snop  }
0x90: {  	s2 =	sld [smem:$0x3FD0];
	(tm) =	ssettm $0x1  }
0x91: {  	s18 =	sld [smem:$0x3FFB];
	_ =	sdelay $0x3  }
0x92: {  	_ =	strace s18  }
0x93: {  	s3 =	sld [smem:$0x3FFC];
	_ =	sdelay $0x3  }
0x94: {  	_ =	strace s3  }
0x95: {  	s3 =	sld [smem:$0x3FFD];
	_ =	sdelay $0x3  }
0x96: {  	_ =	strace s3  }
0x97: {  	_ =	strace $0x8FFFFFFF  }
0x98: {  	s19 =	sld [smem:$0x3FDB];
	_ =	sdelay $0x1  }
0x99: {  	s4 =	simm.s32 $_scs_section_size  }
0x9a: {  	s5 =	simm.s32 $_size__tile_overlayer_lowered;
	s6 =	simm.s32 $_tile_overlayer_lowered  }
0x9b: {  	s22 =	simm.s32 $0x1BFF;
	s21 =	sshll.u32 s6, $0x1;
	s3 =	sadd.s32 s4, s19  }
0x9c: {  	s7 =	simm.s32 $0x0;
	s20 =	sshll.u32 s5, $0x1;
	s5 =	sadd.s32 s21, s3  }
0x9d: {  	[timem:s7], [sflag:s22] =	dma.local [hbm:s5], s20  }
0x9e: {  	_ =	swait.ge [sflag:s22], s20  }
0x9f: {  	s4 =	ssub.s32 $0x0, s20;
	[sflag:s22] =	ssyncset.done $0x0  }
0xa0: {  	[sflag:s22] =	ssyncadd.s32 s4;
	_ =	sdelay $0x1  }
0xa1: {  	s23 =	simm.s32 $0x1B8B  }
0xa2: {  	_ =	swait.ge [sflag:s23], $0x1  }
0xa3: {  	[sflag:s23] =	ssyncset.done $0x0  }
0xa4: {  	s25 =	simm.s32 $0x1B8E;
	s24 =	sld [smem:$0x3FFE];
	[sflag:s23] =	ssyncadd.s32 $0xFFFFFFFF  }
0xa5: {  	s26 =	simm.s32 $execute0_lowered;
	[smem:$0x3FD2] =	sst s25  }
0xa6: {  	s5 =	sshll.u32 s26, $0x1;
	_ =	strace $0x80000049;
	[dreg:$0x1] =	wrdreg $0xFFFFFFFF  }
0xa7: {  	s28 =	simm.s32 $_size_execute0_lowered;
	s3 =	sadd.s32 s3, s5;
	[dreg:$0x0] =	wrdreg $0x0  }
0xa8: {  	s5 =	sshll.u32 s28, $0x1;
	[dreg:$0x2] =	wrdreg s3  }
0xa9: {  	[dreg:$0x3] =	wrdreg s5  }
0xaa: {  	[dreg:$0x4] =	wrdreg $0xC0  }
0xab: {  	_ =	task [dreg:s7], $0x5FFFF  }
0xac: {  	[dreg:$0x1] =	wrdreg $0xFFFFFFFF  }
0xad: {  	[dreg:$0x0] =	wrdreg $0x60  }
0xae: {  	[dreg:$0x2] =	wrdreg s24  }
0xaf: {  	[dreg:$0x3] =	wrdreg s2  }
0xb0: {  	[dreg:$0x4] =	wrdreg $0x90000  }
0xb1: {  	[dreg:$0x5] =	wrdreg $0x9  }
0xb2: {  	_ =	task.clear_ibuf [dreg:s7], $0x6FFFF;
	_ =	strace $0x90000049  }
0xb3: {  	s29 =	simm.s32 $0x9;
	_ =	strace $0x8000004B  }
0xb4: {  	_ =	swait.ge [sflag:s29], $0x1  }
0xb5: {  	[sflag:s29] =	ssyncadd.s32 $0xFFFFFFFF  }
0xb6: {  	_ =	strace $0x9000004B  }
0xb7: {  	_ =	sfence  }
0xb8: {  	s30 =	sld [smem:$0x0];
	_ =	sdelay $0x2  }
0xb9: {  	s31 =	sshll.u32 s1, $0xD;
	s1 =	sshrl.u32 s1, $0x2  }
0xba: {  	s3 =	sand.u32 $0x4000, s31;
	s1 =	sadd.s32 s1, s30  }
0xbb: {  	s0 =	sor.u32 s3, s0;
	s1 =	sshll.u32 s1, $0x11  }
0xbc: {  	s0 =	sor.u32 s1, s0  }
0xbd: {  	s0 =	sadd.s32 $0x8F2B, s0  }
0xbe: {  	[sflag:s0] =	ssyncadd.remote.s32 $0x1  }
0xbf: {  	_ =	sfence.sel $0xFFFF  }
0xc0: {  	[dreg:$0x0] =	wrdreg $0xFFFFFFFF;
	(pc) =	sbr.abs _section_cstart, $3  }
0xc1: {  	[dreg:$0x1] =	wrdreg $0xFFFFFFFF  }
0xc2: {  	_ =	task.clear_ibuf [dreg:s7], $0x2FFFF;
	_ =	strace $0x9FFFFFFF  }
0xc3: {  	(tm) =	ssettm $0x7FFFFFFF  }
tec
execute0_lowered:
.L_overlay_start_1:
0x0: {  	(tag) =	ssettag $0x1  }
0x1: {  	s0 =	rddreg [dreg:$0x0]  }
0x2: {  	s1 =	rddreg [dreg:$0x1];
	s3 =	srdreg.scid  }
0x3: {  	s2 =	rddreg [dreg:$0x2];
	s10 =	stileid.u32;
	s23 =	simm.s32 $0x100  }
0x4: {  	s24 =	simm.s32 $0x880;
	s28 =	simm.s32 $0xC80;
	s6 =	smul.u32 $0x2800, s10  }
0x5: {  	s29 =	simm.s32 $0x580;
	s30 =	simm.s32 $0xD00;
	s7 =	smul.u32 $0x50000, s10  }
0x6: {  	s31 =	simm.s32 $0x600;
	s5 =	sand.u32 $0x1, s3;
	s10 =	smul.u32 $0x14000, s10  }
0x7: {  	s3 =	simm.s32 $0x0;
	s8 =	sadd.s32 $0x34000, s0;
	s4 =	smul.u32 $0x28000, s5  }
0x8: {  	[smem:$0x7FF] =	sst s3;
	s25 =	ssub.s32 $0x2, s5;
	s5 =	smul.u32 $0x140000, s5  }
0x9: {  	_ =	strace $0x8000004A;
	[dreg:$0x16] =	wrdreg s8;
	s9 =	sshrl.u32 s25, $0x1  }
0xa: {  	s7 =	sshrl.u32 s7, $0x2;
	s26 =	sadd.s32 $0x4000, s10;
	s13 =	sadd.s32 $0x8000, s10  }
0xb: {  	s14 =	sadd.s32 $0xC000, s10;
	s15 =	sadd.s32 $0x10000, s10;
	[dreg:$0x6] =	wrdreg s23  }
0xc: {  	[dreg:$0x7] =	wrdreg s24;
	s23 =	simm.s32 $0x400;
	s24 =	simm.s32 $0xB80  }
0xd: {  	s6 =	sadd.s32 s6, s4;
	s12 =	ssub.s32 s25, s9;
	s8 =	sadd.s32 s7, s2  }
0xe: {  	s9 =	sadd.s32 s26, s2;
	s17 =	sadd.s32 s13, s2;
	s18 =	sadd.s32 s14, s2  }
0xf: {  	s19 =	sadd.s32 s10, s5;
	s16 =	sadd.s32 s15, s2;
	[dreg:$0x12] =	wrdreg s23  }
0x10: {  	s7 =	sadd.s32 s5, s26;
	s25 =	simm.s32 $0x180;
	[dreg:$0x13] =	wrdreg s24  }
0x11: {  	s22 =	sadd.s32 s5, s13;
	s13 =	simm.s32 $0x200;
	[dreg:$0x8] =	wrdreg s25  }
0x12: {  	s26 =	sadd.s32 s5, s14;
	s14 =	simm.s32 $0x980;
	[dreg:$0xa] =	wrdreg s13  }
0x13: {  	s5 =	sadd.s32 s5, s15;
	s15 =	simm.s32 $0x280;
	[dreg:$0xb] =	wrdreg s14  }
0x14: {  	s4 =	sadd.s32 $0xC000, s0;
	s23 =	simm.s32 $0x3;
	[dreg:$0xc] =	wrdreg s15  }
0x15: {  	s24 =	simm.s32 $0x2;
	s6 =	sshrl.u32 s6, $0x3;
	[dreg:$0x17] =	wrdreg s8  }
0x16: {  	s10 =	smov.u32 s18;
	s19 =	sshrl.u32 s19, $0x3;
	[dreg:$0x18] =	wrdreg s9  }
0x17: {  	s7 =	sshrl.u32 s7, $0x3;
	s25 =	simm.s32 $0x480;
	[dreg:$0x1b] =	wrdreg s16  }
0x18: {  	s5 =	sshrl.u32 s5, $0x3;
	s11 =	sadd.s32 s6, s0;
	[dreg:$0x14] =	wrdreg s25  }
0x19: {  	s0 =	sadd.s32 $0x34800, s0;
	s1 =	sadd.s32 s6, s1;
	[dreg:$0x1a] =	wrdreg s10  }
0x1a: {  	s6 =	sshrl.u32 s22, $0x3;
	s22 =	simm.s32 $0xB00;
	[dreg:$0x4] =	wrdreg s1  }
0x1b: {  	s13 =	simm.s32 $0x780;
	s18 =	sadd.s32 s0, s19;
	[dreg:$0x11] =	wrdreg s22  }
0x1c: {  	s14 =	simm.s32 $0xF00;
	s20 =	sadd.s32 s0, s7;
	[dreg:$0x1c] =	wrdreg s18  }
0x1d: {  	s15 =	simm.s32 $0xF80;
	s21 =	sadd.s32 $0x2000, s11;
	[dreg:$0x1d] =	wrdreg s20  }
0x1e: {  	s25 =	simm.s32 $0x4;
	s6 =	sadd.s32 s0, s6;
	[dreg:$0x5] =	wrdreg s21  }
0x1f: {  	s7 =	smov.u32 s17;
	s11 =	simm.s32 $0x900;
	[dreg:$0x1e] =	wrdreg s6  }
0x20: {  	s17 =	simm.s32 $0xA00;
	s19 =	smax.u32 s12, $0x1;
	[dreg:$0x9] =	wrdreg s11  }
0x21: {  	s22 =	simm.s32 $0x1;
	s1 =	simm.s32 $0x680;
	[dreg:$0xd] =	wrdreg s17  }
0x22: {  	s12 =	simm.s32 $0xE80;
	s6 =	sshrl.u32 s26, $0x3;
	[smem:$0x7FC] =	sst s19  }
0x23: {  	s18 =	simm.s32 $0x300;
	s20 =	simm.s32 $0xA80;
	[dreg:$0x19] =	wrdreg s7  }
0x24: {  	s17 =	simm.s32 $0x1000;
	s21 =	simm.s32 $0x380;
	[dreg:$0xe] =	wrdreg s18  }
0x25: {  	s19 =	simm.s32 $0x800;
	s26 =	simm.s32 $0xC00;
	[dreg:$0xf] =	wrdreg s20  }
0x26: {  	s11 =	simm.s32 $0x700;
	s6 =	sadd.s32 s0, s6;
	[dreg:$0x10] =	wrdreg s21  }
0x27: {  	s0 =	sadd.s32 s0, s5;
	s18 =	simm.s32 $0x5;
	[dreg:$0x15] =	wrdreg s26  }
0x28: {  	s20 =	simm.s32 $0x80;
	s21 =	simm.s32 $0x5000;
	[dreg:$0x1f] =	wrdreg s6  }
0x29: {  	s26 =	simm.s32 $0x500;
	[smem:$0x7FB] =	sst s0;
	s6 =	simm.s32 $0x0  }
0x2a: {  	s5 =	simm.s32 $0xE00;
	s0 =	simm.s32 $0xD80;
	[smem:$0x7FD] =	sst s6  }
.LBB2_1:
0x2b: {  	s6 =	rddreg [dreg:$0x16]  }
0x2c: {  	[tilespmem:s17], [sflag:$0x5] =	stream.linear.gather [hbm4b:s6+s3], $0x4000, $0x38;
	[tilespmem:$0x1D000] =	vst v63  }
0x2d: {  	_ =	swait.ge [sflag:s18], $0x4000  }
0x2e: {  	[sflag:s18] =	ssyncset.done $0x0  }
0x2f: {  	[sflag:s18] =	ssyncadd.s32 $0xFFFFC000  }
0x30: {  	[spmem:s8] =	stream.linear.scatter [tilespmem:s17], [sflag:$0x5], $0x4000, $0x38;
	[tilespmem:$0x1D000] =	vst v63  }
0x31: {  	_ =	swait.ge [sflag:s18], $0x4000  }
0x32: {  	[sflag:s18] =	ssyncset.done $0x0  }
0x33: {  	[sflag:s18] =	ssyncadd.s32 $0xFFFFC000  }
0x34: {  	[spmem:s9] =	stream.linear.scatter [tilespmem:s17], [sflag:$0x5], $0x4000, $0x38;
	[tilespmem:$0x1D000] =	vst v63  }
0x35: {  	_ =	swait.ge [sflag:s18], $0x4000  }
0x36: {  	[sflag:s18] =	ssyncset.done $0x0  }
0x37: {  	[sflag:s18] =	ssyncadd.s32 $0xFFFFC000  }
0x38: {  	[spmem:s7] =	stream.linear.scatter [tilespmem:s17], [sflag:$0x5], $0x4000, $0x38;
	[tilespmem:$0x1D000] =	vst v63  }
0x39: {  	_ =	swait.ge [sflag:s18], $0x4000  }
0x3a: {  	[sflag:s18] =	ssyncset.done $0x0  }
0x3b: {  	[sflag:s18] =	ssyncadd.s32 $0xFFFFC000  }
0x3c: {  	[spmem:s10] =	stream.linear.scatter [tilespmem:s17], [sflag:$0x5], $0x4000, $0x38;
	[tilespmem:$0x1D000] =	vst v63  }
0x3d: {  	_ =	swait.ge [sflag:s18], $0x4000  }
0x3e: {  	[sflag:s18] =	ssyncset.done $0x0  }
0x3f: {  	[sflag:s18] =	ssyncadd.s32 $0xFFFFC000  }
0x40: {  	[spmem:s16] =	stream.linear.scatter [tilespmem:s17], [sflag:$0x5], $0x4000, $0x38;
	[tilespmem:$0x1D000] =	vst v63  }
0x41: {  	_ =	swait.ge [sflag:s18], $0x4000  }
0x42: {  	[sflag:s18] =	ssyncset.done $0x0  }
0x43: {  	p0 =	por $0x1, $0x1;
	[sflag:s18] =	ssyncadd.s32 $0xFFFFC000  }
0x44: {  	s6 =	simm.s32 @!p0 $0x3;
	[bflag:$0x0] =	sbarrier.arrive $0xFFFF  }
0x45: {  	_ =	swait.ge @!p0 [sflag:s6], $0x4000  }
0x46: {  	[sflag:s6] =	ssyncset.done @!p0 $0x0  }
0x47: {  	[sflag:s6] =	ssyncadd.s32 @!p0 $0xFFFFC000;
	s6 =	simm.s32 @!p0 $0x4  }
0x48: {  	_ =	swait.ge @!p0 [sflag:s6], $0x4000  }
0x49: {  	s8 =	rddreg [dreg:$0x5];
	[sflag:s6] =	ssyncset.done @!p0 $0x0  }
0x4a: {  	[sflag:s6] =	ssyncadd.s32 @!p0 $0xFFFFC000;
	s9 =	sadd.s32 $0x0, s8  }
0x4b: {  	[tilespmem:s3], [sflag:$0x5] =	stream.linear.gather [hbm4b:s9+s3], $0x800, $0x38;
	[tilespmem:$0x1D000] =	vst v63  }
0x4c: {  	_ =	swait.ge [sflag:s18], $0x800  }
0x4d: {  	s10 =	rddreg [dreg:$0x4];
	[sflag:s18] =	ssyncset.done $0x0  }
0x4e: {  	[sflag:s18] =	ssyncadd.s32 $0xFFFFF800;
	s6 =	sadd.s32 $0x0, s10  }
0x4f: {  	[tilespmem:s19], [sflag:$0x5] =	stream.linear.gather [hbm4b:s6+s3], $0x800, $0x38;
	[tilespmem:$0x1D000] =	vst v63  }
0x50: {  	_ =	swait.ge [sflag:s18], $0x800  }
0x51: {  	[sflag:s18] =	ssyncset.done $0x0  }
0x52: {  	[sflag:s18] =	ssyncadd.s32 $0xFFFFF800  }
0x53: {  	[tilespmem:s17], [sflag:$0x1] =	stream.indirect.gather [hbm4b:s4+s20], $0x80, s3, s20, $0xb8;
	[tilespmem:$0x1D000] =	vst v63  }
0x54: {  	_ = 	snop  }
0x55: {  	[tilespmem:s21], [sflag:$0x2] =	stream.indirect.gather [hbm4b:s4+s20], $0x80, s20, s20, $0xb8;
	[tilespmem:$0x1D000] =	vst v63  }
0x56: {  	_ =	swait.ge [sflag:s22], $0x4000  }
0x57: {  	[sflag:s22] =	ssyncset.done $0x0  }
0x58: {  	[sflag:s22] =	ssyncadd.s32 $0xFFFFC000  }
0x59: {  	[spmem:s2] =	stream.indirect.scatter.add.f32 [tilespmem:s17], [sflag:$0x3], $0x80, s19, s20, $0xb8;
	[tilespmem:$0x1D000] =	vst v63  }
0x5a: {  	_ =	swait.ge [sflag:s23], $0x4000  }
0x5b: {  	[sflag:s23] =	ssyncset.done $0x0  }
0x5c: {  	s16 =	rddreg [dreg:$0x6];
	[sflag:s23] =	ssyncadd.s32 $0xFFFFC000  }
0x5d: {  	[tilespmem:s17], [sflag:$0x1] =	stream.indirect.gather [hbm4b:s4+s20], $0x80, s16, s20, $0xb8;
	[tilespmem:$0x1D000] =	vst v63  }
0x5e: {  	_ =	swait.ge [sflag:s24], $0x4000  }
0x5f: {  	[sflag:s24] =	ssyncset.done $0x0  }
0x60: {  	s7 =	rddreg [dreg:$0x7];
	[sflag:s24] =	ssyncadd.s32 $0xFFFFC000  }
0x61: {  	[spmem:s2] =	stream.indirect.scatter.add.f32 [tilespmem:s21], [sflag:$0x4], $0x80, s7, s20, $0xb8;
	[tilespmem:$0x1D000] =	vst v63  }
0x62: {  	_ =	swait.ge [sflag:s25], $0x4000  }
0x63: {  	[sflag:s25] =	ssyncset.done $0x0  }
0x64: {  	s8 =	rddreg [dreg:$0x8];
	[sflag:s25] =	ssyncadd.s32 $0xFFFFC000  }
0x65: {  	[tilespmem:s21], [sflag:$0x2] =	stream.indirect.gather [hbm4b:s4+s20], $0x80, s8, s20, $0xb8;
	[tilespmem:$0x1D000] =	vst v63  }
0x66: {  	_ =	swait.ge [sflag:s22], $0x4000  }
0x67: {  	[sflag:s22] =	ssyncset.done $0x0  }
0x68: {  	s9 =	rddreg [dreg:$0x9];
	[sflag:s22] =	ssyncadd.s32 $0xFFFFC000  }
0x69: {  	[spmem:s2] =	stream.indirect.scatter.add.f32 [tilespmem:s17], [sflag:$0x3], $0x80, s9, s20, $0xb8;
	[tilespmem:$0x1D000] =	vst v63  }
0x6a: {  	_ =	swait.ge [sflag:s23], $0x4000  }
0x6b: {  	[sflag:s23] =	ssyncset.done $0x0  }
0x6c: {  	s10 =	rddreg [dreg:$0xa];
	[sflag:s23] =	ssyncadd.s32 $0xFFFFC000  }
0x6d: {  	[tilespmem:s17], [sflag:$0x1] =	stream.indirect.gather [hbm4b:s4+s20], $0x80, s10, s20, $0xb8;
	[tilespmem:$0x1D000] =	vst v63  }
0x6e: {  	_ =	swait.ge [sflag:s24], $0x4000  }
0x6f: {  	[sflag:s24] =	ssyncset.done $0x0  }
0x70: {  	s16 =	rddreg [dreg:$0xb];
	[sflag:s24] =	ssyncadd.s32 $0xFFFFC000  }
0x71: {  	[spmem:s2] =	stream.indirect.scatter.add.f32 [tilespmem:s21], [sflag:$0x4], $0x80, s16, s20, $0xb8;
	[tilespmem:$0x1D000] =	vst v63  }
0x72: {  	_ =	swait.ge [sflag:s25], $0x4000  }
0x73: {  	[sflag:s25] =	ssyncset.done $0x0  }
0x74: {  	s7 =	rddreg [dreg:$0xc];
	[sflag:s25] =	ssyncadd.s32 $0xFFFFC000  }
0x75: {  	[tilespmem:s21], [sflag:$0x2] =	stream.indirect.gather [hbm4b:s4+s20], $0x80, s7, s20, $0xb8;
	[tilespmem:$0x1D000] =	vst v63  }
0x76: {  	_ =	swait.ge [sflag:s22], $0x4000  }
0x77: {  	[sflag:s22] =	ssyncset.done $0x0  }
0x78: {  	s8 =	rddreg [dreg:$0xd];
	[sflag:s22] =	ssyncadd.s32 $0xFFFFC000  }
0x79: {  	[spmem:s2] =	stream.indirect.scatter.add.f32 [tilespmem:s17], [sflag:$0x3], $0x80, s8, s20, $0xb8;
	[tilespmem:$0x1D000] =	vst v63  }
0x7a: {  	_ =	swait.ge [sflag:s23], $0x4000  }
0x7b: {  	[sflag:s23] =	ssyncset.done $0x0  }
0x7c: {  	s9 =	rddreg [dreg:$0xe];
	[sflag:s23] =	ssyncadd.s32 $0xFFFFC000  }
0x7d: {  	[tilespmem:s17], [sflag:$0x1] =	stream.indirect.gather [hbm4b:s4+s20], $0x80, s9, s20, $0xb8;
	[tilespmem:$0x1D000] =	vst v63  }
0x7e: {  	_ =	swait.ge [sflag:s24], $0x4000  }
0x7f: {  	[sflag:s24] =	ssyncset.done $0x0  }
0x80: {  	s10 =	rddreg [dreg:$0xf];
	[sflag:s24] =	ssyncadd.s32 $0xFFFFC000  }
0x81: {  	[spmem:s2] =	stream.indirect.scatter.add.f32 [tilespmem:s21], [sflag:$0x4], $0x80, s10, s20, $0xb8;
	[tilespmem:$0x1D000] =	vst v63  }
0x82: {  	_ =	swait.ge [sflag:s25], $0x4000  }
0x83: {  	[sflag:s25] =	ssyncset.done $0x0  }
0x84: {  	s16 =	rddreg [dreg:$0x10];
	[sflag:s25] =	ssyncadd.s32 $0xFFFFC000  }
0x85: {  	[tilespmem:s21], [sflag:$0x2] =	stream.indirect.gather [hbm4b:s4+s20], $0x80, s16, s20, $0xb8;
	[tilespmem:$0x1D000] =	vst v63  }
0x86: {  	_ =	swait.ge [sflag:s22], $0x4000  }
0x87: {  	[sflag:s22] =	ssyncset.done $0x0  }
0x88: {  	s7 =	rddreg [dreg:$0x11];
	[sflag:s22] =	ssyncadd.s32 $0xFFFFC000  }
0x89: {  	[spmem:s2] =	stream.indirect.scatter.add.f32 [tilespmem:s17], [sflag:$0x3], $0x80, s7, s20, $0xb8;
	[tilespmem:$0x1D000] =	vst v63  }
0x8a: {  	_ =	swait.ge [sflag:s23], $0x4000  }
0x8b: {  	[sflag:s23] =	ssyncset.done $0x0  }
0x8c: {  	s8 =	rddreg [dreg:$0x12];
	[sflag:s23] =	ssyncadd.s32 $0xFFFFC000  }
0x8d: {  	[tilespmem:s17], [sflag:$0x1] =	stream.indirect.gather [hbm4b:s4+s20], $0x80, s8, s20, $0xb8;
	[tilespmem:$0x1D000] =	vst v63  }
0x8e: {  	_ =	swait.ge [sflag:s24], $0x4000  }
0x8f: {  	[sflag:s24] =	ssyncset.done $0x0  }
0x90: {  	s9 =	rddreg [dreg:$0x13];
	[sflag:s24] =	ssyncadd.s32 $0xFFFFC000  }
0x91: {  	[spmem:s2] =	stream.indirect.scatter.add.f32 [tilespmem:s21], [sflag:$0x4], $0x80, s9, s20, $0xb8;
	[tilespmem:$0x1D000] =	vst v63  }
0x92: {  	_ =	swait.ge [sflag:s25], $0x4000  }
0x93: {  	[sflag:s25] =	ssyncset.done $0x0  }
0x94: {  	s10 =	rddreg [dreg:$0x14];
	[sflag:s25] =	ssyncadd.s32 $0xFFFFC000  }
0x95: {  	[tilespmem:s21], [sflag:$0x2] =	stream.indirect.gather [hbm4b:s4+s20], $0x80, s10, s20, $0xb8;
	[tilespmem:$0x1D000] =	vst v63  }
0x96: {  	_ =	swait.ge [sflag:s22], $0x4000  }
0x97: {  	[sflag:s22] =	ssyncset.done $0x0  }
0x98: {  	s16 =	rddreg [dreg:$0x15];
	[sflag:s22] =	ssyncadd.s32 $0xFFFFC000  }
0x99: {  	[spmem:s2] =	stream.indirect.scatter.add.f32 [tilespmem:s17], [sflag:$0x3], $0x80, s16, s20, $0xb8;
	[tilespmem:$0x1D000] =	vst v63  }
0x9a: {  	_ =	swait.ge [sflag:s23], $0x4000  }
0x9b: {  	[sflag:s23] =	ssyncset.done $0x0  }
0x9c: {  	[sflag:s23] =	ssyncadd.s32 $0xFFFFC000  }
0x9d: {  	[tilespmem:s17], [sflag:$0x1] =	stream.indirect.gather [hbm4b:s4+s20], $0x80, s26, s20, $0xb8;
	[tilespmem:$0x1D000] =	vst v63  }
0x9e: {  	_ =	swait.ge [sflag:s24], $0x4000  }
0x9f: {  	[sflag:s24] =	ssyncset.done $0x0  }
0xa0: {  	[sflag:s24] =	ssyncadd.s32 $0xFFFFC000  }
0xa1: {  	[spmem:s2] =	stream.indirect.scatter.add.f32 [tilespmem:s21], [sflag:$0x4], $0x80, s28, s20, $0xb8;
	[tilespmem:$0x1D000] =	vst v63  }
0xa2: {  	_ =	swait.ge [sflag:s25], $0x4000  }
0xa3: {  	[sflag:s25] =	ssyncset.done $0x0  }
0xa4: {  	[sflag:s25] =	ssyncadd.s32 $0xFFFFC000  }
0xa5: {  	[tilespmem:s21], [sflag:$0x2] =	stream.indirect.gather [hbm4b:s4+s20], $0x80, s29, s20, $0xb8;
	[tilespmem:$0x1D000] =	vst v63  }
0xa6: {  	_ =	swait.ge [sflag:s22], $0x4000  }
0xa7: {  	[sflag:s22] =	ssyncset.done $0x0  }
0xa8: {  	[sflag:s22] =	ssyncadd.s32 $0xFFFFC000  }
0xa9: {  	[spmem:s2] =	stream.indirect.scatter.add.f32 [tilespmem:s17], [sflag:$0x3], $0x80, s30, s20, $0xb8;
	[tilespmem:$0x1D000] =	vst v63  }
0xaa: {  	_ =	swait.ge [sflag:s23], $0x4000  }
0xab: {  	[sflag:s23] =	ssyncset.done $0x0  }
0xac: {  	[sflag:s23] =	ssyncadd.s32 $0xFFFFC000  }
0xad: {  	[tilespmem:s17], [sflag:$0x1] =	stream.indirect.gather [hbm4b:s4+s20], $0x80, s31, s20, $0xb8;
	[tilespmem:$0x1D000] =	vst v63  }
0xae: {  	_ =	swait.ge [sflag:s24], $0x4000  }
0xaf: {  	[sflag:s24] =	ssyncset.done $0x0  }
0xb0: {  	[sflag:s24] =	ssyncadd.s32 $0xFFFFC000  }
0xb1: {  	[spmem:s2] =	stream.indirect.scatter.add.f32 [tilespmem:s21], [sflag:$0x4], $0x80, s0, s20, $0xb8;
	[tilespmem:$0x1D000] =	vst v63  }
0xb2: {  	_ =	swait.ge [sflag:s25], $0x4000  }
0xb3: {  	[sflag:s25] =	ssyncset.done $0x0  }
0xb4: {  	[sflag:s25] =	ssyncadd.s32 $0xFFFFC000  }
0xb5: {  	[tilespmem:s21], [sflag:$0x2] =	stream.indirect.gather [hbm4b:s4+s20], $0x80, s1, s20, $0xb8;
	[tilespmem:$0x1D000] =	vst v63  }
0xb6: {  	_ =	swait.ge [sflag:s22], $0x4000  }
0xb7: {  	[sflag:s22] =	ssyncset.done $0x0  }
0xb8: {  	[sflag:s22] =	ssyncadd.s32 $0xFFFFC000  }
0xb9: {  	[spmem:s2] =	stream.indirect.scatter.add.f32 [tilespmem:s17], [sflag:$0x3], $0x80, s5, s20, $0xb8;
	[tilespmem:$0x1D000] =	vst v63  }
0xba: {  	_ =	swait.ge [sflag:s23], $0x4000  }
0xbb: {  	[sflag:s23] =	ssyncset.done $0x0  }
0xbc: {  	[sflag:s23] =	ssyncadd.s32 $0xFFFFC000  }
0xbd: {  	[tilespmem:s17], [sflag:$0x1] =	stream.indirect.gather [hbm4b:s4+s20], $0x80, s11, s20, $0xb8;
	[tilespmem:$0x1D000] =	vst v63  }
0xbe: {  	_ =	swait.ge [sflag:s24], $0x4000  }
0xbf: {  	[sflag:s24] =	ssyncset.done $0x0  }
0xc0: {  	[sflag:s24] =	ssyncadd.s32 $0xFFFFC000  }
0xc1: {  	[spmem:s2] =	stream.indirect.scatter.add.f32 [tilespmem:s21], [sflag:$0x4], $0x80, s12, s20, $0xb8;
	[tilespmem:$0x1D000] =	vst v63  }
0xc2: {  	_ =	swait.ge [sflag:s25], $0x4000  }
0xc3: {  	[sflag:s25] =	ssyncset.done $0x0  }
0xc4: {  	[sflag:s25] =	ssyncadd.s32 $0xFFFFC000  }
0xc5: {  	[tilespmem:s21], [sflag:$0x2] =	stream.indirect.gather [hbm4b:s4+s20], $0x80, s13, s20, $0xb8;
	[tilespmem:$0x1D000] =	vst v63  }
0xc6: {  	_ =	swait.ge [sflag:s22], $0x4000  }
0xc7: {  	[sflag:s22] =	ssyncset.done $0x0  }
0xc8: {  	[sflag:s22] =	ssyncadd.s32 $0xFFFFC000  }
0xc9: {  	[spmem:s2] =	stream.indirect.scatter.add.f32 [tilespmem:s17], [sflag:$0x3], $0x80, s14, s20, $0xb8;
	[tilespmem:$0x1D000] =	vst v63  }
0xca: {  	p1 =	por $0x0, $0x0;
	_ =	swait.ge [sflag:s24], $0x4000  }
0xcb: {  	s6 =	simm.s32 $0x100;
	s7 =	simm.s32 $0x200;
	[sflag:s24] =	ssyncset.done $0x0  }
.LBB2_2:
0xcc: {  	s8 =	simm.s32 @!p1 $0x3;
	[sflag:s24] =	ssyncadd.s32 $0xFFFFC000  }
0xcd: {  	[spmem:s2] =	stream.indirect.scatter.add.f32 [tilespmem:s21], [sflag:$0x4], $0x80, s15, s20, $0xb8;
	[tilespmem:$0x1D000] =	vst v63  }
0xce: {  	_ =	swait.ge @!p1 [sflag:s8], $0x4000  }
0xcf: {  	[sflag:s8] =	ssyncset.done @!p1 $0x0  }
0xd0: {  	[sflag:s8] =	ssyncadd.s32 @!p1 $0xFFFFC000;
	s8 =	simm.s32 @!p1 $0x4  }
0xd1: {  	_ =	swait.ge @!p1 [sflag:s8], $0x4000  }
0xd2: {  	[sflag:s8] =	ssyncset.done @!p1 $0x0;
	s10 =	rddreg [dreg:$0x5]  }
0xd3: {  	[sflag:s8] =	ssyncadd.s32 @!p1 $0xFFFFC000;
	s16 =	sadd.s32 s6, s10  }
0xd4: {  	[tilespmem:s3], [sflag:$0x5] =	stream.linear.gather [hbm4b:s16+s3], $0x800, $0x38;
	[tilespmem:$0x1D000] =	vst v63  }
0xd5: {  	_ =	swait.ge [sflag:s18], $0x800  }
0xd6: {  	s10 =	rddreg [dreg:$0x4];
	[sflag:s18] =	ssyncset.done $0x0  }
0xd7: {  	[sflag:s18] =	ssyncadd.s32 $0xFFFFF800;
	s8 =	sadd.s32 s6, s10  }
0xd8: {  	[tilespmem:s19], [sflag:$0x5] =	stream.linear.gather [hbm4b:s8+s3], $0x800, $0x38;
	[tilespmem:$0x1D000] =	vst v63  }
0xd9: {  	_ =	swait.ge [sflag:s18], $0x800  }
0xda: {  	[sflag:s18] =	ssyncset.done $0x0  }
0xdb: {  	[sflag:s18] =	ssyncadd.s32 $0xFFFFF800  }
0xdc: {  	[tilespmem:s17], [sflag:$0x1] =	stream.indirect.gather [hbm4b:s4+s20], $0x80, s3, s20, $0xb8;
	[tilespmem:$0x1D000] =	vst v63  }
0xdd: {  	_ = 	snop  }
0xde: {  	[tilespmem:s21], [sflag:$0x2] =	stream.indirect.gather [hbm4b:s4+s20], $0x80, s20, s20, $0xb8;
	[tilespmem:$0x1D000] =	vst v63  }
0xdf: {  	_ =	swait.ge [sflag:s22], $0x4000  }
0xe0: {  	[sflag:s22] =	ssyncset.done $0x0  }
0xe1: {  	[sflag:s22] =	ssyncadd.s32 $0xFFFFC000  }
0xe2: {  	[spmem:s2] =	stream.indirect.scatter.add.f32 [tilespmem:s17], [sflag:$0x3], $0x80, s19, s20, $0xb8;
	[tilespmem:$0x1D000] =	vst v63  }
0xe3: {  	_ =	swait.ge [sflag:s23], $0x4000  }
0xe4: {  	[sflag:s23] =	ssyncset.done $0x0  }
0xe5: {  	s16 =	rddreg [dreg:$0x6];
	[sflag:s23] =	ssyncadd.s32 $0xFFFFC000  }
0xe6: {  	[tilespmem:s17], [sflag:$0x1] =	stream.indirect.gather [hbm4b:s4+s20], $0x80, s16, s20, $0xb8;
	[tilespmem:$0x1D000] =	vst v63  }
0xe7: {  	_ =	swait.ge [sflag:s24], $0x4000  }
0xe8: {  	s9 =	smov.u32 s7;
	[sflag:s24] =	ssyncset.done $0x0  }
0xe9: {  	s6 =	smov.u32 s9;
	s9 =	rddreg [dreg:$0x7];
	[sflag:s24] =	ssyncadd.s32 $0xFFFFC000  }
0xea: {  	[spmem:s2] =	stream.indirect.scatter.add.f32 [tilespmem:s21], [sflag:$0x4], $0x80, s9, s20, $0xb8;
	[tilespmem:$0x1D000] =	vst v63  }
0xeb: {  	_ =	swait.ge [sflag:s25], $0x4000  }
0xec: {  	[sflag:s25] =	ssyncset.done $0x0  }
0xed: {  	s10 =	rddreg [dreg:$0x8];
	[sflag:s25] =	ssyncadd.s32 $0xFFFFC000  }
0xee: {  	[tilespmem:s21], [sflag:$0x2] =	stream.indirect.gather [hbm4b:s4+s20], $0x80, s10, s20, $0xb8;
	[tilespmem:$0x1D000] =	vst v63  }
0xef: {  	_ =	swait.ge [sflag:s22], $0x4000  }
0xf0: {  	[sflag:s22] =	ssyncset.done $0x0  }
0xf1: {  	s16 =	rddreg [dreg:$0x9];
	[sflag:s22] =	ssyncadd.s32 $0xFFFFC000  }
0xf2: {  	[spmem:s2] =	stream.indirect.scatter.add.f32 [tilespmem:s17], [sflag:$0x3], $0x80, s16, s20, $0xb8;
	[tilespmem:$0x1D000] =	vst v63  }
0xf3: {  	_ =	swait.ge [sflag:s23], $0x4000  }
0xf4: {  	[sflag:s23] =	ssyncset.done $0x0  }
0xf5: {  	s9 =	rddreg [dreg:$0xa];
	[sflag:s23] =	ssyncadd.s32 $0xFFFFC000  }
0xf6: {  	[tilespmem:s17], [sflag:$0x1] =	stream.indirect.gather [hbm4b:s4+s20], $0x80, s9, s20, $0xb8;
	[tilespmem:$0x1D000] =	vst v63  }
0xf7: {  	_ =	swait.ge [sflag:s24], $0x4000  }
0xf8: {  	[sflag:s24] =	ssyncset.done $0x0  }
0xf9: {  	s10 =	rddreg [dreg:$0xb];
	[sflag:s24] =	ssyncadd.s32 $0xFFFFC000  }
0xfa: {  	[spmem:s2] =	stream.indirect.scatter.add.f32 [tilespmem:s21], [sflag:$0x4], $0x80, s10, s20, $0xb8;
	[tilespmem:$0x1D000] =	vst v63  }
0xfb: {  	_ =	swait.ge [sflag:s25], $0x4000  }
0xfc: {  	[sflag:s25] =	ssyncset.done $0x0  }
0xfd: {  	s16 =	rddreg [dreg:$0xc];
	[sflag:s25] =	ssyncadd.s32 $0xFFFFC000  }
0xfe: {  	[tilespmem:s21], [sflag:$0x2] =	stream.indirect.gather [hbm4b:s4+s20], $0x80, s16, s20, $0xb8;
	[tilespmem:$0x1D000] =	vst v63  }
0xff: {  	_ =	swait.ge [sflag:s22], $0x4000  }
0x100: {  	[sflag:s22] =	ssyncset.done $0x0  }
0x101: {  	s9 =	rddreg [dreg:$0xd];
	[sflag:s22] =	ssyncadd.s32 $0xFFFFC000  }
0x102: {  	[spmem:s2] =	stream.indirect.scatter.add.f32 [tilespmem:s17], [sflag:$0x3], $0x80, s9, s20, $0xb8;
	[tilespmem:$0x1D000] =	vst v63  }
0x103: {  	_ =	swait.ge [sflag:s23], $0x4000  }
0x104: {  	[sflag:s23] =	ssyncset.done $0x0  }
0x105: {  	s10 =	rddreg [dreg:$0xe];
	[sflag:s23] =	ssyncadd.s32 $0xFFFFC000  }
0x106: {  	[tilespmem:s17], [sflag:$0x1] =	stream.indirect.gather [hbm4b:s4+s20], $0x80, s10, s20, $0xb8;
	[tilespmem:$0x1D000] =	vst v63  }
0x107: {  	_ =	swait.ge [sflag:s24], $0x4000  }
0x108: {  	[sflag:s24] =	ssyncset.done $0x0  }
0x109: {  	s16 =	rddreg [dreg:$0xf];
	[sflag:s24] =	ssyncadd.s32 $0xFFFFC000  }
0x10a: {  	[spmem:s2] =	stream.indirect.scatter.add.f32 [tilespmem:s21], [sflag:$0x4], $0x80, s16, s20, $0xb8;
	[tilespmem:$0x1D000] =	vst v63  }
0x10b: {  	_ =	swait.ge [sflag:s25], $0x4000  }
0x10c: {  	[sflag:s25] =	ssyncset.done $0x0  }
0x10d: {  	s9 =	rddreg [dreg:$0x10];
	[sflag:s25] =	ssyncadd.s32 $0xFFFFC000  }
0x10e: {  	[tilespmem:s21], [sflag:$0x2] =	stream.indirect.gather [hbm4b:s4+s20], $0x80, s9, s20, $0xb8;
	[tilespmem:$0x1D000] =	vst v63  }
0x10f: {  	_ =	swait.ge [sflag:s22], $0x4000  }
0x110: {  	[sflag:s22] =	ssyncset.done $0x0  }
0x111: {  	s10 =	rddreg [dreg:$0x11];
	[sflag:s22] =	ssyncadd.s32 $0xFFFFC000  }
0x112: {  	[spmem:s2] =	stream.indirect.scatter.add.f32 [tilespmem:s17], [sflag:$0x3], $0x80, s10, s20, $0xb8;
	[tilespmem:$0x1D000] =	vst v63  }
0x113: {  	_ =	swait.ge [sflag:s23], $0x4000  }
0x114: {  	[sflag:s23] =	ssyncset.done $0x0  }
0x115: {  	s16 =	rddreg [dreg:$0x12];
	[sflag:s23] =	ssyncadd.s32 $0xFFFFC000  }
0x116: {  	[tilespmem:s17], [sflag:$0x1] =	stream.indirect.gather [hbm4b:s4+s20], $0x80, s16, s20, $0xb8;
	[tilespmem:$0x1D000] =	vst v63  }
0x117: {  	_ =	swait.ge [sflag:s24], $0x4000  }
0x118: {  	[sflag:s24] =	ssyncset.done $0x0  }
0x119: {  	s9 =	rddreg [dreg:$0x13];
	[sflag:s24] =	ssyncadd.s32 $0xFFFFC000  }
0x11a: {  	[spmem:s2] =	stream.indirect.scatter.add.f32 [tilespmem:s21], [sflag:$0x4], $0x80, s9, s20, $0xb8;
	[tilespmem:$0x1D000] =	vst v63  }
0x11b: {  	_ =	swait.ge [sflag:s25], $0x4000  }
0x11c: {  	[sflag:s25] =	ssyncset.done $0x0  }
0x11d: {  	s10 =	rddreg [dreg:$0x14];
	[sflag:s25] =	ssyncadd.s32 $0xFFFFC000  }
0x11e: {  	[tilespmem:s21], [sflag:$0x2] =	stream.indirect.gather [hbm4b:s4+s20], $0x80, s10, s20, $0xb8;
	[tilespmem:$0x1D000] =	vst v63  }
0x11f: {  	_ =	swait.ge [sflag:s22], $0x4000  }
0x120: {  	[sflag:s22] =	ssyncset.done $0x0  }
0x121: {  	s16 =	rddreg [dreg:$0x15];
	[sflag:s22] =	ssyncadd.s32 $0xFFFFC000  }
0x122: {  	[spmem:s2] =	stream.indirect.scatter.add.f32 [tilespmem:s17], [sflag:$0x3], $0x80, s16, s20, $0xb8;
	[tilespmem:$0x1D000] =	vst v63  }
0x123: {  	_ =	swait.ge [sflag:s23], $0x4000  }
0x124: {  	[sflag:s23] =	ssyncset.done $0x0  }
0x125: {  	[sflag:s23] =	ssyncadd.s32 $0xFFFFC000  }
0x126: {  	[tilespmem:s17], [sflag:$0x1] =	stream.indirect.gather [hbm4b:s4+s20], $0x80, s26, s20, $0xb8;
	[tilespmem:$0x1D000] =	vst v63  }
0x127: {  	_ =	swait.ge [sflag:s24], $0x4000  }
0x128: {  	[sflag:s24] =	ssyncset.done $0x0  }
0x129: {  	[sflag:s24] =	ssyncadd.s32 $0xFFFFC000  }
0x12a: {  	[spmem:s2] =	stream.indirect.scatter.add.f32 [tilespmem:s21], [sflag:$0x4], $0x80, s28, s20, $0xb8;
	[tilespmem:$0x1D000] =	vst v63  }
0x12b: {  	_ =	swait.ge [sflag:s25], $0x4000  }
0x12c: {  	[sflag:s25] =	ssyncset.done $0x0  }
0x12d: {  	[sflag:s25] =	ssyncadd.s32 $0xFFFFC000  }
0x12e: {  	[tilespmem:s21], [sflag:$0x2] =	stream.indirect.gather [hbm4b:s4+s20], $0x80, s29, s20, $0xb8;
	[tilespmem:$0x1D000] =	vst v63  }
0x12f: {  	_ =	swait.ge [sflag:s22], $0x4000  }
0x130: {  	[sflag:s22] =	ssyncset.done $0x0  }
0x131: {  	[sflag:s22] =	ssyncadd.s32 $0xFFFFC000  }
0x132: {  	[spmem:s2] =	stream.indirect.scatter.add.f32 [tilespmem:s17], [sflag:$0x3], $0x80, s30, s20, $0xb8;
	[tilespmem:$0x1D000] =	vst v63  }
0x133: {  	_ =	swait.ge [sflag:s23], $0x4000  }
0x134: {  	[sflag:s23] =	ssyncset.done $0x0  }
0x135: {  	[sflag:s23] =	ssyncadd.s32 $0xFFFFC000  }
0x136: {  	[tilespmem:s17], [sflag:$0x1] =	stream.indirect.gather [hbm4b:s4+s20], $0x80, s31, s20, $0xb8;
	[tilespmem:$0x1D000] =	vst v63  }
0x137: {  	_ =	swait.ge [sflag:s24], $0x4000  }
0x138: {  	[sflag:s24] =	ssyncset.done $0x0  }
0x139: {  	[sflag:s24] =	ssyncadd.s32 $0xFFFFC000  }
0x13a: {  	[spmem:s2] =	stream.indirect.scatter.add.f32 [tilespmem:s21], [sflag:$0x4], $0x80, s0, s20, $0xb8;
	[tilespmem:$0x1D000] =	vst v63  }
0x13b: {  	_ =	swait.ge [sflag:s25], $0x4000  }
0x13c: {  	[sflag:s25] =	ssyncset.done $0x0  }
0x13d: {  	[sflag:s25] =	ssyncadd.s32 $0xFFFFC000  }
0x13e: {  	[tilespmem:s21], [sflag:$0x2] =	stream.indirect.gather [hbm4b:s4+s20], $0x80, s1, s20, $0xb8;
	[tilespmem:$0x1D000] =	vst v63  }
0x13f: {  	_ =	swait.ge [sflag:s22], $0x4000  }
0x140: {  	[sflag:s22] =	ssyncset.done $0x0  }
0x141: {  	[sflag:s22] =	ssyncadd.s32 $0xFFFFC000  }
0x142: {  	[spmem:s2] =	stream.indirect.scatter.add.f32 [tilespmem:s17], [sflag:$0x3], $0x80, s5, s20, $0xb8;
	[tilespmem:$0x1D000] =	vst v63  }
0x143: {  	_ =	swait.ge [sflag:s23], $0x4000  }
0x144: {  	[sflag:s23] =	ssyncset.done $0x0  }
0x145: {  	[sflag:s23] =	ssyncadd.s32 $0xFFFFC000  }
0x146: {  	[tilespmem:s17], [sflag:$0x1] =	stream.indirect.gather [hbm4b:s4+s20], $0x80, s11, s20, $0xb8;
	[tilespmem:$0x1D000] =	vst v63  }
0x147: {  	_ =	swait.ge [sflag:s24], $0x4000  }
0x148: {  	[sflag:s24] =	ssyncset.done $0x0  }
0x149: {  	[sflag:s24] =	ssyncadd.s32 $0xFFFFC000  }
0x14a: {  	[spmem:s2] =	stream.indirect.scatter.add.f32 [tilespmem:s21], [sflag:$0x4], $0x80, s12, s20, $0xb8;
	[tilespmem:$0x1D000] =	vst v63  }
0x14b: {  	_ =	swait.ge [sflag:s25], $0x4000  }
0x14c: {  	[sflag:s25] =	ssyncset.done $0x0  }
0x14d: {  	s7 =	sadd.s32 $0x100, s7;
	[sflag:s25] =	ssyncadd.s32 $0xFFFFC000  }
0x14e: {  	[tilespmem:s21], [sflag:$0x2] =	stream.indirect.gather [hbm4b:s4+s20], $0x80, s13, s20, $0xb8;
	[tilespmem:$0x1D000] =	vst v63  }
0x14f: {  	p0 =	sne.s32 s7, $0x500;
	_ =	swait.ge [sflag:s22], $0x4000  }
.Ltmp0:
0x150: {  	[sflag:s22] =	ssyncset.done $0x0;
	(pc) =	sbr.rel @p0 .LBB2_2-.Ltmp0, $4  }
0x151: {  	[sflag:s22] =	ssyncadd.s32 $0xFFFFC000  }
0x152: {  	[spmem:s2] =	stream.indirect.scatter.add.f32 [tilespmem:s17], [sflag:$0x3], $0x80, s14, s20, $0xb8;
	[tilespmem:$0x1D000] =	vst v63  }
0x153: {  	_ =	swait.ge [sflag:s24], $0x4000  }
0x154: {  	p1 =	seq.s32 s6, $0x0;
	[sflag:s24] =	ssyncset.done $0x0  }
0x155: {  	s7 =	simm.s32 @!p1 $0x3;
	[sflag:s24] =	ssyncadd.s32 $0xFFFFC000  }
0x156: {  	[spmem:s2] =	stream.indirect.scatter.add.f32 [tilespmem:s21], [sflag:$0x4], $0x80, s15, s20, $0xb8;
	[tilespmem:$0x1D000] =	vst v63  }
0x157: {  	_ =	swait.ge @!p1 [sflag:s7], $0x4000  }
0x158: {  	[sflag:s7] =	ssyncset.done @!p1 $0x0  }
0x159: {  	[sflag:s7] =	ssyncadd.s32 @!p1 $0xFFFFC000;
	s7 =	simm.s32 @!p1 $0x4  }
0x15a: {  	_ =	swait.ge @!p1 [sflag:s7], $0x4000  }
0x15b: {  	s8 =	rddreg [dreg:$0x5];
	[sflag:s7] =	ssyncset.done @!p1 $0x0  }
0x15c: {  	[sflag:s7] =	ssyncadd.s32 @!p1 $0xFFFFC000;
	s16 =	sadd.s32 s6, s8  }
0x15d: {  	[tilespmem:s3], [sflag:$0x5] =	stream.linear.gather [hbm4b:s16+s3], $0x800, $0x38;
	[tilespmem:$0x1D000] =	vst v63  }
0x15e: {  	_ =	swait.ge [sflag:s18], $0x800  }
0x15f: {  	s8 =	rddreg [dreg:$0x4];
	[sflag:s18] =	ssyncset.done $0x0  }
0x160: {  	s9 =	sadd.s32 s6, s8;
	[sflag:s18] =	ssyncadd.s32 $0xFFFFF800  }
0x161: {  	[tilespmem:s19], [sflag:$0x5] =	stream.linear.gather [hbm4b:s9+s3], $0x800, $0x38;
	[tilespmem:$0x1D000] =	vst v63  }
0x162: {  	_ =	swait.ge [sflag:s18], $0x800  }
0x163: {  	[sflag:s18] =	ssyncset.done $0x0  }
0x164: {  	[sflag:s18] =	ssyncadd.s32 $0xFFFFF800  }
0x165: {  	[tilespmem:s17], [sflag:$0x1] =	stream.indirect.gather [hbm4b:s4+s20], $0x80, s3, s20, $0xb8;
	[tilespmem:$0x1D000] =	vst v63  }
0x166: {  	_ = 	snop  }
0x167: {  	[tilespmem:s21], [sflag:$0x2] =	stream.indirect.gather [hbm4b:s4+s20], $0x80, s20, s20, $0xb8;
	[tilespmem:$0x1D000] =	vst v63  }
0x168: {  	_ =	swait.ge [sflag:s22], $0x4000  }
0x169: {  	[sflag:s22] =	ssyncset.done $0x0  }
0x16a: {  	[sflag:s22] =	ssyncadd.s32 $0xFFFFC000  }
0x16b: {  	[spmem:s2] =	stream.indirect.scatter.add.f32 [tilespmem:s17], [sflag:$0x3], $0x80, s19, s20, $0xb8;
	[tilespmem:$0x1D000] =	vst v63  }
0x16c: {  	_ =	swait.ge [sflag:s23], $0x4000  }
0x16d: {  	[sflag:s23] =	ssyncset.done $0x0  }
0x16e: {  	s10 =	rddreg [dreg:$0x6];
	[sflag:s23] =	ssyncadd.s32 $0xFFFFC000  }
0x16f: {  	[tilespmem:s17], [sflag:$0x1] =	stream.indirect.gather [hbm4b:s4+s20], $0x80, s10, s20, $0xb8;
	[tilespmem:$0x1D000] =	vst v63  }
0x170: {  	_ =	swait.ge [sflag:s24], $0x4000  }
0x171: {  	[sflag:s24] =	ssyncset.done $0x0  }
0x172: {  	s16 =	rddreg [dreg:$0x7];
	[sflag:s24] =	ssyncadd.s32 $0xFFFFC000  }
0x173: {  	[spmem:s2] =	stream.indirect.scatter.add.f32 [tilespmem:s21], [sflag:$0x4], $0x80, s16, s20, $0xb8;
	[tilespmem:$0x1D000] =	vst v63  }
0x174: {  	_ =	swait.ge [sflag:s25], $0x4000  }
0x175: {  	[sflag:s25] =	ssyncset.done $0x0  }
0x176: {  	s7 =	rddreg [dreg:$0x8];
	[sflag:s25] =	ssyncadd.s32 $0xFFFFC000  }
0x177: {  	[tilespmem:s21], [sflag:$0x2] =	stream.indirect.gather [hbm4b:s4+s20], $0x80, s7, s20, $0xb8;
	[tilespmem:$0x1D000] =	vst v63  }
0x178: {  	_ =	swait.ge [sflag:s22], $0x4000  }
0x179: {  	[sflag:s22] =	ssyncset.done $0x0  }
0x17a: {  	s8 =	rddreg [dreg:$0x9];
	[sflag:s22] =	ssyncadd.s32 $0xFFFFC000  }
0x17b: {  	[spmem:s2] =	stream.indirect.scatter.add.f32 [tilespmem:s17], [sflag:$0x3], $0x80, s8, s20, $0xb8;
	[tilespmem:$0x1D000] =	vst v63  }
0x17c: {  	_ =	swait.ge [sflag:s23], $0x4000  }
0x17d: {  	[sflag:s23] =	ssyncset.done $0x0  }
0x17e: {  	s9 =	rddreg [dreg:$0xa];
	[sflag:s23] =	ssyncadd.s32 $0xFFFFC000  }
0x17f: {  	[tilespmem:s17], [sflag:$0x1] =	stream.indirect.gather [hbm4b:s4+s20], $0x80, s9, s20, $0xb8;
	[tilespmem:$0x1D000] =	vst v63  }
0x180: {  	_ =	swait.ge [sflag:s24], $0x4000  }
0x181: {  	[sflag:s24] =	ssyncset.done $0x0  }
0x182: {  	s10 =	rddreg [dreg:$0xb];
	[sflag:s24] =	ssyncadd.s32 $0xFFFFC000  }
0x183: {  	[spmem:s2] =	stream.indirect.scatter.add.f32 [tilespmem:s21], [sflag:$0x4], $0x80, s10, s20, $0xb8;
	[tilespmem:$0x1D000] =	vst v63  }
0x184: {  	_ =	swait.ge [sflag:s25], $0x4000  }
0x185: {  	[sflag:s25] =	ssyncset.done $0x0  }
0x186: {  	s16 =	rddreg [dreg:$0xc];
	[sflag:s25] =	ssyncadd.s32 $0xFFFFC000  }
0x187: {  	[tilespmem:s21], [sflag:$0x2] =	stream.indirect.gather [hbm4b:s4+s20], $0x80, s16, s20, $0xb8;
	[tilespmem:$0x1D000] =	vst v63  }
0x188: {  	_ =	swait.ge [sflag:s22], $0x4000  }
0x189: {  	[sflag:s22] =	ssyncset.done $0x0  }
0x18a: {  	s7 =	rddreg [dreg:$0xd];
	[sflag:s22] =	ssyncadd.s32 $0xFFFFC000  }
0x18b: {  	[spmem:s2] =	stream.indirect.scatter.add.f32 [tilespmem:s17], [sflag:$0x3], $0x80, s7, s20, $0xb8;
	[tilespmem:$0x1D000] =	vst v63  }
0x18c: {  	_ =	swait.ge [sflag:s23], $0x4000  }
0x18d: {  	[sflag:s23] =	ssyncset.done $0x0  }
0x18e: {  	s8 =	rddreg [dreg:$0xe];
	[sflag:s23] =	ssyncadd.s32 $0xFFFFC000  }
0x18f: {  	[tilespmem:s17], [sflag:$0x1] =	stream.indirect.gather [hbm4b:s4+s20], $0x80, s8, s20, $0xb8;
	[tilespmem:$0x1D000] =	vst v63  }
0x190: {  	_ =	swait.ge [sflag:s24], $0x4000  }
0x191: {  	[sflag:s24] =	ssyncset.done $0x0  }
0x192: {  	s9 =	rddreg [dreg:$0xf];
	[sflag:s24] =	ssyncadd.s32 $0xFFFFC000  }
0x193: {  	[spmem:s2] =	stream.indirect.scatter.add.f32 [tilespmem:s21], [sflag:$0x4], $0x80, s9, s20, $0xb8;
	[tilespmem:$0x1D000] =	vst v63  }
0x194: {  	_ =	swait.ge [sflag:s25], $0x4000  }
0x195: {  	[sflag:s25] =	ssyncset.done $0x0  }
0x196: {  	s10 =	rddreg [dreg:$0x10];
	[sflag:s25] =	ssyncadd.s32 $0xFFFFC000  }
0x197: {  	[tilespmem:s21], [sflag:$0x2] =	stream.indirect.gather [hbm4b:s4+s20], $0x80, s10, s20, $0xb8;
	[tilespmem:$0x1D000] =	vst v63  }
0x198: {  	_ =	swait.ge [sflag:s22], $0x4000  }
0x199: {  	[sflag:s22] =	ssyncset.done $0x0  }
0x19a: {  	s16 =	rddreg [dreg:$0x11];
	[sflag:s22] =	ssyncadd.s32 $0xFFFFC000  }
0x19b: {  	[spmem:s2] =	stream.indirect.scatter.add.f32 [tilespmem:s17], [sflag:$0x3], $0x80, s16, s20, $0xb8;
	[tilespmem:$0x1D000] =	vst v63  }
0x19c: {  	_ =	swait.ge [sflag:s23], $0x4000  }
0x19d: {  	[sflag:s23] =	ssyncset.done $0x0  }
0x19e: {  	s7 =	rddreg [dreg:$0x12];
	[sflag:s23] =	ssyncadd.s32 $0xFFFFC000  }
0x19f: {  	[tilespmem:s17], [sflag:$0x1] =	stream.indirect.gather [hbm4b:s4+s20], $0x80, s7, s20, $0xb8;
	[tilespmem:$0x1D000] =	vst v63  }
0x1a0: {  	_ =	swait.ge [sflag:s24], $0x4000  }
0x1a1: {  	[sflag:s24] =	ssyncset.done $0x0  }
0x1a2: {  	s8 =	rddreg [dreg:$0x13];
	[sflag:s24] =	ssyncadd.s32 $0xFFFFC000  }
0x1a3: {  	[spmem:s2] =	stream.indirect.scatter.add.f32 [tilespmem:s21], [sflag:$0x4], $0x80, s8, s20, $0xb8;
	[tilespmem:$0x1D000] =	vst v63  }
0x1a4: {  	_ =	swait.ge [sflag:s25], $0x4000  }
0x1a5: {  	[sflag:s25] =	ssyncset.done $0x0  }
0x1a6: {  	s9 =	rddreg [dreg:$0x14];
	[sflag:s25] =	ssyncadd.s32 $0xFFFFC000  }
0x1a7: {  	[tilespmem:s21], [sflag:$0x2] =	stream.indirect.gather [hbm4b:s4+s20], $0x80, s9, s20, $0xb8;
	[tilespmem:$0x1D000] =	vst v63  }
0x1a8: {  	_ =	swait.ge [sflag:s22], $0x4000  }
0x1a9: {  	[sflag:s22] =	ssyncset.done $0x0  }
0x1aa: {  	s10 =	rddreg [dreg:$0x15];
	[sflag:s22] =	ssyncadd.s32 $0xFFFFC000  }
0x1ab: {  	[spmem:s2] =	stream.indirect.scatter.add.f32 [tilespmem:s17], [sflag:$0x3], $0x80, s10, s20, $0xb8;
	[tilespmem:$0x1D000] =	vst v63  }
0x1ac: {  	_ =	swait.ge [sflag:s23], $0x4000  }
0x1ad: {  	[sflag:s23] =	ssyncset.done $0x0  }
0x1ae: {  	[sflag:s23] =	ssyncadd.s32 $0xFFFFC000  }
0x1af: {  	[tilespmem:s17], [sflag:$0x1] =	stream.indirect.gather [hbm4b:s4+s20], $0x80, s26, s20, $0xb8;
	[tilespmem:$0x1D000] =	vst v63  }
0x1b0: {  	_ =	swait.ge [sflag:s24], $0x4000  }
0x1b1: {  	[sflag:s24] =	ssyncset.done $0x0  }
0x1b2: {  	[sflag:s24] =	ssyncadd.s32 $0xFFFFC000  }
0x1b3: {  	[spmem:s2] =	stream.indirect.scatter.add.f32 [tilespmem:s21], [sflag:$0x4], $0x80, s28, s20, $0xb8;
	[tilespmem:$0x1D000] =	vst v63  }
0x1b4: {  	_ =	swait.ge [sflag:s25], $0x4000  }
0x1b5: {  	[sflag:s25] =	ssyncset.done $0x0  }
0x1b6: {  	[sflag:s25] =	ssyncadd.s32 $0xFFFFC000  }
0x1b7: {  	[tilespmem:s21], [sflag:$0x2] =	stream.indirect.gather [hbm4b:s4+s20], $0x80, s29, s20, $0xb8;
	[tilespmem:$0x1D000] =	vst v63  }
0x1b8: {  	_ =	swait.ge [sflag:s22], $0x4000  }
0x1b9: {  	[sflag:s22] =	ssyncset.done $0x0  }
0x1ba: {  	[sflag:s22] =	ssyncadd.s32 $0xFFFFC000  }
0x1bb: {  	[spmem:s2] =	stream.indirect.scatter.add.f32 [tilespmem:s17], [sflag:$0x3], $0x80, s30, s20, $0xb8;
	[tilespmem:$0x1D000] =	vst v63  }
0x1bc: {  	_ =	swait.ge [sflag:s23], $0x4000  }
0x1bd: {  	[sflag:s23] =	ssyncset.done $0x0  }
0x1be: {  	[sflag:s23] =	ssyncadd.s32 $0xFFFFC000  }
0x1bf: {  	[tilespmem:s17], [sflag:$0x1] =	stream.indirect.gather [hbm4b:s4+s20], $0x80, s31, s20, $0xb8;
	[tilespmem:$0x1D000] =	vst v63  }
0x1c0: {  	_ =	swait.ge [sflag:s24], $0x4000  }
0x1c1: {  	[sflag:s24] =	ssyncset.done $0x0  }
0x1c2: {  	[sflag:s24] =	ssyncadd.s32 $0xFFFFC000  }
0x1c3: {  	[spmem:s2] =	stream.indirect.scatter.add.f32 [tilespmem:s21], [sflag:$0x4], $0x80, s0, s20, $0xb8;
	[tilespmem:$0x1D000] =	vst v63  }
0x1c4: {  	_ =	swait.ge [sflag:s25], $0x4000  }
0x1c5: {  	[sflag:s25] =	ssyncset.done $0x0  }
0x1c6: {  	[sflag:s25] =	ssyncadd.s32 $0xFFFFC000  }
0x1c7: {  	[tilespmem:s21], [sflag:$0x2] =	stream.indirect.gather [hbm4b:s4+s20], $0x80, s1, s20, $0xb8;
	[tilespmem:$0x1D000] =	vst v63  }
0x1c8: {  	_ =	swait.ge [sflag:s22], $0x4000  }
0x1c9: {  	[sflag:s22] =	ssyncset.done $0x0  }
0x1ca: {  	[sflag:s22] =	ssyncadd.s32 $0xFFFFC000  }
0x1cb: {  	[spmem:s2] =	stream.indirect.scatter.add.f32 [tilespmem:s17], [sflag:$0x3], $0x80, s5, s20, $0xb8;
	[tilespmem:$0x1D000] =	vst v63  }
0x1cc: {  	_ =	swait.ge [sflag:s23], $0x4000  }
0x1cd: {  	[sflag:s23] =	ssyncset.done $0x0  }
0x1ce: {  	[sflag:s23] =	ssyncadd.s32 $0xFFFFC000  }
0x1cf: {  	[tilespmem:s17], [sflag:$0x1] =	stream.indirect.gather [hbm4b:s4+s20], $0x80, s11, s20, $0xb8;
	[tilespmem:$0x1D000] =	vst v63  }
0x1d0: {  	_ =	swait.ge [sflag:s24], $0x4000  }
0x1d1: {  	[sflag:s24] =	ssyncset.done $0x0  }
0x1d2: {  	[sflag:s24] =	ssyncadd.s32 $0xFFFFC000  }
0x1d3: {  	[spmem:s2] =	stream.indirect.scatter.add.f32 [tilespmem:s21], [sflag:$0x4], $0x80, s12, s20, $0xb8;
	[tilespmem:$0x1D000] =	vst v63  }
0x1d4: {  	_ =	swait.ge [sflag:s25], $0x4000  }
0x1d5: {  	[sflag:s25] =	ssyncset.done $0x0  }
0x1d6: {  	[sflag:s25] =	ssyncadd.s32 $0xFFFFC000  }
0x1d7: {  	[tilespmem:s21], [sflag:$0x2] =	stream.indirect.gather [hbm4b:s4+s20], $0x80, s13, s20, $0xb8;
	[tilespmem:$0x1D000] =	vst v63  }
0x1d8: {  	_ =	swait.ge [sflag:s22], $0x4000  }
0x1d9: {  	[sflag:s22] =	ssyncset.done $0x0  }
0x1da: {  	[sflag:s22] =	ssyncadd.s32 $0xFFFFC000  }
0x1db: {  	[spmem:s2] =	stream.indirect.scatter.add.f32 [tilespmem:s17], [sflag:$0x3], $0x80, s14, s20, $0xb8;
	[tilespmem:$0x1D000] =	vst v63  }
0x1dc: {  	_ =	swait.ge [sflag:s24], $0x4000  }
0x1dd: {  	[sflag:s24] =	ssyncset.done $0x0  }
0x1de: {  	[sflag:s24] =	ssyncadd.s32 $0xFFFFC000  }
0x1df: {  	[spmem:s2] =	stream.indirect.scatter.add.f32 [tilespmem:s21], [sflag:$0x4], $0x80, s15, s20, $0xb8;
	[tilespmem:$0x1D000] =	vst v63  }
0x1e0: {  	_ =	swait.ge [sflag:s23], $0x4000  }
0x1e1: {  	[sflag:s23] =	ssyncset.done $0x0  }
0x1e2: {  	[sflag:s23] =	ssyncadd.s32 $0xFFFFC000  }
0x1e3: {  	_ =	swait.ge [sflag:s25], $0x4000  }
0x1e4: {  	[sflag:s25] =	ssyncset.done $0x0  }
0x1e5: {  	[sflag:s25] =	ssyncadd.s32 $0xFFFFC000  }
0x1e6: {  	[bflag:$0x0] =	sbarrier.arrive $0xFFFF  }
0x1e7: {  	s16 =	rddreg [dreg:$0x17]  }
0x1e8: {  	[tilespmem:s17], [sflag:$0x5] =	stream.linear.gather [spmem:s16], $0x4000, $0x38;
	[tilespmem:$0x1D000] =	vst v63  }
0x1e9: {  	_ =	swait.ge [sflag:s18], $0x4000  }
0x1ea: {  	[sflag:s18] =	ssyncset.done $0x0  }
0x1eb: {  	s7 =	rddreg [dreg:$0x1c];
	[sflag:s18] =	ssyncadd.s32 $0xFFFFC000  }
0x1ec: {  	[hbm4b:s7+s3] =	stream.linear.scatter [tilespmem:s17], [sflag:$0x5], $0x4000, $0x38;
	[tilespmem:$0x1D000] =	vst v63  }
0x1ed: {  	_ =	swait.ge [sflag:s18], $0x4000  }
0x1ee: {  	[sflag:s18] =	ssyncset.done $0x0  }
0x1ef: {  	s9 =	rddreg [dreg:$0x18];
	[sflag:s18] =	ssyncadd.s32 $0xFFFFC000  }
0x1f0: {  	[tilespmem:s17], [sflag:$0x5] =	stream.linear.gather [spmem:s9], $0x4000, $0x38;
	[tilespmem:$0x1D000] =	vst v63  }
0x1f1: {  	_ =	swait.ge [sflag:s18], $0x4000  }
0x1f2: {  	[sflag:s18] =	ssyncset.done $0x0  }
0x1f3: {  	s8 =	rddreg [dreg:$0x1d];
	[sflag:s18] =	ssyncadd.s32 $0xFFFFC000  }
0x1f4: {  	[hbm4b:s8+s3] =	stream.linear.scatter [tilespmem:s17], [sflag:$0x5], $0x4000, $0x38;
	[tilespmem:$0x1D000] =	vst v63  }
0x1f5: {  	_ =	swait.ge [sflag:s18], $0x4000  }
0x1f6: {  	[sflag:s18] =	ssyncset.done $0x0  }
0x1f7: {  	s7 =	rddreg [dreg:$0x19];
	[sflag:s18] =	ssyncadd.s32 $0xFFFFC000  }
0x1f8: {  	[tilespmem:s17], [sflag:$0x5] =	stream.linear.gather [spmem:s7], $0x4000, $0x38;
	[tilespmem:$0x1D000] =	vst v63  }
0x1f9: {  	_ =	swait.ge [sflag:s18], $0x4000  }
0x1fa: {  	[sflag:s18] =	ssyncset.done $0x0  }
0x1fb: {  	s10 =	rddreg [dreg:$0x1e];
	[sflag:s18] =	ssyncadd.s32 $0xFFFFC000  }
0x1fc: {  	[hbm4b:s10+s3] =	stream.linear.scatter [tilespmem:s17], [sflag:$0x5], $0x4000, $0x38;
	[tilespmem:$0x1D000] =	vst v63  }
0x1fd: {  	_ =	swait.ge [sflag:s18], $0x4000  }
0x1fe: {  	[sflag:s18] =	ssyncset.done $0x0  }
0x1ff: {  	s10 =	rddreg [dreg:$0x1a];
	[sflag:s18] =	ssyncadd.s32 $0xFFFFC000  }
0x200: {  	[tilespmem:s17], [sflag:$0x5] =	stream.linear.gather [spmem:s10], $0x4000, $0x38;
	[tilespmem:$0x1D000] =	vst v63  }
0x201: {  	_ =	swait.ge [sflag:s18], $0x4000  }
0x202: {  	[sflag:s18] =	ssyncset.done $0x0  }
0x203: {  	s16 =	rddreg [dreg:$0x1f];
	[sflag:s18] =	ssyncadd.s32 $0xFFFFC000  }
0x204: {  	[hbm4b:s16+s3] =	stream.linear.scatter [tilespmem:s17], [sflag:$0x5], $0x4000, $0x38;
	[tilespmem:$0x1D000] =	vst v63  }
0x205: {  	_ =	swait.ge [sflag:s18], $0x4000  }
0x206: {  	[sflag:s18] =	ssyncset.done $0x0  }
0x207: {  	s16 =	rddreg [dreg:$0x1b];
	[sflag:s18] =	ssyncadd.s32 $0xFFFFC000  }
0x208: {  	[tilespmem:s17], [sflag:$0x5] =	stream.linear.gather [spmem:s16], $0x4000, $0x38;
	[tilespmem:$0x1D000] =	vst v63  }
0x209: {  	_ =	swait.ge [sflag:s18], $0x4000  }
0x20a: {  	s8 =	sld [smem:$0x7FB]  }
0x20b: {  	[sflag:s18] =	ssyncset.done $0x0  }
0x20c: {  	[sflag:s18] =	ssyncadd.s32 $0xFFFFC000  }
0x20d: {  	[hbm4b:s8+s3] =	stream.linear.scatter [tilespmem:s17], [sflag:$0x5], $0x4000, $0x38;
	[tilespmem:$0x1D000] =	vst v63  }
0x20e: {  	_ =	swait.ge [sflag:s18], $0x4000  }
0x20f: {  	s6 =	sld [smem:$0x7FD];
	_ =	sdelay $0x2  }
0x210: {  	s8 =	sadd.s32 $0x1, s6;
	s6 =	sld [smem:$0x7FC];
	_ =	sdelay $0x2  }
0x211: {  	p0 =	sne.s32 s8, s6  }
.Ltmp1:
0x212: {  	_ = 	snop;
	(pc) =	sbr.rel @p0 .LBB2_1-.Ltmp1, $3  }
0x213: {  	_ =	sdelay $0x1  }
0x214: {  	[sflag:s18] =	ssyncset.done $0x0;
	[smem:$0x7FD] =	sst s8  }
0x215: {  	[sflag:s18] =	ssyncadd.s32 $0xFFFFC000;
	s8 =	rddreg [dreg:$0x17]  }
0x216: {  	_ =	sfence.sel $0x180000  }
0x217: {  	[bflag:$0x0] =	sbarrier.arrive $0xFFFF  }
0x218: {  	_ =	strace $0x9000004A  }
0x219: {  	s0 =	stileid.u32;
	[bflag:$0x2] =	sbarrier.arrive $0xFFFF  }
0x21a: {  	p0 =	sne.s32 s0, $0x0;
	s0 =	rddreg [dreg:$0x3]  }
0x21b: {  	s0 =	sadd.s32 @!p0 $0x100000, s0  }
0x21c: {  	[sflag:s0] =	ssyncadd.tile.s32 @!p0 $0x1;
	_ =	shalt  }
.Lfunc_end2:
_tile_overlayer_lowered:
.L_overlay_start_2:
0x21d: {  	(tag) =	ssettag $0x2  }
0x21e: {  	s0 =	rddreg [dreg:$0x0];
	s2 =	stileid.u32  }
0x21f: {  	s1 =	rddreg [dreg:$0x1];
	p0 =	sne.s32 s2, $0x0  }
0x220: {  	s3 =	rddreg [dreg:$0x2];
	[bflag:$0x3] =	sbarrier.arrive $0xFFFF;
	s2 =	simm.s32 @!p0 $0x1C05  }
0x221: {  	[timem:s3], [sflag:s2] =	dma.local @!p0 [hbm:s0], s1  }
0x222: {  	s0 =	simm.s32 @!p0 $0x5  }
0x223: {  	_ =	swait.ge @!p0 [sflag:s0], s1  }
0x224: {  	s1 =	ssub.s32 @!p0 $0x0, s1;
	[sflag:s0] =	ssyncset.done @!p0 $0x0  }
0x225: {  	[sflag:s0] =	ssyncadd.s32 @!p0 s1  }
0x226: {  	[bflag:$0x3] =	sbarrier.arrive $0xFFFF  }
0x227: {  	_ =	shalt  }

// kernel: kernel.14.cloned.1.call-start
scs
__scs_entry_jumppad:
0x0: {  	(pc) =	sbr.rel $0x88, $3  }
0x1: {  	(tag) =	ssettag $0x0;
	lr =	simm.s32 $0x1  }
0x2: {  	[smem:$0x3F9B] =	sst lr;
	_ =	strace $0xD0000000  }
0x3: {  	_ = 	snop  }
0x4: {  	_ = 	snop  }
0x5: {  	_ = 	snop  }
0x6: {  	_ = 	snop  }
0x7: {  	_ = 	snop  }
__scs_overlays_trampoline_lowered:
0x8: {  	[smem:$0x3FAA] =	sst s0  }
0x9: {  	[smem:$0x3FAB] =	sst s1  }
0xa: {  	[smem:$0x3FAC] =	sst s2  }
0xb: {  	[smem:$0x3FAD] =	sst s3  }
0xc: {  	[smem:$0x3FAE] =	sst s4  }
0xd: {  	[smem:$0x3FAF] =	sst s5  }
0xe: {  	[smem:$0x3FB0] =	sst s6  }
0xf: {  	[smem:$0x3FB1] =	sst s7  }
0x10: {  	[smem:$0x3FB2] =	sst s8  }
0x11: {  	[smem:$0x3FB3] =	sst s9;
	s0 =	simm.s32 @!p0 $0x0  }
0x12: {  	s1 =	sld [smem:$0x3F99];
	s0 =	simm.s32 @p0 $0x1  }
0x13: {  	[smem:$0x3FB4] =	sst s0;
	s0 =	simm.s32 @!p1 $0x0  }
0x14: {  	s2 =	sld [smem:$0x3F98];
	s0 =	simm.s32 @p1 $0x1  }
0x15: {  	[smem:$0x3FB5] =	sst s0;
	s0 =	simm.s32 @!p2 $0x0  }
0x16: {  	s3 =	sld [smem:$0x3FDB];
	s0 =	simm.s32 @p2 $0x1  }
0x17: {  	s4 =	simm.s32 $0x1BF5;
	[smem:$0x3FB7] =	sst s0  }
0x18: {  	s0 =	sld [smem:$0x3F9A];
	_ =	swait.ge [sflag:s4], $0x0  }
0x19: {  	s7 =	sld [smem:$0x3F9B]  }
0x1a: {  	s8 =	sadd.s32 $0xFFFFE003, lr  }
0x1b: {  	s9 =	sadd.s32 $0xFFFFFEF7, lr;
	s5 =	simm.s32 $0xFFFFFFFF;
	p2 =	slt.u32 s8, $0xFFFFF086  }
0x1c: {  	p1 =	slt.u32 s9, $0xF7A;
	s5 =	simm.s32 @!p2 $0x0  }
0x1d: {  	s5 =	simm.s32 @p1 $0x1;
	p0 =	seq.s32 s7, s2  }
0x1e: {  	s7 =	smul.u32 @!p0 $0xF7A, s2;
	p2 =	seq.s32 @!p0 s5, $0x0  }
0x1f: {  	s9 =	smul.u32 $0xF7A, s1;
	s8 =	simm.s32 @!p0 $0x1BF5;
	p2 =	por !p2, p0  }
0x20: {  	[sflag:s8] =	ssyncset.s32 @!p0 $0xFFFFF086;
	s6 =	sadd.s32 @!p0 s3, s7;
	s7 =	simm.s32 @!p0 $0x108  }
0x21: {  	s3 =	sadd.s32 s3, s9;
	s6 =	sadd.s32 @!p0 $0x88, s6;
	s7 =	simm.s32 @p2 $0x1082  }
0x22: {  	[simem:s7], [sflag:s8] =	dma.local @!p0 [hbm:s6], $0xF7A  }
0x23: {  	s9 =	sor.u32 $0xD0000000, s2;
	s6 =	simm.s32 $0x108;
	_ =	swait.ge @!p0 [sflag:s8], $0x0  }
0x24: {  	s3 =	sadd.s32 $0x88, s3;
	s6 =	simm.s32 @!p1 $0x1082;
	[sflag:s4] =	ssyncset.s32 $0xFFFFF086  }
0x25: {  	[simem:s6], [sflag:s4] =	dma.local [hbm:s3], $0xF7A  }
0x26: {  	[smem:$0x3F9B] =	sst s1;
	(tag) =	ssettag s2;
	_ =	strace s9  }
0x27: {  	s1 =	sld [smem:$0x3FAB]  }
0x28: {  	s2 =	sld [smem:$0x3FAC]  }
0x29: {  	s4 =	sld [smem:$0x3FAE]  }
0x2a: {  	p0 =	seq.s32 s5, $0x0;
	s5 =	sld [smem:$0x3FAF]  }
0x2b: {  	s6 =	sld [smem:$0x3FB0]  }
0x2c: {  	s7 =	sld [smem:$0x3FB1]  }
0x2d: {  	s3 =	simm.s32 $0x108;
	s8 =	sld [smem:$0x3FB2]  }
0x2e: {  	s3 =	simm.s32 @!p0 $0x1082;
	s9 =	sld [smem:$0x3FB3]  }
0x2f: {  	lr =	sadd.s32 s0, s3;
	s0 =	sld [smem:$0x3FAA]  }
0x30: {  	s3 =	sld [smem:$0x3FAD]  }
0x31: {  	[smem:$0x3FB6] =	sst s10  }
0x32: {  	s10 =	sld [smem:$0x3FB4];
	_ =	sdelay $0x3  }
0x33: {  	p0 =	seq.s32 s10, $0x1;
	s10 =	sld [smem:$0x3FB6];
	_ =	sdelay $0x3  }
0x34: {  	[smem:$0x3FB6] =	sst s10  }
0x35: {  	s10 =	sld [smem:$0x3FB5];
	_ =	sdelay $0x3  }
0x36: {  	p1 =	seq.s32 s10, $0x1;
	s10 =	sld [smem:$0x3FB6];
	_ =	sdelay $0x3  }
0x37: {  	[smem:$0x3FB6] =	sst s10  }
0x38: {  	s10 =	sld [smem:$0x3FB7]  }
0x39: {  	_ = 	snop;
	(pc) =	sbr.ind lr, $3  }
0x3a: {  	_ = 	snop  }
0x3b: {  	_ = 	snop  }
0x3c: {  	p2 =	seq.s32 s10, $0x1;
	s10 =	sld [smem:$0x3FB6]  }
0x3d: {  	_ =	shalt  }
0x3e: {  	_ =	shalt  }
0x3f: {  	_ =	shalt  }
0x40: {  	_ =	shalt  }
0x41: {  	_ =	shalt  }
0x42: {  	_ =	shalt  }
0x43: {  	_ =	shalt  }
0x44: {  	_ =	shalt  }
0x45: {  	_ =	shalt  }
0x46: {  	_ =	shalt  }
0x47: {  	_ =	shalt  }
0x48: {  	_ =	shalt  }
0x49: {  	_ =	shalt  }
0x4a: {  	_ =	shalt  }
0x4b: {  	_ =	shalt  }
0x4c: {  	_ =	shalt  }
0x4d: {  	_ =	shalt  }
0x4e: {  	_ =	shalt  }
0x4f: {  	_ =	shalt  }
0x50: {  	_ =	shalt  }
0x51: {  	_ =	shalt  }
0x52: {  	_ =	shalt  }
0x53: {  	_ =	shalt  }
0x54: {  	_ =	shalt  }
0x55: {  	_ =	shalt  }
0x56: {  	_ =	shalt  }
0x57: {  	_ =	shalt  }
0x58: {  	_ =	shalt  }
0x59: {  	_ =	shalt  }
0x5a: {  	_ =	shalt  }
0x5b: {  	_ =	shalt  }
0x5c: {  	_ =	shalt  }
0x5d: {  	_ =	shalt  }
0x5e: {  	_ =	shalt  }
0x5f: {  	_ =	shalt  }
0x60: {  	_ =	shalt  }
0x61: {  	_ =	shalt  }
0x62: {  	_ =	shalt  }
0x63: {  	_ =	shalt  }
0x64: {  	_ =	shalt  }
0x65: {  	_ =	shalt  }
0x66: {  	_ =	shalt  }
0x67: {  	_ =	shalt  }
0x68: {  	_ =	shalt  }
0x69: {  	_ =	shalt  }
0x6a: {  	_ =	shalt  }
0x6b: {  	_ =	shalt  }
0x6c: {  	_ =	shalt  }
0x6d: {  	_ =	shalt  }
0x6e: {  	_ =	shalt  }
0x6f: {  	_ =	shalt  }
0x70: {  	_ =	shalt  }
0x71: {  	_ =	shalt  }
0x72: {  	_ =	shalt  }
0x73: {  	_ =	shalt  }
0x74: {  	_ =	shalt  }
0x75: {  	_ =	shalt  }
0x76: {  	_ =	shalt  }
0x77: {  	_ =	shalt  }
0x78: {  	_ =	shalt  }
0x79: {  	_ =	shalt  }
0x7a: {  	_ =	shalt  }
0x7b: {  	_ =	shalt  }
0x7c: {  	_ =	shalt  }
0x7d: {  	_ =	shalt  }
0x7e: {  	_ =	shalt  }
0x7f: {  	_ =	shalt  }
0x80: {  	_ =	shalt  }
0x81: {  	_ =	shalt  }
0x82: {  	_ =	shalt  }
0x83: {  	_ =	shalt  }
0x84: {  	_ =	shalt  }
0x85: {  	_ =	shalt  }
0x86: {  	_ =	shalt  }
0x87: {  	_ =	shalt  }
.Lfunc_end0:
.L_simem_size_0:
called_computation.2_lowered:
.L_overlay_start_0:
0x88: {  	s2 =	sld [smem:$0x3FD9]  }
0x89: {  	s3 =	sld [smem:$0x3FFE];
	_ =	sdelay $0x1  }
0x8a: {  	s1 =	srdreg.scid  }
0x8b: {  	s0 =	sand.u32 $0x1, s1  }
0x8c: {  	s17 =	sshll.u32 s0, $0xA;
	s2 =	sadd.s32 s3, s2  }
0x8d: {  	s2 =	sadd.s32 s2, s17  }
0x8e: {  	[smem:$0x3FC2] =	sst s2  }
0x8f: {  	_ = 	snop  }
0x90: {  	s2 =	sld [smem:$0x3FD0];
	(tm) =	ssettm $0x1  }
0x91: {  	s18 =	sld [smem:$0x3FFB];
	_ =	sdelay $0x3  }
0x92: {  	_ =	strace s18  }
0x93: {  	s3 =	sld [smem:$0x3FFC];
	_ =	sdelay $0x3  }
0x94: {  	_ =	strace s3  }
0x95: {  	s3 =	sld [smem:$0x3FFD];
	_ =	sdelay $0x3  }
0x96: {  	_ =	strace s3  }
0x97: {  	_ =	strace $0x8FFFFFFF  }
0x98: {  	s19 =	sld [smem:$0x3FDB];
	_ =	sdelay $0x1  }
0x99: {  	s4 =	simm.s32 $_scs_section_size  }
0x9a: {  	s5 =	simm.s32 $_size__tile_overlayer_lowered;
	s6 =	simm.s32 $_tile_overlayer_lowered  }
0x9b: {  	s22 =	simm.s32 $0x1BFF;
	s21 =	sshll.u32 s6, $0x1;
	s3 =	sadd.s32 s4, s19  }
0x9c: {  	s7 =	simm.s32 $0x0;
	s20 =	sshll.u32 s5, $0x1;
	s5 =	sadd.s32 s21, s3  }
0x9d: {  	[timem:s7], [sflag:s22] =	dma.local [hbm:s5], s20  }
0x9e: {  	_ =	swait.ge [sflag:s22], s20  }
0x9f: {  	s4 =	ssub.s32 $0x0, s20;
	[sflag:s22] =	ssyncset.done $0x0  }
0xa0: {  	[sflag:s22] =	ssyncadd.s32 s4;
	_ =	sdelay $0x1  }
0xa1: {  	s23 =	simm.s32 $0x1B8B  }
0xa2: {  	_ =	swait.ge [sflag:s23], $0x1  }
0xa3: {  	[sflag:s23] =	ssyncset.done $0x0  }
0xa4: {  	s25 =	simm.s32 $0x1B8E;
	s24 =	sld [smem:$0x3FFE];
	[sflag:s23] =	ssyncadd.s32 $0xFFFFFFFF  }
0xa5: {  	s26 =	simm.s32 $execute0_lowered;
	[smem:$0x3FD2] =	sst s25  }
0xa6: {  	s5 =	sshll.u32 s26, $0x1;
	_ =	strace $0x8000004C;
	[dreg:$0x1] =	wrdreg $0xFFFFFFFF  }
0xa7: {  	s28 =	simm.s32 $_size_execute0_lowered;
	s3 =	sadd.s32 s3, s5;
	[dreg:$0x0] =	wrdreg $0x0  }
0xa8: {  	s5 =	sshll.u32 s28, $0x1;
	[dreg:$0x2] =	wrdreg s3  }
0xa9: {  	[dreg:$0x3] =	wrdreg s5  }
0xaa: {  	[dreg:$0x4] =	wrdreg $0xC0  }
0xab: {  	_ =	task [dreg:s7], $0x5FFFF  }
0xac: {  	[dreg:$0x1] =	wrdreg $0xFFFFFFFF  }
0xad: {  	[dreg:$0x0] =	wrdreg $0x60  }
0xae: {  	[dreg:$0x2] =	wrdreg s24  }
0xaf: {  	[dreg:$0x3] =	wrdreg s2  }
0xb0: {  	[dreg:$0x4] =	wrdreg $0x90000  }
0xb1: {  	[dreg:$0x5] =	wrdreg $0x9  }
0xb2: {  	_ =	task.clear_ibuf [dreg:s7], $0x6FFFF;
	_ =	strace $0x9000004C  }
0xb3: {  	s29 =	simm.s32 $0x9;
	_ =	strace $0x8000004E  }
0xb4: {  	_ =	swait.ge [sflag:s29], $0x1  }
0xb5: {  	[sflag:s29] =	ssyncadd.s32 $0xFFFFFFFF  }
0xb6: {  	_ =	strace $0x9000004E  }
0xb7: {  	_ =	sfence  }
0xb8: {  	s30 =	sld [smem:$0x0];
	_ =	sdelay $0x2  }
0xb9: {  	s31 =	sshll.u32 s1, $0xD;
	s1 =	sshrl.u32 s1, $0x2  }
0xba: {  	s3 =	sand.u32 $0x4000, s31;
	s1 =	sadd.s32 s1, s30  }
0xbb: {  	s0 =	sor.u32 s3, s0;
	s1 =	sshll.u32 s1, $0x11  }
0xbc: {  	s0 =	sor.u32 s1, s0  }
0xbd: {  	s0 =	sadd.s32 $0x8F2B, s0  }
0xbe: {  	[sflag:s0] =	ssyncadd.remote.s32 $0x1  }
0xbf: {  	_ =	sfence.sel $0xFFFF  }
0xc0: {  	[dreg:$0x0] =	wrdreg $0xFFFFFFFF;
	(pc) =	sbr.abs _section_cstart, $3  }
0xc1: {  	[dreg:$0x1] =	wrdreg $0xFFFFFFFF  }
0xc2: {  	_ =	task.clear_ibuf [dreg:s7], $0x2FFFF;
	_ =	strace $0x9FFFFFFF  }
0xc3: {  	(tm) =	ssettm $0x7FFFFFFF  }
tec
execute0_lowered:
.L_overlay_start_1:
0x0: {  	(tag) =	ssettag $0x1  }
0x1: {  	s0 =	rddreg [dreg:$0x0]  }
0x2: {  	s1 =	rddreg [dreg:$0x1];
	s3 =	srdreg.scid  }
0x3: {  	s2 =	rddreg [dreg:$0x2];
	s10 =	stileid.u32;
	s23 =	simm.s32 $0x100  }
0x4: {  	s24 =	simm.s32 $0x880;
	s28 =	simm.s32 $0xC80;
	s6 =	smul.u32 $0x2800, s10  }
0x5: {  	s29 =	simm.s32 $0x580;
	s30 =	simm.s32 $0xD00;
	s7 =	smul.u32 $0x50000, s10  }
0x6: {  	s31 =	simm.s32 $0x600;
	s5 =	sand.u32 $0x1, s3;
	s10 =	smul.u32 $0x14000, s10  }
0x7: {  	s3 =	simm.s32 $0x0;
	s8 =	sadd.s32 $0x34000, s0;
	s4 =	smul.u32 $0x28000, s5  }
0x8: {  	[smem:$0x7FF] =	sst s3;
	s25 =	ssub.s32 $0x2, s5;
	s5 =	smul.u32 $0x140000, s5  }
0x9: {  	_ =	strace $0x8000004D;
	[dreg:$0x16] =	wrdreg s8;
	s9 =	sshrl.u32 s25, $0x1  }
0xa: {  	s7 =	sshrl.u32 s7, $0x2;
	s26 =	sadd.s32 $0x4000, s10;
	s13 =	sadd.s32 $0x8000, s10  }
0xb: {  	s14 =	sadd.s32 $0xC000, s10;
	s15 =	sadd.s32 $0x10000, s10;
	[dreg:$0x6] =	wrdreg s23  }
0xc: {  	[dreg:$0x7] =	wrdreg s24;
	s23 =	simm.s32 $0x400;
	s24 =	simm.s32 $0xB80  }
0xd: {  	s6 =	sadd.s32 s6, s4;
	s12 =	ssub.s32 s25, s9;
	s8 =	sadd.s32 s7, s2  }
0xe: {  	s9 =	sadd.s32 s26, s2;
	s17 =	sadd.s32 s13, s2;
	s18 =	sadd.s32 s14, s2  }
0xf: {  	s19 =	sadd.s32 s10, s5;
	s16 =	sadd.s32 s15, s2;
	[dreg:$0x12] =	wrdreg s23  }
0x10: {  	s7 =	sadd.s32 s5, s26;
	s25 =	simm.s32 $0x180;
	[dreg:$0x13] =	wrdreg s24  }
0x11: {  	s22 =	sadd.s32 s5, s13;
	s13 =	simm.s32 $0x200;
	[dreg:$0x8] =	wrdreg s25  }
0x12: {  	s26 =	sadd.s32 s5, s14;
	s14 =	simm.s32 $0x980;
	[dreg:$0xa] =	wrdreg s13  }
0x13: {  	s5 =	sadd.s32 s5, s15;
	s15 =	simm.s32 $0x280;
	[dreg:$0xb] =	wrdreg s14  }
0x14: {  	s4 =	sadd.s32 $0xC000, s0;
	s23 =	simm.s32 $0x3;
	[dreg:$0xc] =	wrdreg s15  }
0x15: {  	s24 =	simm.s32 $0x2;
	s6 =	sshrl.u32 s6, $0x3;
	[dreg:$0x17] =	wrdreg s8  }
0x16: {  	s10 =	smov.u32 s18;
	s19 =	sshrl.u32 s19, $0x3;
	[dreg:$0x18] =	wrdreg s9  }
0x17: {  	s7 =	sshrl.u32 s7, $0x3;
	s25 =	simm.s32 $0x480;
	[dreg:$0x1b] =	wrdreg s16  }
0x18: {  	s5 =	sshrl.u32 s5, $0x3;
	s11 =	sadd.s32 s6, s0;
	[dreg:$0x14] =	wrdreg s25  }
0x19: {  	s0 =	sadd.s32 $0x34800, s0;
	s1 =	sadd.s32 s6, s1;
	[dreg:$0x1a] =	wrdreg s10  }
0x1a: {  	s6 =	sshrl.u32 s22, $0x3;
	s22 =	simm.s32 $0xB00;
	[dreg:$0x4] =	wrdreg s1  }
0x1b: {  	s13 =	simm.s32 $0x780;
	s18 =	sadd.s32 s0, s19;
	[dreg:$0x11] =	wrdreg s22  }
0x1c: {  	s14 =	simm.s32 $0xF00;
	s20 =	sadd.s32 s0, s7;
	[dreg:$0x1c] =	wrdreg s18  }
0x1d: {  	s15 =	simm.s32 $0xF80;
	s21 =	sadd.s32 $0x2000, s11;
	[dreg:$0x1d] =	wrdreg s20  }
0x1e: {  	s25 =	simm.s32 $0x4;
	s6 =	sadd.s32 s0, s6;
	[dreg:$0x5] =	wrdreg s21  }
0x1f: {  	s7 =	smov.u32 s17;
	s11 =	simm.s32 $0x900;
	[dreg:$0x1e] =	wrdreg s6  }
0x20: {  	s17 =	simm.s32 $0xA00;
	s19 =	smax.u32 s12, $0x1;
	[dreg:$0x9] =	wrdreg s11  }
0x21: {  	s22 =	simm.s32 $0x1;
	s1 =	simm.s32 $0x680;
	[dreg:$0xd] =	wrdreg s17  }
0x22: {  	s12 =	simm.s32 $0xE80;
	s6 =	sshrl.u32 s26, $0x3;
	[smem:$0x7FC] =	sst s19  }
0x23: {  	s18 =	simm.s32 $0x300;
	s20 =	simm.s32 $0xA80;
	[dreg:$0x19] =	wrdreg s7  }
0x24: {  	s17 =	simm.s32 $0x1000;
	s21 =	simm.s32 $0x380;
	[dreg:$0xe] =	wrdreg s18  }
0x25: {  	s19 =	simm.s32 $0x800;
	s26 =	simm.s32 $0xC00;
	[dreg:$0xf] =	wrdreg s20  }
0x26: {  	s11 =	simm.s32 $0x700;
	s6 =	sadd.s32 s0, s6;
	[dreg:$0x10] =	wrdreg s21  }
0x27: {  	s0 =	sadd.s32 s0, s5;
	s18 =	simm.s32 $0x5;
	[dreg:$0x15] =	wrdreg s26  }
0x28: {  	s20 =	simm.s32 $0x80;
	s21 =	simm.s32 $0x5000;
	[dreg:$0x1f] =	wrdreg s6  }
0x29: {  	s26 =	simm.s32 $0x500;
	[smem:$0x7FB] =	sst s0;
	s6 =	simm.s32 $0x0  }
0x2a: {  	s5 =	simm.s32 $0xE00;
	s0 =	simm.s32 $0xD80;
	[smem:$0x7FD] =	sst s6  }
.LBB2_1:
0x2b: {  	s6 =	rddreg [dreg:$0x16]  }
0x2c: {  	[tilespmem:s17], [sflag:$0x5] =	stream.linear.gather [hbm4b:s6+s3], $0x4000, $0x38;
	[tilespmem:$0x1D000] =	vst v63  }
0x2d: {  	_ =	swait.ge [sflag:s18], $0x4000  }
0x2e: {  	[sflag:s18] =	ssyncset.done $0x0  }
0x2f: {  	[sflag:s18] =	ssyncadd.s32 $0xFFFFC000  }
0x30: {  	[spmem:s8] =	stream.linear.scatter [tilespmem:s17], [sflag:$0x5], $0x4000, $0x38;
	[tilespmem:$0x1D000] =	vst v63  }
0x31: {  	_ =	swait.ge [sflag:s18], $0x4000  }
0x32: {  	[sflag:s18] =	ssyncset.done $0x0  }
0x33: {  	[sflag:s18] =	ssyncadd.s32 $0xFFFFC000  }
0x34: {  	[spmem:s9] =	stream.linear.scatter [tilespmem:s17], [sflag:$0x5], $0x4000, $0x38;
	[tilespmem:$0x1D000] =	vst v63  }
0x35: {  	_ =	swait.ge [sflag:s18], $0x4000  }
0x36: {  	[sflag:s18] =	ssyncset.done $0x0  }
0x37: {  	[sflag:s18] =	ssyncadd.s32 $0xFFFFC000  }
0x38: {  	[spmem:s7] =	stream.linear.scatter [tilespmem:s17], [sflag:$0x5], $0x4000, $0x38;
	[tilespmem:$0x1D000] =	vst v63  }
0x39: {  	_ =	swait.ge [sflag:s18], $0x4000  }
0x3a: {  	[sflag:s18] =	ssyncset.done $0x0  }
0x3b: {  	[sflag:s18] =	ssyncadd.s32 $0xFFFFC000  }
0x3c: {  	[spmem:s10] =	stream.linear.scatter [tilespmem:s17], [sflag:$0x5], $0x4000, $0x38;
	[tilespmem:$0x1D000] =	vst v63  }
0x3d: {  	_ =	swait.ge [sflag:s18], $0x4000  }
0x3e: {  	[sflag:s18] =	ssyncset.done $0x0  }
0x3f: {  	[sflag:s18] =	ssyncadd.s32 $0xFFFFC000  }
0x40: {  	[spmem:s16] =	stream.linear.scatter [tilespmem:s17], [sflag:$0x5], $0x4000, $0x38;
	[tilespmem:$0x1D000] =	vst v63  }
0x41: {  	_ =	swait.ge [sflag:s18], $0x4000  }
0x42: {  	[sflag:s18] =	ssyncset.done $0x0  }
0x43: {  	p0 =	por $0x1, $0x1;
	[sflag:s18] =	ssyncadd.s32 $0xFFFFC000  }
0x44: {  	s6 =	simm.s32 @!p0 $0x3;
	[bflag:$0x0] =	sbarrier.arrive $0xFFFF  }
0x45: {  	_ =	swait.ge @!p0 [sflag:s6], $0x4000  }
0x46: {  	[sflag:s6] =	ssyncset.done @!p0 $0x0  }
0x47: {  	[sflag:s6] =	ssyncadd.s32 @!p0 $0xFFFFC000;
	s6 =	simm.s32 @!p0 $0x4  }
0x48: {  	_ =	swait.ge @!p0 [sflag:s6], $0x4000  }
0x49: {  	s8 =	rddreg [dreg:$0x5];
	[sflag:s6] =	ssyncset.done @!p0 $0x0  }
0x4a: {  	[sflag:s6] =	ssyncadd.s32 @!p0 $0xFFFFC000;
	s9 =	sadd.s32 $0x0, s8  }
0x4b: {  	[tilespmem:s3], [sflag:$0x5] =	stream.linear.gather [hbm4b:s9+s3], $0x800, $0x38;
	[tilespmem:$0x1D000] =	vst v63  }
0x4c: {  	_ =	swait.ge [sflag:s18], $0x800  }
0x4d: {  	s10 =	rddreg [dreg:$0x4];
	[sflag:s18] =	ssyncset.done $0x0  }
0x4e: {  	[sflag:s18] =	ssyncadd.s32 $0xFFFFF800;
	s6 =	sadd.s32 $0x0, s10  }
0x4f: {  	[tilespmem:s19], [sflag:$0x5] =	stream.linear.gather [hbm4b:s6+s3], $0x800, $0x38;
	[tilespmem:$0x1D000] =	vst v63  }
0x50: {  	_ =	swait.ge [sflag:s18], $0x800  }
0x51: {  	[sflag:s18] =	ssyncset.done $0x0  }
0x52: {  	[sflag:s18] =	ssyncadd.s32 $0xFFFFF800  }
0x53: {  	[tilespmem:s17], [sflag:$0x1] =	stream.indirect.gather [hbm4b:s4+s20], $0x80, s3, s20, $0xb8;
	[tilespmem:$0x1D000] =	vst v63  }
0x54: {  	_ = 	snop  }
0x55: {  	[tilespmem:s21], [sflag:$0x2] =	stream.indirect.gather [hbm4b:s4+s20], $0x80, s20, s20, $0xb8;
	[tilespmem:$0x1D000] =	vst v63  }
0x56: {  	_ =	swait.ge [sflag:s22], $0x4000  }
0x57: {  	[sflag:s22] =	ssyncset.done $0x0  }
0x58: {  	[sflag:s22] =	ssyncadd.s32 $0xFFFFC000  }
0x59: {  	[spmem:s2] =	stream.indirect.scatter.add.f32 [tilespmem:s17], [sflag:$0x3], $0x80, s19, s20, $0xb8;
	[tilespmem:$0x1D000] =	vst v63  }
0x5a: {  	_ =	swait.ge [sflag:s23], $0x4000  }
0x5b: {  	[sflag:s23] =	ssyncset.done $0x0  }
0x5c: {  	s16 =	rddreg [dreg:$0x6];
	[sflag:s23] =	ssyncadd.s32 $0xFFFFC000  }
0x5d: {  	[tilespmem:s17], [sflag:$0x1] =	stream.indirect.gather [hbm4b:s4+s20], $0x80, s16, s20, $0xb8;
	[tilespmem:$0x1D000] =	vst v63  }
0x5e: {  	_ =	swait.ge [sflag:s24], $0x4000  }
0x5f: {  	[sflag:s24] =	ssyncset.done $0x0  }
0x60: {  	s7 =	rddreg [dreg:$0x7];
	[sflag:s24] =	ssyncadd.s32 $0xFFFFC000  }
0x61: {  	[spmem:s2] =	stream.indirect.scatter.add.f32 [tilespmem:s21], [sflag:$0x4], $0x80, s7, s20, $0xb8;
	[tilespmem:$0x1D000] =	vst v63  }
0x62: {  	_ =	swait.ge [sflag:s25], $0x4000  }
0x63: {  	[sflag:s25] =	ssyncset.done $0x0  }
0x64: {  	s8 =	rddreg [dreg:$0x8];
	[sflag:s25] =	ssyncadd.s32 $0xFFFFC000  }
0x65: {  	[tilespmem:s21], [sflag:$0x2] =	stream.indirect.gather [hbm4b:s4+s20], $0x80, s8, s20, $0xb8;
	[tilespmem:$0x1D000] =	vst v63  }
0x66: {  	_ =	swait.ge [sflag:s22], $0x4000  }
0x67: {  	[sflag:s22] =	ssyncset.done $0x0  }
0x68: {  	s9 =	rddreg [dreg:$0x9];
	[sflag:s22] =	ssyncadd.s32 $0xFFFFC000  }
0x69: {  	[spmem:s2] =	stream.indirect.scatter.add.f32 [tilespmem:s17], [sflag:$0x3], $0x80, s9, s20, $0xb8;
	[tilespmem:$0x1D000] =	vst v63  }
0x6a: {  	_ =	swait.ge [sflag:s23], $0x4000  }
0x6b: {  	[sflag:s23] =	ssyncset.done $0x0  }
0x6c: {  	s10 =	rddreg [dreg:$0xa];
	[sflag:s23] =	ssyncadd.s32 $0xFFFFC000  }
0x6d: {  	[tilespmem:s17], [sflag:$0x1] =	stream.indirect.gather [hbm4b:s4+s20], $0x80, s10, s20, $0xb8;
	[tilespmem:$0x1D000] =	vst v63  }
0x6e: {  	_ =	swait.ge [sflag:s24], $0x4000  }
0x6f: {  	[sflag:s24] =	ssyncset.done $0x0  }
0x70: {  	s16 =	rddreg [dreg:$0xb];
	[sflag:s24] =	ssyncadd.s32 $0xFFFFC000  }
0x71: {  	[spmem:s2] =	stream.indirect.scatter.add.f32 [tilespmem:s21], [sflag:$0x4], $0x80, s16, s20, $0xb8;
	[tilespmem:$0x1D000] =	vst v63  }
0x72: {  	_ =	swait.ge [sflag:s25], $0x4000  }
0x73: {  	[sflag:s25] =	ssyncset.done $0x0  }
0x74: {  	s7 =	rddreg [dreg:$0xc];
	[sflag:s25] =	ssyncadd.s32 $0xFFFFC000  }
0x75: {  	[tilespmem:s21], [sflag:$0x2] =	stream.indirect.gather [hbm4b:s4+s20], $0x80, s7, s20, $0xb8;
	[tilespmem:$0x1D000] =	vst v63  }
0x76: {  	_ =	swait.ge [sflag:s22], $0x4000  }
0x77: {  	[sflag:s22] =	ssyncset.done $0x0  }
0x78: {  	s8 =	rddreg [dreg:$0xd];
	[sflag:s22] =	ssyncadd.s32 $0xFFFFC000  }
0x79: {  	[spmem:s2] =	stream.indirect.scatter.add.f32 [tilespmem:s17], [sflag:$0x3], $0x80, s8, s20, $0xb8;
	[tilespmem:$0x1D000] =	vst v63  }
0x7a: {  	_ =	swait.ge [sflag:s23], $0x4000  }
0x7b: {  	[sflag:s23] =	ssyncset.done $0x0  }
0x7c: {  	s9 =	rddreg [dreg:$0xe];
	[sflag:s23] =	ssyncadd.s32 $0xFFFFC000  }
0x7d: {  	[tilespmem:s17], [sflag:$0x1] =	stream.indirect.gather [hbm4b:s4+s20], $0x80, s9, s20, $0xb8;
	[tilespmem:$0x1D000] =	vst v63  }
0x7e: {  	_ =	swait.ge [sflag:s24], $0x4000  }
0x7f: {  	[sflag:s24] =	ssyncset.done $0x0  }
0x80: {  	s10 =	rddreg [dreg:$0xf];
	[sflag:s24] =	ssyncadd.s32 $0xFFFFC000  }
0x81: {  	[spmem:s2] =	stream.indirect.scatter.add.f32 [tilespmem:s21], [sflag:$0x4], $0x80, s10, s20, $0xb8;
	[tilespmem:$0x1D000] =	vst v63  }
0x82: {  	_ =	swait.ge [sflag:s25], $0x4000  }
0x83: {  	[sflag:s25] =	ssyncset.done $0x0  }
0x84: {  	s16 =	rddreg [dreg:$0x10];
	[sflag:s25] =	ssyncadd.s32 $0xFFFFC000  }
0x85: {  	[tilespmem:s21], [sflag:$0x2] =	stream.indirect.gather [hbm4b:s4+s20], $0x80, s16, s20, $0xb8;
	[tilespmem:$0x1D000] =	vst v63  }
0x86: {  	_ =	swait.ge [sflag:s22], $0x4000  }
0x87: {  	[sflag:s22] =	ssyncset.done $0x0  }
0x88: {  	s7 =	rddreg [dreg:$0x11];
	[sflag:s22] =	ssyncadd.s32 $0xFFFFC000  }
0x89: {  	[spmem:s2] =	stream.indirect.scatter.add.f32 [tilespmem:s17], [sflag:$0x3], $0x80, s7, s20, $0xb8;
	[tilespmem:$0x1D000] =	vst v63  }
0x8a: {  	_ =	swait.ge [sflag:s23], $0x4000  }
0x8b: {  	[sflag:s23] =	ssyncset.done $0x0  }
0x8c: {  	s8 =	rddreg [dreg:$0x12];
	[sflag:s23] =	ssyncadd.s32 $0xFFFFC000  }
0x8d: {  	[tilespmem:s17], [sflag:$0x1] =	stream.indirect.gather [hbm4b:s4+s20], $0x80, s8, s20, $0xb8;
	[tilespmem:$0x1D000] =	vst v63  }
0x8e: {  	_ =	swait.ge [sflag:s24], $0x4000  }
0x8f: {  	[sflag:s24] =	ssyncset.done $0x0  }
0x90: {  	s9 =	rddreg [dreg:$0x13];
	[sflag:s24] =	ssyncadd.s32 $0xFFFFC000  }
0x91: {  	[spmem:s2] =	stream.indirect.scatter.add.f32 [tilespmem:s21], [sflag:$0x4], $0x80, s9, s20, $0xb8;
	[tilespmem:$0x1D000] =	vst v63  }
0x92: {  	_ =	swait.ge [sflag:s25], $0x4000  }
0x93: {  	[sflag:s25] =	ssyncset.done $0x0  }
0x94: {  	s10 =	rddreg [dreg:$0x14];
	[sflag:s25] =	ssyncadd.s32 $0xFFFFC000  }
0x95: {  	[tilespmem:s21], [sflag:$0x2] =	stream.indirect.gather [hbm4b:s4+s20], $0x80, s10, s20, $0xb8;
	[tilespmem:$0x1D000] =	vst v63  }
0x96: {  	_ =	swait.ge [sflag:s22], $0x4000  }
0x97: {  	[sflag:s22] =	ssyncset.done $0x0  }
0x98: {  	s16 =	rddreg [dreg:$0x15];
	[sflag:s22] =	ssyncadd.s32 $0xFFFFC000  }
0x99: {  	[spmem:s2] =	stream.indirect.scatter.add.f32 [tilespmem:s17], [sflag:$0x3], $0x80, s16, s20, $0xb8;
	[tilespmem:$0x1D000] =	vst v63  }
0x9a: {  	_ =	swait.ge [sflag:s23], $0x4000  }
0x9b: {  	[sflag:s23] =	ssyncset.done $0x0  }
0x9c: {  	[sflag:s23] =	ssyncadd.s32 $0xFFFFC000  }
0x9d: {  	[tilespmem:s17], [sflag:$0x1] =	stream.indirect.gather [hbm4b:s4+s20], $0x80, s26, s20, $0xb8;
	[tilespmem:$0x1D000] =	vst v63  }
0x9e: {  	_ =	swait.ge [sflag:s24], $0x4000  }
0x9f: {  	[sflag:s24] =	ssyncset.done $0x0  }
0xa0: {  	[sflag:s24] =	ssyncadd.s32 $0xFFFFC000  }
0xa1: {  	[spmem:s2] =	stream.indirect.scatter.add.f32 [tilespmem:s21], [sflag:$0x4], $0x80, s28, s20, $0xb8;
	[tilespmem:$0x1D000] =	vst v63  }
0xa2: {  	_ =	swait.ge [sflag:s25], $0x4000  }
0xa3: {  	[sflag:s25] =	ssyncset.done $0x0  }
0xa4: {  	[sflag:s25] =	ssyncadd.s32 $0xFFFFC000  }
0xa5: {  	[tilespmem:s21], [sflag:$0x2] =	stream.indirect.gather [hbm4b:s4+s20], $0x80, s29, s20, $0xb8;
	[tilespmem:$0x1D000] =	vst v63  }
0xa6: {  	_ =	swait.ge [sflag:s22], $0x4000  }
0xa7: {  	[sflag:s22] =	ssyncset.done $0x0  }
0xa8: {  	[sflag:s22] =	ssyncadd.s32 $0xFFFFC000  }
0xa9: {  	[spmem:s2] =	stream.indirect.scatter.add.f32 [tilespmem:s17], [sflag:$0x3], $0x80, s30, s20, $0xb8;
	[tilespmem:$0x1D000] =	vst v63  }
0xaa: {  	_ =	swait.ge [sflag:s23], $0x4000  }
0xab: {  	[sflag:s23] =	ssyncset.done $0x0  }
0xac: {  	[sflag:s23] =	ssyncadd.s32 $0xFFFFC000  }
0xad: {  	[tilespmem:s17], [sflag:$0x1] =	stream.indirect.gather [hbm4b:s4+s20], $0x80, s31, s20, $0xb8;
	[tilespmem:$0x1D000] =	vst v63  }
0xae: {  	_ =	swait.ge [sflag:s24], $0x4000  }
0xaf: {  	[sflag:s24] =	ssyncset.done $0x0  }
0xb0: {  	[sflag:s24] =	ssyncadd.s32 $0xFFFFC000  }
0xb1: {  	[spmem:s2] =	stream.indirect.scatter.add.f32 [tilespmem:s21], [sflag:$0x4], $0x80, s0, s20, $0xb8;
	[tilespmem:$0x1D000] =	vst v63  }
0xb2: {  	_ =	swait.ge [sflag:s25], $0x4000  }
0xb3: {  	[sflag:s25] =	ssyncset.done $0x0  }
0xb4: {  	[sflag:s25] =	ssyncadd.s32 $0xFFFFC000  }
0xb5: {  	[tilespmem:s21], [sflag:$0x2] =	stream.indirect.gather [hbm4b:s4+s20], $0x80, s1, s20, $0xb8;
	[tilespmem:$0x1D000] =	vst v63  }
0xb6: {  	_ =	swait.ge [sflag:s22], $0x4000  }
0xb7: {  	[sflag:s22] =	ssyncset.done $0x0  }
0xb8: {  	[sflag:s22] =	ssyncadd.s32 $0xFFFFC000  }
0xb9: {  	[spmem:s2] =	stream.indirect.scatter.add.f32 [tilespmem:s17], [sflag:$0x3], $0x80, s5, s20, $0xb8;
	[tilespmem:$0x1D000] =	vst v63  }
0xba: {  	_ =	swait.ge [sflag:s23], $0x4000  }
0xbb: {  	[sflag:s23] =	ssyncset.done $0x0  }
0xbc: {  	[sflag:s23] =	ssyncadd.s32 $0xFFFFC000  }
0xbd: {  	[tilespmem:s17], [sflag:$0x1] =	stream.indirect.gather [hbm4b:s4+s20], $0x80, s11, s20, $0xb8;
	[tilespmem:$0x1D000] =	vst v63  }
0xbe: {  	_ =	swait.ge [sflag:s24], $0x4000  }
0xbf: {  	[sflag:s24] =	ssyncset.done $0x0  }
0xc0: {  	[sflag:s24] =	ssyncadd.s32 $0xFFFFC000  }
0xc1: {  	[spmem:s2] =	stream.indirect.scatter.add.f32 [tilespmem:s21], [sflag:$0x4], $0x80, s12, s20, $0xb8;
	[tilespmem:$0x1D000] =	vst v63  }
0xc2: {  	_ =	swait.ge [sflag:s25], $0x4000  }
0xc3: {  	[sflag:s25] =	ssyncset.done $0x0  }
0xc4: {  	[sflag:s25] =	ssyncadd.s32 $0xFFFFC000  }
0xc5: {  	[tilespmem:s21], [sflag:$0x2] =	stream.indirect.gather [hbm4b:s4+s20], $0x80, s13, s20, $0xb8;
	[tilespmem:$0x1D000] =	vst v63  }
0xc6: {  	_ =	swait.ge [sflag:s22], $0x4000  }
0xc7: {  	[sflag:s22] =	ssyncset.done $0x0  }
0xc8: {  	[sflag:s22] =	ssyncadd.s32 $0xFFFFC000  }
0xc9: {  	[spmem:s2] =	stream.indirect.scatter.add.f32 [tilespmem:s17], [sflag:$0x3], $0x80, s14, s20, $0xb8;
	[tilespmem:$0x1D000] =	vst v63  }
0xca: {  	p1 =	por $0x0, $0x0;
	_ =	swait.ge [sflag:s24], $0x4000  }
0xcb: {  	s6 =	simm.s32 $0x100;
	s7 =	simm.s32 $0x200;
	[sflag:s24] =	ssyncset.done $0x0  }
.LBB2_2:
0xcc: {  	s8 =	simm.s32 @!p1 $0x3;
	[sflag:s24] =	ssyncadd.s32 $0xFFFFC000  }
0xcd: {  	[spmem:s2] =	stream.indirect.scatter.add.f32 [tilespmem:s21], [sflag:$0x4], $0x80, s15, s20, $0xb8;
	[tilespmem:$0x1D000] =	vst v63  }
0xce: {  	_ =	swait.ge @!p1 [sflag:s8], $0x4000  }
0xcf: {  	[sflag:s8] =	ssyncset.done @!p1 $0x0  }
0xd0: {  	[sflag:s8] =	ssyncadd.s32 @!p1 $0xFFFFC000;
	s8 =	simm.s32 @!p1 $0x4  }
0xd1: {  	_ =	swait.ge @!p1 [sflag:s8], $0x4000  }
0xd2: {  	[sflag:s8] =	ssyncset.done @!p1 $0x0;
	s10 =	rddreg [dreg:$0x5]  }
0xd3: {  	[sflag:s8] =	ssyncadd.s32 @!p1 $0xFFFFC000;
	s16 =	sadd.s32 s6, s10  }
0xd4: {  	[tilespmem:s3], [sflag:$0x5] =	stream.linear.gather [hbm4b:s16+s3], $0x800, $0x38;
	[tilespmem:$0x1D000] =	vst v63  }
0xd5: {  	_ =	swait.ge [sflag:s18], $0x800  }
0xd6: {  	s10 =	rddreg [dreg:$0x4];
	[sflag:s18] =	ssyncset.done $0x0  }
0xd7: {  	[sflag:s18] =	ssyncadd.s32 $0xFFFFF800;
	s8 =	sadd.s32 s6, s10  }
0xd8: {  	[tilespmem:s19], [sflag:$0x5] =	stream.linear.gather [hbm4b:s8+s3], $0x800, $0x38;
	[tilespmem:$0x1D000] =	vst v63  }
0xd9: {  	_ =	swait.ge [sflag:s18], $0x800  }
0xda: {  	[sflag:s18] =	ssyncset.done $0x0  }
0xdb: {  	[sflag:s18] =	ssyncadd.s32 $0xFFFFF800  }
0xdc: {  	[tilespmem:s17], [sflag:$0x1] =	stream.indirect.gather [hbm4b:s4+s20], $0x80, s3, s20, $0xb8;
	[tilespmem:$0x1D000] =	vst v63  }
0xdd: {  	_ = 	snop  }
0xde: {  	[tilespmem:s21], [sflag:$0x2] =	stream.indirect.gather [hbm4b:s4+s20], $0x80, s20, s20, $0xb8;
	[tilespmem:$0x1D000] =	vst v63  }
0xdf: {  	_ =	swait.ge [sflag:s22], $0x4000  }
0xe0: {  	[sflag:s22] =	ssyncset.done $0x0  }
0xe1: {  	[sflag:s22] =	ssyncadd.s32 $0xFFFFC000  }
0xe2: {  	[spmem:s2] =	stream.indirect.scatter.add.f32 [tilespmem:s17], [sflag:$0x3], $0x80, s19, s20, $0xb8;
	[tilespmem:$0x1D000] =	vst v63  }
0xe3: {  	_ =	swait.ge [sflag:s23], $0x4000  }
0xe4: {  	[sflag:s23] =	ssyncset.done $0x0  }
0xe5: {  	s16 =	rddreg [dreg:$0x6];
	[sflag:s23] =	ssyncadd.s32 $0xFFFFC000  }
0xe6: {  	[tilespmem:s17], [sflag:$0x1] =	stream.indirect.gather [hbm4b:s4+s20], $0x80, s16, s20, $0xb8;
	[tilespmem:$0x1D000] =	vst v63  }
0xe7: {  	_ =	swait.ge [sflag:s24], $0x4000  }
0xe8: {  	s9 =	smov.u32 s7;
	[sflag:s24] =	ssyncset.done $0x0  }
0xe9: {  	s6 =	smov.u32 s9;
	s9 =	rddreg [dreg:$0x7];
	[sflag:s24] =	ssyncadd.s32 $0xFFFFC000  }
0xea: {  	[spmem:s2] =	stream.indirect.scatter.add.f32 [tilespmem:s21], [sflag:$0x4], $0x80, s9, s20, $0xb8;
	[tilespmem:$0x1D000] =	vst v63  }
0xeb: {  	_ =	swait.ge [sflag:s25], $0x4000  }
0xec: {  	[sflag:s25] =	ssyncset.done $0x0  }
0xed: {  	s10 =	rddreg [dreg:$0x8];
	[sflag:s25] =	ssyncadd.s32 $0xFFFFC000  }
0xee: {  	[tilespmem:s21], [sflag:$0x2] =	stream.indirect.gather [hbm4b:s4+s20], $0x80, s10, s20, $0xb8;
	[tilespmem:$0x1D000] =	vst v63  }
0xef: {  	_ =	swait.ge [sflag:s22], $0x4000  }
0xf0: {  	[sflag:s22] =	ssyncset.done $0x0  }
0xf1: {  	s16 =	rddreg [dreg:$0x9];
	[sflag:s22] =	ssyncadd.s32 $0xFFFFC000  }
0xf2: {  	[spmem:s2] =	stream.indirect.scatter.add.f32 [tilespmem:s17], [sflag:$0x3], $0x80, s16, s20, $0xb8;
	[tilespmem:$0x1D000] =	vst v63  }
0xf3: {  	_ =	swait.ge [sflag:s23], $0x4000  }
0xf4: {  	[sflag:s23] =	ssyncset.done $0x0  }
0xf5: {  	s9 =	rddreg [dreg:$0xa];
	[sflag:s23] =	ssyncadd.s32 $0xFFFFC000  }
0xf6: {  	[tilespmem:s17], [sflag:$0x1] =	stream.indirect.gather [hbm4b:s4+s20], $0x80, s9, s20, $0xb8;
	[tilespmem:$0x1D000] =	vst v63  }
0xf7: {  	_ =	swait.ge [sflag:s24], $0x4000  }
0xf8: {  	[sflag:s24] =	ssyncset.done $0x0  }
0xf9: {  	s10 =	rddreg [dreg:$0xb];
	[sflag:s24] =	ssyncadd.s32 $0xFFFFC000  }
0xfa: {  	[spmem:s2] =	stream.indirect.scatter.add.f32 [tilespmem:s21], [sflag:$0x4], $0x80, s10, s20, $0xb8;
	[tilespmem:$0x1D000] =	vst v63  }
0xfb: {  	_ =	swait.ge [sflag:s25], $0x4000  }
0xfc: {  	[sflag:s25] =	ssyncset.done $0x0  }
0xfd: {  	s16 =	rddreg [dreg:$0xc];
	[sflag:s25] =	ssyncadd.s32 $0xFFFFC000  }
0xfe: {  	[tilespmem:s21], [sflag:$0x2] =	stream.indirect.gather [hbm4b:s4+s20], $0x80, s16, s20, $0xb8;
	[tilespmem:$0x1D000] =	vst v63  }
0xff: {  	_ =	swait.ge [sflag:s22], $0x4000  }
0x100: {  	[sflag:s22] =	ssyncset.done $0x0  }
0x101: {  	s9 =	rddreg [dreg:$0xd];
	[sflag:s22] =	ssyncadd.s32 $0xFFFFC000  }
0x102: {  	[spmem:s2] =	stream.indirect.scatter.add.f32 [tilespmem:s17], [sflag:$0x3], $0x80, s9, s20, $0xb8;
	[tilespmem:$0x1D000] =	vst v63  }
0x103: {  	_ =	swait.ge [sflag:s23], $0x4000  }
0x104: {  	[sflag:s23] =	ssyncset.done $0x0  }
0x105: {  	s10 =	rddreg [dreg:$0xe];
	[sflag:s23] =	ssyncadd.s32 $0xFFFFC000  }
0x106: {  	[tilespmem:s17], [sflag:$0x1] =	stream.indirect.gather [hbm4b:s4+s20], $0x80, s10, s20, $0xb8;
	[tilespmem:$0x1D000] =	vst v63  }
0x107: {  	_ =	swait.ge [sflag:s24], $0x4000  }
0x108: {  	[sflag:s24] =	ssyncset.done $0x0  }
0x109: {  	s16 =	rddreg [dreg:$0xf];
	[sflag:s24] =	ssyncadd.s32 $0xFFFFC000  }
0x10a: {  	[spmem:s2] =	stream.indirect.scatter.add.f32 [tilespmem:s21], [sflag:$0x4], $0x80, s16, s20, $0xb8;
	[tilespmem:$0x1D000] =	vst v63  }
0x10b: {  	_ =	swait.ge [sflag:s25], $0x4000  }
0x10c: {  	[sflag:s25] =	ssyncset.done $0x0  }
0x10d: {  	s9 =	rddreg [dreg:$0x10];
	[sflag:s25] =	ssyncadd.s32 $0xFFFFC000  }
0x10e: {  	[tilespmem:s21], [sflag:$0x2] =	stream.indirect.gather [hbm4b:s4+s20], $0x80, s9, s20, $0xb8;
	[tilespmem:$0x1D000] =	vst v63  }
0x10f: {  	_ =	swait.ge [sflag:s22], $0x4000  }
0x110: {  	[sflag:s22] =	ssyncset.done $0x0  }
0x111: {  	s10 =	rddreg [dreg:$0x11];
	[sflag:s22] =	ssyncadd.s32 $0xFFFFC000  }
0x112: {  	[spmem:s2] =	stream.indirect.scatter.add.f32 [tilespmem:s17], [sflag:$0x3], $0x80, s10, s20, $0xb8;
	[tilespmem:$0x1D000] =	vst v63  }
0x113: {  	_ =	swait.ge [sflag:s23], $0x4000  }
0x114: {  	[sflag:s23] =	ssyncset.done $0x0  }
0x115: {  	s16 =	rddreg [dreg:$0x12];
	[sflag:s23] =	ssyncadd.s32 $0xFFFFC000  }
0x116: {  	[tilespmem:s17], [sflag:$0x1] =	stream.indirect.gather [hbm4b:s4+s20], $0x80, s16, s20, $0xb8;
	[tilespmem:$0x1D000] =	vst v63  }
0x117: {  	_ =	swait.ge [sflag:s24], $0x4000  }
0x118: {  	[sflag:s24] =	ssyncset.done $0x0  }
0x119: {  	s9 =	rddreg [dreg:$0x13];
	[sflag:s24] =	ssyncadd.s32 $0xFFFFC000  }
0x11a: {  	[spmem:s2] =	stream.indirect.scatter.add.f32 [tilespmem:s21], [sflag:$0x4], $0x80, s9, s20, $0xb8;
	[tilespmem:$0x1D000] =	vst v63  }
0x11b: {  	_ =	swait.ge [sflag:s25], $0x4000  }
0x11c: {  	[sflag:s25] =	ssyncset.done $0x0  }
0x11d: {  	s10 =	rddreg [dreg:$0x14];
	[sflag:s25] =	ssyncadd.s32 $0xFFFFC000  }
0x11e: {  	[tilespmem:s21], [sflag:$0x2] =	stream.indirect.gather [hbm4b:s4+s20], $0x80, s10, s20, $0xb8;
	[tilespmem:$0x1D000] =	vst v63  }
0x11f: {  	_ =	swait.ge [sflag:s22], $0x4000  }
0x120: {  	[sflag:s22] =	ssyncset.done $0x0  }
0x121: {  	s16 =	rddreg [dreg:$0x15];
	[sflag:s22] =	ssyncadd.s32 $0xFFFFC000  }
0x122: {  	[spmem:s2] =	stream.indirect.scatter.add.f32 [tilespmem:s17], [sflag:$0x3], $0x80, s16, s20, $0xb8;
	[tilespmem:$0x1D000] =	vst v63  }
0x123: {  	_ =	swait.ge [sflag:s23], $0x4000  }
0x124: {  	[sflag:s23] =	ssyncset.done $0x0  }
0x125: {  	[sflag:s23] =	ssyncadd.s32 $0xFFFFC000  }
0x126: {  	[tilespmem:s17], [sflag:$0x1] =	stream.indirect.gather [hbm4b:s4+s20], $0x80, s26, s20, $0xb8;
	[tilespmem:$0x1D000] =	vst v63  }
0x127: {  	_ =	swait.ge [sflag:s24], $0x4000  }
0x128: {  	[sflag:s24] =	ssyncset.done $0x0  }
0x129: {  	[sflag:s24] =	ssyncadd.s32 $0xFFFFC000  }
0x12a: {  	[spmem:s2] =	stream.indirect.scatter.add.f32 [tilespmem:s21], [sflag:$0x4], $0x80, s28, s20, $0xb8;
	[tilespmem:$0x1D000] =	vst v63  }
0x12b: {  	_ =	swait.ge [sflag:s25], $0x4000  }
0x12c: {  	[sflag:s25] =	ssyncset.done $0x0  }
0x12d: {  	[sflag:s25] =	ssyncadd.s32 $0xFFFFC000  }
0x12e: {  	[tilespmem:s21], [sflag:$0x2] =	stream.indirect.gather [hbm4b:s4+s20], $0x80, s29, s20, $0xb8;
	[tilespmem:$0x1D000] =	vst v63  }
0x12f: {  	_ =	swait.ge [sflag:s22], $0x4000  }
0x130: {  	[sflag:s22] =	ssyncset.done $0x0  }
0x131: {  	[sflag:s22] =	ssyncadd.s32 $0xFFFFC000  }
0x132: {  	[spmem:s2] =	stream.indirect.scatter.add.f32 [tilespmem:s17], [sflag:$0x3], $0x80, s30, s20, $0xb8;
	[tilespmem:$0x1D000] =	vst v63  }
0x133: {  	_ =	swait.ge [sflag:s23], $0x4000  }
0x134: {  	[sflag:s23] =	ssyncset.done $0x0  }
0x135: {  	[sflag:s23] =	ssyncadd.s32 $0xFFFFC000  }
0x136: {  	[tilespmem:s17], [sflag:$0x1] =	stream.indirect.gather [hbm4b:s4+s20], $0x80, s31, s20, $0xb8;
	[tilespmem:$0x1D000] =	vst v63  }
0x137: {  	_ =	swait.ge [sflag:s24], $0x4000  }
0x138: {  	[sflag:s24] =	ssyncset.done $0x0  }
0x139: {  	[sflag:s24] =	ssyncadd.s32 $0xFFFFC000  }
0x13a: {  	[spmem:s2] =	stream.indirect.scatter.add.f32 [tilespmem:s21], [sflag:$0x4], $0x80, s0, s20, $0xb8;
	[tilespmem:$0x1D000] =	vst v63  }
0x13b: {  	_ =	swait.ge [sflag:s25], $0x4000  }
0x13c: {  	[sflag:s25] =	ssyncset.done $0x0  }
0x13d: {  	[sflag:s25] =	ssyncadd.s32 $0xFFFFC000  }
0x13e: {  	[tilespmem:s21], [sflag:$0x2] =	stream.indirect.gather [hbm4b:s4+s20], $0x80, s1, s20, $0xb8;
	[tilespmem:$0x1D000] =	vst v63  }
0x13f: {  	_ =	swait.ge [sflag:s22], $0x4000  }
0x140: {  	[sflag:s22] =	ssyncset.done $0x0  }
0x141: {  	[sflag:s22] =	ssyncadd.s32 $0xFFFFC000  }
0x142: {  	[spmem:s2] =	stream.indirect.scatter.add.f32 [tilespmem:s17], [sflag:$0x3], $0x80, s5, s20, $0xb8;
	[tilespmem:$0x1D000] =	vst v63  }
0x143: {  	_ =	swait.ge [sflag:s23], $0x4000  }
0x144: {  	[sflag:s23] =	ssyncset.done $0x0  }
0x145: {  	[sflag:s23] =	ssyncadd.s32 $0xFFFFC000  }
0x146: {  	[tilespmem:s17], [sflag:$0x1] =	stream.indirect.gather [hbm4b:s4+s20], $0x80, s11, s20, $0xb8;
	[tilespmem:$0x1D000] =	vst v63  }
0x147: {  	_ =	swait.ge [sflag:s24], $0x4000  }
0x148: {  	[sflag:s24] =	ssyncset.done $0x0  }
0x149: {  	[sflag:s24] =	ssyncadd.s32 $0xFFFFC000  }
0x14a: {  	[spmem:s2] =	stream.indirect.scatter.add.f32 [tilespmem:s21], [sflag:$0x4], $0x80, s12, s20, $0xb8;
	[tilespmem:$0x1D000] =	vst v63  }
0x14b: {  	_ =	swait.ge [sflag:s25], $0x4000  }
0x14c: {  	[sflag:s25] =	ssyncset.done $0x0  }
0x14d: {  	s7 =	sadd.s32 $0x100, s7;
	[sflag:s25] =	ssyncadd.s32 $0xFFFFC000  }
0x14e: {  	[tilespmem:s21], [sflag:$0x2] =	stream.indirect.gather [hbm4b:s4+s20], $0x80, s13, s20, $0xb8;
	[tilespmem:$0x1D000] =	vst v63  }
0x14f: {  	p0 =	sne.s32 s7, $0x500;
	_ =	swait.ge [sflag:s22], $0x4000  }
.Ltmp0:
0x150: {  	[sflag:s22] =	ssyncset.done $0x0;
	(pc) =	sbr.rel @p0 .LBB2_2-.Ltmp0, $4  }
0x151: {  	[sflag:s22] =	ssyncadd.s32 $0xFFFFC000  }
0x152: {  	[spmem:s2] =	stream.indirect.scatter.add.f32 [tilespmem:s17], [sflag:$0x3], $0x80, s14, s20, $0xb8;
	[tilespmem:$0x1D000] =	vst v63  }
0x153: {  	_ =	swait.ge [sflag:s24], $0x4000  }
0x154: {  	p1 =	seq.s32 s6, $0x0;
	[sflag:s24] =	ssyncset.done $0x0  }
0x155: {  	s7 =	simm.s32 @!p1 $0x3;
	[sflag:s24] =	ssyncadd.s32 $0xFFFFC000  }
0x156: {  	[spmem:s2] =	stream.indirect.scatter.add.f32 [tilespmem:s21], [sflag:$0x4], $0x80, s15, s20, $0xb8;
	[tilespmem:$0x1D000] =	vst v63  }
0x157: {  	_ =	swait.ge @!p1 [sflag:s7], $0x4000  }
0x158: {  	[sflag:s7] =	ssyncset.done @!p1 $0x0  }
0x159: {  	[sflag:s7] =	ssyncadd.s32 @!p1 $0xFFFFC000;
	s7 =	simm.s32 @!p1 $0x4  }
0x15a: {  	_ =	swait.ge @!p1 [sflag:s7], $0x4000  }
0x15b: {  	s8 =	rddreg [dreg:$0x5];
	[sflag:s7] =	ssyncset.done @!p1 $0x0  }
0x15c: {  	[sflag:s7] =	ssyncadd.s32 @!p1 $0xFFFFC000;
	s16 =	sadd.s32 s6, s8  }
0x15d: {  	[tilespmem:s3], [sflag:$0x5] =	stream.linear.gather [hbm4b:s16+s3], $0x800, $0x38;
	[tilespmem:$0x1D000] =	vst v63  }
0x15e: {  	_ =	swait.ge [sflag:s18], $0x800  }
0x15f: {  	s8 =	rddreg [dreg:$0x4];
	[sflag:s18] =	ssyncset.done $0x0  }
0x160: {  	s9 =	sadd.s32 s6, s8;
	[sflag:s18] =	ssyncadd.s32 $0xFFFFF800  }
0x161: {  	[tilespmem:s19], [sflag:$0x5] =	stream.linear.gather [hbm4b:s9+s3], $0x800, $0x38;
	[tilespmem:$0x1D000] =	vst v63  }
0x162: {  	_ =	swait.ge [sflag:s18], $0x800  }
0x163: {  	[sflag:s18] =	ssyncset.done $0x0  }
0x164: {  	[sflag:s18] =	ssyncadd.s32 $0xFFFFF800  }
0x165: {  	[tilespmem:s17], [sflag:$0x1] =	stream.indirect.gather [hbm4b:s4+s20], $0x80, s3, s20, $0xb8;
	[tilespmem:$0x1D000] =	vst v63  }
0x166: {  	_ = 	snop  }
0x167: {  	[tilespmem:s21], [sflag:$0x2] =	stream.indirect.gather [hbm4b:s4+s20], $0x80, s20, s20, $0xb8;
	[tilespmem:$0x1D000] =	vst v63  }
0x168: {  	_ =	swait.ge [sflag:s22], $0x4000  }
0x169: {  	[sflag:s22] =	ssyncset.done $0x0  }
0x16a: {  	[sflag:s22] =	ssyncadd.s32 $0xFFFFC000  }
0x16b: {  	[spmem:s2] =	stream.indirect.scatter.add.f32 [tilespmem:s17], [sflag:$0x3], $0x80, s19, s20, $0xb8;
	[tilespmem:$0x1D000] =	vst v63  }
0x16c: {  	_ =	swait.ge [sflag:s23], $0x4000  }
0x16d: {  	[sflag:s23] =	ssyncset.done $0x0  }
0x16e: {  	s10 =	rddreg [dreg:$0x6];
	[sflag:s23] =	ssyncadd.s32 $0xFFFFC000  }
0x16f: {  	[tilespmem:s17], [sflag:$0x1] =	stream.indirect.gather [hbm4b:s4+s20], $0x80, s10, s20, $0xb8;
	[tilespmem:$0x1D000] =	vst v63  }
0x170: {  	_ =	swait.ge [sflag:s24], $0x4000  }
0x171: {  	[sflag:s24] =	ssyncset.done $0x0  }
0x172: {  	s16 =	rddreg [dreg:$0x7];
	[sflag:s24] =	ssyncadd.s32 $0xFFFFC000  }
0x173: {  	[spmem:s2] =	stream.indirect.scatter.add.f32 [tilespmem:s21], [sflag:$0x4], $0x80, s16, s20, $0xb8;
	[tilespmem:$0x1D000] =	vst v63  }
0x174: {  	_ =	swait.ge [sflag:s25], $0x4000  }
0x175: {  	[sflag:s25] =	ssyncset.done $0x0  }
0x176: {  	s7 =	rddreg [dreg:$0x8];
	[sflag:s25] =	ssyncadd.s32 $0xFFFFC000  }
0x177: {  	[tilespmem:s21], [sflag:$0x2] =	stream.indirect.gather [hbm4b:s4+s20], $0x80, s7, s20, $0xb8;
	[tilespmem:$0x1D000] =	vst v63  }
0x178: {  	_ =	swait.ge [sflag:s22], $0x4000  }
0x179: {  	[sflag:s22] =	ssyncset.done $0x0  }
0x17a: {  	s8 =	rddreg [dreg:$0x9];
	[sflag:s22] =	ssyncadd.s32 $0xFFFFC000  }
0x17b: {  	[spmem:s2] =	stream.indirect.scatter.add.f32 [tilespmem:s17], [sflag:$0x3], $0x80, s8, s20, $0xb8;
	[tilespmem:$0x1D000] =	vst v63  }
0x17c: {  	_ =	swait.ge [sflag:s23], $0x4000  }
0x17d: {  	[sflag:s23] =	ssyncset.done $0x0  }
0x17e: {  	s9 =	rddreg [dreg:$0xa];
	[sflag:s23] =	ssyncadd.s32 $0xFFFFC000  }
0x17f: {  	[tilespmem:s17], [sflag:$0x1] =	stream.indirect.gather [hbm4b:s4+s20], $0x80, s9, s20, $0xb8;
	[tilespmem:$0x1D000] =	vst v63  }
0x180: {  	_ =	swait.ge [sflag:s24], $0x4000  }
0x181: {  	[sflag:s24] =	ssyncset.done $0x0  }
0x182: {  	s10 =	rddreg [dreg:$0xb];
	[sflag:s24] =	ssyncadd.s32 $0xFFFFC000  }
0x183: {  	[spmem:s2] =	stream.indirect.scatter.add.f32 [tilespmem:s21], [sflag:$0x4], $0x80, s10, s20, $0xb8;
	[tilespmem:$0x1D000] =	vst v63  }
0x184: {  	_ =	swait.ge [sflag:s25], $0x4000  }
0x185: {  	[sflag:s25] =	ssyncset.done $0x0  }
0x186: {  	s16 =	rddreg [dreg:$0xc];
	[sflag:s25] =	ssyncadd.s32 $0xFFFFC000  }
0x187: {  	[tilespmem:s21], [sflag:$0x2] =	stream.indirect.gather [hbm4b:s4+s20], $0x80, s16, s20, $0xb8;
	[tilespmem:$0x1D000] =	vst v63  }
0x188: {  	_ =	swait.ge [sflag:s22], $0x4000  }
0x189: {  	[sflag:s22] =	ssyncset.done $0x0  }
0x18a: {  	s7 =	rddreg [dreg:$0xd];
	[sflag:s22] =	ssyncadd.s32 $0xFFFFC000  }
0x18b: {  	[spmem:s2] =	stream.indirect.scatter.add.f32 [tilespmem:s17], [sflag:$0x3], $0x80, s7, s20, $0xb8;
	[tilespmem:$0x1D000] =	vst v63  }
0x18c: {  	_ =	swait.ge [sflag:s23], $0x4000  }
0x18d: {  	[sflag:s23] =	ssyncset.done $0x0  }
0x18e: {  	s8 =	rddreg [dreg:$0xe];
	[sflag:s23] =	ssyncadd.s32 $0xFFFFC000  }
0x18f: {  	[tilespmem:s17], [sflag:$0x1] =	stream.indirect.gather [hbm4b:s4+s20], $0x80, s8, s20, $0xb8;
	[tilespmem:$0x1D000] =	vst v63  }
0x190: {  	_ =	swait.ge [sflag:s24], $0x4000  }
0x191: {  	[sflag:s24] =	ssyncset.done $0x0  }
0x192: {  	s9 =	rddreg [dreg:$0xf];
	[sflag:s24] =	ssyncadd.s32 $0xFFFFC000  }
0x193: {  	[spmem:s2] =	stream.indirect.scatter.add.f32 [tilespmem:s21], [sflag:$0x4], $0x80, s9, s20, $0xb8;
	[tilespmem:$0x1D000] =	vst v63  }
0x194: {  	_ =	swait.ge [sflag:s25], $0x4000  }
0x195: {  	[sflag:s25] =	ssyncset.done $0x0  }
0x196: {  	s10 =	rddreg [dreg:$0x10];
	[sflag:s25] =	ssyncadd.s32 $0xFFFFC000  }
0x197: {  	[tilespmem:s21], [sflag:$0x2] =	stream.indirect.gather [hbm4b:s4+s20], $0x80, s10, s20, $0xb8;
	[tilespmem:$0x1D000] =	vst v63  }
0x198: {  	_ =	swait.ge [sflag:s22], $0x4000  }
0x199: {  	[sflag:s22] =	ssyncset.done $0x0  }
0x19a: {  	s16 =	rddreg [dreg:$0x11];
	[sflag:s22] =	ssyncadd.s32 $0xFFFFC000  }
0x19b: {  	[spmem:s2] =	stream.indirect.scatter.add.f32 [tilespmem:s17], [sflag:$0x3], $0x80, s16, s20, $0xb8;
	[tilespmem:$0x1D000] =	vst v63  }
0x19c: {  	_ =	swait.ge [sflag:s23], $0x4000  }
0x19d: {  	[sflag:s23] =	ssyncset.done $0x0  }
0x19e: {  	s7 =	rddreg [dreg:$0x12];
	[sflag:s23] =	ssyncadd.s32 $0xFFFFC000  }
0x19f: {  	[tilespmem:s17], [sflag:$0x1] =	stream.indirect.gather [hbm4b:s4+s20], $0x80, s7, s20, $0xb8;
	[tilespmem:$0x1D000] =	vst v63  }
0x1a0: {  	_ =	swait.ge [sflag:s24], $0x4000  }
0x1a1: {  	[sflag:s24] =	ssyncset.done $0x0  }
0x1a2: {  	s8 =	rddreg [dreg:$0x13];
	[sflag:s24] =	ssyncadd.s32 $0xFFFFC000  }
0x1a3: {  	[spmem:s2] =	stream.indirect.scatter.add.f32 [tilespmem:s21], [sflag:$0x4], $0x80, s8, s20, $0xb8;
	[tilespmem:$0x1D000] =	vst v63  }
0x1a4: {  	_ =	swait.ge [sflag:s25], $0x4000  }
0x1a5: {  	[sflag:s25] =	ssyncset.done $0x0  }
0x1a6: {  	s9 =	rddreg [dreg:$0x14];
	[sflag:s25] =	ssyncadd.s32 $0xFFFFC000  }
0x1a7: {  	[tilespmem:s21], [sflag:$0x2] =	stream.indirect.gather [hbm4b:s4+s20], $0x80, s9, s20, $0xb8;
	[tilespmem:$0x1D000] =	vst v63  }
0x1a8: {  	_ =	swait.ge [sflag:s22], $0x4000  }
0x1a9: {  	[sflag:s22] =	ssyncset.done $0x0  }
0x1aa: {  	s10 =	rddreg [dreg:$0x15];
	[sflag:s22] =	ssyncadd.s32 $0xFFFFC000  }
0x1ab: {  	[spmem:s2] =	stream.indirect.scatter.add.f32 [tilespmem:s17], [sflag:$0x3], $0x80, s10, s20, $0xb8;
	[tilespmem:$0x1D000] =	vst v63  }
0x1ac: {  	_ =	swait.ge [sflag:s23], $0x4000  }
0x1ad: {  	[sflag:s23] =	ssyncset.done $0x0  }
0x1ae: {  	[sflag:s23] =	ssyncadd.s32 $0xFFFFC000  }
0x1af: {  	[tilespmem:s17], [sflag:$0x1] =	stream.indirect.gather [hbm4b:s4+s20], $0x80, s26, s20, $0xb8;
	[tilespmem:$0x1D000] =	vst v63  }
0x1b0: {  	_ =	swait.ge [sflag:s24], $0x4000  }
0x1b1: {  	[sflag:s24] =	ssyncset.done $0x0  }
0x1b2: {  	[sflag:s24] =	ssyncadd.s32 $0xFFFFC000  }
0x1b3: {  	[spmem:s2] =	stream.indirect.scatter.add.f32 [tilespmem:s21], [sflag:$0x4], $0x80, s28, s20, $0xb8;
	[tilespmem:$0x1D000] =	vst v63  }
0x1b4: {  	_ =	swait.ge [sflag:s25], $0x4000  }
0x1b5: {  	[sflag:s25] =	ssyncset.done $0x0  }
0x1b6: {  	[sflag:s25] =	ssyncadd.s32 $0xFFFFC000  }
0x1b7: {  	[tilespmem:s21], [sflag:$0x2] =	stream.indirect.gather [hbm4b:s4+s20], $0x80, s29, s20, $0xb8;
	[tilespmem:$0x1D000] =	vst v63  }
0x1b8: {  	_ =	swait.ge [sflag:s22], $0x4000  }
0x1b9: {  	[sflag:s22] =	ssyncset.done $0x0  }
0x1ba: {  	[sflag:s22] =	ssyncadd.s32 $0xFFFFC000  }
0x1bb: {  	[spmem:s2] =	stream.indirect.scatter.add.f32 [tilespmem:s17], [sflag:$0x3], $0x80, s30, s20, $0xb8;
	[tilespmem:$0x1D000] =	vst v63  }
0x1bc: {  	_ =	swait.ge [sflag:s23], $0x4000  }
0x1bd: {  	[sflag:s23] =	ssyncset.done $0x0  }
0x1be: {  	[sflag:s23] =	ssyncadd.s32 $0xFFFFC000  }
0x1bf: {  	[tilespmem:s17], [sflag:$0x1] =	stream.indirect.gather [hbm4b:s4+s20], $0x80, s31, s20, $0xb8;
	[tilespmem:$0x1D000] =	vst v63  }
0x1c0: {  	_ =	swait.ge [sflag:s24], $0x4000  }
0x1c1: {  	[sflag:s24] =	ssyncset.done $0x0  }
0x1c2: {  	[sflag:s24] =	ssyncadd.s32 $0xFFFFC000  }
0x1c3: {  	[spmem:s2] =	stream.indirect.scatter.add.f32 [tilespmem:s21], [sflag:$0x4], $0x80, s0, s20, $0xb8;
	[tilespmem:$0x1D000] =	vst v63  }
0x1c4: {  	_ =	swait.ge [sflag:s25], $0x4000  }
0x1c5: {  	[sflag:s25] =	ssyncset.done $0x0  }
0x1c6: {  	[sflag:s25] =	ssyncadd.s32 $0xFFFFC000  }
0x1c7: {  	[tilespmem:s21], [sflag:$0x2] =	stream.indirect.gather [hbm4b:s4+s20], $0x80, s1, s20, $0xb8;
	[tilespmem:$0x1D000] =	vst v63  }
0x1c8: {  	_ =	swait.ge [sflag:s22], $0x4000  }
0x1c9: {  	[sflag:s22] =	ssyncset.done $0x0  }
0x1ca: {  	[sflag:s22] =	ssyncadd.s32 $0xFFFFC000  }
0x1cb: {  	[spmem:s2] =	stream.indirect.scatter.add.f32 [tilespmem:s17], [sflag:$0x3], $0x80, s5, s20, $0xb8;
	[tilespmem:$0x1D000] =	vst v63  }
0x1cc: {  	_ =	swait.ge [sflag:s23], $0x4000  }
0x1cd: {  	[sflag:s23] =	ssyncset.done $0x0  }
0x1ce: {  	[sflag:s23] =	ssyncadd.s32 $0xFFFFC000  }
0x1cf: {  	[tilespmem:s17], [sflag:$0x1] =	stream.indirect.gather [hbm4b:s4+s20], $0x80, s11, s20, $0xb8;
	[tilespmem:$0x1D000] =	vst v63  }
0x1d0: {  	_ =	swait.ge [sflag:s24], $0x4000  }
0x1d1: {  	[sflag:s24] =	ssyncset.done $0x0  }
0x1d2: {  	[sflag:s24] =	ssyncadd.s32 $0xFFFFC000  }
0x1d3: {  	[spmem:s2] =	stream.indirect.scatter.add.f32 [tilespmem:s21], [sflag:$0x4], $0x80, s12, s20, $0xb8;
	[tilespmem:$0x1D000] =	vst v63  }
0x1d4: {  	_ =	swait.ge [sflag:s25], $0x4000  }
0x1d5: {  	[sflag:s25] =	ssyncset.done $0x0  }
0x1d6: {  	[sflag:s25] =	ssyncadd.s32 $0xFFFFC000  }
0x1d7: {  	[tilespmem:s21], [sflag:$0x2] =	stream.indirect.gather [hbm4b:s4+s20], $0x80, s13, s20, $0xb8;
	[tilespmem:$0x1D000] =	vst v63  }
0x1d8: {  	_ =	swait.ge [sflag:s22], $0x4000  }
0x1d9: {  	[sflag:s22] =	ssyncset.done $0x0  }
0x1da: {  	[sflag:s22] =	ssyncadd.s32 $0xFFFFC000  }
0x1db: {  	[spmem:s2] =	stream.indirect.scatter.add.f32 [tilespmem:s17], [sflag:$0x3], $0x80, s14, s20, $0xb8;
	[tilespmem:$0x1D000] =	vst v63  }
0x1dc: {  	_ =	swait.ge [sflag:s24], $0x4000  }
0x1dd: {  	[sflag:s24] =	ssyncset.done $0x0  }
0x1de: {  	[sflag:s24] =	ssyncadd.s32 $0xFFFFC000  }
0x1df: {  	[spmem:s2] =	stream.indirect.scatter.add.f32 [tilespmem:s21], [sflag:$0x4], $0x80, s15, s20, $0xb8;
	[tilespmem:$0x1D000] =	vst v63  }
0x1e0: {  	_ =	swait.ge [sflag:s23], $0x4000  }
0x1e1: {  	[sflag:s23] =	ssyncset.done $0x0  }
0x1e2: {  	[sflag:s23] =	ssyncadd.s32 $0xFFFFC000  }
0x1e3: {  	_ =	swait.ge [sflag:s25], $0x4000  }
0x1e4: {  	[sflag:s25] =	ssyncset.done $0x0  }
0x1e5: {  	[sflag:s25] =	ssyncadd.s32 $0xFFFFC000  }
0x1e6: {  	[bflag:$0x0] =	sbarrier.arrive $0xFFFF  }
0x1e7: {  	s16 =	rddreg [dreg:$0x17]  }
0x1e8: {  	[tilespmem:s17], [sflag:$0x5] =	stream.linear.gather [spmem:s16], $0x4000, $0x38;
	[tilespmem:$0x1D000] =	vst v63  }
0x1e9: {  	_ =	swait.ge [sflag:s18], $0x4000  }
0x1ea: {  	[sflag:s18] =	ssyncset.done $0x0  }
0x1eb: {  	s7 =	rddreg [dreg:$0x1c];
	[sflag:s18] =	ssyncadd.s32 $0xFFFFC000  }
0x1ec: {  	[hbm4b:s7+s3] =	stream.linear.scatter [tilespmem:s17], [sflag:$0x5], $0x4000, $0x38;
	[tilespmem:$0x1D000] =	vst v63  }
0x1ed: {  	_ =	swait.ge [sflag:s18], $0x4000  }
0x1ee: {  	[sflag:s18] =	ssyncset.done $0x0  }
0x1ef: {  	s9 =	rddreg [dreg:$0x18];
	[sflag:s18] =	ssyncadd.s32 $0xFFFFC000  }
0x1f0: {  	[tilespmem:s17], [sflag:$0x5] =	stream.linear.gather [spmem:s9], $0x4000, $0x38;
	[tilespmem:$0x1D000] =	vst v63  }
0x1f1: {  	_ =	swait.ge [sflag:s18], $0x4000  }
0x1f2: {  	[sflag:s18] =	ssyncset.done $0x0  }
0x1f3: {  	s8 =	rddreg [dreg:$0x1d];
	[sflag:s18] =	ssyncadd.s32 $0xFFFFC000  }
0x1f4: {  	[hbm4b:s8+s3] =	stream.linear.scatter [tilespmem:s17], [sflag:$0x5], $0x4000, $0x38;
	[tilespmem:$0x1D000] =	vst v63  }
0x1f5: {  	_ =	swait.ge [sflag:s18], $0x4000  }
0x1f6: {  	[sflag:s18] =	ssyncset.done $0x0  }
0x1f7: {  	s7 =	rddreg [dreg:$0x19];
	[sflag:s18] =	ssyncadd.s32 $0xFFFFC000  }
0x1f8: {  	[tilespmem:s17], [sflag:$0x5] =	stream.linear.gather [spmem:s7], $0x4000, $0x38;
	[tilespmem:$0x1D000] =	vst v63  }
0x1f9: {  	_ =	swait.ge [sflag:s18], $0x4000  }
0x1fa: {  	[sflag:s18] =	ssyncset.done $0x0  }
0x1fb: {  	s10 =	rddreg [dreg:$0x1e];
	[sflag:s18] =	ssyncadd.s32 $0xFFFFC000  }
0x1fc: {  	[hbm4b:s10+s3] =	stream.linear.scatter [tilespmem:s17], [sflag:$0x5], $0x4000, $0x38;
	[tilespmem:$0x1D000] =	vst v63  }
0x1fd: {  	_ =	swait.ge [sflag:s18], $0x4000  }
0x1fe: {  	[sflag:s18] =	ssyncset.done $0x0  }
0x1ff: {  	s10 =	rddreg [dreg:$0x1a];
	[sflag:s18] =	ssyncadd.s32 $0xFFFFC000  }
0x200: {  	[tilespmem:s17], [sflag:$0x5] =	stream.linear.gather [spmem:s10], $0x4000, $0x38;
	[tilespmem:$0x1D000] =	vst v63  }
0x201: {  	_ =	swait.ge [sflag:s18], $0x4000  }
0x202: {  	[sflag:s18] =	ssyncset.done $0x0  }
0x203: {  	s16 =	rddreg [dreg:$0x1f];
	[sflag:s18] =	ssyncadd.s32 $0xFFFFC000  }
0x204: {  	[hbm4b:s16+s3] =	stream.linear.scatter [tilespmem:s17], [sflag:$0x5], $0x4000, $0x38;
	[tilespmem:$0x1D000] =	vst v63  }
0x205: {  	_ =	swait.ge [sflag:s18], $0x4000  }
0x206: {  	[sflag:s18] =	ssyncset.done $0x0  }
0x207: {  	s16 =	rddreg [dreg:$0x1b];
	[sflag:s18] =	ssyncadd.s32 $0xFFFFC000  }
0x208: {  	[tilespmem:s17], [sflag:$0x5] =	stream.linear.gather [spmem:s16], $0x4000, $0x38;
	[tilespmem:$0x1D000] =	vst v63  }
0x209: {  	_ =	swait.ge [sflag:s18], $0x4000  }
0x20a: {  	s8 =	sld [smem:$0x7FB]  }
0x20b: {  	[sflag:s18] =	ssyncset.done $0x0  }
0x20c: {  	[sflag:s18] =	ssyncadd.s32 $0xFFFFC000  }
0x20d: {  	[hbm4b:s8+s3] =	stream.linear.scatter [tilespmem:s17], [sflag:$0x5], $0x4000, $0x38;
	[tilespmem:$0x1D000] =	vst v63  }
0x20e: {  	_ =	swait.ge [sflag:s18], $0x4000  }
0x20f: {  	s6 =	sld [smem:$0x7FD];
	_ =	sdelay $0x2  }
0x210: {  	s8 =	sadd.s32 $0x1, s6;
	s6 =	sld [smem:$0x7FC];
	_ =	sdelay $0x2  }
0x211: {  	p0 =	sne.s32 s8, s6  }
.Ltmp1:
0x212: {  	_ = 	snop;
	(pc) =	sbr.rel @p0 .LBB2_1-.Ltmp1, $3  }
0x213: {  	_ =	sdelay $0x1  }
0x214: {  	[sflag:s18] =	ssyncset.done $0x0;
	[smem:$0x7FD] =	sst s8  }
0x215: {  	[sflag:s18] =	ssyncadd.s32 $0xFFFFC000;
	s8 =	rddreg [dreg:$0x17]  }
0x216: {  	_ =	sfence.sel $0x180000  }
0x217: {  	[bflag:$0x0] =	sbarrier.arrive $0xFFFF  }
0x218: {  	_ =	strace $0x9000004D  }
0x219: {  	s0 =	stileid.u32;
	[bflag:$0x2] =	sbarrier.arrive $0xFFFF  }
0x21a: {  	p0 =	sne.s32 s0, $0x0;
	s0 =	rddreg [dreg:$0x3]  }
0x21b: {  	s0 =	sadd.s32 @!p0 $0x100000, s0  }
0x21c: {  	[sflag:s0] =	ssyncadd.tile.s32 @!p0 $0x1;
	_ =	shalt  }
.Lfunc_end2:
_tile_overlayer_lowered:
.L_overlay_start_2:
0x21d: {  	(tag) =	ssettag $0x2  }
0x21e: {  	s0 =	rddreg [dreg:$0x0];
	s2 =	stileid.u32  }
0x21f: {  	s1 =	rddreg [dreg:$0x1];
	p0 =	sne.s32 s2, $0x0  }
0x220: {  	s3 =	rddreg [dreg:$0x2];
	[bflag:$0x3] =	sbarrier.arrive $0xFFFF;
	s2 =	simm.s32 @!p0 $0x1C05  }
0x221: {  	[timem:s3], [sflag:s2] =	dma.local @!p0 [hbm:s0], s1  }
0x222: {  	s0 =	simm.s32 @!p0 $0x5  }
0x223: {  	_ =	swait.ge @!p0 [sflag:s0], s1  }
0x224: {  	s1 =	ssub.s32 @!p0 $0x0, s1;
	[sflag:s0] =	ssyncset.done @!p0 $0x0  }
0x225: {  	[sflag:s0] =	ssyncadd.s32 @!p0 s1  }
0x226: {  	[bflag:$0x3] =	sbarrier.arrive $0xFFFF  }
0x227: {  	_ =	shalt  }

// kernel: kernel.8.cloned.1.call-start
scs
__scs_entry_jumppad:
0x0: {  	(pc) =	sbr.rel $0x88, $3  }
0x1: {  	(tag) =	ssettag $0x0;
	lr =	simm.s32 $0x1  }
0x2: {  	[smem:$0x3F9B] =	sst lr;
	_ =	strace $0xD0000000  }
0x3: {  	_ = 	snop  }
0x4: {  	_ = 	snop  }
0x5: {  	_ = 	snop  }
0x6: {  	_ = 	snop  }
0x7: {  	_ = 	snop  }
__scs_overlays_trampoline_lowered:
0x8: {  	[smem:$0x3FAA] =	sst s0  }
0x9: {  	[smem:$0x3FAB] =	sst s1  }
0xa: {  	[smem:$0x3FAC] =	sst s2  }
0xb: {  	[smem:$0x3FAD] =	sst s3  }
0xc: {  	[smem:$0x3FAE] =	sst s4  }
0xd: {  	[smem:$0x3FAF] =	sst s5  }
0xe: {  	[smem:$0x3FB0] =	sst s6  }
0xf: {  	[smem:$0x3FB1] =	sst s7  }
0x10: {  	[smem:$0x3FB2] =	sst s8  }
0x11: {  	[smem:$0x3FB3] =	sst s9;
	s0 =	simm.s32 @!p0 $0x0  }
0x12: {  	s1 =	sld [smem:$0x3F99];
	s0 =	simm.s32 @p0 $0x1  }
0x13: {  	[smem:$0x3FB4] =	sst s0;
	s0 =	simm.s32 @!p1 $0x0  }
0x14: {  	s2 =	sld [smem:$0x3F98];
	s0 =	simm.s32 @p1 $0x1  }
0x15: {  	[smem:$0x3FB5] =	sst s0;
	s0 =	simm.s32 @!p2 $0x0  }
0x16: {  	s3 =	sld [smem:$0x3FDB];
	s0 =	simm.s32 @p2 $0x1  }
0x17: {  	s4 =	simm.s32 $0x1BF5;
	[smem:$0x3FB7] =	sst s0  }
0x18: {  	s0 =	sld [smem:$0x3F9A];
	_ =	swait.ge [sflag:s4], $0x0  }
0x19: {  	s7 =	sld [smem:$0x3F9B]  }
0x1a: {  	s8 =	sadd.s32 $0xFFFFE003, lr  }
0x1b: {  	s9 =	sadd.s32 $0xFFFFFEF7, lr;
	s5 =	simm.s32 $0xFFFFFFFF;
	p2 =	slt.u32 s8, $0xFFFFF086  }
0x1c: {  	p1 =	slt.u32 s9, $0xF7A;
	s5 =	simm.s32 @!p2 $0x0  }
0x1d: {  	s5 =	simm.s32 @p1 $0x1;
	p0 =	seq.s32 s7, s2  }
0x1e: {  	s7 =	smul.u32 @!p0 $0xF7A, s2;
	p2 =	seq.s32 @!p0 s5, $0x0  }
0x1f: {  	s9 =	smul.u32 $0xF7A, s1;
	s8 =	simm.s32 @!p0 $0x1BF5;
	p2 =	por !p2, p0  }
0x20: {  	[sflag:s8] =	ssyncset.s32 @!p0 $0xFFFFF086;
	s6 =	sadd.s32 @!p0 s3, s7;
	s7 =	simm.s32 @!p0 $0x108  }
0x21: {  	s3 =	sadd.s32 s3, s9;
	s6 =	sadd.s32 @!p0 $0x88, s6;
	s7 =	simm.s32 @p2 $0x1082  }
0x22: {  	[simem:s7], [sflag:s8] =	dma.local @!p0 [hbm:s6], $0xF7A  }
0x23: {  	s9 =	sor.u32 $0xD0000000, s2;
	s6 =	simm.s32 $0x108;
	_ =	swait.ge @!p0 [sflag:s8], $0x0  }
0x24: {  	s3 =	sadd.s32 $0x88, s3;
	s6 =	simm.s32 @!p1 $0x1082;
	[sflag:s4] =	ssyncset.s32 $0xFFFFF086  }
0x25: {  	[simem:s6], [sflag:s4] =	dma.local [hbm:s3], $0xF7A  }
0x26: {  	[smem:$0x3F9B] =	sst s1;
	(tag) =	ssettag s2;
	_ =	strace s9  }
0x27: {  	s1 =	sld [smem:$0x3FAB]  }
0x28: {  	s2 =	sld [smem:$0x3FAC]  }
0x29: {  	s4 =	sld [smem:$0x3FAE]  }
0x2a: {  	p0 =	seq.s32 s5, $0x0;
	s5 =	sld [smem:$0x3FAF]  }
0x2b: {  	s6 =	sld [smem:$0x3FB0]  }
0x2c: {  	s7 =	sld [smem:$0x3FB1]  }
0x2d: {  	s3 =	simm.s32 $0x108;
	s8 =	sld [smem:$0x3FB2]  }
0x2e: {  	s3 =	simm.s32 @!p0 $0x1082;
	s9 =	sld [smem:$0x3FB3]  }
0x2f: {  	lr =	sadd.s32 s0, s3;
	s0 =	sld [smem:$0x3FAA]  }
0x30: {  	s3 =	sld [smem:$0x3FAD]  }
0x31: {  	[smem:$0x3FB6] =	sst s10  }
0x32: {  	s10 =	sld [smem:$0x3FB4];
	_ =	sdelay $0x3  }
0x33: {  	p0 =	seq.s32 s10, $0x1;
	s10 =	sld [smem:$0x3FB6];
	_ =	sdelay $0x3  }
0x34: {  	[smem:$0x3FB6] =	sst s10  }
0x35: {  	s10 =	sld [smem:$0x3FB5];
	_ =	sdelay $0x3  }
0x36: {  	p1 =	seq.s32 s10, $0x1;
	s10 =	sld [smem:$0x3FB6];
	_ =	sdelay $0x3  }
0x37: {  	[smem:$0x3FB6] =	sst s10  }
0x38: {  	s10 =	sld [smem:$0x3FB7]  }
0x39: {  	_ = 	snop;
	(pc) =	sbr.ind lr, $3  }
0x3a: {  	_ = 	snop  }
0x3b: {  	_ = 	snop  }
0x3c: {  	p2 =	seq.s32 s10, $0x1;
	s10 =	sld [smem:$0x3FB6]  }
0x3d: {  	_ =	shalt  }
0x3e: {  	_ =	shalt  }
0x3f: {  	_ =	shalt  }
0x40: {  	_ =	shalt  }
0x41: {  	_ =	shalt  }
0x42: {  	_ =	shalt  }
0x43: {  	_ =	shalt  }
0x44: {  	_ =	shalt  }
0x45: {  	_ =	shalt  }
0x46: {  	_ =	shalt  }
0x47: {  	_ =	shalt  }
0x48: {  	_ =	shalt  }
0x49: {  	_ =	shalt  }
0x4a: {  	_ =	shalt  }
0x4b: {  	_ =	shalt  }
0x4c: {  	_ =	shalt  }
0x4d: {  	_ =	shalt  }
0x4e: {  	_ =	shalt  }
0x4f: {  	_ =	shalt  }
0x50: {  	_ =	shalt  }
0x51: {  	_ =	shalt  }
0x52: {  	_ =	shalt  }
0x53: {  	_ =	shalt  }
0x54: {  	_ =	shalt  }
0x55: {  	_ =	shalt  }
0x56: {  	_ =	shalt  }
0x57: {  	_ =	shalt  }
0x58: {  	_ =	shalt  }
0x59: {  	_ =	shalt  }
0x5a: {  	_ =	shalt  }
0x5b: {  	_ =	shalt  }
0x5c: {  	_ =	shalt  }
0x5d: {  	_ =	shalt  }
0x5e: {  	_ =	shalt  }
0x5f: {  	_ =	shalt  }
0x60: {  	_ =	shalt  }
0x61: {  	_ =	shalt  }
0x62: {  	_ =	shalt  }
0x63: {  	_ =	shalt  }
0x64: {  	_ =	shalt  }
0x65: {  	_ =	shalt  }
0x66: {  	_ =	shalt  }
0x67: {  	_ =	shalt  }
0x68: {  	_ =	shalt  }
0x69: {  	_ =	shalt  }
0x6a: {  	_ =	shalt  }
0x6b: {  	_ =	shalt  }
0x6c: {  	_ =	shalt  }
0x6d: {  	_ =	shalt  }
0x6e: {  	_ =	shalt  }
0x6f: {  	_ =	shalt  }
0x70: {  	_ =	shalt  }
0x71: {  	_ =	shalt  }
0x72: {  	_ =	shalt  }
0x73: {  	_ =	shalt  }
0x74: {  	_ =	shalt  }
0x75: {  	_ =	shalt  }
0x76: {  	_ =	shalt  }
0x77: {  	_ =	shalt  }
0x78: {  	_ =	shalt  }
0x79: {  	_ =	shalt  }
0x7a: {  	_ =	shalt  }
0x7b: {  	_ =	shalt  }
0x7c: {  	_ =	shalt  }
0x7d: {  	_ =	shalt  }
0x7e: {  	_ =	shalt  }
0x7f: {  	_ =	shalt  }
0x80: {  	_ =	shalt  }
0x81: {  	_ =	shalt  }
0x82: {  	_ =	shalt  }
0x83: {  	_ =	shalt  }
0x84: {  	_ =	shalt  }
0x85: {  	_ =	shalt  }
0x86: {  	_ =	shalt  }
0x87: {  	_ =	shalt  }
.Lfunc_end0:
.L_simem_size_0:
called_computation_lowered:
.L_overlay_start_0:
0x88: {  	s2 =	sld [smem:$0x3FD9]  }
0x89: {  	s3 =	sld [smem:$0x3FFE];
	_ =	sdelay $0x1  }
0x8a: {  	s1 =	srdreg.scid  }
0x8b: {  	s0 =	sand.u32 $0x1, s1  }
0x8c: {  	s17 =	sshll.u32 s0, $0xA;
	s2 =	sadd.s32 s3, s2  }
0x8d: {  	s2 =	sadd.s32 s2, s17  }
0x8e: {  	[smem:$0x3FC2] =	sst s2  }
0x8f: {  	_ = 	snop  }
0x90: {  	s2 =	sld [smem:$0x3FD0];
	(tm) =	ssettm $0x1  }
0x91: {  	s18 =	sld [smem:$0x3FFB];
	_ =	sdelay $0x3  }
0x92: {  	_ =	strace s18  }
0x93: {  	s3 =	sld [smem:$0x3FFC];
	_ =	sdelay $0x3  }
0x94: {  	_ =	strace s3  }
0x95: {  	s3 =	sld [smem:$0x3FFD];
	_ =	sdelay $0x3  }
0x96: {  	_ =	strace s3  }
0x97: {  	_ =	strace $0x8FFFFFFF  }
0x98: {  	s19 =	sld [smem:$0x3FDB];
	_ =	sdelay $0x1  }
0x99: {  	s4 =	simm.s32 $_scs_section_size  }
0x9a: {  	s5 =	simm.s32 $_size__tile_overlayer_lowered;
	s6 =	simm.s32 $_tile_overlayer_lowered  }
0x9b: {  	s22 =	simm.s32 $0x1BFF;
	s21 =	sshll.u32 s6, $0x1;
	s3 =	sadd.s32 s4, s19  }
0x9c: {  	s7 =	simm.s32 $0x0;
	s20 =	sshll.u32 s5, $0x1;
	s5 =	sadd.s32 s21, s3  }
0x9d: {  	[timem:s7], [sflag:s22] =	dma.local [hbm:s5], s20  }
0x9e: {  	_ =	swait.ge [sflag:s22], s20  }
0x9f: {  	s4 =	ssub.s32 $0x0, s20;
	[sflag:s22] =	ssyncset.done $0x0  }
0xa0: {  	[sflag:s22] =	ssyncadd.s32 s4;
	_ =	sdelay $0x1  }
0xa1: {  	s23 =	simm.s32 $0x1B8B  }
0xa2: {  	_ =	swait.ge [sflag:s23], $0x1  }
0xa3: {  	[sflag:s23] =	ssyncset.done $0x0  }
0xa4: {  	s25 =	simm.s32 $0x1B8E;
	s24 =	sld [smem:$0x3FFE];
	[sflag:s23] =	ssyncadd.s32 $0xFFFFFFFF  }
0xa5: {  	s26 =	simm.s32 $execute0_lowered;
	[smem:$0x3FD2] =	sst s25  }
0xa6: {  	s5 =	sshll.u32 s26, $0x1;
	_ =	strace $0x80000046;
	[dreg:$0x1] =	wrdreg $0xFFFFFFFF  }
0xa7: {  	s28 =	simm.s32 $_size_execute0_lowered;
	s3 =	sadd.s32 s3, s5;
	[dreg:$0x0] =	wrdreg $0x0  }
0xa8: {  	s5 =	sshll.u32 s28, $0x1;
	[dreg:$0x2] =	wrdreg s3  }
0xa9: {  	[dreg:$0x3] =	wrdreg s5  }
0xaa: {  	[dreg:$0x4] =	wrdreg $0xC0  }
0xab: {  	_ =	task [dreg:s7], $0x5FFFF  }
0xac: {  	[dreg:$0x1] =	wrdreg $0xFFFFFFFF  }
0xad: {  	[dreg:$0x0] =	wrdreg $0x60  }
0xae: {  	[dreg:$0x2] =	wrdreg s24  }
0xaf: {  	[dreg:$0x3] =	wrdreg s2  }
0xb0: {  	[dreg:$0x4] =	wrdreg $0x13000  }
0xb1: {  	[dreg:$0x5] =	wrdreg $0x15800  }
0xb2: {  	[dreg:$0x6] =	wrdreg $0x9  }
0xb3: {  	_ =	task.clear_ibuf [dreg:s7], $0x7FFFF;
	_ =	strace $0x90000046  }
0xb4: {  	s29 =	simm.s32 $0x9;
	_ =	strace $0x80000048  }
0xb5: {  	_ =	swait.ge [sflag:s29], $0x1  }
0xb6: {  	[sflag:s29] =	ssyncadd.s32 $0xFFFFFFFF  }
0xb7: {  	_ =	strace $0x90000048  }
0xb8: {  	_ =	sfence  }
0xb9: {  	s30 =	sld [smem:$0x0];
	_ =	sdelay $0x2  }
0xba: {  	s31 =	sshll.u32 s1, $0xD;
	s1 =	sshrl.u32 s1, $0x2  }
0xbb: {  	s3 =	sand.u32 $0x4000, s31;
	s1 =	sadd.s32 s1, s30  }
0xbc: {  	s0 =	sor.u32 s3, s0;
	s1 =	sshll.u32 s1, $0x11  }
0xbd: {  	s0 =	sor.u32 s1, s0  }
0xbe: {  	s0 =	sadd.s32 $0x8F2B, s0  }
0xbf: {  	[sflag:s0] =	ssyncadd.remote.s32 $0x1  }
0xc0: {  	_ =	sfence.sel $0xFFFF  }
0xc1: {  	[dreg:$0x0] =	wrdreg $0xFFFFFFFF;
	(pc) =	sbr.abs _section_cstart, $3  }
0xc2: {  	[dreg:$0x1] =	wrdreg $0xFFFFFFFF  }
0xc3: {  	_ =	task.clear_ibuf [dreg:s7], $0x2FFFF;
	_ =	strace $0x9FFFFFFF  }
0xc4: {  	(tm) =	ssettm $0x7FFFFFFF  }
0xc5: {  	_ =	shalt  }
tec
execute0_lowered:
.L_overlay_start_1:
0x0: {  	(tag) =	ssettag $0x1  }
0x1: {  	s9 =	rddreg [dreg:$0x0]  }
0x2: {  	s1 =	rddreg [dreg:$0x1]  }
0x3: {  	s2 =	rddreg [dreg:$0x2]  }
0x4: {  	s3 =	rddreg [dreg:$0x3]  }
0x5: {  	s4 =	srdreg.scid;
	s0 =	rddreg [dreg:$0x4]  }
0x6: {  	s5 =	simm.s32 $0x0;
	s17 =	simm.s32 $0x1000;
	s18 =	simm.s32 $0x800  }
0x7: {  	s19 =	simm.s32 $0x80;
	s20 =	simm.s32 $0x1;
	s21 =	simm.s32 $0x100  }
0x8: {  	s22 =	simm.s32 $0x0;
	s10 =	sand.u32 $0x1, s4;
	s4 =	stileid.u32  }
0x9: {  	[smem:$0x7FF] =	sst s5;
	s6 =	sadd.s32 $0x2000, s9;
	s11 =	smul.u32 $0x5000, s10  }
0xa: {  	s7 =	sadd.s32 $0xC000, s9;
	s8 =	sadd.s32 $0xC200, s9;
	s12 =	smul.u32 $0x500, s4  }
0xb: {  	_ =	strace $0x80000047;
	s29 =	ssub.s32 $0x2, s10;
	s14 =	smul.u32 $0x280, s4  }
0xc: {  	s30 =	sshll.u32 s10, $0x4;
	s13 =	sshrl.u32 s29, $0x1;
	s11 =	sadd.s32 s12, s11  }
0xd: {  	s31 =	sor.u32 s4, s30;
	s16 =	ssub.s32 s29, s13;
	s11 =	sshrl.u32 s11, $0x3  }
0xe: {  	s10 =	sadd.s32 s14, s3;
	s15 =	sadd.s32 s11, s9;
	s9 =	sadd.s32 s14, s2  }
0xf: {  	s11 =	smul.u32 $0x2800, s31;
	s14 =	smax.u32 s16, $0x1;
	s16 =	simm.s32 $0x2  }
0x10: {  	s12 =	sadd.s32 $0xC400, s15;
	s13 =	sadd.s32 $0xC410, s15;
	s15 =	simm.s32 $0x1080  }
.LBB2_1:
0x11: {  	[tilespmem:s15], [sflag:$0x2] =	stream.linear.gather [hbm4b:s8+s5], $0x280, $0x38;
	[tilespmem:$0x1800] =	vst v63  }
0x12: {  	_ =	swait.ge [sflag:s16], $0x280  }
0x13: {  	[sflag:s16] =	ssyncset.done $0x0  }
0x14: {  	[sflag:s16] =	ssyncadd.s32 $0xFFFFFD80  }
0x15: {  	[spmem:s9] =	stream.linear.scatter [tilespmem:s15], [sflag:$0x2], $0x280, $0x38;
	[tilespmem:$0x1800] =	vst v63  }
0x16: {  	_ =	swait.ge [sflag:s16], $0x280  }
0x17: {  	[sflag:s16] =	ssyncset.done $0x0  }
0x18: {  	[sflag:s16] =	ssyncadd.s32 $0xFFFFFD80  }
0x19: {  	[spmem:s10] =	stream.linear.scatter [tilespmem:s15], [sflag:$0x2], $0x280, $0x38;
	[tilespmem:$0x1800] =	vst v63  }
0x1a: {  	_ =	swait.ge [sflag:s16], $0x280  }
0x1b: {  	[sflag:s16] =	ssyncset.done $0x0  }
0x1c: {  	[sflag:s16] =	ssyncadd.s32 $0xFFFFFD80  }
0x1d: {  	[tilespmem:s17], [sflag:$0x2] =	stream.linear.gather [hbm4b:s7+s5], $0x80, $0x38;
	[tilespmem:$0x1800] =	vst v63  }
0x1e: {  	_ =	swait.ge [sflag:s16], $0x80  }
0x1f: {  	[sflag:s16] =	ssyncset.done $0x0  }
0x20: {  	[sflag:s16] =	ssyncadd.s32 $0xFFFFFF80  }
0x21: {  	s23 =	simm.s32 $0x0;
	[bflag:$0x0] =	sbarrier.arrive $0xFFFF  }
.LBB2_2:
0x22: {  	s24 =	sshll.u32 s23, $0xB  }
0x23: {  	s24 =	sadd.s32 s11, s24  }
0x24: {  	s24 =	sshrl.u32 s24, $0x3  }
0x25: {  	s25 =	sadd.s32 s6, s24  }
0x26: {  	[tilespmem:s5], [sflag:$0x2] =	stream.linear.gather [hbm4b:s25+s5], $0x800, $0x38;
	[tilespmem:$0x1800] =	vst v63  }
0x27: {  	_ =	swait.ge [sflag:s16], $0x800  }
0x28: {  	[sflag:s16] =	ssyncset.done $0x0  }
0x29: {  	s24 =	sadd.s32 s1, s24;
	[sflag:s16] =	ssyncadd.s32 $0xFFFFF800  }
0x2a: {  	[tilespmem:s18], [sflag:$0x2] =	stream.linear.gather [hbm4b:s24+s5], $0x800, $0x38;
	[tilespmem:$0x1800] =	vst v63  }
0x2b: {  	_ =	swait.ge [sflag:s16], $0x800  }
0x2c: {  	[sflag:s16] =	ssyncset.done $0x0  }
0x2d: {  	[sflag:s16] =	ssyncadd.s32 $0xFFFFF800  }
0x2e: {  	[spmem:s2] =	stream.indirect.scatter.add.f32 [tilespmem:s17], [sflag:$0x1], $0x1, s5, s19, $0xb8;
	[tilespmem:$0x1800] =	vst v63  }
0x2f: {  	_ = 	snop  }
0x30: {  	[spmem:s3] =	stream.indirect.scatter.add.f32 [tilespmem:s17], [sflag:$0x1], $0x1, s18, s19, $0xb8;
	[tilespmem:$0x1800] =	vst v63  }
0x31: {  	_ =	swait.ge [sflag:s20], $0x80  }
0x32: {  	[sflag:s20] =	ssyncset.done $0x0  }
0x33: {  	[sflag:s20] =	ssyncadd.s32 $0xFFFFFF80  }
0x34: {  	_ =	swait.ge [sflag:s20], $0x80  }
0x35: {  	s31 =	simm.s32 $0x80;
	[sflag:s20] =	ssyncset.done $0x0  }
0x36: {  	s25 =	simm.s32 $0x880;
	s24 =	simm.s32 $0x400;
	[sflag:s20] =	ssyncadd.s32 $0xFFFFFF80  }
0x37: {  	[spmem:s2] =	stream.indirect.scatter.add.f32 [tilespmem:s17], [sflag:$0x1], $0x1, s31, s19, $0xb8;
	[tilespmem:$0x1800] =	vst v63  }
.LBB2_3:
0x38: {  	[spmem:s3] =	stream.indirect.scatter.add.f32 [tilespmem:s17], [sflag:$0x1], $0x1, s25, s19, $0xb8;
	[tilespmem:$0x1800] =	vst v63  }
0x39: {  	s25 =	smov.u32 s24  }
0x3a: {  	p0 =	sne.s32 s24, $0x1E00;
	s24 =	sadd.s32 $0x200, s24;
	_ =	swait.ge [sflag:s20], $0x80  }
0x3b: {  	[sflag:s20] =	ssyncset.done $0x0  }
0x3c: {  	[sflag:s20] =	ssyncadd.s32 $0xFFFFFF80  }
.Ltmp0:
0x3d: {  	_ =	swait.ge [sflag:s20], $0x80;
	(pc) =	sbr.rel @p0 .LBB2_3-.Ltmp0, $4  }
0x3e: {  	[sflag:s20] =	ssyncset.done $0x0  }
0x3f: {  	s25 =	sshra.s32 s25, $0x2;
	[sflag:s20] =	ssyncadd.s32 $0xFFFFFF80  }
0x40: {  	[spmem:s2] =	stream.indirect.scatter.add.f32 [tilespmem:s17], [sflag:$0x1], $0x1, s25, s19, $0xb8;
	[tilespmem:$0x1800] =	vst v63  }
0x41: {  	s25 =	sadd.s32 $0x800, s25  }
0x42: {  	[spmem:s3] =	stream.indirect.scatter.add.f32 [tilespmem:s17], [sflag:$0x1], $0x1, s25, s19, $0xb8;
	[tilespmem:$0x1800] =	vst v63  }
0x43: {  	s23 =	sadd.s32 $0x1, s23  }
0x44: {  	_ =	swait.ge [sflag:s20], $0x80;
	p0 =	sne.s32 s23, $0x5  }
.Ltmp1:
0x45: {  	[sflag:s20] =	ssyncset.done $0x0;
	(pc) =	sbr.rel @p0 .LBB2_2-.Ltmp1, $4  }
0x46: {  	[sflag:s20] =	ssyncadd.s32 $0xFFFFFF80  }
0x47: {  	_ =	swait.ge [sflag:s20], $0x80  }
0x48: {  	[sflag:s20] =	ssyncset.done $0x0  }
0x49: {  	[sflag:s20] =	ssyncadd.s32 $0xFFFFFF80  }
0x4a: {  	[bflag:$0x0] =	sbarrier.arrive $0xFFFF  }
0x4b: {  	[tilespmem:s15], [sflag:$0x2] =	stream.linear.gather [spmem:s9], $0x280, $0x38;
	[tilespmem:$0x1800] =	vst v63  }
0x4c: {  	_ =	swait.ge [sflag:s16], $0x280  }
0x4d: {  	[sflag:s16] =	ssyncset.done $0x0  }
0x4e: {  	[sflag:s16] =	ssyncadd.s32 $0xFFFFFD80  }
0x4f: {  	[hbm4b:s12+s19] =	stream.strided.scatter [tilespmem:s15], [sflag:$0x2], $0x280, s21, s19, $0x38;
	[tilespmem:$0x1800] =	vst v63  }
0x50: {  	_ =	swait.ge [sflag:s16], $0x280  }
0x51: {  	[sflag:s16] =	ssyncset.done $0x0  }
0x52: {  	[sflag:s16] =	ssyncadd.s32 $0xFFFFFD80  }
0x53: {  	[tilespmem:s15], [sflag:$0x2] =	stream.linear.gather [spmem:s10], $0x280, $0x38;
	[tilespmem:$0x1800] =	vst v63  }
0x54: {  	s22 =	sadd.s32 $0x1, s22;
	_ =	swait.ge [sflag:s16], $0x280  }
0x55: {  	p0 =	sne.s32 s22, s14;
	[sflag:s16] =	ssyncset.done $0x0  }
.Ltmp2:
0x56: {  	[sflag:s16] =	ssyncadd.s32 $0xFFFFFD80;
	(pc) =	sbr.rel @p0 .LBB2_1-.Ltmp2, $4  }
0x57: {  	[hbm4b:s13+s19] =	stream.strided.scatter [tilespmem:s15], [sflag:$0x2], $0x280, s21, s19, $0x38;
	[tilespmem:$0x1800] =	vst v63  }
0x58: {  	_ =	swait.ge [sflag:s16], $0x280  }
0x59: {  	[sflag:s16] =	ssyncset.done $0x0  }
0x5a: {  	[sflag:s16] =	ssyncadd.s32 $0xFFFFFD80  }
0x5b: {  	_ =	sfence.sel $0x180000  }
0x5c: {  	[bflag:$0x0] =	sbarrier.arrive $0xFFFF  }
0x5d: {  	p0 =	sne.s32 s4, $0x0;
	_ =	strace $0x90000047  }
0x5e: {  	s0 =	sadd.s32 @!p0 $0x100000, s0;
	[bflag:$0x2] =	sbarrier.arrive $0xFFFF  }
0x5f: {  	[sflag:s0] =	ssyncadd.tile.s32 @!p0 $0x1;
	_ =	shalt  }
.Lfunc_end2:
_tile_overlayer_lowered:
.L_overlay_start_2:
0x60: {  	(tag) =	ssettag $0x2  }
0x61: {  	s0 =	rddreg [dreg:$0x0];
	s2 =	stileid.u32  }
0x62: {  	s1 =	rddreg [dreg:$0x1];
	p0 =	sne.s32 s2, $0x0  }
0x63: {  	s3 =	rddreg [dreg:$0x2];
	[bflag:$0x3] =	sbarrier.arrive $0xFFFF;
	s2 =	simm.s32 @!p0 $0x1C02  }
0x64: {  	[timem:s3], [sflag:s2] =	dma.local @!p0 [hbm:s0], s1  }
0x65: {  	s0 =	simm.s32 @!p0 $0x2  }
0x66: {  	_ =	swait.ge @!p0 [sflag:s0], s1  }
0x67: {  	s1 =	ssub.s32 @!p0 $0x0, s1;
	[sflag:s0] =	ssyncset.done @!p0 $0x0  }
0x68: {  	[sflag:s0] =	ssyncadd.s32 @!p0 s1  }
0x69: {  	[bflag:$0x3] =	sbarrier.arrive $0xFFFF  }
0x6a: {  	_ =	shalt  }

</sc_bundles>
